<compile_context>
chip_gen: v7x
topology: tpu7x:2x2x1
jax: 0.10.2.dev20260603
libtpu: 0.0.44.dev20260713+nightly
codegen_flags: <defaults>
</compile_context>

<pallas_src>
import functools

import jax
import jax.numpy as jnp
from jax import lax
from jax.experimental import pallas as pl
from jax.experimental.pallas import tpu as pltpu
from jax.experimental.pallas import tpu_sc as plsc

BS = 4
NP = 8192
NV = 5023
NVP = 5120
TN = 1024
NSTEPS = BS * NP // TN
NROUND = 4
HSTEPS = NSTEPS // NROUND
HPTS = HSTEPS * TN
STEPS_PER_B = NP // TN
DS, DP, DL = 150, 108, 5
DT = 384
NW = 32
BPW = HPTS // NW
CH = 128
NCH = BPW // CH



def _prep_body(bet_ref, fs_ref, vt_ref, w_ref):
    bet = bet_ref[...]
    c0 = jnp.dot(bet, fs_ref[0], precision=lax.Precision.HIGHEST) + vt_ref[0][None, :]
    c1 = jnp.dot(bet, fs_ref[1], precision=lax.Precision.HIGHEST) + vt_ref[1][None, :]
    c2 = jnp.dot(bet, fs_ref[2], precision=lax.Precision.HIGHEST) + vt_ref[2][None, :]
    v2 = c0 * c0 + c1 * c1 + c2 * c2
    z = jnp.zeros_like(v2)
    w_ref[:, :, 0:NV] = jnp.stack(
        [-2.0 * c0, -2.0 * c1, -2.0 * c2, v2, z, z, z, z], axis=1)
    zp = jnp.zeros((BS, 1, NVP - NV), jnp.float32)
    w_ref[:, :, NV:] = jnp.concatenate(
        [zp, zp, zp, jnp.full((BS, 1, NVP - NV), 1.0e12, jnp.float32),
         zp, zp, zp, zp], axis=1)


def _build_w(betas, fs_t, vt_t):
    return pl.pallas_call(
        _prep_body,
        out_shape=jax.ShapeDtypeStruct((BS, 8, NVP), jnp.float32),
    )(betas, fs_t, vt_t)



def _knn_body(p_ref, w_ref, idx_ref, dm_ref):
    p = p_ref[...]
    px = p[:, 0:1]
    py = p[:, 1:2]
    pz = p[:, 2:3]
    w0 = w_ref[0, 0:1, :]
    w1 = w_ref[0, 1:2, :]
    w2 = w_ref[0, 2:3, :]
    v2 = w_ref[0, 3:4, :]
    d2p = px * w0 + py * w1 + pz * w2 + v2
    vidx = lax.broadcasted_iota(jnp.int32, (TN, NVP), 1)
    packed = lax.bitcast_convert_type(
        (lax.bitcast_convert_type(d2p, jnp.int32) & ~8191) | vidx, jnp.float32)
    mn = jnp.min(packed, axis=-1)
    mb = lax.bitcast_convert_type(mn, jnp.int32)
    amin = mb & 8191
    dmin = lax.bitcast_convert_type(mb & ~8191, jnp.float32)
    p2 = px * px + py * py + pz * pz
    idx_ref[0, 0, :] = amin
    dm_ref[0, 0, :] = dmin + p2[:, 0]


def _knn(pts, w, base):
    return pl.pallas_call(
        _knn_body,
        grid=(HSTEPS,),
        in_specs=[
            pl.BlockSpec((TN, 3), lambda i: (i + base, 0)),
            pl.BlockSpec((1, 8, NVP), lambda i: ((i + base) // STEPS_PER_B, 0, 0)),
        ],
        out_specs=[
            pl.BlockSpec((1, 1, TN), lambda i: (i, 0, 0)),
            pl.BlockSpec((1, 1, TN), lambda i: (i, 0, 0)),
        ],
        out_shape=[
            jax.ShapeDtypeStruct((HSTEPS, 1, TN), jnp.int32),
            jax.ShapeDtypeStruct((HSTEPS, 1, TN), jnp.float32),
        ],
    )(pts, w)



@functools.cache
def _sc_gather_fn():
    mesh = plsc.VectorSubcoreMesh(core_axis_name="c", subcore_axis_name="s")

    @functools.partial(
        pl.kernel,
        mesh=mesh,
        out_type=jax.ShapeDtypeStruct((HPTS, DT), jnp.float32),
        scratch_types=[
            pltpu.VMEM((NCH, CH), jnp.int32),
            pltpu.VMEM((CH, DT), jnp.float32),
            pltpu.VMEM((CH, DT), jnp.float32),
            pltpu.SemaphoreType.DMA,
            pltpu.SemaphoreType.DMA,
        ],
    )
    def _sc_gather(t_hbm, idx_hbm, out_hbm, idx_v, buf0, buf1, sem0, sem1):
        wid = lax.axis_index("s") * 2 + lax.axis_index("c")
        pltpu.sync_copy(idx_hbm.at[wid], idx_v)
        bufs = (buf0, buf1)
        sems = (sem0, sem1)
        handles = [None] * NCH
        handles[0] = pltpu.async_copy(t_hbm.at[idx_v.at[0]], bufs[0], sems[0])
        for c in range(NCH):
            if c + 1 < NCH:
                handles[c + 1] = pltpu.async_copy(
                    t_hbm.at[idx_v.at[c + 1]], bufs[(c + 1) % 2], sems[(c + 1) % 2])
            handles[c].wait()
            pltpu.sync_copy(bufs[c % 2],
                            out_hbm.at[pl.ds(wid * BPW + c * CH, CH)])

    return _sc_gather



def _loss_body(as_ref, ap_ref, al_ref, g_ref, dm_ref, out_ref, acc_ref):
    step = pl.program_id(0)

    @pl.when(step == 0)
    def _():
        acc_ref[0] = 0.0
        acc_ref[1] = 0.0

    g = g_ref[...]
    m = (dm_ref[0, 0, :] < 0.1).astype(jnp.float32)
    mrow = m[None, :]
    mcol = jnp.transpose(mrow)

    lane = lax.broadcasted_iota(jnp.int32, (1, DT), 1)
    wl = jnp.where(lane < DS + DP, 100.0,
                   jnp.where(lane < DS + DP + DL, 0.2, 0.0))
    sum_b2 = jnp.sum(g * g * wl * mcol)

    m100 = mrow * 100.0
    a_s = as_ref[...]
    a_p = ap_ref[...]
    a_l = al_ref[...]
    am_all = jnp.concatenate(
        [a_s[0] * m100, a_s[1] * m100, a_s[2] * m100,
         a_p[0] * m100, a_p[1] * m100, a_p[2] * m100,
         a_l * (mrow * 0.2)], axis=0)
    nd = DS + DP + DL
    pr = jnp.dot(am_all, g[:, 0:nd], precision=lax.Precision.HIGHEST)
    eye = (lax.broadcasted_iota(jnp.int32, (nd, nd), 0)
           == lax.broadcasted_iota(jnp.int32, (nd, nd), 1))
    cross = jnp.sum(jnp.where(eye, pr, 0.0))
    m3 = m[None, None, :]
    a2s = jnp.sum(a_s * a_s * m3)
    a2p = jnp.sum(a_p * a_p * m3)
    a2l = jnp.sum(a_l * a_l * mrow)

    step_num = (100.0 * a2s + 100.0 * a2p + 0.2 * a2l - 2.0 * cross + sum_b2)
    acc_ref[0] = acc_ref[0] + step_num
    acc_ref[1] = acc_ref[1] + jnp.sum(m)

    @pl.when(step == HSTEPS - 1)
    def _():
        out_ref[...] = jnp.concatenate(
            [jnp.full((1, 1), acc_ref[0], jnp.float32),
             jnp.full((1, 1), acc_ref[1], jnp.float32)], axis=1)


def _loss(a_s, a_p, a_l, g, dmin, base):
    return pl.pallas_call(
        _loss_body,
        grid=(HSTEPS,),
        in_specs=[
            pl.BlockSpec((3, 50, TN), lambda i: (0, 0, i + base)),
            pl.BlockSpec((3, 36, TN), lambda i: (0, 0, i + base)),
            pl.BlockSpec((DL, TN), lambda i: (0, i + base)),
            pl.BlockSpec((TN, DT), lambda i: (i, 0)),
            pl.BlockSpec((1, 1, TN), lambda i: (i, 0, 0)),
        ],
        out_specs=pl.BlockSpec((1, 2), lambda i: (0, 0)),
        out_shape=jax.ShapeDtypeStruct((1, 2), jnp.float32),
        scratch_shapes=[pltpu.SMEM((2,), jnp.float32)],
    )(a_s, a_p, a_l, g, dmin)



def _comb_body(*refs):
    out_ref = refs[-1]
    tot = refs[0][...]
    for r in refs[1:-1]:
        tot = tot + r[...]
    num = tot[0, 0]
    cnt = tot[0, 1]
    loss = num / jnp.maximum(cnt, 1.0)
    out_ref[...] = jnp.full((1, 1), jnp.where(cnt == 0.0, 0.0, loss),
                            jnp.float32)


def _combine(parts):
    return pl.pallas_call(
        _comb_body,
        out_shape=jax.ShapeDtypeStruct((1, 1), jnp.float32),
    )(*parts)



def kernel(shapedirs, posedirs, lbs_weights, pts_c, flame_params,
           flame_shapedirs, flame_posedirs, flame_lbs_weights, v_template,
           canonical_exp):
    betas = jnp.concatenate(
        [flame_params[:, -150:-50],
         jnp.broadcast_to(canonical_exp, (BS, canonical_exp.shape[0]))], axis=1)

    fs_t = jnp.transpose(flame_shapedirs, (1, 2, 0))
    vt_t = v_template.T
    w = _build_w(betas, fs_t, vt_t)

    b_s = flame_shapedirs[:, :, -50:].reshape(NV, DS)
    b_p = jnp.transpose(flame_posedirs.reshape(36, NV, 3), (1, 2, 0)).reshape(NV, DP)
    b_l = flame_lbs_weights
    table = jnp.concatenate(
        [b_s, b_p, b_l, jnp.zeros((NV, DT - DS - DP - DL), jnp.float32)], axis=1)

    a_s = jnp.transpose(shapedirs, (1, 2, 0))
    a_p = jnp.transpose(posedirs, (2, 1, 0))
    a_l = jnp.transpose(lbs_weights.reshape(BS * NP, DL), (1, 0))

    gather = _sc_gather_fn()
    gs = []
    dms = []
    for r in range(NROUND):
        idx_r, dm_r = _knn(pts_c, w, r * HSTEPS)
        gs.append(gather(table, idx_r.reshape(NW, NCH, CH)))
        dms.append(dm_r)
    parts = [_loss(a_s, a_p, a_l, gs[r], dms[r], r * HSTEPS)
             for r in range(NROUND)]
    out = _combine(parts)
    return out[0, 0]

# --- scband reference (transcript-rebuilt; emitter-appended) ---
"""Pipeline reference for scband-flame-loss-50474455662627 (READ-ONLY COPY).

The authoritative reference and input builder live on the scoring server;
editing this copy changes nothing except your own understanding.
"""

import jax, jax.numpy as jnp
import numpy as np

BS = 4
NP = 8192
NV = 5023


def setup_inputs(seed: int = 0):
    key = jax.random.key(seed)
    ks = jax.random.split(key, 10)
    return {
        'shapedirs': jax.random.normal(ks[0], (BS * NP, 3, 50), jnp.float32) * 0.01,
        'posedirs': jax.random.normal(ks[1], (BS * NP, 36, 3), jnp.float32) * 0.01,
        'lbs_weights': jax.random.uniform(ks[2], (BS, NP, 5), jnp.float32),
        'pts_c': jax.random.uniform(ks[3], (BS * NP, 3), jnp.float32) * 0.05,
        'flame_params': jax.random.normal(ks[4], (BS, 169), jnp.float32),
        'flame_shapedirs': jax.random.normal(ks[5], (NV, 3, 150), jnp.float32) * 0.001,
        'flame_posedirs': jax.random.normal(ks[6], (36, NV * 3), jnp.float32) * 0.01,
        'flame_lbs_weights': jax.nn.softmax(jax.random.normal(ks[7], (NV, 5), jnp.float32), axis=-1),
        'v_template': jax.random.normal(ks[8], (NV, 3), jnp.float32) * 0.02,
        'canonical_exp': jnp.zeros((50,), jnp.float32),
    }


def reference(shapedirs, posedirs, lbs_weights, pts_c, flame_params, flame_shapedirs, flame_posedirs, flame_lbs_weights, v_template, canonical_exp):
    bs = flame_params.shape[0]
    # --- sample_bases ---
    shape_params = flame_params[:, -150:-50]
    betas = jnp.concatenate([shape_params, jnp.broadcast_to(canonical_exp, (bs, canonical_exp.shape[0]))], axis=1)
    # FLAME forward at canonical (zero) pose: template + linear blendshapes (pose correctives/LBS are identity at zero pose)
    cano_verts = v_template[None] + jnp.einsum('vck,bk->bvc', flame_shapedirs, betas)  # (bs, NV, 3)
    pts = pts_c.reshape(bs, -1, 3)
    idx_list, dist_list = [], []
    for b in range(bs):
        p = pts[b]
        v = cano_verts[b]
        # knn_points K=1 -> squared distances
        d2 = (jnp.sum(p ** 2, axis=-1, keepdims=True)
              + jnp.sum(v ** 2, axis=-1)[None, :]
              - 2.0 * (p @ v.T))
        idx_list.append(jnp.argmin(d2, axis=-1))
        dist_list.append(jnp.min(d2, axis=-1))
    index_batch = jnp.stack(idx_list)            # (bs, n)
    flame_distance = jnp.stack(dist_list).reshape(-1)  # (bs*n,) squared distances
    shapedirs_gt = flame_shapedirs[index_batch].reshape(-1, 3, 150)[..., -50:]
    posedirs_gt = jnp.transpose(flame_posedirs.reshape(36, NV, 3), (1, 0, 2))[index_batch].reshape(-1, 36, 3)
    lbs_weights_gt = flame_lbs_weights[index_batch].reshape(-1, flame_lbs_weights.shape[-1])
    # --- get_blendshape_loss ---
    lbs_w = lbs_weights.reshape(-1, lbs_weights.shape[-1])
    mask = (flame_distance < 0.1).astype(jnp.float32)
    cnt = jnp.sum(mask)
    denom = jnp.maximum(cnt, 1.0)
    loss = jnp.sum(mask[:, None, None] * (shapedirs - shapedirs_gt) ** 2) / denom * 100.0
    loss = loss + jnp.sum(mask[:, None, None] * (posedirs - posedirs_gt) ** 2) / denom * 100.0
    loss = loss + jnp.sum(mask[:, None] * (lbs_w - lbs_weights_gt) ** 2) / denom * 0.2
    return jnp.where(cnt == 0, 0.0, loss)

if __name__ == "__main__":
    import jax
    _d = setup_inputs()
    print(jax.jit(kernel)(*tuple(_d.values())))

</pallas_src>

<mosaic_0001>
#map = affine_map<(d0, d1) -> (0, 0)>
#map1 = affine_map<(d0, d1) -> (0, 0, 0)>
module attributes {stable_mosaic.version = 14 : i64} {
  func.func @_sc_gather(%arg0: i32, %arg1: i32, %arg2: memref<5023x384xf32, #tpu.memory_space<hbm>>, %arg3: memref<32x2x128xi32, #tpu.memory_space<hbm>>, %arg4: memref<8192x384xf32, #tpu.memory_space<hbm>>, %arg5: memref<2x128xi32, #tpu.memory_space<vmem>>, %arg6: memref<128x384xf32, #tpu.memory_space<vmem>>, %arg7: memref<128x384xf32, #tpu.memory_space<vmem>>, %arg8: memref<!tpu.dma_semaphore, #tpu.memory_space<semaphore_mem>>, %arg9: memref<!tpu.dma_semaphore, #tpu.memory_space<semaphore_mem>>) attributes {dimension_semantics = [#tpu.dimension_semantics<core_parallel>, #tpu.dimension_semantics<subcore_parallel>], iteration_bounds = array<i64: 2, 16>, scalar_prefetch = 0 : i64, scratch_operands = 5 : i64, tpu.core_type = #tpu.core_type<sc_vector_subcore>, window_params = [{transform_indices = #map}, {transform_indices = #map1}, {transform_indices = #map}]} {
    %mul3A = arith.constant 2 : i32
    %mul3A_0 = arith.muli %arg1, %mul3A : i32
    %add3A = arith.addi %mul3A_0, %arg0 : i32
    "tpu.region"() ({
      %run_scoped3A = tpu.sem_alloc : memref<!tpu.dma_semaphore, #tpu.memory_space<semaphore_mem>>
      %dma_start3A_35 = arith.constant 0 : i32
      %dma_start3A_36 = arith.constant 0 : i32
      %dma_start3A_37 = tpu.memref_slice %arg3[%add3A, %dma_start3A_35, %dma_start3A_36] : memref<32x2x128xi32, #tpu.memory_space<hbm>> -> memref<1x2x128xi32, #tpu.memory_space<hbm>>
      %dma_start3A_38 = tpu.memref_squeeze %dma_start3A_37 : memref<1x2x128xi32, #tpu.memory_space<hbm>> -> memref<2x128xi32, #tpu.memory_space<hbm>>
      %dma_start3A_39 = arith.constant 0 : i32
      %dma_start3A_40 = arith.constant 0 : i32
      %dma_start3A_41 = tpu.memref_slice %arg3[%add3A, %dma_start3A_39, %dma_start3A_40] : memref<32x2x128xi32, #tpu.memory_space<hbm>> -> memref<1x2x128xi32, #tpu.memory_space<hbm>>
      %dma_start3A_42 = tpu.memref_squeeze %dma_start3A_41 : memref<1x2x128xi32, #tpu.memory_space<hbm>> -> memref<2x128xi32, #tpu.memory_space<hbm>>
      tpu.enqueue_dma source(%dma_start3A_42 : memref<2x128xi32, #tpu.memory_space<hbm>>) target(%arg5 : memref<2x128xi32, #tpu.memory_space<vmem>>) target_semaphore(%run_scoped3A : memref<!tpu.dma_semaphore, #tpu.memory_space<semaphore_mem>>)
      %dma_wait3A_43 = arith.constant 0 : i32
      %dma_wait3A_44 = arith.constant 0 : i32
      %dma_wait3A_45 = tpu.memref_slice %arg3[%add3A, %dma_wait3A_43, %dma_wait3A_44] : memref<32x2x128xi32, #tpu.memory_space<hbm>> -> memref<1x2x128xi32, #tpu.memory_space<hbm>>
      %dma_wait3A_46 = tpu.memref_squeeze %dma_wait3A_45 : memref<1x2x128xi32, #tpu.memory_space<hbm>> -> memref<2x128xi32, #tpu.memory_space<hbm>>
      %dma_wait3A_47 = arith.constant 0 : i32
      %dma_wait3A_48 = arith.constant 0 : i32
      %dma_wait3A_49 = tpu.memref_slice %arg3[%add3A, %dma_wait3A_47, %dma_wait3A_48] : memref<32x2x128xi32, #tpu.memory_space<hbm>> -> memref<1x2x128xi32, #tpu.memory_space<hbm>>
      %dma_wait3A_50 = tpu.memref_squeeze %dma_wait3A_49 : memref<1x2x128xi32, #tpu.memory_space<hbm>> -> memref<2x128xi32, #tpu.memory_space<hbm>>
      tpu.wait_dma2 semaphore(%run_scoped3A : memref<!tpu.dma_semaphore, #tpu.memory_space<semaphore_mem>>) src(%dma_wait3A_50 : memref<2x128xi32, #tpu.memory_space<hbm>>) dst(%arg5 : memref<2x128xi32, #tpu.memory_space<vmem>>)
      tpu.yield
    }) : () -> ()
    %dma_start3A = arith.constant 0 : i32
    %dma_start3A_1 = arith.constant 0 : i32
    %dma_start3A_2 = tpu.memref_slice %arg5[%dma_start3A, %dma_start3A_1] : memref<2x128xi32, #tpu.memory_space<vmem>> -> memref<1x128xi32, #tpu.memory_space<vmem>>
    %dma_start3A_3 = tpu.memref_squeeze %dma_start3A_2 : memref<1x128xi32, #tpu.memory_space<vmem>> -> memref<128xi32, #tpu.memory_space<vmem>>
    %dma_start3A_4 = arith.constant 0 : i32
    %dma_start3A_5 = arith.constant 0 : i32
    %dma_start3A_6 = tpu.memref_slice %arg2[%dma_start3A_4, %dma_start3A_5] : memref<5023x384xf32, #tpu.memory_space<hbm>> -> memref<5023x384xf32, #tpu.memory_space<hbm>>
    tpu.enqueue_indirect_dma source(%dma_start3A_6 : memref<5023x384xf32, #tpu.memory_space<hbm>>) target(%arg6 : memref<128x384xf32, #tpu.memory_space<vmem>>) offsets(%dma_start3A_3 : memref<128xi32, #tpu.memory_space<vmem>>) semaphore(%arg8 : memref<!tpu.dma_semaphore, #tpu.memory_space<semaphore_mem>>)
    %dma_start3A_7 = arith.constant 1 : i32
    %dma_start3A_8 = arith.constant 0 : i32
    %dma_start3A_9 = tpu.memref_slice %arg5[%dma_start3A_7, %dma_start3A_8] : memref<2x128xi32, #tpu.memory_space<vmem>> -> memref<1x128xi32, #tpu.memory_space<vmem>>
    %dma_start3A_10 = tpu.memref_squeeze %dma_start3A_9 : memref<1x128xi32, #tpu.memory_space<vmem>> -> memref<128xi32, #tpu.memory_space<vmem>>
    %dma_start3A_11 = arith.constant 0 : i32
    %dma_start3A_12 = arith.constant 0 : i32
    %dma_start3A_13 = tpu.memref_slice %arg2[%dma_start3A_11, %dma_start3A_12] : memref<5023x384xf32, #tpu.memory_space<hbm>> -> memref<5023x384xf32, #tpu.memory_space<hbm>>
    tpu.enqueue_indirect_dma source(%dma_start3A_13 : memref<5023x384xf32, #tpu.memory_space<hbm>>) target(%arg7 : memref<128x384xf32, #tpu.memory_space<vmem>>) offsets(%dma_start3A_10 : memref<128xi32, #tpu.memory_space<vmem>>) semaphore(%arg9 : memref<!tpu.dma_semaphore, #tpu.memory_space<semaphore_mem>>)
    %dma_wait3A = arith.constant 0 : i32
    %dma_wait3A_14 = arith.constant 0 : i32
    %dma_wait3A_15 = tpu.memref_slice %arg5[%dma_wait3A, %dma_wait3A_14] : memref<2x128xi32, #tpu.memory_space<vmem>> -> memref<1x128xi32, #tpu.memory_space<vmem>>
    %dma_wait3A_16 = tpu.memref_squeeze %dma_wait3A_15 : memref<1x128xi32, #tpu.memory_space<vmem>> -> memref<128xi32, #tpu.memory_space<vmem>>
    %dma_wait3A_17 = arith.constant 0 : i32
    %dma_wait3A_18 = arith.constant 0 : i32
    %dma_wait3A_19 = tpu.memref_slice %arg2[%dma_wait3A_17, %dma_wait3A_18] : memref<5023x384xf32, #tpu.memory_space<hbm>> -> memref<5023x384xf32, #tpu.memory_space<hbm>>
    tpu.wait_indirect_dma semaphore(%arg8 : memref<!tpu.dma_semaphore, #tpu.memory_space<semaphore_mem>>) src(%dma_wait3A_19 : memref<5023x384xf32, #tpu.memory_space<hbm>>) dst(%arg6 : memref<128x384xf32, #tpu.memory_space<vmem>>)
    %mul3A_20 = arith.constant 256 : i32
    %mul3A_21 = arith.muli %add3A, %mul3A_20 : i32
    %add3A_22 = arith.constant 0 : i32
    %add3A_23 = arith.addi %mul3A_21, %add3A_22 : i32
    "tpu.region"() ({
      %run_scoped3A = tpu.sem_alloc : memref<!tpu.dma_semaphore, #tpu.memory_space<semaphore_mem>>
      %dma_start3A_35 = arith.constant 0 : i32
      %dma_start3A_36 = tpu.memref_slice %arg4[%add3A_23, %dma_start3A_35] : memref<8192x384xf32, #tpu.memory_space<hbm>> -> memref<128x384xf32, #tpu.memory_space<hbm>>
      %dma_start3A_37 = arith.constant 0 : i32
      %dma_start3A_38 = tpu.memref_slice %arg4[%add3A_23, %dma_start3A_37] : memref<8192x384xf32, #tpu.memory_space<hbm>> -> memref<128x384xf32, #tpu.memory_space<hbm>>
      tpu.enqueue_dma source(%arg6 : memref<128x384xf32, #tpu.memory_space<vmem>>) target(%dma_start3A_38 : memref<128x384xf32, #tpu.memory_space<hbm>>) target_semaphore(%run_scoped3A : memref<!tpu.dma_semaphore, #tpu.memory_space<semaphore_mem>>)
      %dma_wait3A_39 = arith.constant 0 : i32
      %dma_wait3A_40 = tpu.memref_slice %arg4[%add3A_23, %dma_wait3A_39] : memref<8192x384xf32, #tpu.memory_space<hbm>> -> memref<128x384xf32, #tpu.memory_space<hbm>>
      %dma_wait3A_41 = arith.constant 0 : i32
      %dma_wait3A_42 = tpu.memref_slice %arg4[%add3A_23, %dma_wait3A_41] : memref<8192x384xf32, #tpu.memory_space<hbm>> -> memref<128x384xf32, #tpu.memory_space<hbm>>
      tpu.wait_dma2 semaphore(%run_scoped3A : memref<!tpu.dma_semaphore, #tpu.memory_space<semaphore_mem>>) src(%arg6 : memref<128x384xf32, #tpu.memory_space<vmem>>) dst(%dma_wait3A_42 : memref<128x384xf32, #tpu.memory_space<hbm>>)
      tpu.yield
    }) : () -> ()
    %dma_wait3A_24 = arith.constant 1 : i32
    %dma_wait3A_25 = arith.constant 0 : i32
    %dma_wait3A_26 = tpu.memref_slice %arg5[%dma_wait3A_24, %dma_wait3A_25] : memref<2x128xi32, #tpu.memory_space<vmem>> -> memref<1x128xi32, #tpu.memory_space<vmem>>
    %dma_wait3A_27 = tpu.memref_squeeze %dma_wait3A_26 : memref<1x128xi32, #tpu.memory_space<vmem>> -> memref<128xi32, #tpu.memory_space<vmem>>
    %dma_wait3A_28 = arith.constant 0 : i32
    %dma_wait3A_29 = arith.constant 0 : i32
    %dma_wait3A_30 = tpu.memref_slice %arg2[%dma_wait3A_28, %dma_wait3A_29] : memref<5023x384xf32, #tpu.memory_space<hbm>> -> memref<5023x384xf32, #tpu.memory_space<hbm>>
    tpu.wait_indirect_dma semaphore(%arg9 : memref<!tpu.dma_semaphore, #tpu.memory_space<semaphore_mem>>) src(%dma_wait3A_30 : memref<5023x384xf32, #tpu.memory_space<hbm>>) dst(%arg7 : memref<128x384xf32, #tpu.memory_space<vmem>>)
    %mul3A_31 = arith.constant 256 : i32
    %mul3A_32 = arith.muli %add3A, %mul3A_31 : i32
    %add3A_33 = arith.constant 128 : i32
    %add3A_34 = arith.addi %mul3A_32, %add3A_33 : i32
    "tpu.region"() ({
      %run_scoped3A = tpu.sem_alloc : memref<!tpu.dma_semaphore, #tpu.memory_space<semaphore_mem>>
      %dma_start3A_35 = arith.constant 0 : i32
      %dma_start3A_36 = tpu.memref_slice %arg4[%add3A_34, %dma_start3A_35] : memref<8192x384xf32, #tpu.memory_space<hbm>> -> memref<128x384xf32, #tpu.memory_space<hbm>>
      %dma_start3A_37 = arith.constant 0 : i32
      %dma_start3A_38 = tpu.memref_slice %arg4[%add3A_34, %dma_start3A_37] : memref<8192x384xf32, #tpu.memory_space<hbm>> -> memref<128x384xf32, #tpu.memory_space<hbm>>
      tpu.enqueue_dma source(%arg7 : memref<128x384xf32, #tpu.memory_space<vmem>>) target(%dma_start3A_38 : memref<128x384xf32, #tpu.memory_space<hbm>>) target_semaphore(%run_scoped3A : memref<!tpu.dma_semaphore, #tpu.memory_space<semaphore_mem>>)
      %dma_wait3A_39 = arith.constant 0 : i32
      %dma_wait3A_40 = tpu.memref_slice %arg4[%add3A_34, %dma_wait3A_39] : memref<8192x384xf32, #tpu.memory_space<hbm>> -> memref<128x384xf32, #tpu.memory_space<hbm>>
      %dma_wait3A_41 = arith.constant 0 : i32
      %dma_wait3A_42 = tpu.memref_slice %arg4[%add3A_34, %dma_wait3A_41] : memref<8192x384xf32, #tpu.memory_space<hbm>> -> memref<128x384xf32, #tpu.memory_space<hbm>>
      tpu.wait_dma2 semaphore(%run_scoped3A : memref<!tpu.dma_semaphore, #tpu.memory_space<semaphore_mem>>) src(%arg7 : memref<128x384xf32, #tpu.memory_space<vmem>>) dst(%dma_wait3A_42 : memref<128x384xf32, #tpu.memory_space<hbm>>)
      tpu.yield
    }) : () -> ()
    return
  }
}

#map = affine_map<(d0, d1) -> (0, 0)>
#map1 = affine_map<(d0, d1) -> (0, 0, 0)>
module attributes {stable_mosaic.version = 14 : i64} {
  func.func @_sc_gather(%arg0: i32, %arg1: i32, %arg2: memref<5023x384xf32, #tpu.memory_space<hbm>>, %arg3: memref<32x2x128xi32, #tpu.memory_space<hbm>>, %arg4: memref<8192x384xf32, #tpu.memory_space<hbm>>, %arg5: memref<2x128xi32, #tpu.memory_space<vmem>>, %arg6: memref<128x384xf32, #tpu.memory_space<vmem>>, %arg7: memref<128x384xf32, #tpu.memory_space<vmem>>, %arg8: memref<!tpu.dma_semaphore, #tpu.memory_space<semaphore_mem>>, %arg9: memref<!tpu.dma_semaphore, #tpu.memory_space<semaphore_mem>>) attributes {dimension_semantics = [#tpu.dimension_semantics<core_parallel>, #tpu.dimension_semantics<subcore_parallel>], iteration_bounds = array<i64: 2, 16>, scalar_prefetch = 0 : i64, scratch_operands = 5 : i64, tpu.core_type = #tpu.core_type<sc_vector_subcore>, window_params = [{transform_indices = #map}, {transform_indices = #map1}, {transform_indices = #map}]} {
    %mul3A = arith.constant 2 : i32
    %mul3A_0 = arith.muli %arg1, %mul3A : i32
    %add3A = arith.addi %mul3A_0, %arg0 : i32
    "tpu.region"() ({
      %run_scoped3A = tpu.sem_alloc : memref<!tpu.dma_semaphore, #tpu.memory_space<semaphore_mem>>
      %dma_start3A_35 = arith.constant 0 : i32
      %dma_start3A_36 = arith.constant 0 : i32
      %dma_start3A_37 = tpu.memref_slice %arg3[%add3A, %dma_start3A_35, %dma_start3A_36] : memref<32x2x128xi32, #tpu.memory_space<hbm>> -> memref<1x2x128xi32, #tpu.memory_space<hbm>>
      %dma_start3A_38 = tpu.memref_squeeze %dma_start3A_37 : memref<1x2x128xi32, #tpu.memory_space<hbm>> -> memref<2x128xi32, #tpu.memory_space<hbm>>
      %dma_start3A_39 = arith.constant 0 : i32
      %dma_start3A_40 = arith.constant 0 : i32
      %dma_start3A_41 = tpu.memref_slice %arg3[%add3A, %dma_start3A_39, %dma_start3A_40] : memref<32x2x128xi32, #tpu.memory_space<hbm>> -> memref<1x2x128xi32, #tpu.memory_space<hbm>>
      %dma_start3A_42 = tpu.memref_squeeze %dma_start3A_41 : memref<1x2x128xi32, #tpu.memory_space<hbm>> -> memref<2x128xi32, #tpu.memory_space<hbm>>
      tpu.enqueue_dma source(%dma_start3A_42 : memref<2x128xi32, #tpu.memory_space<hbm>>) target(%arg5 : memref<2x128xi32, #tpu.memory_space<vmem>>) target_semaphore(%run_scoped3A : memref<!tpu.dma_semaphore, #tpu.memory_space<semaphore_mem>>)
      %dma_wait3A_43 = arith.constant 0 : i32
      %dma_wait3A_44 = arith.constant 0 : i32
      %dma_wait3A_45 = tpu.memref_slice %arg3[%add3A, %dma_wait3A_43, %dma_wait3A_44] : memref<32x2x128xi32, #tpu.memory_space<hbm>> -> memref<1x2x128xi32, #tpu.memory_space<hbm>>
      %dma_wait3A_46 = tpu.memref_squeeze %dma_wait3A_45 : memref<1x2x128xi32, #tpu.memory_space<hbm>> -> memref<2x128xi32, #tpu.memory_space<hbm>>
      %dma_wait3A_47 = arith.constant 0 : i32
      %dma_wait3A_48 = arith.constant 0 : i32
      %dma_wait3A_49 = tpu.memref_slice %arg3[%add3A, %dma_wait3A_47, %dma_wait3A_48] : memref<32x2x128xi32, #tpu.memory_space<hbm>> -> memref<1x2x128xi32, #tpu.memory_space<hbm>>
      %dma_wait3A_50 = tpu.memref_squeeze %dma_wait3A_49 : memref<1x2x128xi32, #tpu.memory_space<hbm>> -> memref<2x128xi32, #tpu.memory_space<hbm>>
      tpu.wait_dma2 semaphore(%run_scoped3A : memref<!tpu.dma_semaphore, #tpu.memory_space<semaphore_mem>>) src(%dma_wait3A_50 : memref<2x128xi32, #tpu.memory_space<hbm>>) dst(%arg5 : memref<2x128xi32, #tpu.memory_space<vmem>>)
      tpu.yield
    }) : () -> ()
    %dma_start3A = arith.constant 0 : i32
    %dma_start3A_1 = arith.constant 0 : i32
    %dma_start3A_2 = tpu.memref_slice %arg5[%dma_start3A, %dma_start3A_1] : memref<2x128xi32, #tpu.memory_space<vmem>> -> memref<1x128xi32, #tpu.memory_space<vmem>>
    %dma_start3A_3 = tpu.memref_squeeze %dma_start3A_2 : memref<1x128xi32, #tpu.memory_space<vmem>> -> memref<128xi32, #tpu.memory_space<vmem>>
    %dma_start3A_4 = arith.constant 0 : i32
    %dma_start3A_5 = arith.constant 0 : i32
    %dma_start3A_6 = tpu.memref_slice %arg2[%dma_start3A_4, %dma_start3A_5] : memref<5023x384xf32, #tpu.memory_space<hbm>> -> memref<5023x384xf32, #tpu.memory_space<hbm>>
    tpu.enqueue_indirect_dma source(%dma_start3A_6 : memref<5023x384xf32, #tpu.memory_space<hbm>>) target(%arg6 : memref<128x384xf32, #tpu.memory_space<vmem>>) offsets(%dma_start3A_3 : memref<128xi32, #tpu.memory_space<vmem>>) semaphore(%arg8 : memref<!tpu.dma_semaphore, #tpu.memory_space<semaphore_mem>>)
    %dma_start3A_7 = arith.constant 1 : i32
    %dma_start3A_8 = arith.constant 0 : i32
    %dma_start3A_9 = tpu.memref_slice %arg5[%dma_start3A_7, %dma_start3A_8] : memref<2x128xi32, #tpu.memory_space<vmem>> -> memref<1x128xi32, #tpu.memory_space<vmem>>
    %dma_start3A_10 = tpu.memref_squeeze %dma_start3A_9 : memref<1x128xi32, #tpu.memory_space<vmem>> -> memref<128xi32, #tpu.memory_space<vmem>>
    %dma_start3A_11 = arith.constant 0 : i32
    %dma_start3A_12 = arith.constant 0 : i32
    %dma_start3A_13 = tpu.memref_slice %arg2[%dma_start3A_11, %dma_start3A_12] : memref<5023x384xf32, #tpu.memory_space<hbm>> -> memref<5023x384xf32, #tpu.memory_space<hbm>>
    tpu.enqueue_indirect_dma source(%dma_start3A_13 : memref<5023x384xf32, #tpu.memory_space<hbm>>) target(%arg7 : memref<128x384xf32, #tpu.memory_space<vmem>>) offsets(%dma_start3A_10 : memref<128xi32, #tpu.memory_space<vmem>>) semaphore(%arg9 : memref<!tpu.dma_semaphore, #tpu.memory_space<semaphore_mem>>)
    %dma_wait3A = arith.constant 0 : i32
    %dma_wait3A_14 = arith.constant 0 : i32
    %dma_wait3A_15 = tpu.memref_slice %arg5[%dma_wait3A, %dma_wait3A_14] : memref<2x128xi32, #tpu.memory_space<vmem>> -> memref<1x128xi32, #tpu.memory_space<vmem>>
    %dma_wait3A_16 = tpu.memref_squeeze %dma_wait3A_15 : memref<1x128xi32, #tpu.memory_space<vmem>> -> memref<128xi32, #tpu.memory_space<vmem>>
    %dma_wait3A_17 = arith.constant 0 : i32
    %dma_wait3A_18 = arith.constant 0 : i32
    %dma_wait3A_19 = tpu.memref_slice %arg2[%dma_wait3A_17, %dma_wait3A_18] : memref<5023x384xf32, #tpu.memory_space<hbm>> -> memref<5023x384xf32, #tpu.memory_space<hbm>>
    tpu.wait_indirect_dma semaphore(%arg8 : memref<!tpu.dma_semaphore, #tpu.memory_space<semaphore_mem>>) src(%dma_wait3A_19 : memref<5023x384xf32, #tpu.memory_space<hbm>>) dst(%arg6 : memref<128x384xf32, #tpu.memory_space<vmem>>)
    %mul3A_20 = arith.constant 256 : i32
    %mul3A_21 = arith.muli %add3A, %mul3A_20 : i32
    %add3A_22 = arith.constant 0 : i32
    %add3A_23 = arith.addi %mul3A_21, %add3A_22 : i32
    "tpu.region"() ({
      %run_scoped3A = tpu.sem_alloc : memref<!tpu.dma_semaphore, #tpu.memory_space<semaphore_mem>>
      %dma_start3A_35 = arith.constant 0 : i32
      %dma_start3A_36 = tpu.memref_slice %arg4[%add3A_23, %dma_start3A_35] : memref<8192x384xf32, #tpu.memory_space<hbm>> -> memref<128x384xf32, #tpu.memory_space<hbm>>
      %dma_start3A_37 = arith.constant 0 : i32
      %dma_start3A_38 = tpu.memref_slice %arg4[%add3A_23, %dma_start3A_37] : memref<8192x384xf32, #tpu.memory_space<hbm>> -> memref<128x384xf32, #tpu.memory_space<hbm>>
      tpu.enqueue_dma source(%arg6 : memref<128x384xf32, #tpu.memory_space<vmem>>) target(%dma_start3A_38 : memref<128x384xf32, #tpu.memory_space<hbm>>) target_semaphore(%run_scoped3A : memref<!tpu.dma_semaphore, #tpu.memory_space<semaphore_mem>>)
      %dma_wait3A_39 = arith.constant 0 : i32
      %dma_wait3A_40 = tpu.memref_slice %arg4[%add3A_23, %dma_wait3A_39] : memref<8192x384xf32, #tpu.memory_space<hbm>> -> memref<128x384xf32, #tpu.memory_space<hbm>>
      %dma_wait3A_41 = arith.constant 0 : i32
      %dma_wait3A_42 = tpu.memref_slice %arg4[%add3A_23, %dma_wait3A_41] : memref<8192x384xf32, #tpu.memory_space<hbm>> -> memref<128x384xf32, #tpu.memory_space<hbm>>
      tpu.wait_dma2 semaphore(%run_scoped3A : memref<!tpu.dma_semaphore, #tpu.memory_space<semaphore_mem>>) src(%arg6 : memref<128x384xf32, #tpu.memory_space<vmem>>) dst(%dma_wait3A_42 : memref<128x384xf32, #tpu.memory_space<hbm>>)
      tpu.yield
    }) : () -> ()
    %dma_wait3A_24 = arith.constant 1 : i32
    %dma_wait3A_25 = arith.constant 0 : i32
    %dma_wait3A_26 = tpu.memref_slice %arg5[%dma_wait3A_24, %dma_wait3A_25] : memref<2x128xi32, #tpu.memory_space<vmem>> -> memref<1x128xi32, #tpu.memory_space<vmem>>
    %dma_wait3A_27 = tpu.memref_squeeze %dma_wait3A_26 : memref<1x128xi32, #tpu.memory_space<vmem>> -> memref<128xi32, #tpu.memory_space<vmem>>
    %dma_wait3A_28 = arith.constant 0 : i32
    %dma_wait3A_29 = arith.constant 0 : i32
    %dma_wait3A_30 = tpu.memref_slice %arg2[%dma_wait3A_28, %dma_wait3A_29] : memref<5023x384xf32, #tpu.memory_space<hbm>> -> memref<5023x384xf32, #tpu.memory_space<hbm>>
    tpu.wait_indirect_dma semaphore(%arg9 : memref<!tpu.dma_semaphore, #tpu.memory_space<semaphore_mem>>) src(%dma_wait3A_30 : memref<5023x384xf32, #tpu.memory_space<hbm>>) dst(%arg7 : memref<128x384xf32, #tpu.memory_space<vmem>>)
    %mul3A_31 = arith.constant 256 : i32
    %mul3A_32 = arith.muli %add3A, %mul3A_31 : i32
    %add3A_33 = arith.constant 128 : i32
    %add3A_34 = arith.addi %mul3A_32, %add3A_33 : i32
    "tpu.region"() ({
      %run_scoped3A = tpu.sem_alloc : memref<!tpu.dma_semaphore, #tpu.memory_space<semaphore_mem>>
      %dma_start3A_35 = arith.constant 0 : i32
      %dma_start3A_36 = tpu.memref_slice %arg4[%add3A_34, %dma_start3A_35] : memref<8192x384xf32, #tpu.memory_space<hbm>> -> memref<128x384xf32, #tpu.memory_space<hbm>>
      %dma_start3A_37 = arith.constant 0 : i32
      %dma_start3A_38 = tpu.memref_slice %arg4[%add3A_34, %dma_start3A_37] : memref<8192x384xf32, #tpu.memory_space<hbm>> -> memref<128x384xf32, #tpu.memory_space<hbm>>
      tpu.enqueue_dma source(%arg7 : memref<128x384xf32, #tpu.memory_space<vmem>>) target(%dma_start3A_38 : memref<128x384xf32, #tpu.memory_space<hbm>>) target_semaphore(%run_scoped3A : memref<!tpu.dma_semaphore, #tpu.memory_space<semaphore_mem>>)
      %dma_wait3A_39 = arith.constant 0 : i32
      %dma_wait3A_40 = tpu.memref_slice %arg4[%add3A_34, %dma_wait3A_39] : memref<8192x384xf32, #tpu.memory_space<hbm>> -> memref<128x384xf32, #tpu.memory_space<hbm>>
      %dma_wait3A_41 = arith.constant 0 : i32
      %dma_wait3A_42 = tpu.memref_slice %arg4[%add3A_34, %dma_wait3A_41] : memref<8192x384xf32, #tpu.memory_space<hbm>> -> memref<128x384xf32, #tpu.memory_space<hbm>>
      tpu.wait_dma2 semaphore(%run_scoped3A : memref<!tpu.dma_semaphore, #tpu.memory_space<semaphore_mem>>) src(%arg7 : memref<128x384xf32, #tpu.memory_space<vmem>>) dst(%dma_wait3A_42 : memref<128x384xf32, #tpu.memory_space<hbm>>)
      tpu.yield
    }) : () -> ()
    return
  }
}

#map = affine_map<(d0, d1) -> (0, 0)>
#map1 = affine_map<(d0, d1) -> (0, 0, 0)>
module attributes {stable_mosaic.version = 14 : i64} {
  func.func @_sc_gather(%arg0: i32, %arg1: i32, %arg2: memref<5023x384xf32, #tpu.memory_space<hbm>>, %arg3: memref<32x2x128xi32, #tpu.memory_space<hbm>>, %arg4: memref<8192x384xf32, #tpu.memory_space<hbm>>, %arg5: memref<2x128xi32, #tpu.memory_space<vmem>>, %arg6: memref<128x384xf32, #tpu.memory_space<vmem>>, %arg7: memref<128x384xf32, #tpu.memory_space<vmem>>, %arg8: memref<!tpu.dma_semaphore, #tpu.memory_space<semaphore_mem>>, %arg9: memref<!tpu.dma_semaphore, #tpu.memory_space<semaphore_mem>>) attributes {dimension_semantics = [#tpu.dimension_semantics<core_parallel>, #tpu.dimension_semantics<subcore_parallel>], iteration_bounds = array<i64: 2, 16>, scalar_prefetch = 0 : i64, scratch_operands = 5 : i64, tpu.core_type = #tpu.core_type<sc_vector_subcore>, window_params = [{transform_indices = #map}, {transform_indices = #map1}, {transform_indices = #map}]} {
    %mul3A = arith.constant 2 : i32
    %mul3A_0 = arith.muli %arg1, %mul3A : i32
    %add3A = arith.addi %mul3A_0, %arg0 : i32
    "tpu.region"() ({
      %run_scoped3A = tpu.sem_alloc : memref<!tpu.dma_semaphore, #tpu.memory_space<semaphore_mem>>
      %dma_start3A_35 = arith.constant 0 : i32
      %dma_start3A_36 = arith.constant 0 : i32
      %dma_start3A_37 = tpu.memref_slice %arg3[%add3A, %dma_start3A_35, %dma_start3A_36] : memref<32x2x128xi32, #tpu.memory_space<hbm>> -> memref<1x2x128xi32, #tpu.memory_space<hbm>>
      %dma_start3A_38 = tpu.memref_squeeze %dma_start3A_37 : memref<1x2x128xi32, #tpu.memory_space<hbm>> -> memref<2x128xi32, #tpu.memory_space<hbm>>
      %dma_start3A_39 = arith.constant 0 : i32
      %dma_start3A_40 = arith.constant 0 : i32
      %dma_start3A_41 = tpu.memref_slice %arg3[%add3A, %dma_start3A_39, %dma_start3A_40] : memref<32x2x128xi32, #tpu.memory_space<hbm>> -> memref<1x2x128xi32, #tpu.memory_space<hbm>>
      %dma_start3A_42 = tpu.memref_squeeze %dma_start3A_41 : memref<1x2x128xi32, #tpu.memory_space<hbm>> -> memref<2x128xi32, #tpu.memory_space<hbm>>
      tpu.enqueue_dma source(%dma_start3A_42 : memref<2x128xi32, #tpu.memory_space<hbm>>) target(%arg5 : memref<2x128xi32, #tpu.memory_space<vmem>>) target_semaphore(%run_scoped3A : memref<!tpu.dma_semaphore, #tpu.memory_space<semaphore_mem>>)
      %dma_wait3A_43 = arith.constant 0 : i32
      %dma_wait3A_44 = arith.constant 0 : i32
      %dma_wait3A_45 = tpu.memref_slice %arg3[%add3A, %dma_wait3A_43, %dma_wait3A_44] : memref<32x2x128xi32, #tpu.memory_space<hbm>> -> memref<1x2x128xi32, #tpu.memory_space<hbm>>
      %dma_wait3A_46 = tpu.memref_squeeze %dma_wait3A_45 : memref<1x2x128xi32, #tpu.memory_space<hbm>> -> memref<2x128xi32, #tpu.memory_space<hbm>>
      %dma_wait3A_47 = arith.constant 0 : i32
      %dma_wait3A_48 = arith.constant 0 : i32
      %dma_wait3A_49 = tpu.memref_slice %arg3[%add3A, %dma_wait3A_47, %dma_wait3A_48] : memref<32x2x128xi32, #tpu.memory_space<hbm>> -> memref<1x2x128xi32, #tpu.memory_space<hbm>>
      %dma_wait3A_50 = tpu.memref_squeeze %dma_wait3A_49 : memref<1x2x128xi32, #tpu.memory_space<hbm>> -> memref<2x128xi32, #tpu.memory_space<hbm>>
      tpu.wait_dma2 semaphore(%run_scoped3A : memref<!tpu.dma_semaphore, #tpu.memory_space<semaphore_mem>>) src(%dma_wait3A_50 : memref<2x128xi32, #tpu.memory_space<hbm>>) dst(%arg5 : memref<2x128xi32, #tpu.memory_space<vmem>>)
      tpu.yield
    }) : () -> ()
    %dma_start3A = arith.constant 0 : i32
    %dma_start3A_1 = arith.constant 0 : i32
    %dma_start3A_2 = tpu.memref_slice %arg5[%dma_start3A, %dma_start3A_1] : memref<2x128xi32, #tpu.memory_space<vmem>> -> memref<1x128xi32, #tpu.memory_space<vmem>>
    %dma_start3A_3 = tpu.memref_squeeze %dma_start3A_2 : memref<1x128xi32, #tpu.memory_space<vmem>> -> memref<128xi32, #tpu.memory_space<vmem>>
    %dma_start3A_4 = arith.constant 0 : i32
    %dma_start3A_5 = arith.constant 0 : i32
    %dma_start3A_6 = tpu.memref_slice %arg2[%dma_start3A_4, %dma_start3A_5] : memref<5023x384xf32, #tpu.memory_space<hbm>> -> memref<5023x384xf32, #tpu.memory_space<hbm>>
    tpu.enqueue_indirect_dma source(%dma_start3A_6 : memref<5023x384xf32, #tpu.memory_space<hbm>>) target(%arg6 : memref<128x384xf32, #tpu.memory_space<vmem>>) offsets(%dma_start3A_3 : memref<128xi32, #tpu.memory_space<vmem>>) semaphore(%arg8 : memref<!tpu.dma_semaphore, #tpu.memory_space<semaphore_mem>>)
    %dma_start3A_7 = arith.constant 1 : i32
    %dma_start3A_8 = arith.constant 0 : i32
    %dma_start3A_9 = tpu.memref_slice %arg5[%dma_start3A_7, %dma_start3A_8] : memref<2x128xi32, #tpu.memory_space<vmem>> -> memref<1x128xi32, #tpu.memory_space<vmem>>
    %dma_start3A_10 = tpu.memref_squeeze %dma_start3A_9 : memref<1x128xi32, #tpu.memory_space<vmem>> -> memref<128xi32, #tpu.memory_space<vmem>>
    %dma_start3A_11 = arith.constant 0 : i32
    %dma_start3A_12 = arith.constant 0 : i32
    %dma_start3A_13 = tpu.memref_slice %arg2[%dma_start3A_11, %dma_start3A_12] : memref<5023x384xf32, #tpu.memory_space<hbm>> -> memref<5023x384xf32, #tpu.memory_space<hbm>>
    tpu.enqueue_indirect_dma source(%dma_start3A_13 : memref<5023x384xf32, #tpu.memory_space<hbm>>) target(%arg7 : memref<128x384xf32, #tpu.memory_space<vmem>>) offsets(%dma_start3A_10 : memref<128xi32, #tpu.memory_space<vmem>>) semaphore(%arg9 : memref<!tpu.dma_semaphore, #tpu.memory_space<semaphore_mem>>)
    %dma_wait3A = arith.constant 0 : i32
    %dma_wait3A_14 = arith.constant 0 : i32
    %dma_wait3A_15 = tpu.memref_slice %arg5[%dma_wait3A, %dma_wait3A_14] : memref<2x128xi32, #tpu.memory_space<vmem>> -> memref<1x128xi32, #tpu.memory_space<vmem>>
    %dma_wait3A_16 = tpu.memref_squeeze %dma_wait3A_15 : memref<1x128xi32, #tpu.memory_space<vmem>> -> memref<128xi32, #tpu.memory_space<vmem>>
    %dma_wait3A_17 = arith.constant 0 : i32
    %dma_wait3A_18 = arith.constant 0 : i32
    %dma_wait3A_19 = tpu.memref_slice %arg2[%dma_wait3A_17, %dma_wait3A_18] : memref<5023x384xf32, #tpu.memory_space<hbm>> -> memref<5023x384xf32, #tpu.memory_space<hbm>>
    tpu.wait_indirect_dma semaphore(%arg8 : memref<!tpu.dma_semaphore, #tpu.memory_space<semaphore_mem>>) src(%dma_wait3A_19 : memref<5023x384xf32, #tpu.memory_space<hbm>>) dst(%arg6 : memref<128x384xf32, #tpu.memory_space<vmem>>)
    %mul3A_20 = arith.constant 256 : i32
    %mul3A_21 = arith.muli %add3A, %mul3A_20 : i32
    %add3A_22 = arith.constant 0 : i32
    %add3A_23 = arith.addi %mul3A_21, %add3A_22 : i32
    "tpu.region"() ({
      %run_scoped3A = tpu.sem_alloc : memref<!tpu.dma_semaphore, #tpu.memory_space<semaphore_mem>>
      %dma_start3A_35 = arith.constant 0 : i32
      %dma_start3A_36 = tpu.memref_slice %arg4[%add3A_23, %dma_start3A_35] : memref<8192x384xf32, #tpu.memory_space<hbm>> -> memref<128x384xf32, #tpu.memory_space<hbm>>
      %dma_start3A_37 = arith.constant 0 : i32
      %dma_start3A_38 = tpu.memref_slice %arg4[%add3A_23, %dma_start3A_37] : memref<8192x384xf32, #tpu.memory_space<hbm>> -> memref<128x384xf32, #tpu.memory_space<hbm>>
      tpu.enqueue_dma source(%arg6 : memref<128x384xf32, #tpu.memory_space<vmem>>) target(%dma_start3A_38 : memref<128x384xf32, #tpu.memory_space<hbm>>) target_semaphore(%run_scoped3A : memref<!tpu.dma_semaphore, #tpu.memory_space<semaphore_mem>>)
      %dma_wait3A_39 = arith.constant 0 : i32
      %dma_wait3A_40 = tpu.memref_slice %arg4[%add3A_23, %dma_wait3A_39] : memref<8192x384xf32, #tpu.memory_space<hbm>> -> memref<128x384xf32, #tpu.memory_space<hbm>>
      %dma_wait3A_41 = arith.constant 0 : i32
      %dma_wait3A_42 = tpu.memref_slice %arg4[%add3A_23, %dma_wait3A_41] : memref<8192x384xf32, #tpu.memory_space<hbm>> -> memref<128x384xf32, #tpu.memory_space<hbm>>
      tpu.wait_dma2 semaphore(%run_scoped3A : memref<!tpu.dma_semaphore, #tpu.memory_space<semaphore_mem>>) src(%arg6 : memref<128x384xf32, #tpu.memory_space<vmem>>) dst(%dma_wait3A_42 : memref<128x384xf32, #tpu.memory_space<hbm>>)
      tpu.yield
    }) : () -> ()
    %dma_wait3A_24 = arith.constant 1 : i32
    %dma_wait3A_25 = arith.constant 0 : i32
    %dma_wait3A_26 = tpu.memref_slice %arg5[%dma_wait3A_24, %dma_wait3A_25] : memref<2x128xi32, #tpu.memory_space<vmem>> -> memref<1x128xi32, #tpu.memory_space<vmem>>
    %dma_wait3A_27 = tpu.memref_squeeze %dma_wait3A_26 : memref<1x128xi32, #tpu.memory_space<vmem>> -> memref<128xi32, #tpu.memory_space<vmem>>
    %dma_wait3A_28 = arith.constant 0 : i32
    %dma_wait3A_29 = arith.constant 0 : i32
    %dma_wait3A_30 = tpu.memref_slice %arg2[%dma_wait3A_28, %dma_wait3A_29] : memref<5023x384xf32, #tpu.memory_space<hbm>> -> memref<5023x384xf32, #tpu.memory_space<hbm>>
    tpu.wait_indirect_dma semaphore(%arg9 : memref<!tpu.dma_semaphore, #tpu.memory_space<semaphore_mem>>) src(%dma_wait3A_30 : memref<5023x384xf32, #tpu.memory_space<hbm>>) dst(%arg7 : memref<128x384xf32, #tpu.memory_space<vmem>>)
    %mul3A_31 = arith.constant 256 : i32
    %mul3A_32 = arith.muli %add3A, %mul3A_31 : i32
    %add3A_33 = arith.constant 128 : i32
    %add3A_34 = arith.addi %mul3A_32, %add3A_33 : i32
    "tpu.region"() ({
      %run_scoped3A = tpu.sem_alloc : memref<!tpu.dma_semaphore, #tpu.memory_space<semaphore_mem>>
      %dma_start3A_35 = arith.constant 0 : i32
      %dma_start3A_36 = tpu.memref_slice %arg4[%add3A_34, %dma_start3A_35] : memref<8192x384xf32, #tpu.memory_space<hbm>> -> memref<128x384xf32, #tpu.memory_space<hbm>>
      %dma_start3A_37 = arith.constant 0 : i32
      %dma_start3A_38 = tpu.memref_slice %arg4[%add3A_34, %dma_start3A_37] : memref<8192x384xf32, #tpu.memory_space<hbm>> -> memref<128x384xf32, #tpu.memory_space<hbm>>
      tpu.enqueue_dma source(%arg7 : memref<128x384xf32, #tpu.memory_space<vmem>>) target(%dma_start3A_38 : memref<128x384xf32, #tpu.memory_space<hbm>>) target_semaphore(%run_scoped3A : memref<!tpu.dma_semaphore, #tpu.memory_space<semaphore_mem>>)
      %dma_wait3A_39 = arith.constant 0 : i32
      %dma_wait3A_40 = tpu.memref_slice %arg4[%add3A_34, %dma_wait3A_39] : memref<8192x384xf32, #tpu.memory_space<hbm>> -> memref<128x384xf32, #tpu.memory_space<hbm>>
      %dma_wait3A_41 = arith.constant 0 : i32
      %dma_wait3A_42 = tpu.memref_slice %arg4[%add3A_34, %dma_wait3A_41] : memref<8192x384xf32, #tpu.memory_space<hbm>> -> memref<128x384xf32, #tpu.memory_space<hbm>>
      tpu.wait_dma2 semaphore(%run_scoped3A : memref<!tpu.dma_semaphore, #tpu.memory_space<semaphore_mem>>) src(%arg7 : memref<128x384xf32, #tpu.memory_space<vmem>>) dst(%dma_wait3A_42 : memref<128x384xf32, #tpu.memory_space<hbm>>)
      tpu.yield
    }) : () -> ()
    return
  }
}

#map = affine_map<(d0, d1) -> (0, 0)>
#map1 = affine_map<(d0, d1) -> (0, 0, 0)>
module attributes {stable_mosaic.version = 14 : i64} {
  func.func @_sc_gather(%arg0: i32, %arg1: i32, %arg2: memref<5023x384xf32, #tpu.memory_space<hbm>>, %arg3: memref<32x2x128xi32, #tpu.memory_space<hbm>>, %arg4: memref<8192x384xf32, #tpu.memory_space<hbm>>, %arg5: memref<2x128xi32, #tpu.memory_space<vmem>>, %arg6: memref<128x384xf32, #tpu.memory_space<vmem>>, %arg7: memref<128x384xf32, #tpu.memory_space<vmem>>, %arg8: memref<!tpu.dma_semaphore, #tpu.memory_space<semaphore_mem>>, %arg9: memref<!tpu.dma_semaphore, #tpu.memory_space<semaphore_mem>>) attributes {dimension_semantics = [#tpu.dimension_semantics<core_parallel>, #tpu.dimension_semantics<subcore_parallel>], iteration_bounds = array<i64: 2, 16>, scalar_prefetch = 0 : i64, scratch_operands = 5 : i64, tpu.core_type = #tpu.core_type<sc_vector_subcore>, window_params = [{transform_indices = #map}, {transform_indices = #map1}, {transform_indices = #map}]} {
    %mul3A = arith.constant 2 : i32
    %mul3A_0 = arith.muli %arg1, %mul3A : i32
    %add3A = arith.addi %mul3A_0, %arg0 : i32
    "tpu.region"() ({
      %run_scoped3A = tpu.sem_alloc : memref<!tpu.dma_semaphore, #tpu.memory_space<semaphore_mem>>
      %dma_start3A_35 = arith.constant 0 : i32
      %dma_start3A_36 = arith.constant 0 : i32
      %dma_start3A_37 = tpu.memref_slice %arg3[%add3A, %dma_start3A_35, %dma_start3A_36] : memref<32x2x128xi32, #tpu.memory_space<hbm>> -> memref<1x2x128xi32, #tpu.memory_space<hbm>>
      %dma_start3A_38 = tpu.memref_squeeze %dma_start3A_37 : memref<1x2x128xi32, #tpu.memory_space<hbm>> -> memref<2x128xi32, #tpu.memory_space<hbm>>
      %dma_start3A_39 = arith.constant 0 : i32
      %dma_start3A_40 = arith.constant 0 : i32
      %dma_start3A_41 = tpu.memref_slice %arg3[%add3A, %dma_start3A_39, %dma_start3A_40] : memref<32x2x128xi32, #tpu.memory_space<hbm>> -> memref<1x2x128xi32, #tpu.memory_space<hbm>>
      %dma_start3A_42 = tpu.memref_squeeze %dma_start3A_41 : memref<1x2x128xi32, #tpu.memory_space<hbm>> -> memref<2x128xi32, #tpu.memory_space<hbm>>
      tpu.enqueue_dma source(%dma_start3A_42 : memref<2x128xi32, #tpu.memory_space<hbm>>) target(%arg5 : memref<2x128xi32, #tpu.memory_space<vmem>>) target_semaphore(%run_scoped3A : memref<!tpu.dma_semaphore, #tpu.memory_space<semaphore_mem>>)
      %dma_wait3A_43 = arith.constant 0 : i32
      %dma_wait3A_44 = arith.constant 0 : i32
      %dma_wait3A_45 = tpu.memref_slice %arg3[%add3A, %dma_wait3A_43, %dma_wait3A_44] : memref<32x2x128xi32, #tpu.memory_space<hbm>> -> memref<1x2x128xi32, #tpu.memory_space<hbm>>
      %dma_wait3A_46 = tpu.memref_squeeze %dma_wait3A_45 : memref<1x2x128xi32, #tpu.memory_space<hbm>> -> memref<2x128xi32, #tpu.memory_space<hbm>>
      %dma_wait3A_47 = arith.constant 0 : i32
      %dma_wait3A_48 = arith.constant 0 : i32
      %dma_wait3A_49 = tpu.memref_slice %arg3[%add3A, %dma_wait3A_47, %dma_wait3A_48] : memref<32x2x128xi32, #tpu.memory_space<hbm>> -> memref<1x2x128xi32, #tpu.memory_space<hbm>>
      %dma_wait3A_50 = tpu.memref_squeeze %dma_wait3A_49 : memref<1x2x128xi32, #tpu.memory_space<hbm>> -> memref<2x128xi32, #tpu.memory_space<hbm>>
      tpu.wait_dma2 semaphore(%run_scoped3A : memref<!tpu.dma_semaphore, #tpu.memory_space<semaphore_mem>>) src(%dma_wait3A_50 : memref<2x128xi32, #tpu.memory_space<hbm>>) dst(%arg5 : memref<2x128xi32, #tpu.memory_space<vmem>>)
      tpu.yield
    }) : () -> ()
    %dma_start3A = arith.constant 0 : i32
    %dma_start3A_1 = arith.constant 0 : i32
    %dma_start3A_2 = tpu.memref_slice %arg5[%dma_start3A, %dma_start3A_1] : memref<2x128xi32, #tpu.memory_space<vmem>> -> memref<1x128xi32, #tpu.memory_space<vmem>>
    %dma_start3A_3 = tpu.memref_squeeze %dma_start3A_2 : memref<1x128xi32, #tpu.memory_space<vmem>> -> memref<128xi32, #tpu.memory_space<vmem>>
    %dma_start3A_4 = arith.constant 0 : i32
    %dma_start3A_5 = arith.constant 0 : i32
    %dma_start3A_6 = tpu.memref_slice %arg2[%dma_start3A_4, %dma_start3A_5] : memref<5023x384xf32, #tpu.memory_space<hbm>> -> memref<5023x384xf32, #tpu.memory_space<hbm>>
    tpu.enqueue_indirect_dma source(%dma_start3A_6 : memref<5023x384xf32, #tpu.memory_space<hbm>>) target(%arg6 : memref<128x384xf32, #tpu.memory_space<vmem>>) offsets(%dma_start3A_3 : memref<128xi32, #tpu.memory_space<vmem>>) semaphore(%arg8 : memref<!tpu.dma_semaphore, #tpu.memory_space<semaphore_mem>>)
    %dma_start3A_7 = arith.constant 1 : i32
    %dma_start3A_8 = arith.constant 0 : i32
    %dma_start3A_9 = tpu.memref_slice %arg5[%dma_start3A_7, %dma_start3A_8] : memref<2x128xi32, #tpu.memory_space<vmem>> -> memref<1x128xi32, #tpu.memory_space<vmem>>
    %dma_start3A_10 = tpu.memref_squeeze %dma_start3A_9 : memref<1x128xi32, #tpu.memory_space<vmem>> -> memref<128xi32, #tpu.memory_space<vmem>>
    %dma_start3A_11 = arith.constant 0 : i32
    %dma_start3A_12 = arith.constant 0 : i32
    %dma_start3A_13 = tpu.memref_slice %arg2[%dma_start3A_11, %dma_start3A_12] : memref<5023x384xf32, #tpu.memory_space<hbm>> -> memref<5023x384xf32, #tpu.memory_space<hbm>>
    tpu.enqueue_indirect_dma source(%dma_start3A_13 : memref<5023x384xf32, #tpu.memory_space<hbm>>) target(%arg7 : memref<128x384xf32, #tpu.memory_space<vmem>>) offsets(%dma_start3A_10 : memref<128xi32, #tpu.memory_space<vmem>>) semaphore(%arg9 : memref<!tpu.dma_semaphore, #tpu.memory_space<semaphore_mem>>)
    %dma_wait3A = arith.constant 0 : i32
    %dma_wait3A_14 = arith.constant 0 : i32
    %dma_wait3A_15 = tpu.memref_slice %arg5[%dma_wait3A, %dma_wait3A_14] : memref<2x128xi32, #tpu.memory_space<vmem>> -> memref<1x128xi32, #tpu.memory_space<vmem>>
    %dma_wait3A_16 = tpu.memref_squeeze %dma_wait3A_15 : memref<1x128xi32, #tpu.memory_space<vmem>> -> memref<128xi32, #tpu.memory_space<vmem>>
    %dma_wait3A_17 = arith.constant 0 : i32
    %dma_wait3A_18 = arith.constant 0 : i32
    %dma_wait3A_19 = tpu.memref_slice %arg2[%dma_wait3A_17, %dma_wait3A_18] : memref<5023x384xf32, #tpu.memory_space<hbm>> -> memref<5023x384xf32, #tpu.memory_space<hbm>>
    tpu.wait_indirect_dma semaphore(%arg8 : memref<!tpu.dma_semaphore, #tpu.memory_space<semaphore_mem>>) src(%dma_wait3A_19 : memref<5023x384xf32, #tpu.memory_space<hbm>>) dst(%arg6 : memref<128x384xf32, #tpu.memory_space<vmem>>)
    %mul3A_20 = arith.constant 256 : i32
    %mul3A_21 = arith.muli %add3A, %mul3A_20 : i32
    %add3A_22 = arith.constant 0 : i32
    %add3A_23 = arith.addi %mul3A_21, %add3A_22 : i32
    "tpu.region"() ({
      %run_scoped3A = tpu.sem_alloc : memref<!tpu.dma_semaphore, #tpu.memory_space<semaphore_mem>>
      %dma_start3A_35 = arith.constant 0 : i32
      %dma_start3A_36 = tpu.memref_slice %arg4[%add3A_23, %dma_start3A_35] : memref<8192x384xf32, #tpu.memory_space<hbm>> -> memref<128x384xf32, #tpu.memory_space<hbm>>
      %dma_start3A_37 = arith.constant 0 : i32
      %dma_start3A_38 = tpu.memref_slice %arg4[%add3A_23, %dma_start3A_37] : memref<8192x384xf32, #tpu.memory_space<hbm>> -> memref<128x384xf32, #tpu.memory_space<hbm>>
      tpu.enqueue_dma source(%arg6 : memref<128x384xf32, #tpu.memory_space<vmem>>) target(%dma_start3A_38 : memref<128x384xf32, #tpu.memory_space<hbm>>) target_semaphore(%run_scoped3A : memref<!tpu.dma_semaphore, #tpu.memory_space<semaphore_mem>>)
      %dma_wait3A_39 = arith.constant 0 : i32
      %dma_wait3A_40 = tpu.memref_slice %arg4[%add3A_23, %dma_wait3A_39] : memref<8192x384xf32, #tpu.memory_space<hbm>> -> memref<128x384xf32, #tpu.memory_space<hbm>>
      %dma_wait3A_41 = arith.constant 0 : i32
      %dma_wait3A_42 = tpu.memref_slice %arg4[%add3A_23, %dma_wait3A_41] : memref<8192x384xf32, #tpu.memory_space<hbm>> -> memref<128x384xf32, #tpu.memory_space<hbm>>
      tpu.wait_dma2 semaphore(%run_scoped3A : memref<!tpu.dma_semaphore, #tpu.memory_space<semaphore_mem>>) src(%arg6 : memref<128x384xf32, #tpu.memory_space<vmem>>) dst(%dma_wait3A_42 : memref<128x384xf32, #tpu.memory_space<hbm>>)
      tpu.yield
    }) : () -> ()
    %dma_wait3A_24 = arith.constant 1 : i32
    %dma_wait3A_25 = arith.constant 0 : i32
    %dma_wait3A_26 = tpu.memref_slice %arg5[%dma_wait3A_24, %dma_wait3A_25] : memref<2x128xi32, #tpu.memory_space<vmem>> -> memref<1x128xi32, #tpu.memory_space<vmem>>
    %dma_wait3A_27 = tpu.memref_squeeze %dma_wait3A_26 : memref<1x128xi32, #tpu.memory_space<vmem>> -> memref<128xi32, #tpu.memory_space<vmem>>
    %dma_wait3A_28 = arith.constant 0 : i32
    %dma_wait3A_29 = arith.constant 0 : i32
    %dma_wait3A_30 = tpu.memref_slice %arg2[%dma_wait3A_28, %dma_wait3A_29] : memref<5023x384xf32, #tpu.memory_space<hbm>> -> memref<5023x384xf32, #tpu.memory_space<hbm>>
    tpu.wait_indirect_dma semaphore(%arg9 : memref<!tpu.dma_semaphore, #tpu.memory_space<semaphore_mem>>) src(%dma_wait3A_30 : memref<5023x384xf32, #tpu.memory_space<hbm>>) dst(%arg7 : memref<128x384xf32, #tpu.memory_space<vmem>>)
    %mul3A_31 = arith.constant 256 : i32
    %mul3A_32 = arith.muli %add3A, %mul3A_31 : i32
    %add3A_33 = arith.constant 128 : i32
    %add3A_34 = arith.addi %mul3A_32, %add3A_33 : i32
    "tpu.region"() ({
      %run_scoped3A = tpu.sem_alloc : memref<!tpu.dma_semaphore, #tpu.memory_space<semaphore_mem>>
      %dma_start3A_35 = arith.constant 0 : i32
      %dma_start3A_36 = tpu.memref_slice %arg4[%add3A_34, %dma_start3A_35] : memref<8192x384xf32, #tpu.memory_space<hbm>> -> memref<128x384xf32, #tpu.memory_space<hbm>>
      %dma_start3A_37 = arith.constant 0 : i32
      %dma_start3A_38 = tpu.memref_slice %arg4[%add3A_34, %dma_start3A_37] : memref<8192x384xf32, #tpu.memory_space<hbm>> -> memref<128x384xf32, #tpu.memory_space<hbm>>
      tpu.enqueue_dma source(%arg7 : memref<128x384xf32, #tpu.memory_space<vmem>>) target(%dma_start3A_38 : memref<128x384xf32, #tpu.memory_space<hbm>>) target_semaphore(%run_scoped3A : memref<!tpu.dma_semaphore, #tpu.memory_space<semaphore_mem>>)
      %dma_wait3A_39 = arith.constant 0 : i32
      %dma_wait3A_40 = tpu.memref_slice %arg4[%add3A_34, %dma_wait3A_39] : memref<8192x384xf32, #tpu.memory_space<hbm>> -> memref<128x384xf32, #tpu.memory_space<hbm>>
      %dma_wait3A_41 = arith.constant 0 : i32
      %dma_wait3A_42 = tpu.memref_slice %arg4[%add3A_34, %dma_wait3A_41] : memref<8192x384xf32, #tpu.memory_space<hbm>> -> memref<128x384xf32, #tpu.memory_space<hbm>>
      tpu.wait_dma2 semaphore(%run_scoped3A : memref<!tpu.dma_semaphore, #tpu.memory_space<semaphore_mem>>) src(%arg7 : memref<128x384xf32, #tpu.memory_space<vmem>>) dst(%dma_wait3A_42 : memref<128x384xf32, #tpu.memory_space<hbm>>)
      tpu.yield
    }) : () -> ()
    return
  }
}

module attributes {stable_mosaic.version = 14 : i64} {
  func.func @_prep_body(%arg0: memref<4x150xf32, #tpu.memory_space<vmem>>, %arg1: memref<3x150x5023xf32, #tpu.memory_space<vmem>>, %arg2: memref<3x5023xf32, #tpu.memory_space<vmem>>, %arg3: memref<4x8x5120xf32, #tpu.memory_space<vmem>>) attributes {dimension_semantics = [], scalar_prefetch = 0 : i64, scratch_operands = 0 : i64, tpu.core_type = #tpu.core_type<tc>} {
    %get3A = arith.constant 0 : index
    %get3A_0 = arith.constant 0 : index
    %get3A_1 = vector.load %arg0[%get3A, %get3A_0] : memref<4x150xf32, #tpu.memory_space<vmem>>, vector<4x150xf32>
    %get3A_2 = arith.constant 0 : index
    %get3A_3 = arith.constant 0 : index
    %get3A_4 = arith.constant 0 : index
    %get3A_5 = vector.load %arg1[%get3A_2, %get3A_3, %get3A_4] : memref<3x150x5023xf32, #tpu.memory_space<vmem>>, vector<1x150x5023xf32>
    %get3A_6 = vector.shape_cast %get3A_5 : vector<1x150x5023xf32> to vector<150x5023xf32>
    %dot_general3A = arith.constant dense<0.000000e+00> : vector<4x5023xf32>
    %dot_general3A_7 = tpu.matmul %get3A_1, %get3A_6, %dot_general3A {dimension_numbers = #tpu.dot_dimension_numbers<[1], [0], [0], [1], [0, 0, 1, 1], [], []>, precision = #tpu.contract_precision<fp32>, transpose_lhs_hint = false} : vector<4x150xf32>, vector<150x5023xf32>, vector<4x5023xf32> -> vector<4x5023xf32>
    %get3A_8 = arith.constant 0 : index
    %get3A_9 = arith.constant 0 : index
    %get3A_10 = vector.load %arg2[%get3A_8, %get3A_9] : memref<3x5023xf32, #tpu.memory_space<vmem>>, vector<1x5023xf32>
    %get3A_11 = vector.shape_cast %get3A_10 : vector<1x5023xf32> to vector<5023xf32>
    %broadcast_in_dim3A = vector.shape_cast %get3A_11 : vector<5023xf32> to vector<1x5023xf32>
    %add3A = vector.broadcast %broadcast_in_dim3A : vector<1x5023xf32> to vector<4x5023xf32>
    %add3A_12 = arith.addf %dot_general3A_7, %add3A : vector<4x5023xf32>
    %get3A_13 = arith.constant 1 : index
    %get3A_14 = arith.constant 0 : index
    %get3A_15 = arith.constant 0 : index
    %get3A_16 = vector.load %arg1[%get3A_13, %get3A_14, %get3A_15] : memref<3x150x5023xf32, #tpu.memory_space<vmem>>, vector<1x150x5023xf32>
    %get3A_17 = vector.shape_cast %get3A_16 : vector<1x150x5023xf32> to vector<150x5023xf32>
    %dot_general3A_18 = arith.constant dense<0.000000e+00> : vector<4x5023xf32>
    %dot_general3A_19 = tpu.matmul %get3A_1, %get3A_17, %dot_general3A_18 {dimension_numbers = #tpu.dot_dimension_numbers<[1], [0], [0], [1], [0, 0, 1, 1], [], []>, precision = #tpu.contract_precision<fp32>, transpose_lhs_hint = false} : vector<4x150xf32>, vector<150x5023xf32>, vector<4x5023xf32> -> vector<4x5023xf32>
    %get3A_20 = arith.constant 1 : index
    %get3A_21 = arith.constant 0 : index
    %get3A_22 = vector.load %arg2[%get3A_20, %get3A_21] : memref<3x5023xf32, #tpu.memory_space<vmem>>, vector<1x5023xf32>
    %get3A_23 = vector.shape_cast %get3A_22 : vector<1x5023xf32> to vector<5023xf32>
    %broadcast_in_dim3A_24 = vector.shape_cast %get3A_23 : vector<5023xf32> to vector<1x5023xf32>
    %add3A_25 = vector.broadcast %broadcast_in_dim3A_24 : vector<1x5023xf32> to vector<4x5023xf32>
    %add3A_26 = arith.addf %dot_general3A_19, %add3A_25 : vector<4x5023xf32>
    %get3A_27 = arith.constant 2 : index
    %get3A_28 = arith.constant 0 : index
    %get3A_29 = arith.constant 0 : index
    %get3A_30 = vector.load %arg1[%get3A_27, %get3A_28, %get3A_29] : memref<3x150x5023xf32, #tpu.memory_space<vmem>>, vector<1x150x5023xf32>
    %get3A_31 = vector.shape_cast %get3A_30 : vector<1x150x5023xf32> to vector<150x5023xf32>
    %dot_general3A_32 = arith.constant dense<0.000000e+00> : vector<4x5023xf32>
    %dot_general3A_33 = tpu.matmul %get3A_1, %get3A_31, %dot_general3A_32 {dimension_numbers = #tpu.dot_dimension_numbers<[1], [0], [0], [1], [0, 0, 1, 1], [], []>, precision = #tpu.contract_precision<fp32>, transpose_lhs_hint = false} : vector<4x150xf32>, vector<150x5023xf32>, vector<4x5023xf32> -> vector<4x5023xf32>
    %get3A_34 = arith.constant 2 : index
    %get3A_35 = arith.constant 0 : index
    %get3A_36 = vector.load %arg2[%get3A_34, %get3A_35] : memref<3x5023xf32, #tpu.memory_space<vmem>>, vector<1x5023xf32>
    %get3A_37 = vector.shape_cast %get3A_36 : vector<1x5023xf32> to vector<5023xf32>
    %broadcast_in_dim3A_38 = vector.shape_cast %get3A_37 : vector<5023xf32> to vector<1x5023xf32>
    %add3A_39 = vector.broadcast %broadcast_in_dim3A_38 : vector<1x5023xf32> to vector<4x5023xf32>
    %add3A_40 = arith.addf %dot_general3A_33, %add3A_39 : vector<4x5023xf32>
    %mul3A = arith.mulf %add3A_12, %add3A_12 : vector<4x5023xf32>
    %mul3A_41 = arith.mulf %add3A_26, %add3A_26 : vector<4x5023xf32>
    %add3A_42 = arith.addf %mul3A, %mul3A_41 : vector<4x5023xf32>
    %mul3A_43 = arith.mulf %add3A_40, %add3A_40 : vector<4x5023xf32>
    %add3A_44 = arith.addf %add3A_42, %mul3A_43 : vector<4x5023xf32>
    %broadcast_in_dim3A_45 = arith.constant 0.000000e+00 : f32
    %broadcast_in_dim3A_46 = vector.broadcast %broadcast_in_dim3A_45 : f32 to vector<4x5023xf32>
    %mul3A_47 = arith.constant -2.000000e+00 : f32
    %mul3A_48 = vector.broadcast %mul3A_47 : f32 to vector<4x5023xf32>
    %mul3A_49 = arith.mulf %mul3A_48, %add3A_12 : vector<4x5023xf32>
    %mul3A_50 = arith.constant -2.000000e+00 : f32
    %mul3A_51 = vector.broadcast %mul3A_50 : f32 to vector<4x5023xf32>
    %mul3A_52 = arith.mulf %mul3A_51, %add3A_26 : vector<4x5023xf32>
    %mul3A_53 = arith.constant -2.000000e+00 : f32
    %mul3A_54 = vector.broadcast %mul3A_53 : f32 to vector<4x5023xf32>
    %mul3A_55 = arith.mulf %mul3A_54, %add3A_40 : vector<4x5023xf32>
    %stack3A = vector.shape_cast %mul3A_49 : vector<4x5023xf32> to vector<4x1x5023xf32>
    %stack3A_56 = vector.shape_cast %mul3A_52 : vector<4x5023xf32> to vector<4x1x5023xf32>
    %stack3A_57 = vector.shape_cast %mul3A_55 : vector<4x5023xf32> to vector<4x1x5023xf32>
    %stack3A_58 = vector.shape_cast %add3A_44 : vector<4x5023xf32> to vector<4x1x5023xf32>
    %stack3A_59 = vector.shape_cast %broadcast_in_dim3A_46 : vector<4x5023xf32> to vector<4x1x5023xf32>
    %stack3A_60 = vector.shape_cast %broadcast_in_dim3A_46 : vector<4x5023xf32> to vector<4x1x5023xf32>
    %stack3A_61 = vector.shape_cast %broadcast_in_dim3A_46 : vector<4x5023xf32> to vector<4x1x5023xf32>
    %stack3A_62 = vector.shape_cast %broadcast_in_dim3A_46 : vector<4x5023xf32> to vector<4x1x5023xf32>
    %stack3A_63 = tpu.concatenate %stack3A, %stack3A_56, %stack3A_57, %stack3A_58, %stack3A_59, %stack3A_60, %stack3A_61, %stack3A_62 in 1 : vector<4x1x5023xf32>, vector<4x1x5023xf32>, vector<4x1x5023xf32>, vector<4x1x5023xf32>, vector<4x1x5023xf32>, vector<4x1x5023xf32>, vector<4x1x5023xf32>, vector<4x1x5023xf32> -> vector<4x8x5023xf32>
    %swap3A = arith.constant 0 : index
    %swap3A_64 = arith.constant 0 : index
    %swap3A_65 = arith.constant 0 : index
    %swap3A_66 = vector.load %arg3[%swap3A, %swap3A_64, %swap3A_65] : memref<4x8x5120xf32, #tpu.memory_space<vmem>>, vector<4x8x5023xf32>
    tpu.vector_store %arg3[%swap3A, %swap3A_64, %swap3A_65], %stack3A_63 {strides = array<i32>} : memref<4x8x5120xf32, #tpu.memory_space<vmem>>, vector<4x8x5023xf32>,
    %broadcast_in_dim3A_67 = arith.constant 0.000000e+00 : f32
    %broadcast_in_dim3A_68 = vector.broadcast %broadcast_in_dim3A_67 : f32 to vector<4x1x97xf32>
    %broadcast_in_dim3A_69 = arith.constant 9.99999995E+11 : f32
    %broadcast_in_dim3A_70 = vector.broadcast %broadcast_in_dim3A_69 : f32 to vector<4x1x97xf32>
    %concatenate3A = tpu.concatenate %broadcast_in_dim3A_68, %broadcast_in_dim3A_68, %broadcast_in_dim3A_68, %broadcast_in_dim3A_70, %broadcast_in_dim3A_68, %broadcast_in_dim3A_68, %broadcast_in_dim3A_68, %broadcast_in_dim3A_68 in 1 : vector<4x1x97xf32>, vector<4x1x97xf32>, vector<4x1x97xf32>, vector<4x1x97xf32>, vector<4x1x97xf32>, vector<4x1x97xf32>, vector<4x1x97xf32>, vector<4x1x97xf32> -> vector<4x8x97xf32>
    %swap3A_71 = arith.constant 0 : index
    %swap3A_72 = arith.constant 0 : index
    %swap3A_73 = arith.constant 5023 : index
    %swap3A_74 = vector.load %arg3[%swap3A_71, %swap3A_72, %swap3A_73] : memref<4x8x5120xf32, #tpu.memory_space<vmem>>, vector<4x8x97xf32>
    tpu.vector_store %arg3[%swap3A_71, %swap3A_72, %swap3A_73], %concatenate3A {strides = array<i32>} : memref<4x8x5120xf32, #tpu.memory_space<vmem>>, vector<4x8x97xf32>,
    return
  }
}

module attributes {stable_mosaic.version = 14 : i64} {
  func.func @_knn_body(%arg0: i32, %arg1: memref<1024x3xf32, #tpu.memory_space<vmem>>, %arg2: memref<1x8x5120xf32, #tpu.memory_space<vmem>>, %arg3: memref<1x1x1024xi32, #tpu.memory_space<vmem>>, %arg4: memref<1x1x1024xf32, #tpu.memory_space<vmem>>) attributes {dimension_semantics = [#tpu.dimension_semantics<arbitrary>], iteration_bounds = array<i64: 8>, scalar_prefetch = 0 : i64, scratch_operands = 0 : i64, tpu.core_type = #tpu.core_type<tc>, window_params = [{transform_indices = @transform_0, window_bounds = array<i64: 1024, 3>}, {transform_indices = @transform_1, window_bounds = array<i64: 1, 8, 5120>}, {transform_indices = @transform_2, window_bounds = array<i64: 1, 1, 1024>}, {transform_indices = @transform_3, window_bounds = array<i64: 1, 1, 1024>}]} {
    %get3A = arith.constant 0 : index
    %get3A_0 = arith.constant 0 : index
    %get3A_1 = vector.load %arg1[%get3A, %get3A_0] : memref<1024x3xf32, #tpu.memory_space<vmem>>, vector<1024x3xf32>
    %slice3A = vector.extract_strided_slice %get3A_1 {offsets = [0, 0], sizes = [1024, 1], strides = [1, 1]} : vector<1024x3xf32> to vector<1024x1xf32>
    %slice3A_2 = vector.extract_strided_slice %get3A_1 {offsets = [0, 1], sizes = [1024, 1], strides = [1, 1]} : vector<1024x3xf32> to vector<1024x1xf32>
    %slice3A_3 = vector.extract_strided_slice %get3A_1 {offsets = [0, 2], sizes = [1024, 1], strides = [1, 1]} : vector<1024x3xf32> to vector<1024x1xf32>
    %get3A_4 = arith.constant 0 : index
    %get3A_5 = arith.constant 0 : index
    %get3A_6 = arith.constant 0 : index
    %get3A_7 = vector.load %arg2[%get3A_4, %get3A_5, %get3A_6] : memref<1x8x5120xf32, #tpu.memory_space<vmem>>, vector<1x1x5120xf32>
    %get3A_8 = vector.shape_cast %get3A_7 : vector<1x1x5120xf32> to vector<1x5120xf32>
    %get3A_9 = arith.constant 0 : index
    %get3A_10 = arith.constant 1 : index
    %get3A_11 = arith.constant 0 : index
    %get3A_12 = vector.load %arg2[%get3A_9, %get3A_10, %get3A_11] : memref<1x8x5120xf32, #tpu.memory_space<vmem>>, vector<1x1x5120xf32>
    %get3A_13 = vector.shape_cast %get3A_12 : vector<1x1x5120xf32> to vector<1x5120xf32>
    %get3A_14 = arith.constant 0 : index
    %get3A_15 = arith.constant 2 : index
    %get3A_16 = arith.constant 0 : index
    %get3A_17 = vector.load %arg2[%get3A_14, %get3A_15, %get3A_16] : memref<1x8x5120xf32, #tpu.memory_space<vmem>>, vector<1x1x5120xf32>
    %get3A_18 = vector.shape_cast %get3A_17 : vector<1x1x5120xf32> to vector<1x5120xf32>
    %get3A_19 = arith.constant 0 : index
    %get3A_20 = arith.constant 3 : index
    %get3A_21 = arith.constant 0 : index
    %get3A_22 = vector.load %arg2[%get3A_19, %get3A_20, %get3A_21] : memref<1x8x5120xf32, #tpu.memory_space<vmem>>, vector<1x1x5120xf32>
    %get3A_23 = vector.shape_cast %get3A_22 : vector<1x1x5120xf32> to vector<1x5120xf32>
    %mul3A = vector.broadcast %slice3A : vector<1024x1xf32> to vector<1024x5120xf32>
    %mul3A_24 = vector.broadcast %get3A_8 : vector<1x5120xf32> to vector<1024x5120xf32>
    %mul3A_25 = arith.mulf %mul3A, %mul3A_24 : vector<1024x5120xf32>
    %mul3A_26 = vector.broadcast %slice3A_2 : vector<1024x1xf32> to vector<1024x5120xf32>
    %mul3A_27 = vector.broadcast %get3A_13 : vector<1x5120xf32> to vector<1024x5120xf32>
    %mul3A_28 = arith.mulf %mul3A_26, %mul3A_27 : vector<1024x5120xf32>
    %add3A = arith.addf %mul3A_25, %mul3A_28 : vector<1024x5120xf32>
    %mul3A_29 = vector.broadcast %slice3A_3 : vector<1024x1xf32> to vector<1024x5120xf32>
    %mul3A_30 = vector.broadcast %get3A_18 : vector<1x5120xf32> to vector<1024x5120xf32>
    %mul3A_31 = arith.mulf %mul3A_29, %mul3A_30 : vector<1024x5120xf32>
    %add3A_32 = arith.addf %add3A, %mul3A_31 : vector<1024x5120xf32>
    %add3A_33 = vector.broadcast %get3A_23 : vector<1x5120xf32> to vector<1024x5120xf32>
    %add3A_34 = arith.addf %add3A_32, %add3A_33 : vector<1024x5120xf32>
    %iota3A = tpu.iota {dimensions = array<i32: 1>} : vector<1024x5120xi32>
    %bitcast_convert_type3A = tpu.bitcast %add3A_34 : vector<1024x5120xf32> -> vector<1024x5120xi32>
    %and3A = arith.constant -8192 : i32
    %and3A_35 = vector.broadcast %and3A : i32 to vector<1024x5120xi32>
    %and3A_36 = arith.andi %bitcast_convert_type3A, %and3A_35 : vector<1024x5120xi32>
    %or3A = arith.ori %and3A_36, %iota3A : vector<1024x5120xi32>
    %bitcast_convert_type3A_37 = tpu.bitcast %or3A : vector<1024x5120xi32> -> vector<1024x5120xf32>
    %reduce_min3A = arith.constant dense<0x7F800000> : vector<1024xf32>
    %reduce_min3A_38 = vector.multi_reduction <minimumf>, %bitcast_convert_type3A_37, %reduce_min3A [1] : vector<1024x5120xf32> to vector<1024xf32>
    %bitcast_convert_type3A_39 = tpu.bitcast %reduce_min3A_38 : vector<1024xf32> -> vector<1024xi32>
    %and3A_40 = arith.constant 8191 : i32
    %and3A_41 = vector.broadcast %and3A_40 : i32 to vector<1024xi32>
    %and3A_42 = arith.andi %bitcast_convert_type3A_39, %and3A_41 : vector<1024xi32>
    %and3A_43 = arith.constant -8192 : i32
    %and3A_44 = vector.broadcast %and3A_43 : i32 to vector<1024xi32>
    %and3A_45 = arith.andi %bitcast_convert_type3A_39, %and3A_44 : vector<1024xi32>
    %bitcast_convert_type3A_46 = tpu.bitcast %and3A_45 : vector<1024xi32> -> vector<1024xf32>
    %mul3A_47 = arith.mulf %slice3A, %slice3A : vector<1024x1xf32>
    %mul3A_48 = arith.mulf %slice3A_2, %slice3A_2 : vector<1024x1xf32>
    %add3A_49 = arith.addf %mul3A_47, %mul3A_48 : vector<1024x1xf32>
    %mul3A_50 = arith.mulf %slice3A_3, %slice3A_3 : vector<1024x1xf32>
    %add3A_51 = arith.addf %add3A_49, %mul3A_50 : vector<1024x1xf32>
    %swap3A = arith.constant 0 : index
    %swap3A_52 = arith.constant 0 : index
    %swap3A_53 = arith.constant 0 : index
    %swap3A_54 = vector.load %arg3[%swap3A, %swap3A_52, %swap3A_53] : memref<1x1x1024xi32, #tpu.memory_space<vmem>>, vector<1x1x1024xi32>
    %swap3A_55 = vector.shape_cast %swap3A_54 : vector<1x1x1024xi32> to vector<1024xi32>
    %swap3A_56 = vector.shape_cast %and3A_42 : vector<1024xi32> to vector<1x1x1024xi32>
    tpu.vector_store %arg3[%swap3A, %swap3A_52, %swap3A_53], %swap3A_56 {strides = array<i32>} : memref<1x1x1024xi32, #tpu.memory_space<vmem>>, vector<1x1x1024xi32>,
    %squeeze3A = vector.shape_cast %add3A_51 : vector<1024x1xf32> to vector<1024xf32>
    %add3A_57 = arith.addf %bitcast_convert_type3A_46, %squeeze3A : vector<1024xf32>
    %swap3A_58 = arith.constant 0 : index
    %swap3A_59 = arith.constant 0 : index
    %swap3A_60 = arith.constant 0 : index
    %swap3A_61 = vector.load %arg4[%swap3A_58, %swap3A_59, %swap3A_60] : memref<1x1x1024xf32, #tpu.memory_space<vmem>>, vector<1x1x1024xf32>
    %swap3A_62 = vector.shape_cast %swap3A_61 : vector<1x1x1024xf32> to vector<1024xf32>
    %swap3A_63 = vector.shape_cast %add3A_57 : vector<1024xf32> to vector<1x1x1024xf32>
    tpu.vector_store %arg4[%swap3A_58, %swap3A_59, %swap3A_60], %swap3A_63 {strides = array<i32>} : memref<1x1x1024xf32, #tpu.memory_space<vmem>>, vector<1x1x1024xf32>,
    return
  }
  func.func @transform_0(%arg0: i32) -> (i32, i32) {
    %add3A = arith.constant 8 : i32
    %add3A_0 = arith.addi %arg0, %add3A : i32
    %c0_i32 = arith.constant 0 : i32
    %c0_i32_1 = arith.constant 0 : i32
    return %add3A_0, %c0_i32 : i32, i32
  }
  func.func @transform_1(%arg0: i32) -> (i32, i32, i32) {
    %add3A = arith.constant 8 : i32
    %add3A_0 = arith.addi %arg0, %add3A : i32
    %jit3A = arith.constant 8 : i32
    %div3A = arith.divsi %add3A_0, %jit3A : i32
    %sign3A = arith.constant 0 : i32
    %sign3A_1 = arith.cmpi sgt, %add3A_0, %sign3A : i32
    %sign3A_2 = arith.extui %sign3A_1 : i1 to i32
    %sign3A_3 = arith.constant 0 : i32
    %sign3A_4 = arith.cmpi slt, %add3A_0, %sign3A_3 : i32
    %sign3A_5 = arith.extui %sign3A_4 : i1 to i32
    %sign3A_6 = arith.subi %sign3A_2, %sign3A_5 : i32
    %sign3A_7 = arith.constant 0 : i32
    %sign3A_8 = arith.cmpi sgt, %jit3A, %sign3A_7 : i32
    %sign3A_9 = arith.extui %sign3A_8 : i1 to i32
    %sign3A_10 = arith.constant 0 : i32
    %sign3A_11 = arith.cmpi slt, %jit3A, %sign3A_10 : i32
    %sign3A_12 = arith.extui %sign3A_11 : i1 to i32
    %sign3A_13 = arith.subi %sign3A_9, %sign3A_12 : i32
    %ne3A = arith.cmpi ne, %sign3A_6, %sign3A_13 : i32
    %rem3A = arith.remsi %add3A_0, %jit3A : i32
    %ne3A_14 = arith.constant 0 : i32
    %ne3A_15 = arith.cmpi ne, %rem3A, %ne3A_14 : i32
    %and3A = arith.andi %ne3A, %ne3A_15 : i1
    %sub3A = arith.constant 1 : i32
    %sub3A_16 = arith.subi %div3A, %sub3A : i32
    %select_n3A = arith.select %and3A, %sub3A_16, %div3A : i32
    %c0_i32 = arith.constant 0 : i32
    %c0_i32_17 = arith.constant 0 : i32
    %c0_i32_18 = arith.constant 0 : i32
    return %select_n3A, %c0_i32, %c0_i32_17 : i32, i32, i32
  }
  func.func @transform_2(%arg0: i32) -> (i32, i32, i32) {
    %c0_i32 = arith.constant 0 : i32
    %c0_i32_0 = arith.constant 0 : i32
    %c0_i32_1 = arith.constant 0 : i32
    return %arg0, %c0_i32, %c0_i32_0 : i32, i32, i32
  }
  func.func @transform_3(%arg0: i32) -> (i32, i32, i32) {
    %c0_i32 = arith.constant 0 : i32
    %c0_i32_0 = arith.constant 0 : i32
    %c0_i32_1 = arith.constant 0 : i32
    return %arg0, %c0_i32, %c0_i32_0 : i32, i32, i32
  }
}

module attributes {stable_mosaic.version = 14 : i64} {
  func.func @_knn_body(%arg0: i32, %arg1: memref<1024x3xf32, #tpu.memory_space<vmem>>, %arg2: memref<1x8x5120xf32, #tpu.memory_space<vmem>>, %arg3: memref<1x1x1024xi32, #tpu.memory_space<vmem>>, %arg4: memref<1x1x1024xf32, #tpu.memory_space<vmem>>) attributes {dimension_semantics = [#tpu.dimension_semantics<arbitrary>], iteration_bounds = array<i64: 8>, scalar_prefetch = 0 : i64, scratch_operands = 0 : i64, tpu.core_type = #tpu.core_type<tc>, window_params = [{transform_indices = @transform_0, window_bounds = array<i64: 1024, 3>}, {transform_indices = @transform_1, window_bounds = array<i64: 1, 8, 5120>}, {transform_indices = @transform_2, window_bounds = array<i64: 1, 1, 1024>}, {transform_indices = @transform_3, window_bounds = array<i64: 1, 1, 1024>}]} {
    %get3A = arith.constant 0 : index
    %get3A_0 = arith.constant 0 : index
    %get3A_1 = vector.load %arg1[%get3A, %get3A_0] : memref<1024x3xf32, #tpu.memory_space<vmem>>, vector<1024x3xf32>
    %slice3A = vector.extract_strided_slice %get3A_1 {offsets = [0, 0], sizes = [1024, 1], strides = [1, 1]} : vector<1024x3xf32> to vector<1024x1xf32>
    %slice3A_2 = vector.extract_strided_slice %get3A_1 {offsets = [0, 1], sizes = [1024, 1], strides = [1, 1]} : vector<1024x3xf32> to vector<1024x1xf32>
    %slice3A_3 = vector.extract_strided_slice %get3A_1 {offsets = [0, 2], sizes = [1024, 1], strides = [1, 1]} : vector<1024x3xf32> to vector<1024x1xf32>
    %get3A_4 = arith.constant 0 : index
    %get3A_5 = arith.constant 0 : index
    %get3A_6 = arith.constant 0 : index
    %get3A_7 = vector.load %arg2[%get3A_4, %get3A_5, %get3A_6] : memref<1x8x5120xf32, #tpu.memory_space<vmem>>, vector<1x1x5120xf32>
    %get3A_8 = vector.shape_cast %get3A_7 : vector<1x1x5120xf32> to vector<1x5120xf32>
    %get3A_9 = arith.constant 0 : index
    %get3A_10 = arith.constant 1 : index
    %get3A_11 = arith.constant 0 : index
    %get3A_12 = vector.load %arg2[%get3A_9, %get3A_10, %get3A_11] : memref<1x8x5120xf32, #tpu.memory_space<vmem>>, vector<1x1x5120xf32>
    %get3A_13 = vector.shape_cast %get3A_12 : vector<1x1x5120xf32> to vector<1x5120xf32>
    %get3A_14 = arith.constant 0 : index
    %get3A_15 = arith.constant 2 : index
    %get3A_16 = arith.constant 0 : index
    %get3A_17 = vector.load %arg2[%get3A_14, %get3A_15, %get3A_16] : memref<1x8x5120xf32, #tpu.memory_space<vmem>>, vector<1x1x5120xf32>
    %get3A_18 = vector.shape_cast %get3A_17 : vector<1x1x5120xf32> to vector<1x5120xf32>
    %get3A_19 = arith.constant 0 : index
    %get3A_20 = arith.constant 3 : index
    %get3A_21 = arith.constant 0 : index
    %get3A_22 = vector.load %arg2[%get3A_19, %get3A_20, %get3A_21] : memref<1x8x5120xf32, #tpu.memory_space<vmem>>, vector<1x1x5120xf32>
    %get3A_23 = vector.shape_cast %get3A_22 : vector<1x1x5120xf32> to vector<1x5120xf32>
    %mul3A = vector.broadcast %slice3A : vector<1024x1xf32> to vector<1024x5120xf32>
    %mul3A_24 = vector.broadcast %get3A_8 : vector<1x5120xf32> to vector<1024x5120xf32>
    %mul3A_25 = arith.mulf %mul3A, %mul3A_24 : vector<1024x5120xf32>
    %mul3A_26 = vector.broadcast %slice3A_2 : vector<1024x1xf32> to vector<1024x5120xf32>
    %mul3A_27 = vector.broadcast %get3A_13 : vector<1x5120xf32> to vector<1024x5120xf32>
    %mul3A_28 = arith.mulf %mul3A_26, %mul3A_27 : vector<1024x5120xf32>
    %add3A = arith.addf %mul3A_25, %mul3A_28 : vector<1024x5120xf32>
    %mul3A_29 = vector.broadcast %slice3A_3 : vector<1024x1xf32> to vector<1024x5120xf32>
    %mul3A_30 = vector.broadcast %get3A_18 : vector<1x5120xf32> to vector<1024x5120xf32>
    %mul3A_31 = arith.mulf %mul3A_29, %mul3A_30 : vector<1024x5120xf32>
    %add3A_32 = arith.addf %add3A, %mul3A_31 : vector<1024x5120xf32>
    %add3A_33 = vector.broadcast %get3A_23 : vector<1x5120xf32> to vector<1024x5120xf32>
    %add3A_34 = arith.addf %add3A_32, %add3A_33 : vector<1024x5120xf32>
    %iota3A = tpu.iota {dimensions = array<i32: 1>} : vector<1024x5120xi32>
    %bitcast_convert_type3A = tpu.bitcast %add3A_34 : vector<1024x5120xf32> -> vector<1024x5120xi32>
    %and3A = arith.constant -8192 : i32
    %and3A_35 = vector.broadcast %and3A : i32 to vector<1024x5120xi32>
    %and3A_36 = arith.andi %bitcast_convert_type3A, %and3A_35 : vector<1024x5120xi32>
    %or3A = arith.ori %and3A_36, %iota3A : vector<1024x5120xi32>
    %bitcast_convert_type3A_37 = tpu.bitcast %or3A : vector<1024x5120xi32> -> vector<1024x5120xf32>
    %reduce_min3A = arith.constant dense<0x7F800000> : vector<1024xf32>
    %reduce_min3A_38 = vector.multi_reduction <minimumf>, %bitcast_convert_type3A_37, %reduce_min3A [1] : vector<1024x5120xf32> to vector<1024xf32>
    %bitcast_convert_type3A_39 = tpu.bitcast %reduce_min3A_38 : vector<1024xf32> -> vector<1024xi32>
    %and3A_40 = arith.constant 8191 : i32
    %and3A_41 = vector.broadcast %and3A_40 : i32 to vector<1024xi32>
    %and3A_42 = arith.andi %bitcast_convert_type3A_39, %and3A_41 : vector<1024xi32>
    %and3A_43 = arith.constant -8192 : i32
    %and3A_44 = vector.broadcast %and3A_43 : i32 to vector<1024xi32>
    %and3A_45 = arith.andi %bitcast_convert_type3A_39, %and3A_44 : vector<1024xi32>
    %bitcast_convert_type3A_46 = tpu.bitcast %and3A_45 : vector<1024xi32> -> vector<1024xf32>
    %mul3A_47 = arith.mulf %slice3A, %slice3A : vector<1024x1xf32>
    %mul3A_48 = arith.mulf %slice3A_2, %slice3A_2 : vector<1024x1xf32>
    %add3A_49 = arith.addf %mul3A_47, %mul3A_48 : vector<1024x1xf32>
    %mul3A_50 = arith.mulf %slice3A_3, %slice3A_3 : vector<1024x1xf32>
    %add3A_51 = arith.addf %add3A_49, %mul3A_50 : vector<1024x1xf32>
    %swap3A = arith.constant 0 : index
    %swap3A_52 = arith.constant 0 : index
    %swap3A_53 = arith.constant 0 : index
    %swap3A_54 = vector.load %arg3[%swap3A, %swap3A_52, %swap3A_53] : memref<1x1x1024xi32, #tpu.memory_space<vmem>>, vector<1x1x1024xi32>
    %swap3A_55 = vector.shape_cast %swap3A_54 : vector<1x1x1024xi32> to vector<1024xi32>
    %swap3A_56 = vector.shape_cast %and3A_42 : vector<1024xi32> to vector<1x1x1024xi32>
    tpu.vector_store %arg3[%swap3A, %swap3A_52, %swap3A_53], %swap3A_56 {strides = array<i32>} : memref<1x1x1024xi32, #tpu.memory_space<vmem>>, vector<1x1x1024xi32>,
    %squeeze3A = vector.shape_cast %add3A_51 : vector<1024x1xf32> to vector<1024xf32>
    %add3A_57 = arith.addf %bitcast_convert_type3A_46, %squeeze3A : vector<1024xf32>
    %swap3A_58 = arith.constant 0 : index
    %swap3A_59 = arith.constant 0 : index
    %swap3A_60 = arith.constant 0 : index
    %swap3A_61 = vector.load %arg4[%swap3A_58, %swap3A_59, %swap3A_60] : memref<1x1x1024xf32, #tpu.memory_space<vmem>>, vector<1x1x1024xf32>
    %swap3A_62 = vector.shape_cast %swap3A_61 : vector<1x1x1024xf32> to vector<1024xf32>
    %swap3A_63 = vector.shape_cast %add3A_57 : vector<1024xf32> to vector<1x1x1024xf32>
    tpu.vector_store %arg4[%swap3A_58, %swap3A_59, %swap3A_60], %swap3A_63 {strides = array<i32>} : memref<1x1x1024xf32, #tpu.memory_space<vmem>>, vector<1x1x1024xf32>,
    return
  }
  func.func @transform_0(%arg0: i32) -> (i32, i32) {
    %add3A = arith.constant 0 : i32
    %add3A_0 = arith.addi %arg0, %add3A : i32
    %c0_i32 = arith.constant 0 : i32
    %c0_i32_1 = arith.constant 0 : i32
    return %add3A_0, %c0_i32 : i32, i32
  }
  func.func @transform_1(%arg0: i32) -> (i32, i32, i32) {
    %add3A = arith.constant 0 : i32
    %add3A_0 = arith.addi %arg0, %add3A : i32
    %jit3A = arith.constant 8 : i32
    %div3A = arith.divsi %add3A_0, %jit3A : i32
    %sign3A = arith.constant 0 : i32
    %sign3A_1 = arith.cmpi sgt, %add3A_0, %sign3A : i32
    %sign3A_2 = arith.extui %sign3A_1 : i1 to i32
    %sign3A_3 = arith.constant 0 : i32
    %sign3A_4 = arith.cmpi slt, %add3A_0, %sign3A_3 : i32
    %sign3A_5 = arith.extui %sign3A_4 : i1 to i32
    %sign3A_6 = arith.subi %sign3A_2, %sign3A_5 : i32
    %sign3A_7 = arith.constant 0 : i32
    %sign3A_8 = arith.cmpi sgt, %jit3A, %sign3A_7 : i32
    %sign3A_9 = arith.extui %sign3A_8 : i1 to i32
    %sign3A_10 = arith.constant 0 : i32
    %sign3A_11 = arith.cmpi slt, %jit3A, %sign3A_10 : i32
    %sign3A_12 = arith.extui %sign3A_11 : i1 to i32
    %sign3A_13 = arith.subi %sign3A_9, %sign3A_12 : i32
    %ne3A = arith.cmpi ne, %sign3A_6, %sign3A_13 : i32
    %rem3A = arith.remsi %add3A_0, %jit3A : i32
    %ne3A_14 = arith.constant 0 : i32
    %ne3A_15 = arith.cmpi ne, %rem3A, %ne3A_14 : i32
    %and3A = arith.andi %ne3A, %ne3A_15 : i1
    %sub3A = arith.constant 1 : i32
    %sub3A_16 = arith.subi %div3A, %sub3A : i32
    %select_n3A = arith.select %and3A, %sub3A_16, %div3A : i32
    %c0_i32 = arith.constant 0 : i32
    %c0_i32_17 = arith.constant 0 : i32
    %c0_i32_18 = arith.constant 0 : i32
    return %select_n3A, %c0_i32, %c0_i32_17 : i32, i32, i32
  }
  func.func @transform_2(%arg0: i32) -> (i32, i32, i32) {
    %c0_i32 = arith.constant 0 : i32
    %c0_i32_0 = arith.constant 0 : i32
    %c0_i32_1 = arith.constant 0 : i32
    return %arg0, %c0_i32, %c0_i32_0 : i32, i32, i32
  }
  func.func @transform_3(%arg0: i32) -> (i32, i32, i32) {
    %c0_i32 = arith.constant 0 : i32
    %c0_i32_0 = arith.constant 0 : i32
    %c0_i32_1 = arith.constant 0 : i32
    return %arg0, %c0_i32, %c0_i32_0 : i32, i32, i32
  }
}

module attributes {stable_mosaic.version = 14 : i64} {
  func.func @_knn_body(%arg0: i32, %arg1: memref<1024x3xf32, #tpu.memory_space<vmem>>, %arg2: memref<1x8x5120xf32, #tpu.memory_space<vmem>>, %arg3: memref<1x1x1024xi32, #tpu.memory_space<vmem>>, %arg4: memref<1x1x1024xf32, #tpu.memory_space<vmem>>) attributes {dimension_semantics = [#tpu.dimension_semantics<arbitrary>], iteration_bounds = array<i64: 8>, scalar_prefetch = 0 : i64, scratch_operands = 0 : i64, tpu.core_type = #tpu.core_type<tc>, window_params = [{transform_indices = @transform_0, window_bounds = array<i64: 1024, 3>}, {transform_indices = @transform_1, window_bounds = array<i64: 1, 8, 5120>}, {transform_indices = @transform_2, window_bounds = array<i64: 1, 1, 1024>}, {transform_indices = @transform_3, window_bounds = array<i64: 1, 1, 1024>}]} {
    %get3A = arith.constant 0 : index
    %get3A_0 = arith.constant 0 : index
    %get3A_1 = vector.load %arg1[%get3A, %get3A_0] : memref<1024x3xf32, #tpu.memory_space<vmem>>, vector<1024x3xf32>
    %slice3A = vector.extract_strided_slice %get3A_1 {offsets = [0, 0], sizes = [1024, 1], strides = [1, 1]} : vector<1024x3xf32> to vector<1024x1xf32>
    %slice3A_2 = vector.extract_strided_slice %get3A_1 {offsets = [0, 1], sizes = [1024, 1], strides = [1, 1]} : vector<1024x3xf32> to vector<1024x1xf32>
    %slice3A_3 = vector.extract_strided_slice %get3A_1 {offsets = [0, 2], sizes = [1024, 1], strides = [1, 1]} : vector<1024x3xf32> to vector<1024x1xf32>
    %get3A_4 = arith.constant 0 : index
    %get3A_5 = arith.constant 0 : index
    %get3A_6 = arith.constant 0 : index
    %get3A_7 = vector.load %arg2[%get3A_4, %get3A_5, %get3A_6] : memref<1x8x5120xf32, #tpu.memory_space<vmem>>, vector<1x1x5120xf32>
    %get3A_8 = vector.shape_cast %get3A_7 : vector<1x1x5120xf32> to vector<1x5120xf32>
    %get3A_9 = arith.constant 0 : index
    %get3A_10 = arith.constant 1 : index
    %get3A_11 = arith.constant 0 : index
    %get3A_12 = vector.load %arg2[%get3A_9, %get3A_10, %get3A_11] : memref<1x8x5120xf32, #tpu.memory_space<vmem>>, vector<1x1x5120xf32>
    %get3A_13 = vector.shape_cast %get3A_12 : vector<1x1x5120xf32> to vector<1x5120xf32>
    %get3A_14 = arith.constant 0 : index
    %get3A_15 = arith.constant 2 : index
    %get3A_16 = arith.constant 0 : index
    %get3A_17 = vector.load %arg2[%get3A_14, %get3A_15, %get3A_16] : memref<1x8x5120xf32, #tpu.memory_space<vmem>>, vector<1x1x5120xf32>
    %get3A_18 = vector.shape_cast %get3A_17 : vector<1x1x5120xf32> to vector<1x5120xf32>
    %get3A_19 = arith.constant 0 : index
    %get3A_20 = arith.constant 3 : index
    %get3A_21 = arith.constant 0 : index
    %get3A_22 = vector.load %arg2[%get3A_19, %get3A_20, %get3A_21] : memref<1x8x5120xf32, #tpu.memory_space<vmem>>, vector<1x1x5120xf32>
    %get3A_23 = vector.shape_cast %get3A_22 : vector<1x1x5120xf32> to vector<1x5120xf32>
    %mul3A = vector.broadcast %slice3A : vector<1024x1xf32> to vector<1024x5120xf32>
    %mul3A_24 = vector.broadcast %get3A_8 : vector<1x5120xf32> to vector<1024x5120xf32>
    %mul3A_25 = arith.mulf %mul3A, %mul3A_24 : vector<1024x5120xf32>
    %mul3A_26 = vector.broadcast %slice3A_2 : vector<1024x1xf32> to vector<1024x5120xf32>
    %mul3A_27 = vector.broadcast %get3A_13 : vector<1x5120xf32> to vector<1024x5120xf32>
    %mul3A_28 = arith.mulf %mul3A_26, %mul3A_27 : vector<1024x5120xf32>
    %add3A = arith.addf %mul3A_25, %mul3A_28 : vector<1024x5120xf32>
    %mul3A_29 = vector.broadcast %slice3A_3 : vector<1024x1xf32> to vector<1024x5120xf32>
    %mul3A_30 = vector.broadcast %get3A_18 : vector<1x5120xf32> to vector<1024x5120xf32>
    %mul3A_31 = arith.mulf %mul3A_29, %mul3A_30 : vector<1024x5120xf32>
    %add3A_32 = arith.addf %add3A, %mul3A_31 : vector<1024x5120xf32>
    %add3A_33 = vector.broadcast %get3A_23 : vector<1x5120xf32> to vector<1024x5120xf32>
    %add3A_34 = arith.addf %add3A_32, %add3A_33 : vector<1024x5120xf32>
    %iota3A = tpu.iota {dimensions = array<i32: 1>} : vector<1024x5120xi32>
    %bitcast_convert_type3A = tpu.bitcast %add3A_34 : vector<1024x5120xf32> -> vector<1024x5120xi32>
    %and3A = arith.constant -8192 : i32
    %and3A_35 = vector.broadcast %and3A : i32 to vector<1024x5120xi32>
    %and3A_36 = arith.andi %bitcast_convert_type3A, %and3A_35 : vector<1024x5120xi32>
    %or3A = arith.ori %and3A_36, %iota3A : vector<1024x5120xi32>
    %bitcast_convert_type3A_37 = tpu.bitcast %or3A : vector<1024x5120xi32> -> vector<1024x5120xf32>
    %reduce_min3A = arith.constant dense<0x7F800000> : vector<1024xf32>
    %reduce_min3A_38 = vector.multi_reduction <minimumf>, %bitcast_convert_type3A_37, %reduce_min3A [1] : vector<1024x5120xf32> to vector<1024xf32>
    %bitcast_convert_type3A_39 = tpu.bitcast %reduce_min3A_38 : vector<1024xf32> -> vector<1024xi32>
    %and3A_40 = arith.constant 8191 : i32
    %and3A_41 = vector.broadcast %and3A_40 : i32 to vector<1024xi32>
    %and3A_42 = arith.andi %bitcast_convert_type3A_39, %and3A_41 : vector<1024xi32>
    %and3A_43 = arith.constant -8192 : i32
    %and3A_44 = vector.broadcast %and3A_43 : i32 to vector<1024xi32>
    %and3A_45 = arith.andi %bitcast_convert_type3A_39, %and3A_44 : vector<1024xi32>
    %bitcast_convert_type3A_46 = tpu.bitcast %and3A_45 : vector<1024xi32> -> vector<1024xf32>
    %mul3A_47 = arith.mulf %slice3A, %slice3A : vector<1024x1xf32>
    %mul3A_48 = arith.mulf %slice3A_2, %slice3A_2 : vector<1024x1xf32>
    %add3A_49 = arith.addf %mul3A_47, %mul3A_48 : vector<1024x1xf32>
    %mul3A_50 = arith.mulf %slice3A_3, %slice3A_3 : vector<1024x1xf32>
    %add3A_51 = arith.addf %add3A_49, %mul3A_50 : vector<1024x1xf32>
    %swap3A = arith.constant 0 : index
    %swap3A_52 = arith.constant 0 : index
    %swap3A_53 = arith.constant 0 : index
    %swap3A_54 = vector.load %arg3[%swap3A, %swap3A_52, %swap3A_53] : memref<1x1x1024xi32, #tpu.memory_space<vmem>>, vector<1x1x1024xi32>
    %swap3A_55 = vector.shape_cast %swap3A_54 : vector<1x1x1024xi32> to vector<1024xi32>
    %swap3A_56 = vector.shape_cast %and3A_42 : vector<1024xi32> to vector<1x1x1024xi32>
    tpu.vector_store %arg3[%swap3A, %swap3A_52, %swap3A_53], %swap3A_56 {strides = array<i32>} : memref<1x1x1024xi32, #tpu.memory_space<vmem>>, vector<1x1x1024xi32>,
    %squeeze3A = vector.shape_cast %add3A_51 : vector<1024x1xf32> to vector<1024xf32>
    %add3A_57 = arith.addf %bitcast_convert_type3A_46, %squeeze3A : vector<1024xf32>
    %swap3A_58 = arith.constant 0 : index
    %swap3A_59 = arith.constant 0 : index
    %swap3A_60 = arith.constant 0 : index
    %swap3A_61 = vector.load %arg4[%swap3A_58, %swap3A_59, %swap3A_60] : memref<1x1x1024xf32, #tpu.memory_space<vmem>>, vector<1x1x1024xf32>
    %swap3A_62 = vector.shape_cast %swap3A_61 : vector<1x1x1024xf32> to vector<1024xf32>
    %swap3A_63 = vector.shape_cast %add3A_57 : vector<1024xf32> to vector<1x1x1024xf32>
    tpu.vector_store %arg4[%swap3A_58, %swap3A_59, %swap3A_60], %swap3A_63 {strides = array<i32>} : memref<1x1x1024xf32, #tpu.memory_space<vmem>>, vector<1x1x1024xf32>,
    return
  }
  func.func @transform_0(%arg0: i32) -> (i32, i32) {
    %add3A = arith.constant 16 : i32
    %add3A_0 = arith.addi %arg0, %add3A : i32
    %c0_i32 = arith.constant 0 : i32
    %c0_i32_1 = arith.constant 0 : i32
    return %add3A_0, %c0_i32 : i32, i32
  }
  func.func @transform_1(%arg0: i32) -> (i32, i32, i32) {
    %add3A = arith.constant 16 : i32
    %add3A_0 = arith.addi %arg0, %add3A : i32
    %jit3A = arith.constant 8 : i32
    %div3A = arith.divsi %add3A_0, %jit3A : i32
    %sign3A = arith.constant 0 : i32
    %sign3A_1 = arith.cmpi sgt, %add3A_0, %sign3A : i32
    %sign3A_2 = arith.extui %sign3A_1 : i1 to i32
    %sign3A_3 = arith.constant 0 : i32
    %sign3A_4 = arith.cmpi slt, %add3A_0, %sign3A_3 : i32
    %sign3A_5 = arith.extui %sign3A_4 : i1 to i32
    %sign3A_6 = arith.subi %sign3A_2, %sign3A_5 : i32
    %sign3A_7 = arith.constant 0 : i32
    %sign3A_8 = arith.cmpi sgt, %jit3A, %sign3A_7 : i32
    %sign3A_9 = arith.extui %sign3A_8 : i1 to i32
    %sign3A_10 = arith.constant 0 : i32
    %sign3A_11 = arith.cmpi slt, %jit3A, %sign3A_10 : i32
    %sign3A_12 = arith.extui %sign3A_11 : i1 to i32
    %sign3A_13 = arith.subi %sign3A_9, %sign3A_12 : i32
    %ne3A = arith.cmpi ne, %sign3A_6, %sign3A_13 : i32
    %rem3A = arith.remsi %add3A_0, %jit3A : i32
    %ne3A_14 = arith.constant 0 : i32
    %ne3A_15 = arith.cmpi ne, %rem3A, %ne3A_14 : i32
    %and3A = arith.andi %ne3A, %ne3A_15 : i1
    %sub3A = arith.constant 1 : i32
    %sub3A_16 = arith.subi %div3A, %sub3A : i32
    %select_n3A = arith.select %and3A, %sub3A_16, %div3A : i32
    %c0_i32 = arith.constant 0 : i32
    %c0_i32_17 = arith.constant 0 : i32
    %c0_i32_18 = arith.constant 0 : i32
    return %select_n3A, %c0_i32, %c0_i32_17 : i32, i32, i32
  }
  func.func @transform_2(%arg0: i32) -> (i32, i32, i32) {
    %c0_i32 = arith.constant 0 : i32
    %c0_i32_0 = arith.constant 0 : i32
    %c0_i32_1 = arith.constant 0 : i32
    return %arg0, %c0_i32, %c0_i32_0 : i32, i32, i32
  }
  func.func @transform_3(%arg0: i32) -> (i32, i32, i32) {
    %c0_i32 = arith.constant 0 : i32
    %c0_i32_0 = arith.constant 0 : i32
    %c0_i32_1 = arith.constant 0 : i32
    return %arg0, %c0_i32, %c0_i32_0 : i32, i32, i32
  }
}

module attributes {stable_mosaic.version = 14 : i64} {
  func.func @_knn_body(%arg0: i32, %arg1: memref<1024x3xf32, #tpu.memory_space<vmem>>, %arg2: memref<1x8x5120xf32, #tpu.memory_space<vmem>>, %arg3: memref<1x1x1024xi32, #tpu.memory_space<vmem>>, %arg4: memref<1x1x1024xf32, #tpu.memory_space<vmem>>) attributes {dimension_semantics = [#tpu.dimension_semantics<arbitrary>], iteration_bounds = array<i64: 8>, scalar_prefetch = 0 : i64, scratch_operands = 0 : i64, tpu.core_type = #tpu.core_type<tc>, window_params = [{transform_indices = @transform_0, window_bounds = array<i64: 1024, 3>}, {transform_indices = @transform_1, window_bounds = array<i64: 1, 8, 5120>}, {transform_indices = @transform_2, window_bounds = array<i64: 1, 1, 1024>}, {transform_indices = @transform_3, window_bounds = array<i64: 1, 1, 1024>}]} {
    %get3A = arith.constant 0 : index
    %get3A_0 = arith.constant 0 : index
    %get3A_1 = vector.load %arg1[%get3A, %get3A_0] : memref<1024x3xf32, #tpu.memory_space<vmem>>, vector<1024x3xf32>
    %slice3A = vector.extract_strided_slice %get3A_1 {offsets = [0, 0], sizes = [1024, 1], strides = [1, 1]} : vector<1024x3xf32> to vector<1024x1xf32>
    %slice3A_2 = vector.extract_strided_slice %get3A_1 {offsets = [0, 1], sizes = [1024, 1], strides = [1, 1]} : vector<1024x3xf32> to vector<1024x1xf32>
    %slice3A_3 = vector.extract_strided_slice %get3A_1 {offsets = [0, 2], sizes = [1024, 1], strides = [1, 1]} : vector<1024x3xf32> to vector<1024x1xf32>
    %get3A_4 = arith.constant 0 : index
    %get3A_5 = arith.constant 0 : index
    %get3A_6 = arith.constant 0 : index
    %get3A_7 = vector.load %arg2[%get3A_4, %get3A_5, %get3A_6] : memref<1x8x5120xf32, #tpu.memory_space<vmem>>, vector<1x1x5120xf32>
    %get3A_8 = vector.shape_cast %get3A_7 : vector<1x1x5120xf32> to vector<1x5120xf32>
    %get3A_9 = arith.constant 0 : index
    %get3A_10 = arith.constant 1 : index
    %get3A_11 = arith.constant 0 : index
    %get3A_12 = vector.load %arg2[%get3A_9, %get3A_10, %get3A_11] : memref<1x8x5120xf32, #tpu.memory_space<vmem>>, vector<1x1x5120xf32>
    %get3A_13 = vector.shape_cast %get3A_12 : vector<1x1x5120xf32> to vector<1x5120xf32>
    %get3A_14 = arith.constant 0 : index
    %get3A_15 = arith.constant 2 : index
    %get3A_16 = arith.constant 0 : index
    %get3A_17 = vector.load %arg2[%get3A_14, %get3A_15, %get3A_16] : memref<1x8x5120xf32, #tpu.memory_space<vmem>>, vector<1x1x5120xf32>
    %get3A_18 = vector.shape_cast %get3A_17 : vector<1x1x5120xf32> to vector<1x5120xf32>
    %get3A_19 = arith.constant 0 : index
    %get3A_20 = arith.constant 3 : index
    %get3A_21 = arith.constant 0 : index
    %get3A_22 = vector.load %arg2[%get3A_19, %get3A_20, %get3A_21] : memref<1x8x5120xf32, #tpu.memory_space<vmem>>, vector<1x1x5120xf32>
    %get3A_23 = vector.shape_cast %get3A_22 : vector<1x1x5120xf32> to vector<1x5120xf32>
    %mul3A = vector.broadcast %slice3A : vector<1024x1xf32> to vector<1024x5120xf32>
    %mul3A_24 = vector.broadcast %get3A_8 : vector<1x5120xf32> to vector<1024x5120xf32>
    %mul3A_25 = arith.mulf %mul3A, %mul3A_24 : vector<1024x5120xf32>
    %mul3A_26 = vector.broadcast %slice3A_2 : vector<1024x1xf32> to vector<1024x5120xf32>
    %mul3A_27 = vector.broadcast %get3A_13 : vector<1x5120xf32> to vector<1024x5120xf32>
    %mul3A_28 = arith.mulf %mul3A_26, %mul3A_27 : vector<1024x5120xf32>
    %add3A = arith.addf %mul3A_25, %mul3A_28 : vector<1024x5120xf32>
    %mul3A_29 = vector.broadcast %slice3A_3 : vector<1024x1xf32> to vector<1024x5120xf32>
    %mul3A_30 = vector.broadcast %get3A_18 : vector<1x5120xf32> to vector<1024x5120xf32>
    %mul3A_31 = arith.mulf %mul3A_29, %mul3A_30 : vector<1024x5120xf32>
    %add3A_32 = arith.addf %add3A, %mul3A_31 : vector<1024x5120xf32>
    %add3A_33 = vector.broadcast %get3A_23 : vector<1x5120xf32> to vector<1024x5120xf32>
    %add3A_34 = arith.addf %add3A_32, %add3A_33 : vector<1024x5120xf32>
    %iota3A = tpu.iota {dimensions = array<i32: 1>} : vector<1024x5120xi32>
    %bitcast_convert_type3A = tpu.bitcast %add3A_34 : vector<1024x5120xf32> -> vector<1024x5120xi32>
    %and3A = arith.constant -8192 : i32
    %and3A_35 = vector.broadcast %and3A : i32 to vector<1024x5120xi32>
    %and3A_36 = arith.andi %bitcast_convert_type3A, %and3A_35 : vector<1024x5120xi32>
    %or3A = arith.ori %and3A_36, %iota3A : vector<1024x5120xi32>
    %bitcast_convert_type3A_37 = tpu.bitcast %or3A : vector<1024x5120xi32> -> vector<1024x5120xf32>
    %reduce_min3A = arith.constant dense<0x7F800000> : vector<1024xf32>
    %reduce_min3A_38 = vector.multi_reduction <minimumf>, %bitcast_convert_type3A_37, %reduce_min3A [1] : vector<1024x5120xf32> to vector<1024xf32>
    %bitcast_convert_type3A_39 = tpu.bitcast %reduce_min3A_38 : vector<1024xf32> -> vector<1024xi32>
    %and3A_40 = arith.constant 8191 : i32
    %and3A_41 = vector.broadcast %and3A_40 : i32 to vector<1024xi32>
    %and3A_42 = arith.andi %bitcast_convert_type3A_39, %and3A_41 : vector<1024xi32>
    %and3A_43 = arith.constant -8192 : i32
    %and3A_44 = vector.broadcast %and3A_43 : i32 to vector<1024xi32>
    %and3A_45 = arith.andi %bitcast_convert_type3A_39, %and3A_44 : vector<1024xi32>
    %bitcast_convert_type3A_46 = tpu.bitcast %and3A_45 : vector<1024xi32> -> vector<1024xf32>
    %mul3A_47 = arith.mulf %slice3A, %slice3A : vector<1024x1xf32>
    %mul3A_48 = arith.mulf %slice3A_2, %slice3A_2 : vector<1024x1xf32>
    %add3A_49 = arith.addf %mul3A_47, %mul3A_48 : vector<1024x1xf32>
    %mul3A_50 = arith.mulf %slice3A_3, %slice3A_3 : vector<1024x1xf32>
    %add3A_51 = arith.addf %add3A_49, %mul3A_50 : vector<1024x1xf32>
    %swap3A = arith.constant 0 : index
    %swap3A_52 = arith.constant 0 : index
    %swap3A_53 = arith.constant 0 : index
    %swap3A_54 = vector.load %arg3[%swap3A, %swap3A_52, %swap3A_53] : memref<1x1x1024xi32, #tpu.memory_space<vmem>>, vector<1x1x1024xi32>
    %swap3A_55 = vector.shape_cast %swap3A_54 : vector<1x1x1024xi32> to vector<1024xi32>
    %swap3A_56 = vector.shape_cast %and3A_42 : vector<1024xi32> to vector<1x1x1024xi32>
    tpu.vector_store %arg3[%swap3A, %swap3A_52, %swap3A_53], %swap3A_56 {strides = array<i32>} : memref<1x1x1024xi32, #tpu.memory_space<vmem>>, vector<1x1x1024xi32>,
    %squeeze3A = vector.shape_cast %add3A_51 : vector<1024x1xf32> to vector<1024xf32>
    %add3A_57 = arith.addf %bitcast_convert_type3A_46, %squeeze3A : vector<1024xf32>
    %swap3A_58 = arith.constant 0 : index
    %swap3A_59 = arith.constant 0 : index
    %swap3A_60 = arith.constant 0 : index
    %swap3A_61 = vector.load %arg4[%swap3A_58, %swap3A_59, %swap3A_60] : memref<1x1x1024xf32, #tpu.memory_space<vmem>>, vector<1x1x1024xf32>
    %swap3A_62 = vector.shape_cast %swap3A_61 : vector<1x1x1024xf32> to vector<1024xf32>
    %swap3A_63 = vector.shape_cast %add3A_57 : vector<1024xf32> to vector<1x1x1024xf32>
    tpu.vector_store %arg4[%swap3A_58, %swap3A_59, %swap3A_60], %swap3A_63 {strides = array<i32>} : memref<1x1x1024xf32, #tpu.memory_space<vmem>>, vector<1x1x1024xf32>,
    return
  }
  func.func @transform_0(%arg0: i32) -> (i32, i32) {
    %add3A = arith.constant 24 : i32
    %add3A_0 = arith.addi %arg0, %add3A : i32
    %c0_i32 = arith.constant 0 : i32
    %c0_i32_1 = arith.constant 0 : i32
    return %add3A_0, %c0_i32 : i32, i32
  }
  func.func @transform_1(%arg0: i32) -> (i32, i32, i32) {
    %add3A = arith.constant 24 : i32
    %add3A_0 = arith.addi %arg0, %add3A : i32
    %jit3A = arith.constant 8 : i32
    %div3A = arith.divsi %add3A_0, %jit3A : i32
    %sign3A = arith.constant 0 : i32
    %sign3A_1 = arith.cmpi sgt, %add3A_0, %sign3A : i32
    %sign3A_2 = arith.extui %sign3A_1 : i1 to i32
    %sign3A_3 = arith.constant 0 : i32
    %sign3A_4 = arith.cmpi slt, %add3A_0, %sign3A_3 : i32
    %sign3A_5 = arith.extui %sign3A_4 : i1 to i32
    %sign3A_6 = arith.subi %sign3A_2, %sign3A_5 : i32
    %sign3A_7 = arith.constant 0 : i32
    %sign3A_8 = arith.cmpi sgt, %jit3A, %sign3A_7 : i32
    %sign3A_9 = arith.extui %sign3A_8 : i1 to i32
    %sign3A_10 = arith.constant 0 : i32
    %sign3A_11 = arith.cmpi slt, %jit3A, %sign3A_10 : i32
    %sign3A_12 = arith.extui %sign3A_11 : i1 to i32
    %sign3A_13 = arith.subi %sign3A_9, %sign3A_12 : i32
    %ne3A = arith.cmpi ne, %sign3A_6, %sign3A_13 : i32
    %rem3A = arith.remsi %add3A_0, %jit3A : i32
    %ne3A_14 = arith.constant 0 : i32
    %ne3A_15 = arith.cmpi ne, %rem3A, %ne3A_14 : i32
    %and3A = arith.andi %ne3A, %ne3A_15 : i1
    %sub3A = arith.constant 1 : i32
    %sub3A_16 = arith.subi %div3A, %sub3A : i32
    %select_n3A = arith.select %and3A, %sub3A_16, %div3A : i32
    %c0_i32 = arith.constant 0 : i32
    %c0_i32_17 = arith.constant 0 : i32
    %c0_i32_18 = arith.constant 0 : i32
    return %select_n3A, %c0_i32, %c0_i32_17 : i32, i32, i32
  }
  func.func @transform_2(%arg0: i32) -> (i32, i32, i32) {
    %c0_i32 = arith.constant 0 : i32
    %c0_i32_0 = arith.constant 0 : i32
    %c0_i32_1 = arith.constant 0 : i32
    return %arg0, %c0_i32, %c0_i32_0 : i32, i32, i32
  }
  func.func @transform_3(%arg0: i32) -> (i32, i32, i32) {
    %c0_i32 = arith.constant 0 : i32
    %c0_i32_0 = arith.constant 0 : i32
    %c0_i32_1 = arith.constant 0 : i32
    return %arg0, %c0_i32, %c0_i32_0 : i32, i32, i32
  }
}

module attributes {stable_mosaic.version = 14 : i64} {
  func.func @_loss_body(%arg0: i32, %arg1: memref<3x50x1024xf32, #tpu.memory_space<vmem>>, %arg2: memref<3x36x1024xf32, #tpu.memory_space<vmem>>, %arg3: memref<5x1024xf32, #tpu.memory_space<vmem>>, %arg4: memref<1024x384xf32, #tpu.memory_space<vmem>>, %arg5: memref<1x1x1024xf32, #tpu.memory_space<vmem>>, %arg6: memref<1x2xf32, #tpu.memory_space<vmem>>, %arg7: memref<2xf32, #tpu.memory_space<smem>>) attributes {dimension_semantics = [#tpu.dimension_semantics<arbitrary>], iteration_bounds = array<i64: 8>, scalar_prefetch = 0 : i64, scratch_operands = 1 : i64, tpu.core_type = #tpu.core_type<tc>, window_params = [{transform_indices = @transform_0, window_bounds = array<i64: 3, 50, 1024>}, {transform_indices = @transform_1, window_bounds = array<i64: 3, 36, 1024>}, {transform_indices = @transform_2, window_bounds = array<i64: 5, 1024>}, {transform_indices = @transform_3, window_bounds = array<i64: 1024, 384>}, {transform_indices = @transform_4, window_bounds = array<i64: 1, 1, 1024>}, {pipeline_mode = #tpu.pipeline_mode<synchronous>, transform_indices = @transform_5, window_bounds = array<i64: 1, 2>}]} {
    %eq3A = arith.constant 0 : i32
    %eq3A_0 = arith.cmpi eq, %arg0, %eq3A : i32
    %convert_element_type3A = arith.extui %eq3A_0 : i1 to i32
    %cond3A = arith.constant 0 : i32
    %cond3A_1 = arith.cmpi ne, %convert_element_type3A, %cond3A : i32
    scf.if %cond3A_1 {
      %swap3A_141 = arith.constant 0.000000e+00 : f32
      %swap3A_142 = arith.constant 0 : index
      %swap3A_143 = memref.load %arg7[%swap3A_142] : memref<2xf32, #tpu.memory_space<smem>>
      memref.store %swap3A_141, %arg7[%swap3A_142] : memref<2xf32, #tpu.memory_space<smem>>
      %swap3A_144 = arith.constant 0.000000e+00 : f32
      %swap3A_145 = arith.constant 1 : index
      %swap3A_146 = memref.load %arg7[%swap3A_145] : memref<2xf32, #tpu.memory_space<smem>>
      memref.store %swap3A_144, %arg7[%swap3A_145] : memref<2xf32, #tpu.memory_space<smem>>
    } else {
    }
    %get3A = arith.constant 0 : index
    %get3A_2 = arith.constant 0 : index
    %get3A_3 = vector.load %arg4[%get3A, %get3A_2] : memref<1024x384xf32, #tpu.memory_space<vmem>>, vector<1024x384xf32>
    %get3A_4 = arith.constant 0 : index
    %get3A_5 = arith.constant 0 : index
    %get3A_6 = arith.constant 0 : index
    %get3A_7 = vector.load %arg5[%get3A_4, %get3A_5, %get3A_6] : memref<1x1x1024xf32, #tpu.memory_space<vmem>>, vector<1x1x1024xf32>
    %get3A_8 = vector.shape_cast %get3A_7 : vector<1x1x1024xf32> to vector<1024xf32>
    %lt3A = arith.constant 1.000000e-01 : f32
    %lt3A_9 = vector.broadcast %lt3A : f32 to vector<1024xf32>
    %lt3A_10 = arith.cmpf olt, %get3A_8, %lt3A_9 : vector<1024xf32>
    %convert_element_type3A_11 = arith.extui %lt3A_10 : vector<1024xi1> to vector<1024xi32>
    %convert_element_type3A_12 = arith.sitofp %convert_element_type3A_11 : vector<1024xi32> to vector<1024xf32>
    %broadcast_in_dim3A = vector.shape_cast %convert_element_type3A_12 : vector<1024xf32> to vector<1x1024xf32>
    %transpose3A = tpu.transpose %broadcast_in_dim3A, [1, 0] : vector<1x1024xf32> -> vector<1024x1xf32>
    %iota3A = tpu.iota {dimensions = array<i32: 1>} : vector<1x384xi32>
    %lt3A_13 = arith.constant 258 : i32
    %lt3A_14 = vector.broadcast %lt3A_13 : i32 to vector<1x384xi32>
    %lt3A_15 = arith.cmpi slt, %iota3A, %lt3A_14 : vector<1x384xi32>
    %lt3A_16 = arith.constant 263 : i32
    %lt3A_17 = vector.broadcast %lt3A_16 : i32 to vector<1x384xi32>
    %lt3A_18 = arith.cmpi slt, %iota3A, %lt3A_17 : vector<1x384xi32>
    %jit3A = arith.constant 2.000000e-01 : f32
    %jit3A_19 = arith.constant 0.000000e+00 : f32
    %broadcast_in_dim3A_20 = vector.broadcast %jit3A : f32 to vector<1x384xf32>
    %broadcast_in_dim3A_21 = vector.broadcast %jit3A_19 : f32 to vector<1x384xf32>
    %select_n3A = arith.select %lt3A_18, %broadcast_in_dim3A_20, %broadcast_in_dim3A_21 : vector<1x384xi1>, vector<1x384xf32>
    %jit3A_22 = arith.constant 1.000000e+02 : f32
    %broadcast_in_dim3A_23 = vector.broadcast %jit3A_22 : f32 to vector<1x384xf32>
    %select_n3A_24 = arith.select %lt3A_15, %broadcast_in_dim3A_23, %select_n3A : vector<1x384xi1>, vector<1x384xf32>
    %mul3A = arith.mulf %get3A_3, %get3A_3 : vector<1024x384xf32>
    %mul3A_25 = vector.broadcast %select_n3A_24 : vector<1x384xf32> to vector<1024x384xf32>
    %mul3A_26 = arith.mulf %mul3A, %mul3A_25 : vector<1024x384xf32>
    %mul3A_27 = vector.broadcast %transpose3A : vector<1024x1xf32> to vector<1024x384xf32>
    %mul3A_28 = arith.mulf %mul3A_26, %mul3A_27 : vector<1024x384xf32>
    %reduce_sum3A = vector.shape_cast %mul3A_28 : vector<1024x384xf32> to vector<1x1024x384xf32>
    %reduce_sum3A_29 = arith.constant dense<0.000000e+00> : vector<1xf32>
    %reduce_sum3A_30 = vector.multi_reduction <add>, %reduce_sum3A, %reduce_sum3A_29 [1, 2] : vector<1x1024x384xf32> to vector<1xf32>
    %reduce_sum3A_31 = vector.shape_cast %reduce_sum3A_30 : vector<1xf32> to vector<1x1x1xf32>
    %reduce_sum3A_32 = vector.extract %reduce_sum3A_31[0, 0, 0] : f32 from vector<1x1x1xf32>
    %mul3A_33 = arith.constant 1.000000e+02 : f32
    %mul3A_34 = vector.broadcast %mul3A_33 : f32 to vector<1x1024xf32>
    %mul3A_35 = arith.mulf %broadcast_in_dim3A, %mul3A_34 : vector<1x1024xf32>
    %get3A_36 = arith.constant 0 : index
    %get3A_37 = arith.constant 0 : index
    %get3A_38 = arith.constant 0 : index
    %get3A_39 = vector.load %arg1[%get3A_36, %get3A_37, %get3A_38] : memref<3x50x1024xf32, #tpu.memory_space<vmem>>, vector<3x50x1024xf32>
    %get3A_40 = arith.constant 0 : index
    %get3A_41 = arith.constant 0 : index
    %get3A_42 = arith.constant 0 : index
    %get3A_43 = vector.load %arg2[%get3A_40, %get3A_41, %get3A_42] : memref<3x36x1024xf32, #tpu.memory_space<vmem>>, vector<3x36x1024xf32>
    %get3A_44 = arith.constant 0 : index
    %get3A_45 = arith.constant 0 : index
    %get3A_46 = vector.load %arg3[%get3A_44, %get3A_45] : memref<5x1024xf32, #tpu.memory_space<vmem>>, vector<5x1024xf32>
    %slice3A = vector.extract_strided_slice %get3A_39 {offsets = [0, 0, 0], sizes = [1, 50, 1024], strides = [1, 1, 1]} : vector<3x50x1024xf32> to vector<1x50x1024xf32>
    %squeeze3A = vector.shape_cast %slice3A : vector<1x50x1024xf32> to vector<50x1024xf32>
    %mul3A_47 = vector.broadcast %mul3A_35 : vector<1x1024xf32> to vector<50x1024xf32>
    %mul3A_48 = arith.mulf %squeeze3A, %mul3A_47 : vector<50x1024xf32>
    %slice3A_49 = vector.extract_strided_slice %get3A_39 {offsets = [1, 0, 0], sizes = [1, 50, 1024], strides = [1, 1, 1]} : vector<3x50x1024xf32> to vector<1x50x1024xf32>
    %squeeze3A_50 = vector.shape_cast %slice3A_49 : vector<1x50x1024xf32> to vector<50x1024xf32>
    %mul3A_51 = vector.broadcast %mul3A_35 : vector<1x1024xf32> to vector<50x1024xf32>
    %mul3A_52 = arith.mulf %squeeze3A_50, %mul3A_51 : vector<50x1024xf32>
    %slice3A_53 = vector.extract_strided_slice %get3A_39 {offsets = [2, 0, 0], sizes = [1, 50, 1024], strides = [1, 1, 1]} : vector<3x50x1024xf32> to vector<1x50x1024xf32>
    %squeeze3A_54 = vector.shape_cast %slice3A_53 : vector<1x50x1024xf32> to vector<50x1024xf32>
    %mul3A_55 = vector.broadcast %mul3A_35 : vector<1x1024xf32> to vector<50x1024xf32>
    %mul3A_56 = arith.mulf %squeeze3A_54, %mul3A_55 : vector<50x1024xf32>
    %slice3A_57 = vector.extract_strided_slice %get3A_43 {offsets = [0, 0, 0], sizes = [1, 36, 1024], strides = [1, 1, 1]} : vector<3x36x1024xf32> to vector<1x36x1024xf32>
    %squeeze3A_58 = vector.shape_cast %slice3A_57 : vector<1x36x1024xf32> to vector<36x1024xf32>
    %mul3A_59 = vector.broadcast %mul3A_35 : vector<1x1024xf32> to vector<36x1024xf32>
    %mul3A_60 = arith.mulf %squeeze3A_58, %mul3A_59 : vector<36x1024xf32>
    %slice3A_61 = vector.extract_strided_slice %get3A_43 {offsets = [1, 0, 0], sizes = [1, 36, 1024], strides = [1, 1, 1]} : vector<3x36x1024xf32> to vector<1x36x1024xf32>
    %squeeze3A_62 = vector.shape_cast %slice3A_61 : vector<1x36x1024xf32> to vector<36x1024xf32>
    %mul3A_63 = vector.broadcast %mul3A_35 : vector<1x1024xf32> to vector<36x1024xf32>
    %mul3A_64 = arith.mulf %squeeze3A_62, %mul3A_63 : vector<36x1024xf32>
    %slice3A_65 = vector.extract_strided_slice %get3A_43 {offsets = [2, 0, 0], sizes = [1, 36, 1024], strides = [1, 1, 1]} : vector<3x36x1024xf32> to vector<1x36x1024xf32>
    %squeeze3A_66 = vector.shape_cast %slice3A_65 : vector<1x36x1024xf32> to vector<36x1024xf32>
    %mul3A_67 = vector.broadcast %mul3A_35 : vector<1x1024xf32> to vector<36x1024xf32>
    %mul3A_68 = arith.mulf %squeeze3A_66, %mul3A_67 : vector<36x1024xf32>
    %mul3A_69 = arith.constant 2.000000e-01 : f32
    %mul3A_70 = vector.broadcast %mul3A_69 : f32 to vector<1x1024xf32>
    %mul3A_71 = arith.mulf %broadcast_in_dim3A, %mul3A_70 : vector<1x1024xf32>
    %mul3A_72 = vector.broadcast %mul3A_71 : vector<1x1024xf32> to vector<5x1024xf32>
    %mul3A_73 = arith.mulf %get3A_46, %mul3A_72 : vector<5x1024xf32>
    %concatenate3A = tpu.concatenate %mul3A_48, %mul3A_52, %mul3A_56, %mul3A_60, %mul3A_64, %mul3A_68, %mul3A_73 in 0 : vector<50x1024xf32>, vector<50x1024xf32>, vector<50x1024xf32>, vector<36x1024xf32>, vector<36x1024xf32>, vector<36x1024xf32>, vector<5x1024xf32> -> vector<263x1024xf32>
    %slice3A_74 = vector.extract_strided_slice %get3A_3 {offsets = [0, 0], sizes = [1024, 263], strides = [1, 1]} : vector<1024x384xf32> to vector<1024x263xf32>
    %dot_general3A = arith.constant dense<0.000000e+00> : vector<263x263xf32>
    %dot_general3A_75 = tpu.matmul %concatenate3A, %slice3A_74, %dot_general3A {dimension_numbers = #tpu.dot_dimension_numbers<[1], [0], [0], [1], [0, 0, 1, 1], [], []>, precision = #tpu.contract_precision<fp32>, transpose_lhs_hint = false} : vector<263x1024xf32>, vector<1024x263xf32>, vector<263x263xf32> -> vector<263x263xf32>
    %iota3A_76 = tpu.iota {dimensions = array<i32: 0>} : vector<263x263xi32>
    %iota3A_77 = tpu.iota {dimensions = array<i32: 1>} : vector<263x263xi32>
    %eq3A_78 = arith.cmpi eq, %iota3A_76, %iota3A_77 : vector<263x263xi32>
    %jit3A_79 = arith.constant 0.000000e+00 : f32
    %broadcast_in_dim3A_80 = vector.broadcast %jit3A_79 : f32 to vector<263x263xf32>
    %select_n3A_81 = arith.select %eq3A_78, %dot_general3A_75, %broadcast_in_dim3A_80 : vector<263x263xi1>, vector<263x263xf32>
    %reduce_sum3A_82 = vector.shape_cast %select_n3A_81 : vector<263x263xf32> to vector<1x263x263xf32>
    %reduce_sum3A_83 = arith.constant dense<0.000000e+00> : vector<1xf32>
    %reduce_sum3A_84 = vector.multi_reduction <add>, %reduce_sum3A_82, %reduce_sum3A_83 [1, 2] : vector<1x263x263xf32> to vector<1xf32>
    %reduce_sum3A_85 = vector.shape_cast %reduce_sum3A_84 : vector<1xf32> to vector<1x1x1xf32>
    %reduce_sum3A_86 = vector.extract %reduce_sum3A_85[0, 0, 0] : f32 from vector<1x1x1xf32>
    %broadcast_in_dim3A_87 = vector.shape_cast %convert_element_type3A_12 : vector<1024xf32> to vector<1x1x1024xf32>
    %mul3A_88 = arith.mulf %get3A_39, %get3A_39 : vector<3x50x1024xf32>
    %mul3A_89 = vector.broadcast %broadcast_in_dim3A_87 : vector<1x1x1024xf32> to vector<3x50x1024xf32>
    %mul3A_90 = arith.mulf %mul3A_88, %mul3A_89 : vector<3x50x1024xf32>
    %reduce_sum3A_91 = vector.shape_cast %mul3A_90 : vector<3x50x1024xf32> to vector<1x3x50x1024xf32>
    %reduce_sum3A_92 = arith.constant dense<0.000000e+00> : vector<1xf32>
    %reduce_sum3A_93 = vector.multi_reduction <add>, %reduce_sum3A_91, %reduce_sum3A_92 [1, 2, 3] : vector<1x3x50x1024xf32> to vector<1xf32>
    %reduce_sum3A_94 = vector.shape_cast %reduce_sum3A_93 : vector<1xf32> to vector<1x1x1x1xf32>
    %reduce_sum3A_95 = vector.extract %reduce_sum3A_94[0, 0, 0, 0] : f32 from vector<1x1x1x1xf32>
    %mul3A_96 = arith.mulf %get3A_43, %get3A_43 : vector<3x36x1024xf32>
    %mul3A_97 = vector.broadcast %broadcast_in_dim3A_87 : vector<1x1x1024xf32> to vector<3x36x1024xf32>
    %mul3A_98 = arith.mulf %mul3A_96, %mul3A_97 : vector<3x36x1024xf32>
    %reduce_sum3A_99 = vector.shape_cast %mul3A_98 : vector<3x36x1024xf32> to vector<1x3x36x1024xf32>
    %reduce_sum3A_100 = arith.constant dense<0.000000e+00> : vector<1xf32>
    %reduce_sum3A_101 = vector.multi_reduction <add>, %reduce_sum3A_99, %reduce_sum3A_100 [1, 2, 3] : vector<1x3x36x1024xf32> to vector<1xf32>
    %reduce_sum3A_102 = vector.shape_cast %reduce_sum3A_101 : vector<1xf32> to vector<1x1x1x1xf32>
    %reduce_sum3A_103 = vector.extract %reduce_sum3A_102[0, 0, 0, 0] : f32 from vector<1x1x1x1xf32>
    %mul3A_104 = arith.mulf %get3A_46, %get3A_46 : vector<5x1024xf32>
    %mul3A_105 = vector.broadcast %broadcast_in_dim3A : vector<1x1024xf32> to vector<5x1024xf32>
    %mul3A_106 = arith.mulf %mul3A_104, %mul3A_105 : vector<5x1024xf32>
    %reduce_sum3A_107 = vector.shape_cast %mul3A_106 : vector<5x1024xf32> to vector<1x5x1024xf32>
    %reduce_sum3A_108 = arith.constant dense<0.000000e+00> : vector<1xf32>
    %reduce_sum3A_109 = vector.multi_reduction <add>, %reduce_sum3A_107, %reduce_sum3A_108 [1, 2] : vector<1x5x1024xf32> to vector<1xf32>
    %reduce_sum3A_110 = vector.shape_cast %reduce_sum3A_109 : vector<1xf32> to vector<1x1x1xf32>
    %reduce_sum3A_111 = vector.extract %reduce_sum3A_110[0, 0, 0] : f32 from vector<1x1x1xf32>
    %mul3A_112 = arith.constant 1.000000e+02 : f32
    %mul3A_113 = arith.mulf %mul3A_112, %reduce_sum3A_95 : f32
    %mul3A_114 = arith.constant 1.000000e+02 : f32
    %mul3A_115 = arith.mulf %mul3A_114, %reduce_sum3A_103 : f32
    %add3A = arith.addf %mul3A_113, %mul3A_115 : f32
    %mul3A_116 = arith.constant 2.000000e-01 : f32
    %mul3A_117 = arith.mulf %mul3A_116, %reduce_sum3A_111 : f32
    %add3A_118 = arith.addf %add3A, %mul3A_117 : f32
    %mul3A_119 = arith.constant 2.000000e+00 : f32
    %mul3A_120 = arith.mulf %mul3A_119, %reduce_sum3A_86 : f32
    %sub3A = arith.subf %add3A_118, %mul3A_120 : f32
    %add3A_121 = arith.addf %sub3A, %reduce_sum3A_32 : f32
    %get3A_122 = arith.constant 0 : index
    %get3A_123 = memref.load %arg7[%get3A_122] : memref<2xf32, #tpu.memory_space<smem>>
    %add3A_124 = arith.addf %get3A_123, %add3A_121 : f32
    %swap3A = arith.constant 0 : index
    %swap3A_125 = memref.load %arg7[%swap3A] : memref<2xf32, #tpu.memory_space<smem>>
    memref.store %add3A_124, %arg7[%swap3A] : memref<2xf32, #tpu.memory_space<smem>>
    %get3A_126 = arith.constant 1 : index
    %get3A_127 = memref.load %arg7[%get3A_126] : memref<2xf32, #tpu.memory_space<smem>>
    %reduce_sum3A_128 = vector.shape_cast %convert_element_type3A_12 : vector<1024xf32> to vector<1x1024xf32>
    %reduce_sum3A_129 = arith.constant dense<0.000000e+00> : vector<1xf32>
    %reduce_sum3A_130 = vector.multi_reduction <add>, %reduce_sum3A_128, %reduce_sum3A_129 [1] : vector<1x1024xf32> to vector<1xf32>
    %reduce_sum3A_131 = vector.shape_cast %reduce_sum3A_130 : vector<1xf32> to vector<1x1xf32>
    %reduce_sum3A_132 = vector.extract %reduce_sum3A_131[0, 0] : f32 from vector<1x1xf32>
    %add3A_133 = arith.addf %get3A_127, %reduce_sum3A_132 : f32
    %swap3A_134 = arith.constant 1 : index
    %swap3A_135 = memref.load %arg7[%swap3A_134] : memref<2xf32, #tpu.memory_space<smem>>
    memref.store %add3A_133, %arg7[%swap3A_134] : memref<2xf32, #tpu.memory_space<smem>>
    %eq3A_136 = arith.constant 7 : i32
    %eq3A_137 = arith.cmpi eq, %arg0, %eq3A_136 : i32
    %convert_element_type3A_138 = arith.extui %eq3A_137 : i1 to i32
    %cond3A_139 = arith.constant 0 : i32
    %cond3A_140 = arith.cmpi ne, %convert_element_type3A_138, %cond3A_139 : i32
    scf.if %cond3A_140 {
      %get3A_141 = arith.constant 0 : index
      %get3A_142 = memref.load %arg7[%get3A_141] : memref<2xf32, #tpu.memory_space<smem>>
      %broadcast_in_dim3A_143 = vector.broadcast %get3A_142 : f32 to vector<1x1xf32>
      %get3A_144 = arith.constant 1 : index
      %get3A_145 = memref.load %arg7[%get3A_144] : memref<2xf32, #tpu.memory_space<smem>>
      %broadcast_in_dim3A_146 = vector.broadcast %get3A_145 : f32 to vector<1x1xf32>
      %concatenate3A_147 = tpu.concatenate %broadcast_in_dim3A_143, %broadcast_in_dim3A_146 in 1 : vector<1x1xf32>, vector<1x1xf32> -> vector<1x2xf32>
      %swap3A_148 = arith.constant 0 : index
      %swap3A_149 = arith.constant 0 : index
      %swap3A_150 = vector.load %arg6[%swap3A_148, %swap3A_149] : memref<1x2xf32, #tpu.memory_space<vmem>>, vector<1x2xf32>
      tpu.vector_store %arg6[%swap3A_148, %swap3A_149], %concatenate3A_147 {strides = array<i32>} : memref<1x2xf32, #tpu.memory_space<vmem>>, vector<1x2xf32>,
    } else {
    }
    return
  }
  func.func @transform_0(%arg0: i32) -> (i32, i32, i32) {
    %add3A = arith.constant 8 : i32
    %add3A_0 = arith.addi %arg0, %add3A : i32
    %c0_i32 = arith.constant 0 : i32
    %c0_i32_1 = arith.constant 0 : i32
    %c0_i32_2 = arith.constant 0 : i32
    return %c0_i32, %c0_i32_1, %add3A_0 : i32, i32, i32
  }
  func.func @transform_1(%arg0: i32) -> (i32, i32, i32) {
    %add3A = arith.constant 8 : i32
    %add3A_0 = arith.addi %arg0, %add3A : i32
    %c0_i32 = arith.constant 0 : i32
    %c0_i32_1 = arith.constant 0 : i32
    %c0_i32_2 = arith.constant 0 : i32
    return %c0_i32, %c0_i32_1, %add3A_0 : i32, i32, i32
  }
  func.func @transform_2(%arg0: i32) -> (i32, i32) {
    %add3A = arith.constant 8 : i32
    %add3A_0 = arith.addi %arg0, %add3A : i32
    %c0_i32 = arith.constant 0 : i32
    %c0_i32_1 = arith.constant 0 : i32
    return %c0_i32, %add3A_0 : i32, i32
  }
  func.func @transform_3(%arg0: i32) -> (i32, i32) {
    %c0_i32 = arith.constant 0 : i32
    %c0_i32_0 = arith.constant 0 : i32
    return %arg0, %c0_i32 : i32, i32
  }
  func.func @transform_4(%arg0: i32) -> (i32, i32, i32) {
    %c0_i32 = arith.constant 0 : i32
    %c0_i32_0 = arith.constant 0 : i32
    %c0_i32_1 = arith.constant 0 : i32
    return %arg0, %c0_i32, %c0_i32_0 : i32, i32, i32
  }
  func.func @transform_5(%arg0: i32) -> (i32, i32) {
    %c0_i32 = arith.constant 0 : i32
    %c0_i32_0 = arith.constant 0 : i32
    %c0_i32_1 = arith.constant 0 : i32
    return %c0_i32, %c0_i32_0 : i32, i32
  }
}

module attributes {stable_mosaic.version = 14 : i64} {
  func.func @_loss_body(%arg0: i32, %arg1: memref<3x50x1024xf32, #tpu.memory_space<vmem>>, %arg2: memref<3x36x1024xf32, #tpu.memory_space<vmem>>, %arg3: memref<5x1024xf32, #tpu.memory_space<vmem>>, %arg4: memref<1024x384xf32, #tpu.memory_space<vmem>>, %arg5: memref<1x1x1024xf32, #tpu.memory_space<vmem>>, %arg6: memref<1x2xf32, #tpu.memory_space<vmem>>, %arg7: memref<2xf32, #tpu.memory_space<smem>>) attributes {dimension_semantics = [#tpu.dimension_semantics<arbitrary>], iteration_bounds = array<i64: 8>, scalar_prefetch = 0 : i64, scratch_operands = 1 : i64, tpu.core_type = #tpu.core_type<tc>, window_params = [{transform_indices = @transform_0, window_bounds = array<i64: 3, 50, 1024>}, {transform_indices = @transform_1, window_bounds = array<i64: 3, 36, 1024>}, {transform_indices = @transform_2, window_bounds = array<i64: 5, 1024>}, {transform_indices = @transform_3, window_bounds = array<i64: 1024, 384>}, {transform_indices = @transform_4, window_bounds = array<i64: 1, 1, 1024>}, {pipeline_mode = #tpu.pipeline_mode<synchronous>, transform_indices = @transform_5, window_bounds = array<i64: 1, 2>}]} {
    %eq3A = arith.constant 0 : i32
    %eq3A_0 = arith.cmpi eq, %arg0, %eq3A : i32
    %convert_element_type3A = arith.extui %eq3A_0 : i1 to i32
    %cond3A = arith.constant 0 : i32
    %cond3A_1 = arith.cmpi ne, %convert_element_type3A, %cond3A : i32
    scf.if %cond3A_1 {
      %swap3A_141 = arith.constant 0.000000e+00 : f32
      %swap3A_142 = arith.constant 0 : index
      %swap3A_143 = memref.load %arg7[%swap3A_142] : memref<2xf32, #tpu.memory_space<smem>>
      memref.store %swap3A_141, %arg7[%swap3A_142] : memref<2xf32, #tpu.memory_space<smem>>
      %swap3A_144 = arith.constant 0.000000e+00 : f32
      %swap3A_145 = arith.constant 1 : index
      %swap3A_146 = memref.load %arg7[%swap3A_145] : memref<2xf32, #tpu.memory_space<smem>>
      memref.store %swap3A_144, %arg7[%swap3A_145] : memref<2xf32, #tpu.memory_space<smem>>
    } else {
    }
    %get3A = arith.constant 0 : index
    %get3A_2 = arith.constant 0 : index
    %get3A_3 = vector.load %arg4[%get3A, %get3A_2] : memref<1024x384xf32, #tpu.memory_space<vmem>>, vector<1024x384xf32>
    %get3A_4 = arith.constant 0 : index
    %get3A_5 = arith.constant 0 : index
    %get3A_6 = arith.constant 0 : index
    %get3A_7 = vector.load %arg5[%get3A_4, %get3A_5, %get3A_6] : memref<1x1x1024xf32, #tpu.memory_space<vmem>>, vector<1x1x1024xf32>
    %get3A_8 = vector.shape_cast %get3A_7 : vector<1x1x1024xf32> to vector<1024xf32>
    %lt3A = arith.constant 1.000000e-01 : f32
    %lt3A_9 = vector.broadcast %lt3A : f32 to vector<1024xf32>
    %lt3A_10 = arith.cmpf olt, %get3A_8, %lt3A_9 : vector<1024xf32>
    %convert_element_type3A_11 = arith.extui %lt3A_10 : vector<1024xi1> to vector<1024xi32>
    %convert_element_type3A_12 = arith.sitofp %convert_element_type3A_11 : vector<1024xi32> to vector<1024xf32>
    %broadcast_in_dim3A = vector.shape_cast %convert_element_type3A_12 : vector<1024xf32> to vector<1x1024xf32>
    %transpose3A = tpu.transpose %broadcast_in_dim3A, [1, 0] : vector<1x1024xf32> -> vector<1024x1xf32>
    %iota3A = tpu.iota {dimensions = array<i32: 1>} : vector<1x384xi32>
    %lt3A_13 = arith.constant 258 : i32
    %lt3A_14 = vector.broadcast %lt3A_13 : i32 to vector<1x384xi32>
    %lt3A_15 = arith.cmpi slt, %iota3A, %lt3A_14 : vector<1x384xi32>
    %lt3A_16 = arith.constant 263 : i32
    %lt3A_17 = vector.broadcast %lt3A_16 : i32 to vector<1x384xi32>
    %lt3A_18 = arith.cmpi slt, %iota3A, %lt3A_17 : vector<1x384xi32>
    %jit3A = arith.constant 2.000000e-01 : f32
    %jit3A_19 = arith.constant 0.000000e+00 : f32
    %broadcast_in_dim3A_20 = vector.broadcast %jit3A : f32 to vector<1x384xf32>
    %broadcast_in_dim3A_21 = vector.broadcast %jit3A_19 : f32 to vector<1x384xf32>
    %select_n3A = arith.select %lt3A_18, %broadcast_in_dim3A_20, %broadcast_in_dim3A_21 : vector<1x384xi1>, vector<1x384xf32>
    %jit3A_22 = arith.constant 1.000000e+02 : f32
    %broadcast_in_dim3A_23 = vector.broadcast %jit3A_22 : f32 to vector<1x384xf32>
    %select_n3A_24 = arith.select %lt3A_15, %broadcast_in_dim3A_23, %select_n3A : vector<1x384xi1>, vector<1x384xf32>
    %mul3A = arith.mulf %get3A_3, %get3A_3 : vector<1024x384xf32>
    %mul3A_25 = vector.broadcast %select_n3A_24 : vector<1x384xf32> to vector<1024x384xf32>
    %mul3A_26 = arith.mulf %mul3A, %mul3A_25 : vector<1024x384xf32>
    %mul3A_27 = vector.broadcast %transpose3A : vector<1024x1xf32> to vector<1024x384xf32>
    %mul3A_28 = arith.mulf %mul3A_26, %mul3A_27 : vector<1024x384xf32>
    %reduce_sum3A = vector.shape_cast %mul3A_28 : vector<1024x384xf32> to vector<1x1024x384xf32>
    %reduce_sum3A_29 = arith.constant dense<0.000000e+00> : vector<1xf32>
    %reduce_sum3A_30 = vector.multi_reduction <add>, %reduce_sum3A, %reduce_sum3A_29 [1, 2] : vector<1x1024x384xf32> to vector<1xf32>
    %reduce_sum3A_31 = vector.shape_cast %reduce_sum3A_30 : vector<1xf32> to vector<1x1x1xf32>
    %reduce_sum3A_32 = vector.extract %reduce_sum3A_31[0, 0, 0] : f32 from vector<1x1x1xf32>
    %mul3A_33 = arith.constant 1.000000e+02 : f32
    %mul3A_34 = vector.broadcast %mul3A_33 : f32 to vector<1x1024xf32>
    %mul3A_35 = arith.mulf %broadcast_in_dim3A, %mul3A_34 : vector<1x1024xf32>
    %get3A_36 = arith.constant 0 : index
    %get3A_37 = arith.constant 0 : index
    %get3A_38 = arith.constant 0 : index
    %get3A_39 = vector.load %arg1[%get3A_36, %get3A_37, %get3A_38] : memref<3x50x1024xf32, #tpu.memory_space<vmem>>, vector<3x50x1024xf32>
    %get3A_40 = arith.constant 0 : index
    %get3A_41 = arith.constant 0 : index
    %get3A_42 = arith.constant 0 : index
    %get3A_43 = vector.load %arg2[%get3A_40, %get3A_41, %get3A_42] : memref<3x36x1024xf32, #tpu.memory_space<vmem>>, vector<3x36x1024xf32>
    %get3A_44 = arith.constant 0 : index
    %get3A_45 = arith.constant 0 : index
    %get3A_46 = vector.load %arg3[%get3A_44, %get3A_45] : memref<5x1024xf32, #tpu.memory_space<vmem>>, vector<5x1024xf32>
    %slice3A = vector.extract_strided_slice %get3A_39 {offsets = [0, 0, 0], sizes = [1, 50, 1024], strides = [1, 1, 1]} : vector<3x50x1024xf32> to vector<1x50x1024xf32>
    %squeeze3A = vector.shape_cast %slice3A : vector<1x50x1024xf32> to vector<50x1024xf32>
    %mul3A_47 = vector.broadcast %mul3A_35 : vector<1x1024xf32> to vector<50x1024xf32>
    %mul3A_48 = arith.mulf %squeeze3A, %mul3A_47 : vector<50x1024xf32>
    %slice3A_49 = vector.extract_strided_slice %get3A_39 {offsets = [1, 0, 0], sizes = [1, 50, 1024], strides = [1, 1, 1]} : vector<3x50x1024xf32> to vector<1x50x1024xf32>
    %squeeze3A_50 = vector.shape_cast %slice3A_49 : vector<1x50x1024xf32> to vector<50x1024xf32>
    %mul3A_51 = vector.broadcast %mul3A_35 : vector<1x1024xf32> to vector<50x1024xf32>
    %mul3A_52 = arith.mulf %squeeze3A_50, %mul3A_51 : vector<50x1024xf32>
    %slice3A_53 = vector.extract_strided_slice %get3A_39 {offsets = [2, 0, 0], sizes = [1, 50, 1024], strides = [1, 1, 1]} : vector<3x50x1024xf32> to vector<1x50x1024xf32>
    %squeeze3A_54 = vector.shape_cast %slice3A_53 : vector<1x50x1024xf32> to vector<50x1024xf32>
    %mul3A_55 = vector.broadcast %mul3A_35 : vector<1x1024xf32> to vector<50x1024xf32>
    %mul3A_56 = arith.mulf %squeeze3A_54, %mul3A_55 : vector<50x1024xf32>
    %slice3A_57 = vector.extract_strided_slice %get3A_43 {offsets = [0, 0, 0], sizes = [1, 36, 1024], strides = [1, 1, 1]} : vector<3x36x1024xf32> to vector<1x36x1024xf32>
    %squeeze3A_58 = vector.shape_cast %slice3A_57 : vector<1x36x1024xf32> to vector<36x1024xf32>
    %mul3A_59 = vector.broadcast %mul3A_35 : vector<1x1024xf32> to vector<36x1024xf32>
    %mul3A_60 = arith.mulf %squeeze3A_58, %mul3A_59 : vector<36x1024xf32>
    %slice3A_61 = vector.extract_strided_slice %get3A_43 {offsets = [1, 0, 0], sizes = [1, 36, 1024], strides = [1, 1, 1]} : vector<3x36x1024xf32> to vector<1x36x1024xf32>
    %squeeze3A_62 = vector.shape_cast %slice3A_61 : vector<1x36x1024xf32> to vector<36x1024xf32>
    %mul3A_63 = vector.broadcast %mul3A_35 : vector<1x1024xf32> to vector<36x1024xf32>
    %mul3A_64 = arith.mulf %squeeze3A_62, %mul3A_63 : vector<36x1024xf32>
    %slice3A_65 = vector.extract_strided_slice %get3A_43 {offsets = [2, 0, 0], sizes = [1, 36, 1024], strides = [1, 1, 1]} : vector<3x36x1024xf32> to vector<1x36x1024xf32>
    %squeeze3A_66 = vector.shape_cast %slice3A_65 : vector<1x36x1024xf32> to vector<36x1024xf32>
    %mul3A_67 = vector.broadcast %mul3A_35 : vector<1x1024xf32> to vector<36x1024xf32>
    %mul3A_68 = arith.mulf %squeeze3A_66, %mul3A_67 : vector<36x1024xf32>
    %mul3A_69 = arith.constant 2.000000e-01 : f32
    %mul3A_70 = vector.broadcast %mul3A_69 : f32 to vector<1x1024xf32>
    %mul3A_71 = arith.mulf %broadcast_in_dim3A, %mul3A_70 : vector<1x1024xf32>
    %mul3A_72 = vector.broadcast %mul3A_71 : vector<1x1024xf32> to vector<5x1024xf32>
    %mul3A_73 = arith.mulf %get3A_46, %mul3A_72 : vector<5x1024xf32>
    %concatenate3A = tpu.concatenate %mul3A_48, %mul3A_52, %mul3A_56, %mul3A_60, %mul3A_64, %mul3A_68, %mul3A_73 in 0 : vector<50x1024xf32>, vector<50x1024xf32>, vector<50x1024xf32>, vector<36x1024xf32>, vector<36x1024xf32>, vector<36x1024xf32>, vector<5x1024xf32> -> vector<263x1024xf32>
    %slice3A_74 = vector.extract_strided_slice %get3A_3 {offsets = [0, 0], sizes = [1024, 263], strides = [1, 1]} : vector<1024x384xf32> to vector<1024x263xf32>
    %dot_general3A = arith.constant dense<0.000000e+00> : vector<263x263xf32>
    %dot_general3A_75 = tpu.matmul %concatenate3A, %slice3A_74, %dot_general3A {dimension_numbers = #tpu.dot_dimension_numbers<[1], [0], [0], [1], [0, 0, 1, 1], [], []>, precision = #tpu.contract_precision<fp32>, transpose_lhs_hint = false} : vector<263x1024xf32>, vector<1024x263xf32>, vector<263x263xf32> -> vector<263x263xf32>
    %iota3A_76 = tpu.iota {dimensions = array<i32: 0>} : vector<263x263xi32>
    %iota3A_77 = tpu.iota {dimensions = array<i32: 1>} : vector<263x263xi32>
    %eq3A_78 = arith.cmpi eq, %iota3A_76, %iota3A_77 : vector<263x263xi32>
    %jit3A_79 = arith.constant 0.000000e+00 : f32
    %broadcast_in_dim3A_80 = vector.broadcast %jit3A_79 : f32 to vector<263x263xf32>
    %select_n3A_81 = arith.select %eq3A_78, %dot_general3A_75, %broadcast_in_dim3A_80 : vector<263x263xi1>, vector<263x263xf32>
    %reduce_sum3A_82 = vector.shape_cast %select_n3A_81 : vector<263x263xf32> to vector<1x263x263xf32>
    %reduce_sum3A_83 = arith.constant dense<0.000000e+00> : vector<1xf32>
    %reduce_sum3A_84 = vector.multi_reduction <add>, %reduce_sum3A_82, %reduce_sum3A_83 [1, 2] : vector<1x263x263xf32> to vector<1xf32>
    %reduce_sum3A_85 = vector.shape_cast %reduce_sum3A_84 : vector<1xf32> to vector<1x1x1xf32>
    %reduce_sum3A_86 = vector.extract %reduce_sum3A_85[0, 0, 0] : f32 from vector<1x1x1xf32>
    %broadcast_in_dim3A_87 = vector.shape_cast %convert_element_type3A_12 : vector<1024xf32> to vector<1x1x1024xf32>
    %mul3A_88 = arith.mulf %get3A_39, %get3A_39 : vector<3x50x1024xf32>
    %mul3A_89 = vector.broadcast %broadcast_in_dim3A_87 : vector<1x1x1024xf32> to vector<3x50x1024xf32>
    %mul3A_90 = arith.mulf %mul3A_88, %mul3A_89 : vector<3x50x1024xf32>
    %reduce_sum3A_91 = vector.shape_cast %mul3A_90 : vector<3x50x1024xf32> to vector<1x3x50x1024xf32>
    %reduce_sum3A_92 = arith.constant dense<0.000000e+00> : vector<1xf32>
    %reduce_sum3A_93 = vector.multi_reduction <add>, %reduce_sum3A_91, %reduce_sum3A_92 [1, 2, 3] : vector<1x3x50x1024xf32> to vector<1xf32>
    %reduce_sum3A_94 = vector.shape_cast %reduce_sum3A_93 : vector<1xf32> to vector<1x1x1x1xf32>
    %reduce_sum3A_95 = vector.extract %reduce_sum3A_94[0, 0, 0, 0] : f32 from vector<1x1x1x1xf32>
    %mul3A_96 = arith.mulf %get3A_43, %get3A_43 : vector<3x36x1024xf32>
    %mul3A_97 = vector.broadcast %broadcast_in_dim3A_87 : vector<1x1x1024xf32> to vector<3x36x1024xf32>
    %mul3A_98 = arith.mulf %mul3A_96, %mul3A_97 : vector<3x36x1024xf32>
    %reduce_sum3A_99 = vector.shape_cast %mul3A_98 : vector<3x36x1024xf32> to vector<1x3x36x1024xf32>
    %reduce_sum3A_100 = arith.constant dense<0.000000e+00> : vector<1xf32>
    %reduce_sum3A_101 = vector.multi_reduction <add>, %reduce_sum3A_99, %reduce_sum3A_100 [1, 2, 3] : vector<1x3x36x1024xf32> to vector<1xf32>
    %reduce_sum3A_102 = vector.shape_cast %reduce_sum3A_101 : vector<1xf32> to vector<1x1x1x1xf32>
    %reduce_sum3A_103 = vector.extract %reduce_sum3A_102[0, 0, 0, 0] : f32 from vector<1x1x1x1xf32>
    %mul3A_104 = arith.mulf %get3A_46, %get3A_46 : vector<5x1024xf32>
    %mul3A_105 = vector.broadcast %broadcast_in_dim3A : vector<1x1024xf32> to vector<5x1024xf32>
    %mul3A_106 = arith.mulf %mul3A_104, %mul3A_105 : vector<5x1024xf32>
    %reduce_sum3A_107 = vector.shape_cast %mul3A_106 : vector<5x1024xf32> to vector<1x5x1024xf32>
    %reduce_sum3A_108 = arith.constant dense<0.000000e+00> : vector<1xf32>
    %reduce_sum3A_109 = vector.multi_reduction <add>, %reduce_sum3A_107, %reduce_sum3A_108 [1, 2] : vector<1x5x1024xf32> to vector<1xf32>
    %reduce_sum3A_110 = vector.shape_cast %reduce_sum3A_109 : vector<1xf32> to vector<1x1x1xf32>
    %reduce_sum3A_111 = vector.extract %reduce_sum3A_110[0, 0, 0] : f32 from vector<1x1x1xf32>
    %mul3A_112 = arith.constant 1.000000e+02 : f32
    %mul3A_113 = arith.mulf %mul3A_112, %reduce_sum3A_95 : f32
    %mul3A_114 = arith.constant 1.000000e+02 : f32
    %mul3A_115 = arith.mulf %mul3A_114, %reduce_sum3A_103 : f32
    %add3A = arith.addf %mul3A_113, %mul3A_115 : f32
    %mul3A_116 = arith.constant 2.000000e-01 : f32
    %mul3A_117 = arith.mulf %mul3A_116, %reduce_sum3A_111 : f32
    %add3A_118 = arith.addf %add3A, %mul3A_117 : f32
    %mul3A_119 = arith.constant 2.000000e+00 : f32
    %mul3A_120 = arith.mulf %mul3A_119, %reduce_sum3A_86 : f32
    %sub3A = arith.subf %add3A_118, %mul3A_120 : f32
    %add3A_121 = arith.addf %sub3A, %reduce_sum3A_32 : f32
    %get3A_122 = arith.constant 0 : index
    %get3A_123 = memref.load %arg7[%get3A_122] : memref<2xf32, #tpu.memory_space<smem>>
    %add3A_124 = arith.addf %get3A_123, %add3A_121 : f32
    %swap3A = arith.constant 0 : index
    %swap3A_125 = memref.load %arg7[%swap3A] : memref<2xf32, #tpu.memory_space<smem>>
    memref.store %add3A_124, %arg7[%swap3A] : memref<2xf32, #tpu.memory_space<smem>>
    %get3A_126 = arith.constant 1 : index
    %get3A_127 = memref.load %arg7[%get3A_126] : memref<2xf32, #tpu.memory_space<smem>>
    %reduce_sum3A_128 = vector.shape_cast %convert_element_type3A_12 : vector<1024xf32> to vector<1x1024xf32>
    %reduce_sum3A_129 = arith.constant dense<0.000000e+00> : vector<1xf32>
    %reduce_sum3A_130 = vector.multi_reduction <add>, %reduce_sum3A_128, %reduce_sum3A_129 [1] : vector<1x1024xf32> to vector<1xf32>
    %reduce_sum3A_131 = vector.shape_cast %reduce_sum3A_130 : vector<1xf32> to vector<1x1xf32>
    %reduce_sum3A_132 = vector.extract %reduce_sum3A_131[0, 0] : f32 from vector<1x1xf32>
    %add3A_133 = arith.addf %get3A_127, %reduce_sum3A_132 : f32
    %swap3A_134 = arith.constant 1 : index
    %swap3A_135 = memref.load %arg7[%swap3A_134] : memref<2xf32, #tpu.memory_space<smem>>
    memref.store %add3A_133, %arg7[%swap3A_134] : memref<2xf32, #tpu.memory_space<smem>>
    %eq3A_136 = arith.constant 7 : i32
    %eq3A_137 = arith.cmpi eq, %arg0, %eq3A_136 : i32
    %convert_element_type3A_138 = arith.extui %eq3A_137 : i1 to i32
    %cond3A_139 = arith.constant 0 : i32
    %cond3A_140 = arith.cmpi ne, %convert_element_type3A_138, %cond3A_139 : i32
    scf.if %cond3A_140 {
      %get3A_141 = arith.constant 0 : index
      %get3A_142 = memref.load %arg7[%get3A_141] : memref<2xf32, #tpu.memory_space<smem>>
      %broadcast_in_dim3A_143 = vector.broadcast %get3A_142 : f32 to vector<1x1xf32>
      %get3A_144 = arith.constant 1 : index
      %get3A_145 = memref.load %arg7[%get3A_144] : memref<2xf32, #tpu.memory_space<smem>>
      %broadcast_in_dim3A_146 = vector.broadcast %get3A_145 : f32 to vector<1x1xf32>
      %concatenate3A_147 = tpu.concatenate %broadcast_in_dim3A_143, %broadcast_in_dim3A_146 in 1 : vector<1x1xf32>, vector<1x1xf32> -> vector<1x2xf32>
      %swap3A_148 = arith.constant 0 : index
      %swap3A_149 = arith.constant 0 : index
      %swap3A_150 = vector.load %arg6[%swap3A_148, %swap3A_149] : memref<1x2xf32, #tpu.memory_space<vmem>>, vector<1x2xf32>
      tpu.vector_store %arg6[%swap3A_148, %swap3A_149], %concatenate3A_147 {strides = array<i32>} : memref<1x2xf32, #tpu.memory_space<vmem>>, vector<1x2xf32>,
    } else {
    }
    return
  }
  func.func @transform_0(%arg0: i32) -> (i32, i32, i32) {
    %add3A = arith.constant 0 : i32
    %add3A_0 = arith.addi %arg0, %add3A : i32
    %c0_i32 = arith.constant 0 : i32
    %c0_i32_1 = arith.constant 0 : i32
    %c0_i32_2 = arith.constant 0 : i32
    return %c0_i32, %c0_i32_1, %add3A_0 : i32, i32, i32
  }
  func.func @transform_1(%arg0: i32) -> (i32, i32, i32) {
    %add3A = arith.constant 0 : i32
    %add3A_0 = arith.addi %arg0, %add3A : i32
    %c0_i32 = arith.constant 0 : i32
    %c0_i32_1 = arith.constant 0 : i32
    %c0_i32_2 = arith.constant 0 : i32
    return %c0_i32, %c0_i32_1, %add3A_0 : i32, i32, i32
  }
  func.func @transform_2(%arg0: i32) -> (i32, i32) {
    %add3A = arith.constant 0 : i32
    %add3A_0 = arith.addi %arg0, %add3A : i32
    %c0_i32 = arith.constant 0 : i32
    %c0_i32_1 = arith.constant 0 : i32
    return %c0_i32, %add3A_0 : i32, i32
  }
  func.func @transform_3(%arg0: i32) -> (i32, i32) {
    %c0_i32 = arith.constant 0 : i32
    %c0_i32_0 = arith.constant 0 : i32
    return %arg0, %c0_i32 : i32, i32
  }
  func.func @transform_4(%arg0: i32) -> (i32, i32, i32) {
    %c0_i32 = arith.constant 0 : i32
    %c0_i32_0 = arith.constant 0 : i32
    %c0_i32_1 = arith.constant 0 : i32
    return %arg0, %c0_i32, %c0_i32_0 : i32, i32, i32
  }
  func.func @transform_5(%arg0: i32) -> (i32, i32) {
    %c0_i32 = arith.constant 0 : i32
    %c0_i32_0 = arith.constant 0 : i32
    %c0_i32_1 = arith.constant 0 : i32
    return %c0_i32, %c0_i32_0 : i32, i32
  }
}

module attributes {stable_mosaic.version = 14 : i64} {
  func.func @_loss_body(%arg0: i32, %arg1: memref<3x50x1024xf32, #tpu.memory_space<vmem>>, %arg2: memref<3x36x1024xf32, #tpu.memory_space<vmem>>, %arg3: memref<5x1024xf32, #tpu.memory_space<vmem>>, %arg4: memref<1024x384xf32, #tpu.memory_space<vmem>>, %arg5: memref<1x1x1024xf32, #tpu.memory_space<vmem>>, %arg6: memref<1x2xf32, #tpu.memory_space<vmem>>, %arg7: memref<2xf32, #tpu.memory_space<smem>>) attributes {dimension_semantics = [#tpu.dimension_semantics<arbitrary>], iteration_bounds = array<i64: 8>, scalar_prefetch = 0 : i64, scratch_operands = 1 : i64, tpu.core_type = #tpu.core_type<tc>, window_params = [{transform_indices = @transform_0, window_bounds = array<i64: 3, 50, 1024>}, {transform_indices = @transform_1, window_bounds = array<i64: 3, 36, 1024>}, {transform_indices = @transform_2, window_bounds = array<i64: 5, 1024>}, {transform_indices = @transform_3, window_bounds = array<i64: 1024, 384>}, {transform_indices = @transform_4, window_bounds = array<i64: 1, 1, 1024>}, {pipeline_mode = #tpu.pipeline_mode<synchronous>, transform_indices = @transform_5, window_bounds = array<i64: 1, 2>}]} {
    %eq3A = arith.constant 0 : i32
    %eq3A_0 = arith.cmpi eq, %arg0, %eq3A : i32
    %convert_element_type3A = arith.extui %eq3A_0 : i1 to i32
    %cond3A = arith.constant 0 : i32
    %cond3A_1 = arith.cmpi ne, %convert_element_type3A, %cond3A : i32
    scf.if %cond3A_1 {
      %swap3A_141 = arith.constant 0.000000e+00 : f32
      %swap3A_142 = arith.constant 0 : index
      %swap3A_143 = memref.load %arg7[%swap3A_142] : memref<2xf32, #tpu.memory_space<smem>>
      memref.store %swap3A_141, %arg7[%swap3A_142] : memref<2xf32, #tpu.memory_space<smem>>
      %swap3A_144 = arith.constant 0.000000e+00 : f32
      %swap3A_145 = arith.constant 1 : index
      %swap3A_146 = memref.load %arg7[%swap3A_145] : memref<2xf32, #tpu.memory_space<smem>>
      memref.store %swap3A_144, %arg7[%swap3A_145] : memref<2xf32, #tpu.memory_space<smem>>
    } else {
    }
    %get3A = arith.constant 0 : index
    %get3A_2 = arith.constant 0 : index
    %get3A_3 = vector.load %arg4[%get3A, %get3A_2] : memref<1024x384xf32, #tpu.memory_space<vmem>>, vector<1024x384xf32>
    %get3A_4 = arith.constant 0 : index
    %get3A_5 = arith.constant 0 : index
    %get3A_6 = arith.constant 0 : index
    %get3A_7 = vector.load %arg5[%get3A_4, %get3A_5, %get3A_6] : memref<1x1x1024xf32, #tpu.memory_space<vmem>>, vector<1x1x1024xf32>
    %get3A_8 = vector.shape_cast %get3A_7 : vector<1x1x1024xf32> to vector<1024xf32>
    %lt3A = arith.constant 1.000000e-01 : f32
    %lt3A_9 = vector.broadcast %lt3A : f32 to vector<1024xf32>
    %lt3A_10 = arith.cmpf olt, %get3A_8, %lt3A_9 : vector<1024xf32>
    %convert_element_type3A_11 = arith.extui %lt3A_10 : vector<1024xi1> to vector<1024xi32>
    %convert_element_type3A_12 = arith.sitofp %convert_element_type3A_11 : vector<1024xi32> to vector<1024xf32>
    %broadcast_in_dim3A = vector.shape_cast %convert_element_type3A_12 : vector<1024xf32> to vector<1x1024xf32>
    %transpose3A = tpu.transpose %broadcast_in_dim3A, [1, 0] : vector<1x1024xf32> -> vector<1024x1xf32>
    %iota3A = tpu.iota {dimensions = array<i32: 1>} : vector<1x384xi32>
    %lt3A_13 = arith.constant 258 : i32
    %lt3A_14 = vector.broadcast %lt3A_13 : i32 to vector<1x384xi32>
    %lt3A_15 = arith.cmpi slt, %iota3A, %lt3A_14 : vector<1x384xi32>
    %lt3A_16 = arith.constant 263 : i32
    %lt3A_17 = vector.broadcast %lt3A_16 : i32 to vector<1x384xi32>
    %lt3A_18 = arith.cmpi slt, %iota3A, %lt3A_17 : vector<1x384xi32>
    %jit3A = arith.constant 2.000000e-01 : f32
    %jit3A_19 = arith.constant 0.000000e+00 : f32
    %broadcast_in_dim3A_20 = vector.broadcast %jit3A : f32 to vector<1x384xf32>
    %broadcast_in_dim3A_21 = vector.broadcast %jit3A_19 : f32 to vector<1x384xf32>
    %select_n3A = arith.select %lt3A_18, %broadcast_in_dim3A_20, %broadcast_in_dim3A_21 : vector<1x384xi1>, vector<1x384xf32>
    %jit3A_22 = arith.constant 1.000000e+02 : f32
    %broadcast_in_dim3A_23 = vector.broadcast %jit3A_22 : f32 to vector<1x384xf32>
    %select_n3A_24 = arith.select %lt3A_15, %broadcast_in_dim3A_23, %select_n3A : vector<1x384xi1>, vector<1x384xf32>
    %mul3A = arith.mulf %get3A_3, %get3A_3 : vector<1024x384xf32>
    %mul3A_25 = vector.broadcast %select_n3A_24 : vector<1x384xf32> to vector<1024x384xf32>
    %mul3A_26 = arith.mulf %mul3A, %mul3A_25 : vector<1024x384xf32>
    %mul3A_27 = vector.broadcast %transpose3A : vector<1024x1xf32> to vector<1024x384xf32>
    %mul3A_28 = arith.mulf %mul3A_26, %mul3A_27 : vector<1024x384xf32>
    %reduce_sum3A = vector.shape_cast %mul3A_28 : vector<1024x384xf32> to vector<1x1024x384xf32>
    %reduce_sum3A_29 = arith.constant dense<0.000000e+00> : vector<1xf32>
    %reduce_sum3A_30 = vector.multi_reduction <add>, %reduce_sum3A, %reduce_sum3A_29 [1, 2] : vector<1x1024x384xf32> to vector<1xf32>
    %reduce_sum3A_31 = vector.shape_cast %reduce_sum3A_30 : vector<1xf32> to vector<1x1x1xf32>
    %reduce_sum3A_32 = vector.extract %reduce_sum3A_31[0, 0, 0] : f32 from vector<1x1x1xf32>
    %mul3A_33 = arith.constant 1.000000e+02 : f32
    %mul3A_34 = vector.broadcast %mul3A_33 : f32 to vector<1x1024xf32>
    %mul3A_35 = arith.mulf %broadcast_in_dim3A, %mul3A_34 : vector<1x1024xf32>
    %get3A_36 = arith.constant 0 : index
    %get3A_37 = arith.constant 0 : index
    %get3A_38 = arith.constant 0 : index
    %get3A_39 = vector.load %arg1[%get3A_36, %get3A_37, %get3A_38] : memref<3x50x1024xf32, #tpu.memory_space<vmem>>, vector<3x50x1024xf32>
    %get3A_40 = arith.constant 0 : index
    %get3A_41 = arith.constant 0 : index
    %get3A_42 = arith.constant 0 : index
    %get3A_43 = vector.load %arg2[%get3A_40, %get3A_41, %get3A_42] : memref<3x36x1024xf32, #tpu.memory_space<vmem>>, vector<3x36x1024xf32>
    %get3A_44 = arith.constant 0 : index
    %get3A_45 = arith.constant 0 : index
    %get3A_46 = vector.load %arg3[%get3A_44, %get3A_45] : memref<5x1024xf32, #tpu.memory_space<vmem>>, vector<5x1024xf32>
    %slice3A = vector.extract_strided_slice %get3A_39 {offsets = [0, 0, 0], sizes = [1, 50, 1024], strides = [1, 1, 1]} : vector<3x50x1024xf32> to vector<1x50x1024xf32>
    %squeeze3A = vector.shape_cast %slice3A : vector<1x50x1024xf32> to vector<50x1024xf32>
    %mul3A_47 = vector.broadcast %mul3A_35 : vector<1x1024xf32> to vector<50x1024xf32>
    %mul3A_48 = arith.mulf %squeeze3A, %mul3A_47 : vector<50x1024xf32>
    %slice3A_49 = vector.extract_strided_slice %get3A_39 {offsets = [1, 0, 0], sizes = [1, 50, 1024], strides = [1, 1, 1]} : vector<3x50x1024xf32> to vector<1x50x1024xf32>
    %squeeze3A_50 = vector.shape_cast %slice3A_49 : vector<1x50x1024xf32> to vector<50x1024xf32>
    %mul3A_51 = vector.broadcast %mul3A_35 : vector<1x1024xf32> to vector<50x1024xf32>
    %mul3A_52 = arith.mulf %squeeze3A_50, %mul3A_51 : vector<50x1024xf32>
    %slice3A_53 = vector.extract_strided_slice %get3A_39 {offsets = [2, 0, 0], sizes = [1, 50, 1024], strides = [1, 1, 1]} : vector<3x50x1024xf32> to vector<1x50x1024xf32>
    %squeeze3A_54 = vector.shape_cast %slice3A_53 : vector<1x50x1024xf32> to vector<50x1024xf32>
    %mul3A_55 = vector.broadcast %mul3A_35 : vector<1x1024xf32> to vector<50x1024xf32>
    %mul3A_56 = arith.mulf %squeeze3A_54, %mul3A_55 : vector<50x1024xf32>
    %slice3A_57 = vector.extract_strided_slice %get3A_43 {offsets = [0, 0, 0], sizes = [1, 36, 1024], strides = [1, 1, 1]} : vector<3x36x1024xf32> to vector<1x36x1024xf32>
    %squeeze3A_58 = vector.shape_cast %slice3A_57 : vector<1x36x1024xf32> to vector<36x1024xf32>
    %mul3A_59 = vector.broadcast %mul3A_35 : vector<1x1024xf32> to vector<36x1024xf32>
    %mul3A_60 = arith.mulf %squeeze3A_58, %mul3A_59 : vector<36x1024xf32>
    %slice3A_61 = vector.extract_strided_slice %get3A_43 {offsets = [1, 0, 0], sizes = [1, 36, 1024], strides = [1, 1, 1]} : vector<3x36x1024xf32> to vector<1x36x1024xf32>
    %squeeze3A_62 = vector.shape_cast %slice3A_61 : vector<1x36x1024xf32> to vector<36x1024xf32>
    %mul3A_63 = vector.broadcast %mul3A_35 : vector<1x1024xf32> to vector<36x1024xf32>
    %mul3A_64 = arith.mulf %squeeze3A_62, %mul3A_63 : vector<36x1024xf32>
    %slice3A_65 = vector.extract_strided_slice %get3A_43 {offsets = [2, 0, 0], sizes = [1, 36, 1024], strides = [1, 1, 1]} : vector<3x36x1024xf32> to vector<1x36x1024xf32>
    %squeeze3A_66 = vector.shape_cast %slice3A_65 : vector<1x36x1024xf32> to vector<36x1024xf32>
    %mul3A_67 = vector.broadcast %mul3A_35 : vector<1x1024xf32> to vector<36x1024xf32>
    %mul3A_68 = arith.mulf %squeeze3A_66, %mul3A_67 : vector<36x1024xf32>
    %mul3A_69 = arith.constant 2.000000e-01 : f32
    %mul3A_70 = vector.broadcast %mul3A_69 : f32 to vector<1x1024xf32>
    %mul3A_71 = arith.mulf %broadcast_in_dim3A, %mul3A_70 : vector<1x1024xf32>
    %mul3A_72 = vector.broadcast %mul3A_71 : vector<1x1024xf32> to vector<5x1024xf32>
    %mul3A_73 = arith.mulf %get3A_46, %mul3A_72 : vector<5x1024xf32>
    %concatenate3A = tpu.concatenate %mul3A_48, %mul3A_52, %mul3A_56, %mul3A_60, %mul3A_64, %mul3A_68, %mul3A_73 in 0 : vector<50x1024xf32>, vector<50x1024xf32>, vector<50x1024xf32>, vector<36x1024xf32>, vector<36x1024xf32>, vector<36x1024xf32>, vector<5x1024xf32> -> vector<263x1024xf32>
    %slice3A_74 = vector.extract_strided_slice %get3A_3 {offsets = [0, 0], sizes = [1024, 263], strides = [1, 1]} : vector<1024x384xf32> to vector<1024x263xf32>
    %dot_general3A = arith.constant dense<0.000000e+00> : vector<263x263xf32>
    %dot_general3A_75 = tpu.matmul %concatenate3A, %slice3A_74, %dot_general3A {dimension_numbers = #tpu.dot_dimension_numbers<[1], [0], [0], [1], [0, 0, 1, 1], [], []>, precision = #tpu.contract_precision<fp32>, transpose_lhs_hint = false} : vector<263x1024xf32>, vector<1024x263xf32>, vector<263x263xf32> -> vector<263x263xf32>
    %iota3A_76 = tpu.iota {dimensions = array<i32: 0>} : vector<263x263xi32>
    %iota3A_77 = tpu.iota {dimensions = array<i32: 1>} : vector<263x263xi32>
    %eq3A_78 = arith.cmpi eq, %iota3A_76, %iota3A_77 : vector<263x263xi32>
    %jit3A_79 = arith.constant 0.000000e+00 : f32
    %broadcast_in_dim3A_80 = vector.broadcast %jit3A_79 : f32 to vector<263x263xf32>
    %select_n3A_81 = arith.select %eq3A_78, %dot_general3A_75, %broadcast_in_dim3A_80 : vector<263x263xi1>, vector<263x263xf32>
    %reduce_sum3A_82 = vector.shape_cast %select_n3A_81 : vector<263x263xf32> to vector<1x263x263xf32>
    %reduce_sum3A_83 = arith.constant dense<0.000000e+00> : vector<1xf32>
    %reduce_sum3A_84 = vector.multi_reduction <add>, %reduce_sum3A_82, %reduce_sum3A_83 [1, 2] : vector<1x263x263xf32> to vector<1xf32>
    %reduce_sum3A_85 = vector.shape_cast %reduce_sum3A_84 : vector<1xf32> to vector<1x1x1xf32>
    %reduce_sum3A_86 = vector.extract %reduce_sum3A_85[0, 0, 0] : f32 from vector<1x1x1xf32>
    %broadcast_in_dim3A_87 = vector.shape_cast %convert_element_type3A_12 : vector<1024xf32> to vector<1x1x1024xf32>
    %mul3A_88 = arith.mulf %get3A_39, %get3A_39 : vector<3x50x1024xf32>
    %mul3A_89 = vector.broadcast %broadcast_in_dim3A_87 : vector<1x1x1024xf32> to vector<3x50x1024xf32>
    %mul3A_90 = arith.mulf %mul3A_88, %mul3A_89 : vector<3x50x1024xf32>
    %reduce_sum3A_91 = vector.shape_cast %mul3A_90 : vector<3x50x1024xf32> to vector<1x3x50x1024xf32>
    %reduce_sum3A_92 = arith.constant dense<0.000000e+00> : vector<1xf32>
    %reduce_sum3A_93 = vector.multi_reduction <add>, %reduce_sum3A_91, %reduce_sum3A_92 [1, 2, 3] : vector<1x3x50x1024xf32> to vector<1xf32>
    %reduce_sum3A_94 = vector.shape_cast %reduce_sum3A_93 : vector<1xf32> to vector<1x1x1x1xf32>
    %reduce_sum3A_95 = vector.extract %reduce_sum3A_94[0, 0, 0, 0] : f32 from vector<1x1x1x1xf32>
    %mul3A_96 = arith.mulf %get3A_43, %get3A_43 : vector<3x36x1024xf32>
    %mul3A_97 = vector.broadcast %broadcast_in_dim3A_87 : vector<1x1x1024xf32> to vector<3x36x1024xf32>
    %mul3A_98 = arith.mulf %mul3A_96, %mul3A_97 : vector<3x36x1024xf32>
    %reduce_sum3A_99 = vector.shape_cast %mul3A_98 : vector<3x36x1024xf32> to vector<1x3x36x1024xf32>
    %reduce_sum3A_100 = arith.constant dense<0.000000e+00> : vector<1xf32>
    %reduce_sum3A_101 = vector.multi_reduction <add>, %reduce_sum3A_99, %reduce_sum3A_100 [1, 2, 3] : vector<1x3x36x1024xf32> to vector<1xf32>
    %reduce_sum3A_102 = vector.shape_cast %reduce_sum3A_101 : vector<1xf32> to vector<1x1x1x1xf32>
    %reduce_sum3A_103 = vector.extract %reduce_sum3A_102[0, 0, 0, 0] : f32 from vector<1x1x1x1xf32>
    %mul3A_104 = arith.mulf %get3A_46, %get3A_46 : vector<5x1024xf32>
    %mul3A_105 = vector.broadcast %broadcast_in_dim3A : vector<1x1024xf32> to vector<5x1024xf32>
    %mul3A_106 = arith.mulf %mul3A_104, %mul3A_105 : vector<5x1024xf32>
    %reduce_sum3A_107 = vector.shape_cast %mul3A_106 : vector<5x1024xf32> to vector<1x5x1024xf32>
    %reduce_sum3A_108 = arith.constant dense<0.000000e+00> : vector<1xf32>
    %reduce_sum3A_109 = vector.multi_reduction <add>, %reduce_sum3A_107, %reduce_sum3A_108 [1, 2] : vector<1x5x1024xf32> to vector<1xf32>
    %reduce_sum3A_110 = vector.shape_cast %reduce_sum3A_109 : vector<1xf32> to vector<1x1x1xf32>
    %reduce_sum3A_111 = vector.extract %reduce_sum3A_110[0, 0, 0] : f32 from vector<1x1x1xf32>
    %mul3A_112 = arith.constant 1.000000e+02 : f32
    %mul3A_113 = arith.mulf %mul3A_112, %reduce_sum3A_95 : f32
    %mul3A_114 = arith.constant 1.000000e+02 : f32
    %mul3A_115 = arith.mulf %mul3A_114, %reduce_sum3A_103 : f32
    %add3A = arith.addf %mul3A_113, %mul3A_115 : f32
    %mul3A_116 = arith.constant 2.000000e-01 : f32
    %mul3A_117 = arith.mulf %mul3A_116, %reduce_sum3A_111 : f32
    %add3A_118 = arith.addf %add3A, %mul3A_117 : f32
    %mul3A_119 = arith.constant 2.000000e+00 : f32
    %mul3A_120 = arith.mulf %mul3A_119, %reduce_sum3A_86 : f32
    %sub3A = arith.subf %add3A_118, %mul3A_120 : f32
    %add3A_121 = arith.addf %sub3A, %reduce_sum3A_32 : f32
    %get3A_122 = arith.constant 0 : index
    %get3A_123 = memref.load %arg7[%get3A_122] : memref<2xf32, #tpu.memory_space<smem>>
    %add3A_124 = arith.addf %get3A_123, %add3A_121 : f32
    %swap3A = arith.constant 0 : index
    %swap3A_125 = memref.load %arg7[%swap3A] : memref<2xf32, #tpu.memory_space<smem>>
    memref.store %add3A_124, %arg7[%swap3A] : memref<2xf32, #tpu.memory_space<smem>>
    %get3A_126 = arith.constant 1 : index
    %get3A_127 = memref.load %arg7[%get3A_126] : memref<2xf32, #tpu.memory_space<smem>>
    %reduce_sum3A_128 = vector.shape_cast %convert_element_type3A_12 : vector<1024xf32> to vector<1x1024xf32>
    %reduce_sum3A_129 = arith.constant dense<0.000000e+00> : vector<1xf32>
    %reduce_sum3A_130 = vector.multi_reduction <add>, %reduce_sum3A_128, %reduce_sum3A_129 [1] : vector<1x1024xf32> to vector<1xf32>
    %reduce_sum3A_131 = vector.shape_cast %reduce_sum3A_130 : vector<1xf32> to vector<1x1xf32>
    %reduce_sum3A_132 = vector.extract %reduce_sum3A_131[0, 0] : f32 from vector<1x1xf32>
    %add3A_133 = arith.addf %get3A_127, %reduce_sum3A_132 : f32
    %swap3A_134 = arith.constant 1 : index
    %swap3A_135 = memref.load %arg7[%swap3A_134] : memref<2xf32, #tpu.memory_space<smem>>
    memref.store %add3A_133, %arg7[%swap3A_134] : memref<2xf32, #tpu.memory_space<smem>>
    %eq3A_136 = arith.constant 7 : i32
    %eq3A_137 = arith.cmpi eq, %arg0, %eq3A_136 : i32
    %convert_element_type3A_138 = arith.extui %eq3A_137 : i1 to i32
    %cond3A_139 = arith.constant 0 : i32
    %cond3A_140 = arith.cmpi ne, %convert_element_type3A_138, %cond3A_139 : i32
    scf.if %cond3A_140 {
      %get3A_141 = arith.constant 0 : index
      %get3A_142 = memref.load %arg7[%get3A_141] : memref<2xf32, #tpu.memory_space<smem>>
      %broadcast_in_dim3A_143 = vector.broadcast %get3A_142 : f32 to vector<1x1xf32>
      %get3A_144 = arith.constant 1 : index
      %get3A_145 = memref.load %arg7[%get3A_144] : memref<2xf32, #tpu.memory_space<smem>>
      %broadcast_in_dim3A_146 = vector.broadcast %get3A_145 : f32 to vector<1x1xf32>
      %concatenate3A_147 = tpu.concatenate %broadcast_in_dim3A_143, %broadcast_in_dim3A_146 in 1 : vector<1x1xf32>, vector<1x1xf32> -> vector<1x2xf32>
      %swap3A_148 = arith.constant 0 : index
      %swap3A_149 = arith.constant 0 : index
      %swap3A_150 = vector.load %arg6[%swap3A_148, %swap3A_149] : memref<1x2xf32, #tpu.memory_space<vmem>>, vector<1x2xf32>
      tpu.vector_store %arg6[%swap3A_148, %swap3A_149], %concatenate3A_147 {strides = array<i32>} : memref<1x2xf32, #tpu.memory_space<vmem>>, vector<1x2xf32>,
    } else {
    }
    return
  }
  func.func @transform_0(%arg0: i32) -> (i32, i32, i32) {
    %add3A = arith.constant 16 : i32
    %add3A_0 = arith.addi %arg0, %add3A : i32
    %c0_i32 = arith.constant 0 : i32
    %c0_i32_1 = arith.constant 0 : i32
    %c0_i32_2 = arith.constant 0 : i32
    return %c0_i32, %c0_i32_1, %add3A_0 : i32, i32, i32
  }
  func.func @transform_1(%arg0: i32) -> (i32, i32, i32) {
    %add3A = arith.constant 16 : i32
    %add3A_0 = arith.addi %arg0, %add3A : i32
    %c0_i32 = arith.constant 0 : i32
    %c0_i32_1 = arith.constant 0 : i32
    %c0_i32_2 = arith.constant 0 : i32
    return %c0_i32, %c0_i32_1, %add3A_0 : i32, i32, i32
  }
  func.func @transform_2(%arg0: i32) -> (i32, i32) {
    %add3A = arith.constant 16 : i32
    %add3A_0 = arith.addi %arg0, %add3A : i32
    %c0_i32 = arith.constant 0 : i32
    %c0_i32_1 = arith.constant 0 : i32
    return %c0_i32, %add3A_0 : i32, i32
  }
  func.func @transform_3(%arg0: i32) -> (i32, i32) {
    %c0_i32 = arith.constant 0 : i32
    %c0_i32_0 = arith.constant 0 : i32
    return %arg0, %c0_i32 : i32, i32
  }
  func.func @transform_4(%arg0: i32) -> (i32, i32, i32) {
    %c0_i32 = arith.constant 0 : i32
    %c0_i32_0 = arith.constant 0 : i32
    %c0_i32_1 = arith.constant 0 : i32
    return %arg0, %c0_i32, %c0_i32_0 : i32, i32, i32
  }
  func.func @transform_5(%arg0: i32) -> (i32, i32) {
    %c0_i32 = arith.constant 0 : i32
    %c0_i32_0 = arith.constant 0 : i32
    %c0_i32_1 = arith.constant 0 : i32
    return %c0_i32, %c0_i32_0 : i32, i32
  }
}

module attributes {stable_mosaic.version = 14 : i64} {
  func.func @_loss_body(%arg0: i32, %arg1: memref<3x50x1024xf32, #tpu.memory_space<vmem>>, %arg2: memref<3x36x1024xf32, #tpu.memory_space<vmem>>, %arg3: memref<5x1024xf32, #tpu.memory_space<vmem>>, %arg4: memref<1024x384xf32, #tpu.memory_space<vmem>>, %arg5: memref<1x1x1024xf32, #tpu.memory_space<vmem>>, %arg6: memref<1x2xf32, #tpu.memory_space<vmem>>, %arg7: memref<2xf32, #tpu.memory_space<smem>>) attributes {dimension_semantics = [#tpu.dimension_semantics<arbitrary>], iteration_bounds = array<i64: 8>, scalar_prefetch = 0 : i64, scratch_operands = 1 : i64, tpu.core_type = #tpu.core_type<tc>, window_params = [{transform_indices = @transform_0, window_bounds = array<i64: 3, 50, 1024>}, {transform_indices = @transform_1, window_bounds = array<i64: 3, 36, 1024>}, {transform_indices = @transform_2, window_bounds = array<i64: 5, 1024>}, {transform_indices = @transform_3, window_bounds = array<i64: 1024, 384>}, {transform_indices = @transform_4, window_bounds = array<i64: 1, 1, 1024>}, {pipeline_mode = #tpu.pipeline_mode<synchronous>, transform_indices = @transform_5, window_bounds = array<i64: 1, 2>}]} {
    %eq3A = arith.constant 0 : i32
    %eq3A_0 = arith.cmpi eq, %arg0, %eq3A : i32
    %convert_element_type3A = arith.extui %eq3A_0 : i1 to i32
    %cond3A = arith.constant 0 : i32
    %cond3A_1 = arith.cmpi ne, %convert_element_type3A, %cond3A : i32
    scf.if %cond3A_1 {
      %swap3A_141 = arith.constant 0.000000e+00 : f32
      %swap3A_142 = arith.constant 0 : index
      %swap3A_143 = memref.load %arg7[%swap3A_142] : memref<2xf32, #tpu.memory_space<smem>>
      memref.store %swap3A_141, %arg7[%swap3A_142] : memref<2xf32, #tpu.memory_space<smem>>
      %swap3A_144 = arith.constant 0.000000e+00 : f32
      %swap3A_145 = arith.constant 1 : index
      %swap3A_146 = memref.load %arg7[%swap3A_145] : memref<2xf32, #tpu.memory_space<smem>>
      memref.store %swap3A_144, %arg7[%swap3A_145] : memref<2xf32, #tpu.memory_space<smem>>
    } else {
    }
    %get3A = arith.constant 0 : index
    %get3A_2 = arith.constant 0 : index
    %get3A_3 = vector.load %arg4[%get3A, %get3A_2] : memref<1024x384xf32, #tpu.memory_space<vmem>>, vector<1024x384xf32>
    %get3A_4 = arith.constant 0 : index
    %get3A_5 = arith.constant 0 : index
    %get3A_6 = arith.constant 0 : index
    %get3A_7 = vector.load %arg5[%get3A_4, %get3A_5, %get3A_6] : memref<1x1x1024xf32, #tpu.memory_space<vmem>>, vector<1x1x1024xf32>
    %get3A_8 = vector.shape_cast %get3A_7 : vector<1x1x1024xf32> to vector<1024xf32>
    %lt3A = arith.constant 1.000000e-01 : f32
    %lt3A_9 = vector.broadcast %lt3A : f32 to vector<1024xf32>
    %lt3A_10 = arith.cmpf olt, %get3A_8, %lt3A_9 : vector<1024xf32>
    %convert_element_type3A_11 = arith.extui %lt3A_10 : vector<1024xi1> to vector<1024xi32>
    %convert_element_type3A_12 = arith.sitofp %convert_element_type3A_11 : vector<1024xi32> to vector<1024xf32>
    %broadcast_in_dim3A = vector.shape_cast %convert_element_type3A_12 : vector<1024xf32> to vector<1x1024xf32>
    %transpose3A = tpu.transpose %broadcast_in_dim3A, [1, 0] : vector<1x1024xf32> -> vector<1024x1xf32>
    %iota3A = tpu.iota {dimensions = array<i32: 1>} : vector<1x384xi32>
    %lt3A_13 = arith.constant 258 : i32
    %lt3A_14 = vector.broadcast %lt3A_13 : i32 to vector<1x384xi32>
    %lt3A_15 = arith.cmpi slt, %iota3A, %lt3A_14 : vector<1x384xi32>
    %lt3A_16 = arith.constant 263 : i32
    %lt3A_17 = vector.broadcast %lt3A_16 : i32 to vector<1x384xi32>
    %lt3A_18 = arith.cmpi slt, %iota3A, %lt3A_17 : vector<1x384xi32>
    %jit3A = arith.constant 2.000000e-01 : f32
    %jit3A_19 = arith.constant 0.000000e+00 : f32
    %broadcast_in_dim3A_20 = vector.broadcast %jit3A : f32 to vector<1x384xf32>
    %broadcast_in_dim3A_21 = vector.broadcast %jit3A_19 : f32 to vector<1x384xf32>
    %select_n3A = arith.select %lt3A_18, %broadcast_in_dim3A_20, %broadcast_in_dim3A_21 : vector<1x384xi1>, vector<1x384xf32>
    %jit3A_22 = arith.constant 1.000000e+02 : f32
    %broadcast_in_dim3A_23 = vector.broadcast %jit3A_22 : f32 to vector<1x384xf32>
    %select_n3A_24 = arith.select %lt3A_15, %broadcast_in_dim3A_23, %select_n3A : vector<1x384xi1>, vector<1x384xf32>
    %mul3A = arith.mulf %get3A_3, %get3A_3 : vector<1024x384xf32>
    %mul3A_25 = vector.broadcast %select_n3A_24 : vector<1x384xf32> to vector<1024x384xf32>
    %mul3A_26 = arith.mulf %mul3A, %mul3A_25 : vector<1024x384xf32>
    %mul3A_27 = vector.broadcast %transpose3A : vector<1024x1xf32> to vector<1024x384xf32>
    %mul3A_28 = arith.mulf %mul3A_26, %mul3A_27 : vector<1024x384xf32>
    %reduce_sum3A = vector.shape_cast %mul3A_28 : vector<1024x384xf32> to vector<1x1024x384xf32>
    %reduce_sum3A_29 = arith.constant dense<0.000000e+00> : vector<1xf32>
    %reduce_sum3A_30 = vector.multi_reduction <add>, %reduce_sum3A, %reduce_sum3A_29 [1, 2] : vector<1x1024x384xf32> to vector<1xf32>
    %reduce_sum3A_31 = vector.shape_cast %reduce_sum3A_30 : vector<1xf32> to vector<1x1x1xf32>
    %reduce_sum3A_32 = vector.extract %reduce_sum3A_31[0, 0, 0] : f32 from vector<1x1x1xf32>
    %mul3A_33 = arith.constant 1.000000e+02 : f32
    %mul3A_34 = vector.broadcast %mul3A_33 : f32 to vector<1x1024xf32>
    %mul3A_35 = arith.mulf %broadcast_in_dim3A, %mul3A_34 : vector<1x1024xf32>
    %get3A_36 = arith.constant 0 : index
    %get3A_37 = arith.constant 0 : index
    %get3A_38 = arith.constant 0 : index
    %get3A_39 = vector.load %arg1[%get3A_36, %get3A_37, %get3A_38] : memref<3x50x1024xf32, #tpu.memory_space<vmem>>, vector<3x50x1024xf32>
    %get3A_40 = arith.constant 0 : index
    %get3A_41 = arith.constant 0 : index
    %get3A_42 = arith.constant 0 : index
    %get3A_43 = vector.load %arg2[%get3A_40, %get3A_41, %get3A_42] : memref<3x36x1024xf32, #tpu.memory_space<vmem>>, vector<3x36x1024xf32>
    %get3A_44 = arith.constant 0 : index
    %get3A_45 = arith.constant 0 : index
    %get3A_46 = vector.load %arg3[%get3A_44, %get3A_45] : memref<5x1024xf32, #tpu.memory_space<vmem>>, vector<5x1024xf32>
    %slice3A = vector.extract_strided_slice %get3A_39 {offsets = [0, 0, 0], sizes = [1, 50, 1024], strides = [1, 1, 1]} : vector<3x50x1024xf32> to vector<1x50x1024xf32>
    %squeeze3A = vector.shape_cast %slice3A : vector<1x50x1024xf32> to vector<50x1024xf32>
    %mul3A_47 = vector.broadcast %mul3A_35 : vector<1x1024xf32> to vector<50x1024xf32>
    %mul3A_48 = arith.mulf %squeeze3A, %mul3A_47 : vector<50x1024xf32>
    %slice3A_49 = vector.extract_strided_slice %get3A_39 {offsets = [1, 0, 0], sizes = [1, 50, 1024], strides = [1, 1, 1]} : vector<3x50x1024xf32> to vector<1x50x1024xf32>
    %squeeze3A_50 = vector.shape_cast %slice3A_49 : vector<1x50x1024xf32> to vector<50x1024xf32>
    %mul3A_51 = vector.broadcast %mul3A_35 : vector<1x1024xf32> to vector<50x1024xf32>
    %mul3A_52 = arith.mulf %squeeze3A_50, %mul3A_51 : vector<50x1024xf32>
    %slice3A_53 = vector.extract_strided_slice %get3A_39 {offsets = [2, 0, 0], sizes = [1, 50, 1024], strides = [1, 1, 1]} : vector<3x50x1024xf32> to vector<1x50x1024xf32>
    %squeeze3A_54 = vector.shape_cast %slice3A_53 : vector<1x50x1024xf32> to vector<50x1024xf32>
    %mul3A_55 = vector.broadcast %mul3A_35 : vector<1x1024xf32> to vector<50x1024xf32>
    %mul3A_56 = arith.mulf %squeeze3A_54, %mul3A_55 : vector<50x1024xf32>
    %slice3A_57 = vector.extract_strided_slice %get3A_43 {offsets = [0, 0, 0], sizes = [1, 36, 1024], strides = [1, 1, 1]} : vector<3x36x1024xf32> to vector<1x36x1024xf32>
    %squeeze3A_58 = vector.shape_cast %slice3A_57 : vector<1x36x1024xf32> to vector<36x1024xf32>
    %mul3A_59 = vector.broadcast %mul3A_35 : vector<1x1024xf32> to vector<36x1024xf32>
    %mul3A_60 = arith.mulf %squeeze3A_58, %mul3A_59 : vector<36x1024xf32>
    %slice3A_61 = vector.extract_strided_slice %get3A_43 {offsets = [1, 0, 0], sizes = [1, 36, 1024], strides = [1, 1, 1]} : vector<3x36x1024xf32> to vector<1x36x1024xf32>
    %squeeze3A_62 = vector.shape_cast %slice3A_61 : vector<1x36x1024xf32> to vector<36x1024xf32>
    %mul3A_63 = vector.broadcast %mul3A_35 : vector<1x1024xf32> to vector<36x1024xf32>
    %mul3A_64 = arith.mulf %squeeze3A_62, %mul3A_63 : vector<36x1024xf32>
    %slice3A_65 = vector.extract_strided_slice %get3A_43 {offsets = [2, 0, 0], sizes = [1, 36, 1024], strides = [1, 1, 1]} : vector<3x36x1024xf32> to vector<1x36x1024xf32>
    %squeeze3A_66 = vector.shape_cast %slice3A_65 : vector<1x36x1024xf32> to vector<36x1024xf32>
    %mul3A_67 = vector.broadcast %mul3A_35 : vector<1x1024xf32> to vector<36x1024xf32>
    %mul3A_68 = arith.mulf %squeeze3A_66, %mul3A_67 : vector<36x1024xf32>
    %mul3A_69 = arith.constant 2.000000e-01 : f32
    %mul3A_70 = vector.broadcast %mul3A_69 : f32 to vector<1x1024xf32>
    %mul3A_71 = arith.mulf %broadcast_in_dim3A, %mul3A_70 : vector<1x1024xf32>
    %mul3A_72 = vector.broadcast %mul3A_71 : vector<1x1024xf32> to vector<5x1024xf32>
    %mul3A_73 = arith.mulf %get3A_46, %mul3A_72 : vector<5x1024xf32>
    %concatenate3A = tpu.concatenate %mul3A_48, %mul3A_52, %mul3A_56, %mul3A_60, %mul3A_64, %mul3A_68, %mul3A_73 in 0 : vector<50x1024xf32>, vector<50x1024xf32>, vector<50x1024xf32>, vector<36x1024xf32>, vector<36x1024xf32>, vector<36x1024xf32>, vector<5x1024xf32> -> vector<263x1024xf32>
    %slice3A_74 = vector.extract_strided_slice %get3A_3 {offsets = [0, 0], sizes = [1024, 263], strides = [1, 1]} : vector<1024x384xf32> to vector<1024x263xf32>
    %dot_general3A = arith.constant dense<0.000000e+00> : vector<263x263xf32>
    %dot_general3A_75 = tpu.matmul %concatenate3A, %slice3A_74, %dot_general3A {dimension_numbers = #tpu.dot_dimension_numbers<[1], [0], [0], [1], [0, 0, 1, 1], [], []>, precision = #tpu.contract_precision<fp32>, transpose_lhs_hint = false} : vector<263x1024xf32>, vector<1024x263xf32>, vector<263x263xf32> -> vector<263x263xf32>
    %iota3A_76 = tpu.iota {dimensions = array<i32: 0>} : vector<263x263xi32>
    %iota3A_77 = tpu.iota {dimensions = array<i32: 1>} : vector<263x263xi32>
    %eq3A_78 = arith.cmpi eq, %iota3A_76, %iota3A_77 : vector<263x263xi32>
    %jit3A_79 = arith.constant 0.000000e+00 : f32
    %broadcast_in_dim3A_80 = vector.broadcast %jit3A_79 : f32 to vector<263x263xf32>
    %select_n3A_81 = arith.select %eq3A_78, %dot_general3A_75, %broadcast_in_dim3A_80 : vector<263x263xi1>, vector<263x263xf32>
    %reduce_sum3A_82 = vector.shape_cast %select_n3A_81 : vector<263x263xf32> to vector<1x263x263xf32>
    %reduce_sum3A_83 = arith.constant dense<0.000000e+00> : vector<1xf32>
    %reduce_sum3A_84 = vector.multi_reduction <add>, %reduce_sum3A_82, %reduce_sum3A_83 [1, 2] : vector<1x263x263xf32> to vector<1xf32>
    %reduce_sum3A_85 = vector.shape_cast %reduce_sum3A_84 : vector<1xf32> to vector<1x1x1xf32>
    %reduce_sum3A_86 = vector.extract %reduce_sum3A_85[0, 0, 0] : f32 from vector<1x1x1xf32>
    %broadcast_in_dim3A_87 = vector.shape_cast %convert_element_type3A_12 : vector<1024xf32> to vector<1x1x1024xf32>
    %mul3A_88 = arith.mulf %get3A_39, %get3A_39 : vector<3x50x1024xf32>
    %mul3A_89 = vector.broadcast %broadcast_in_dim3A_87 : vector<1x1x1024xf32> to vector<3x50x1024xf32>
    %mul3A_90 = arith.mulf %mul3A_88, %mul3A_89 : vector<3x50x1024xf32>
    %reduce_sum3A_91 = vector.shape_cast %mul3A_90 : vector<3x50x1024xf32> to vector<1x3x50x1024xf32>
    %reduce_sum3A_92 = arith.constant dense<0.000000e+00> : vector<1xf32>
    %reduce_sum3A_93 = vector.multi_reduction <add>, %reduce_sum3A_91, %reduce_sum3A_92 [1, 2, 3] : vector<1x3x50x1024xf32> to vector<1xf32>
    %reduce_sum3A_94 = vector.shape_cast %reduce_sum3A_93 : vector<1xf32> to vector<1x1x1x1xf32>
    %reduce_sum3A_95 = vector.extract %reduce_sum3A_94[0, 0, 0, 0] : f32 from vector<1x1x1x1xf32>
    %mul3A_96 = arith.mulf %get3A_43, %get3A_43 : vector<3x36x1024xf32>
    %mul3A_97 = vector.broadcast %broadcast_in_dim3A_87 : vector<1x1x1024xf32> to vector<3x36x1024xf32>
    %mul3A_98 = arith.mulf %mul3A_96, %mul3A_97 : vector<3x36x1024xf32>
    %reduce_sum3A_99 = vector.shape_cast %mul3A_98 : vector<3x36x1024xf32> to vector<1x3x36x1024xf32>
    %reduce_sum3A_100 = arith.constant dense<0.000000e+00> : vector<1xf32>
    %reduce_sum3A_101 = vector.multi_reduction <add>, %reduce_sum3A_99, %reduce_sum3A_100 [1, 2, 3] : vector<1x3x36x1024xf32> to vector<1xf32>
    %reduce_sum3A_102 = vector.shape_cast %reduce_sum3A_101 : vector<1xf32> to vector<1x1x1x1xf32>
    %reduce_sum3A_103 = vector.extract %reduce_sum3A_102[0, 0, 0, 0] : f32 from vector<1x1x1x1xf32>
    %mul3A_104 = arith.mulf %get3A_46, %get3A_46 : vector<5x1024xf32>
    %mul3A_105 = vector.broadcast %broadcast_in_dim3A : vector<1x1024xf32> to vector<5x1024xf32>
    %mul3A_106 = arith.mulf %mul3A_104, %mul3A_105 : vector<5x1024xf32>
    %reduce_sum3A_107 = vector.shape_cast %mul3A_106 : vector<5x1024xf32> to vector<1x5x1024xf32>
    %reduce_sum3A_108 = arith.constant dense<0.000000e+00> : vector<1xf32>
    %reduce_sum3A_109 = vector.multi_reduction <add>, %reduce_sum3A_107, %reduce_sum3A_108 [1, 2] : vector<1x5x1024xf32> to vector<1xf32>
    %reduce_sum3A_110 = vector.shape_cast %reduce_sum3A_109 : vector<1xf32> to vector<1x1x1xf32>
    %reduce_sum3A_111 = vector.extract %reduce_sum3A_110[0, 0, 0] : f32 from vector<1x1x1xf32>
    %mul3A_112 = arith.constant 1.000000e+02 : f32
    %mul3A_113 = arith.mulf %mul3A_112, %reduce_sum3A_95 : f32
    %mul3A_114 = arith.constant 1.000000e+02 : f32
    %mul3A_115 = arith.mulf %mul3A_114, %reduce_sum3A_103 : f32
    %add3A = arith.addf %mul3A_113, %mul3A_115 : f32
    %mul3A_116 = arith.constant 2.000000e-01 : f32
    %mul3A_117 = arith.mulf %mul3A_116, %reduce_sum3A_111 : f32
    %add3A_118 = arith.addf %add3A, %mul3A_117 : f32
    %mul3A_119 = arith.constant 2.000000e+00 : f32
    %mul3A_120 = arith.mulf %mul3A_119, %reduce_sum3A_86 : f32
    %sub3A = arith.subf %add3A_118, %mul3A_120 : f32
    %add3A_121 = arith.addf %sub3A, %reduce_sum3A_32 : f32
    %get3A_122 = arith.constant 0 : index
    %get3A_123 = memref.load %arg7[%get3A_122] : memref<2xf32, #tpu.memory_space<smem>>
    %add3A_124 = arith.addf %get3A_123, %add3A_121 : f32
    %swap3A = arith.constant 0 : index
    %swap3A_125 = memref.load %arg7[%swap3A] : memref<2xf32, #tpu.memory_space<smem>>
    memref.store %add3A_124, %arg7[%swap3A] : memref<2xf32, #tpu.memory_space<smem>>
    %get3A_126 = arith.constant 1 : index
    %get3A_127 = memref.load %arg7[%get3A_126] : memref<2xf32, #tpu.memory_space<smem>>
    %reduce_sum3A_128 = vector.shape_cast %convert_element_type3A_12 : vector<1024xf32> to vector<1x1024xf32>
    %reduce_sum3A_129 = arith.constant dense<0.000000e+00> : vector<1xf32>
    %reduce_sum3A_130 = vector.multi_reduction <add>, %reduce_sum3A_128, %reduce_sum3A_129 [1] : vector<1x1024xf32> to vector<1xf32>
    %reduce_sum3A_131 = vector.shape_cast %reduce_sum3A_130 : vector<1xf32> to vector<1x1xf32>
    %reduce_sum3A_132 = vector.extract %reduce_sum3A_131[0, 0] : f32 from vector<1x1xf32>
    %add3A_133 = arith.addf %get3A_127, %reduce_sum3A_132 : f32
    %swap3A_134 = arith.constant 1 : index
    %swap3A_135 = memref.load %arg7[%swap3A_134] : memref<2xf32, #tpu.memory_space<smem>>
    memref.store %add3A_133, %arg7[%swap3A_134] : memref<2xf32, #tpu.memory_space<smem>>
    %eq3A_136 = arith.constant 7 : i32
    %eq3A_137 = arith.cmpi eq, %arg0, %eq3A_136 : i32
    %convert_element_type3A_138 = arith.extui %eq3A_137 : i1 to i32
    %cond3A_139 = arith.constant 0 : i32
    %cond3A_140 = arith.cmpi ne, %convert_element_type3A_138, %cond3A_139 : i32
    scf.if %cond3A_140 {
      %get3A_141 = arith.constant 0 : index
      %get3A_142 = memref.load %arg7[%get3A_141] : memref<2xf32, #tpu.memory_space<smem>>
      %broadcast_in_dim3A_143 = vector.broadcast %get3A_142 : f32 to vector<1x1xf32>
      %get3A_144 = arith.constant 1 : index
      %get3A_145 = memref.load %arg7[%get3A_144] : memref<2xf32, #tpu.memory_space<smem>>
      %broadcast_in_dim3A_146 = vector.broadcast %get3A_145 : f32 to vector<1x1xf32>
      %concatenate3A_147 = tpu.concatenate %broadcast_in_dim3A_143, %broadcast_in_dim3A_146 in 1 : vector<1x1xf32>, vector<1x1xf32> -> vector<1x2xf32>
      %swap3A_148 = arith.constant 0 : index
      %swap3A_149 = arith.constant 0 : index
      %swap3A_150 = vector.load %arg6[%swap3A_148, %swap3A_149] : memref<1x2xf32, #tpu.memory_space<vmem>>, vector<1x2xf32>
      tpu.vector_store %arg6[%swap3A_148, %swap3A_149], %concatenate3A_147 {strides = array<i32>} : memref<1x2xf32, #tpu.memory_space<vmem>>, vector<1x2xf32>,
    } else {
    }
    return
  }
  func.func @transform_0(%arg0: i32) -> (i32, i32, i32) {
    %add3A = arith.constant 24 : i32
    %add3A_0 = arith.addi %arg0, %add3A : i32
    %c0_i32 = arith.constant 0 : i32
    %c0_i32_1 = arith.constant 0 : i32
    %c0_i32_2 = arith.constant 0 : i32
    return %c0_i32, %c0_i32_1, %add3A_0 : i32, i32, i32
  }
  func.func @transform_1(%arg0: i32) -> (i32, i32, i32) {
    %add3A = arith.constant 24 : i32
    %add3A_0 = arith.addi %arg0, %add3A : i32
    %c0_i32 = arith.constant 0 : i32
    %c0_i32_1 = arith.constant 0 : i32
    %c0_i32_2 = arith.constant 0 : i32
    return %c0_i32, %c0_i32_1, %add3A_0 : i32, i32, i32
  }
  func.func @transform_2(%arg0: i32) -> (i32, i32) {
    %add3A = arith.constant 24 : i32
    %add3A_0 = arith.addi %arg0, %add3A : i32
    %c0_i32 = arith.constant 0 : i32
    %c0_i32_1 = arith.constant 0 : i32
    return %c0_i32, %add3A_0 : i32, i32
  }
  func.func @transform_3(%arg0: i32) -> (i32, i32) {
    %c0_i32 = arith.constant 0 : i32
    %c0_i32_0 = arith.constant 0 : i32
    return %arg0, %c0_i32 : i32, i32
  }
  func.func @transform_4(%arg0: i32) -> (i32, i32, i32) {
    %c0_i32 = arith.constant 0 : i32
    %c0_i32_0 = arith.constant 0 : i32
    %c0_i32_1 = arith.constant 0 : i32
    return %arg0, %c0_i32, %c0_i32_0 : i32, i32, i32
  }
  func.func @transform_5(%arg0: i32) -> (i32, i32) {
    %c0_i32 = arith.constant 0 : i32
    %c0_i32_0 = arith.constant 0 : i32
    %c0_i32_1 = arith.constant 0 : i32
    return %c0_i32, %c0_i32_0 : i32, i32
  }
}

module attributes {stable_mosaic.version = 14 : i64} {
  func.func @_comb_body(%arg0: memref<1x2xf32, #tpu.memory_space<vmem>>, %arg1: memref<1x2xf32, #tpu.memory_space<vmem>>, %arg2: memref<1x2xf32, #tpu.memory_space<vmem>>, %arg3: memref<1x2xf32, #tpu.memory_space<vmem>>, %arg4: memref<1x1xf32, #tpu.memory_space<vmem>>) attributes {dimension_semantics = [], scalar_prefetch = 0 : i64, scratch_operands = 0 : i64, tpu.core_type = #tpu.core_type<tc>} {
    %get3A = arith.constant 0 : index
    %get3A_0 = arith.constant 0 : index
    %get3A_1 = vector.load %arg0[%get3A, %get3A_0] : memref<1x2xf32, #tpu.memory_space<vmem>>, vector<1x2xf32>
    %get3A_2 = arith.constant 0 : index
    %get3A_3 = arith.constant 0 : index
    %get3A_4 = vector.load %arg1[%get3A_2, %get3A_3] : memref<1x2xf32, #tpu.memory_space<vmem>>, vector<1x2xf32>
    %add3A = arith.addf %get3A_1, %get3A_4 : vector<1x2xf32>
    %get3A_5 = arith.constant 0 : index
    %get3A_6 = arith.constant 0 : index
    %get3A_7 = vector.load %arg2[%get3A_5, %get3A_6] : memref<1x2xf32, #tpu.memory_space<vmem>>, vector<1x2xf32>
    %add3A_8 = arith.addf %add3A, %get3A_7 : vector<1x2xf32>
    %get3A_9 = arith.constant 0 : index
    %get3A_10 = arith.constant 0 : index
    %get3A_11 = vector.load %arg3[%get3A_9, %get3A_10] : memref<1x2xf32, #tpu.memory_space<vmem>>, vector<1x2xf32>
    %add3A_12 = arith.addf %add3A_8, %get3A_11 : vector<1x2xf32>
    %slice3A = vector.extract_strided_slice %add3A_12 {offsets = [0, 0], sizes = [1, 1], strides = [1, 1]} : vector<1x2xf32> to vector<1x1xf32>
    %squeeze3A = vector.extract %slice3A[0, 0] : f32 from vector<1x1xf32>
    %slice3A_13 = vector.extract_strided_slice %add3A_12 {offsets = [0, 1], sizes = [1, 1], strides = [1, 1]} : vector<1x2xf32> to vector<1x1xf32>
    %squeeze3A_14 = vector.extract %slice3A_13[0, 0] : f32 from vector<1x1xf32>
    %max3A = arith.constant 1.000000e+00 : f32
    %max3A_15 = arith.maximumf %squeeze3A_14, %max3A : f32
    %div3A = arith.divf %squeeze3A, %max3A_15 : f32
    %eq3A = arith.constant 0.000000e+00 : f32
    %eq3A_16 = arith.cmpf oeq, %squeeze3A_14, %eq3A : f32
    %jit3A = arith.constant 0.000000e+00 : f32
    %select_n3A = arith.select %eq3A_16, %jit3A, %div3A : f32
    %broadcast_in_dim3A = vector.broadcast %select_n3A : f32 to vector<1x1xf32>
    %swap3A = arith.constant 0 : index
    %swap3A_17 = arith.constant 0 : index
    %swap3A_18 = vector.load %arg4[%swap3A, %swap3A_17] : memref<1x1xf32, #tpu.memory_space<vmem>>, vector<1x1xf32>
    tpu.vector_store %arg4[%swap3A, %swap3A_17], %broadcast_in_dim3A {strides = array<i32>} : memref<1x1xf32, #tpu.memory_space<vmem>>, vector<1x1xf32>,
    return
  }
}

</mosaic_0001>

<sc_bundles>
// kernel: kernel.16.cloned.1.call-start
scs
__scs_entry_jumppad:
0x0: {  	(pc) =	sbr.rel $0x88, $3  }
0x1: {  	(tag) =	ssettag $0x0;
	lr =	simm.s32 $0x1  }
0x2: {  	[smem:$0x3F97] =	sst lr;
	_ =	strace $0xD0000000  }
0x3: {  	_ = 	snop  }
0x4: {  	_ = 	snop  }
0x5: {  	_ = 	snop  }
0x6: {  	_ = 	snop  }
0x7: {  	_ = 	snop  }
__scs_overlays_trampoline_lowered:
0x8: {  	[smem:$0x3FA6] =	sst s0  }
0x9: {  	[smem:$0x3FA7] =	sst s1  }
0xa: {  	[smem:$0x3FA8] =	sst s2  }
0xb: {  	[smem:$0x3FA9] =	sst s3  }
0xc: {  	[smem:$0x3FAA] =	sst s4  }
0xd: {  	[smem:$0x3FAB] =	sst s5  }
0xe: {  	[smem:$0x3FAC] =	sst s6  }
0xf: {  	[smem:$0x3FAD] =	sst s7  }
0x10: {  	[smem:$0x3FAE] =	sst s8  }
0x11: {  	[smem:$0x3FAF] =	sst s9;
	s0 =	simm.s32 @!p0 $0x0  }
0x12: {  	s1 =	sld [smem:$0x3F95];
	s0 =	simm.s32 @p0 $0x1  }
0x13: {  	[smem:$0x3FB0] =	sst s0;
	s0 =	simm.s32 @!p1 $0x0  }
0x14: {  	s2 =	sld [smem:$0x3F94];
	s0 =	simm.s32 @p1 $0x1  }
0x15: {  	[smem:$0x3FB1] =	sst s0;
	s0 =	simm.s32 @!p2 $0x0  }
0x16: {  	s3 =	sld [smem:$0x3FDB];
	s0 =	simm.s32 @p2 $0x1  }
0x17: {  	s4 =	simm.s32 $0x1BF5;
	[smem:$0x3FB3] =	sst s0  }
0x18: {  	s0 =	sld [smem:$0x3F96];
	_ =	swait.ge [sflag:s4], $0x0  }
0x19: {  	s7 =	sld [smem:$0x3F97]  }
0x1a: {  	s8 =	sadd.s32 $0xFFFFE003, lr  }
0x1b: {  	s9 =	sadd.s32 $0xFFFFFEF7, lr;
	s5 =	simm.s32 $0xFFFFFFFF;
	p2 =	slt.u32 s8, $0xFFFFF086  }
0x1c: {  	p1 =	slt.u32 s9, $0xF7A;
	s5 =	simm.s32 @!p2 $0x0  }
0x1d: {  	s5 =	simm.s32 @p1 $0x1;
	p0 =	seq.s32 s7, s2  }
0x1e: {  	s7 =	smul.u32 @!p0 $0xF7A, s2;
	p2 =	seq.s32 @!p0 s5, $0x0  }
0x1f: {  	s9 =	smul.u32 $0xF7A, s1;
	s8 =	simm.s32 @!p0 $0x1BF5;
	p2 =	por !p2, p0  }
0x20: {  	[sflag:s8] =	ssyncset.s32 @!p0 $0xFFFFF086;
	s6 =	sadd.s32 @!p0 s3, s7;
	s7 =	simm.s32 @!p0 $0x108  }
0x21: {  	s3 =	sadd.s32 s3, s9;
	s6 =	sadd.s32 @!p0 $0x88, s6;
	s7 =	simm.s32 @p2 $0x1082  }
0x22: {  	[simem:s7], [sflag:s8] =	dma.local @!p0 [hbm:s6], $0xF7A  }
0x23: {  	s9 =	sor.u32 $0xD0000000, s2;
	s6 =	simm.s32 $0x108;
	_ =	swait.ge @!p0 [sflag:s8], $0x0  }
0x24: {  	s3 =	sadd.s32 $0x88, s3;
	s6 =	simm.s32 @!p1 $0x1082;
	[sflag:s4] =	ssyncset.s32 $0xFFFFF086  }
0x25: {  	[simem:s6], [sflag:s4] =	dma.local [hbm:s3], $0xF7A  }
0x26: {  	[smem:$0x3F97] =	sst s1;
	(tag) =	ssettag s2;
	_ =	strace s9  }
0x27: {  	s1 =	sld [smem:$0x3FA7]  }
0x28: {  	s2 =	sld [smem:$0x3FA8]  }
0x29: {  	s4 =	sld [smem:$0x3FAA]  }
0x2a: {  	p0 =	seq.s32 s5, $0x0;
	s5 =	sld [smem:$0x3FAB]  }
0x2b: {  	s6 =	sld [smem:$0x3FAC]  }
0x2c: {  	s7 =	sld [smem:$0x3FAD]  }
0x2d: {  	s3 =	simm.s32 $0x108;
	s8 =	sld [smem:$0x3FAE]  }
0x2e: {  	s3 =	simm.s32 @!p0 $0x1082;
	s9 =	sld [smem:$0x3FAF]  }
0x2f: {  	lr =	sadd.s32 s0, s3;
	s0 =	sld [smem:$0x3FA6]  }
0x30: {  	s3 =	sld [smem:$0x3FA9]  }
0x31: {  	[smem:$0x3FB2] =	sst s10  }
0x32: {  	s10 =	sld [smem:$0x3FB0];
	_ =	sdelay $0x3  }
0x33: {  	p0 =	seq.s32 s10, $0x1;
	s10 =	sld [smem:$0x3FB2];
	_ =	sdelay $0x3  }
0x34: {  	[smem:$0x3FB2] =	sst s10  }
0x35: {  	s10 =	sld [smem:$0x3FB1];
	_ =	sdelay $0x3  }
0x36: {  	p1 =	seq.s32 s10, $0x1;
	s10 =	sld [smem:$0x3FB2];
	_ =	sdelay $0x3  }
0x37: {  	[smem:$0x3FB2] =	sst s10  }
0x38: {  	s10 =	sld [smem:$0x3FB3]  }
0x39: {  	_ = 	snop;
	(pc) =	sbr.ind lr, $3  }
0x3a: {  	_ = 	snop  }
0x3b: {  	_ = 	snop  }
0x3c: {  	p2 =	seq.s32 s10, $0x1;
	s10 =	sld [smem:$0x3FB2]  }
0x3d: {  	_ =	shalt  }
0x3e: {  	_ =	shalt  }
0x3f: {  	_ =	shalt  }
0x40: {  	_ =	shalt  }
0x41: {  	_ =	shalt  }
0x42: {  	_ =	shalt  }
0x43: {  	_ =	shalt  }
0x44: {  	_ =	shalt  }
0x45: {  	_ =	shalt  }
0x46: {  	_ =	shalt  }
0x47: {  	_ =	shalt  }
0x48: {  	_ =	shalt  }
0x49: {  	_ =	shalt  }
0x4a: {  	_ =	shalt  }
0x4b: {  	_ =	shalt  }
0x4c: {  	_ =	shalt  }
0x4d: {  	_ =	shalt  }
0x4e: {  	_ =	shalt  }
0x4f: {  	_ =	shalt  }
0x50: {  	_ =	shalt  }
0x51: {  	_ =	shalt  }
0x52: {  	_ =	shalt  }
0x53: {  	_ =	shalt  }
0x54: {  	_ =	shalt  }
0x55: {  	_ =	shalt  }
0x56: {  	_ =	shalt  }
0x57: {  	_ =	shalt  }
0x58: {  	_ =	shalt  }
0x59: {  	_ =	shalt  }
0x5a: {  	_ =	shalt  }
0x5b: {  	_ =	shalt  }
0x5c: {  	_ =	shalt  }
0x5d: {  	_ =	shalt  }
0x5e: {  	_ =	shalt  }
0x5f: {  	_ =	shalt  }
0x60: {  	_ =	shalt  }
0x61: {  	_ =	shalt  }
0x62: {  	_ =	shalt  }
0x63: {  	_ =	shalt  }
0x64: {  	_ =	shalt  }
0x65: {  	_ =	shalt  }
0x66: {  	_ =	shalt  }
0x67: {  	_ =	shalt  }
0x68: {  	_ =	shalt  }
0x69: {  	_ =	shalt  }
0x6a: {  	_ =	shalt  }
0x6b: {  	_ =	shalt  }
0x6c: {  	_ =	shalt  }
0x6d: {  	_ =	shalt  }
0x6e: {  	_ =	shalt  }
0x6f: {  	_ =	shalt  }
0x70: {  	_ =	shalt  }
0x71: {  	_ =	shalt  }
0x72: {  	_ =	shalt  }
0x73: {  	_ =	shalt  }
0x74: {  	_ =	shalt  }
0x75: {  	_ =	shalt  }
0x76: {  	_ =	shalt  }
0x77: {  	_ =	shalt  }
0x78: {  	_ =	shalt  }
0x79: {  	_ =	shalt  }
0x7a: {  	_ =	shalt  }
0x7b: {  	_ =	shalt  }
0x7c: {  	_ =	shalt  }
0x7d: {  	_ =	shalt  }
0x7e: {  	_ =	shalt  }
0x7f: {  	_ =	shalt  }
0x80: {  	_ =	shalt  }
0x81: {  	_ =	shalt  }
0x82: {  	_ =	shalt  }
0x83: {  	_ =	shalt  }
0x84: {  	_ =	shalt  }
0x85: {  	_ =	shalt  }
0x86: {  	_ =	shalt  }
0x87: {  	_ =	shalt  }
.Lfunc_end0:
.L_simem_size_0:
called_computation_lowered:
.L_overlay_start_0:
0x88: {  	s2 =	sld [smem:$0x3FD9]  }
0x89: {  	s3 =	sld [smem:$0x3FFE];
	_ =	sdelay $0x1  }
0x8a: {  	s1 =	srdreg.scid  }
0x8b: {  	s0 =	sand.u32 $0x1, s1  }
0x8c: {  	s17 =	sshll.u32 s0, $0xA;
	s2 =	sadd.s32 s3, s2  }
0x8d: {  	s2 =	sadd.s32 s2, s17  }
0x8e: {  	[smem:$0x3FBE] =	sst s2  }
0x8f: {  	_ = 	snop  }
0x90: {  	(tm) =	ssettm $0x1  }
0x91: {  	s18 =	sld [smem:$0x3FFB];
	_ =	sdelay $0x3  }
0x92: {  	_ =	strace s18  }
0x93: {  	s2 =	sld [smem:$0x3FFC];
	_ =	sdelay $0x3  }
0x94: {  	_ =	strace s2  }
0x95: {  	s2 =	sld [smem:$0x3FFD];
	_ =	sdelay $0x3  }
0x96: {  	_ =	strace s2  }
0x97: {  	_ =	strace $0x8FFFFFFF  }
0x98: {  	s19 =	sld [smem:$0x3FDB];
	_ =	sdelay $0x1  }
0x99: {  	s20 =	simm.s32 $_scs_section_size  }
0x9a: {  	s4 =	simm.s32 $_size__tile_overlayer_lowered;
	s5 =	simm.s32 $_tile_overlayer_lowered  }
0x9b: {  	s6 =	simm.s32 $0x1BFF;
	s21 =	sshll.u32 s5, $0x1;
	s3 =	sadd.s32 s20, s19  }
0x9c: {  	s22 =	simm.s32 $0x0;
	s4 =	sshll.u32 s4, $0x1;
	s5 =	sadd.s32 s21, s3  }
0x9d: {  	[timem:s22], [sflag:s6] =	dma.local [hbm:s5], s4  }
0x9e: {  	_ =	swait.ge [sflag:s6], s4  }
0x9f: {  	s4 =	ssub.s32 $0x0, s4;
	[sflag:s6] =	ssyncset.done $0x0  }
0xa0: {  	[sflag:s6] =	ssyncadd.s32 s4;
	_ =	sdelay $0x1  }
0xa1: {  	s23 =	simm.s32 $0x1B8B  }
0xa2: {  	_ =	swait.ge [sflag:s23], $0x1  }
0xa3: {  	[sflag:s23] =	ssyncset.done $0x0  }
0xa4: {  	[sflag:s23] =	ssyncadd.s32 $0xFFFFFFFF  }
0xa5: {  	s4 =	sld [smem:$0x0]  }
0xa6: {  	s5 =	sand.u32 $0xFFFFFFFE, s1  }
0xa7: {  	p0 =	sne.s32 s1, s5  }
0xa8: {  	s5 =	sshll.u32 @p0 s5, $0xE  }
0xa9: {  	s5 =	sadd.s32 @p0 $0x11B8D, s5;
	s6 =	sshll.u32 @p0 s4, $0x11  }
0xaa: {  	s5 =	sor.u32 @p0 s6, s5  }
0xab: {  	[sflag:s5] =	ssyncadd.remote.s32 @p0 $0x1;
	_ =	sdelay $0x1  }
0xac: {  	s5 =	simm.s32 @p0 $0x1B8D  }
0xad: {  	_ =	swait.eq @p0 [sflag:s5], $0x1  }
0xae: {  	[sflag:s5] =	ssyncadd.s32 @p0 $0xFFFFFFFF  }
0xaf: {  	s6 =	sshll.u32 @!p0 s1, $0xE  }
0xb0: {  	s6 =	sor.u32 @!p0 $0x4000, s6;
	s5 =	simm.s32 @!p0 $0x1B8D  }
0xb1: {  	s4 =	sshll.u32 @!p0 s4, $0x11;
	s6 =	sadd.s32 @!p0 $0x11B8D, s6;
	_ =	swait.eq @!p0 [sflag:s5], $0x1  }
0xb2: {  	s4 =	sor.u32 @!p0 s4, s6;
	[sflag:s5] =	ssyncadd.s32 @!p0 $0xFFFFFFFF  }
0xb3: {  	s25 =	simm.s32 $0x1B8E;
	s24 =	sld [smem:$0x3FFE];
	[sflag:s4] =	ssyncadd.remote.s32 @!p0 $0x1  }
0xb4: {  	s26 =	simm.s32 $execute0_lowered;
	[smem:$0x3FD2] =	sst s25  }
0xb5: {  	s5 =	sshll.u32 s26, $0x1;
	_ =	strace $0x80000049;
	[dreg:$0x1] =	wrdreg $0xFFFFFFFF  }
0xb6: {  	s28 =	simm.s32 $_size_execute0_lowered;
	s3 =	sadd.s32 s3, s5;
	[dreg:$0x0] =	wrdreg $0x0  }
0xb7: {  	s5 =	sshll.u32 s28, $0x1;
	[dreg:$0x2] =	wrdreg s3  }
0xb8: {  	[dreg:$0x3] =	wrdreg s5  }
0xb9: {  	[dreg:$0x4] =	wrdreg $0xC0  }
0xba: {  	_ =	task [dreg:s22], $0x5FFFF  }
0xbb: {  	[dreg:$0x1] =	wrdreg $0xFFFFFFFF  }
0xbc: {  	[dreg:$0x0] =	wrdreg $0x60  }
0xbd: {  	[dreg:$0x2] =	wrdreg s24  }
0xbe: {  	[dreg:$0x3] =	wrdreg $0x9  }
0xbf: {  	_ =	task.clear_ibuf [dreg:s22], $0x4FFFF;
	_ =	strace $0x90000049  }
0xc0: {  	s29 =	simm.s32 $0x9;
	_ =	strace $0x8000004B  }
0xc1: {  	_ =	swait.ge [sflag:s29], $0x1  }
0xc2: {  	[sflag:s29] =	ssyncadd.s32 $0xFFFFFFFF  }
0xc3: {  	_ =	strace $0x9000004B  }
0xc4: {  	_ =	sfence  }
0xc5: {  	s30 =	sld [smem:$0x0];
	_ =	sdelay $0x2  }
0xc6: {  	s31 =	sshll.u32 s1, $0xD;
	s1 =	sshrl.u32 s1, $0x2  }
0xc7: {  	s4 =	sand.u32 $0x4000, s31;
	s1 =	sadd.s32 s1, s30  }
0xc8: {  	s0 =	sor.u32 s4, s0;
	s1 =	sshll.u32 s1, $0x11  }
0xc9: {  	s0 =	sor.u32 s1, s0  }
0xca: {  	s0 =	sadd.s32 $0x8F2B, s0  }
0xcb: {  	[sflag:s0] =	ssyncadd.remote.s32 $0x1  }
0xcc: {  	_ =	sfence.sel $0xFFFF  }
0xcd: {  	[dreg:$0x0] =	wrdreg $0xFFFFFFFF;
	(pc) =	sbr.abs _section_cstart, $3  }
0xce: {  	[dreg:$0x1] =	wrdreg $0xFFFFFFFF  }
0xcf: {  	_ =	task.clear_ibuf [dreg:s22], $0x2FFFF;
	_ =	strace $0x9FFFFFFF  }
0xd0: {  	(tm) =	ssettm $0x7FFFFFFF  }
0xd1: {  	_ =	shalt  }
tec
execute0_lowered:
.L_overlay_start_1:
0x0: {  	(tag) =	ssettag $0x1  }
0x1: {  	s1 =	srdreg.scid  }
0x2: {  	s2 =	simm.s32 $0x0;
	s4 =	sand.u32 $0x1, s1;
	s1 =	rddreg [dreg:$0x0]  }
0x3: {  	s8 =	simm.s32 $0x900;
	[smem:$0x7FF] =	sst s2  }
0x4: {  	s9 =	simm.s32 $0xD00;
	_ =	strace $0x8000004A;
	[dreg:$0x5] =	wrdreg s8  }
0x5: {  	s10 =	simm.s32 $0x1500;
	[dreg:$0x6] =	wrdreg s9  }
0x6: {  	s11 =	simm.s32 $0x1900;
	[dreg:$0x7] =	wrdreg s10  }
0x7: {  	s12 =	simm.s32 $0x2100;
	[dreg:$0x8] =	wrdreg s11  }
0x8: {  	s13 =	simm.s32 $0x2500;
	[dreg:$0x9] =	wrdreg s12  }
0x9: {  	s14 =	simm.s32 $0x2D00;
	[dreg:$0xa] =	wrdreg s13  }
0xa: {  	s15 =	simm.s32 $0x3100;
	[dreg:$0xb] =	wrdreg s14  }
0xb: {  	s16 =	simm.s32 $0x3900;
	[dreg:$0xc] =	wrdreg s15  }
0xc: {  	s17 =	simm.s32 $0x3D00;
	[dreg:$0xd] =	wrdreg s16  }
0xd: {  	s18 =	simm.s32 $0x4500;
	[dreg:$0xe] =	wrdreg s17  }
0xe: {  	s19 =	simm.s32 $0x4900;
	[dreg:$0xf] =	wrdreg s18  }
0xf: {  	s20 =	simm.s32 $0x5100;
	[dreg:$0x10] =	wrdreg s19  }
0x10: {  	s21 =	simm.s32 $0x5500;
	[dreg:$0x11] =	wrdreg s20  }
0x11: {  	s22 =	simm.s32 $0x5D00;
	[dreg:$0x12] =	wrdreg s21  }
0x12: {  	s23 =	simm.s32 $0x6100;
	[dreg:$0x13] =	wrdreg s22  }
0x13: {  	s24 =	simm.s32 $0x6900;
	[dreg:$0x14] =	wrdreg s23  }
0x14: {  	s25 =	simm.s32 $0x6D00;
	[dreg:$0x15] =	wrdreg s24  }
0x15: {  	s0 =	stileid.u32;
	s26 =	simm.s32 $0x7500;
	[dreg:$0x16] =	wrdreg s25  }
0x16: {  	s3 =	sshll.u32 s0, $0x6;
	s0 =	simm.s32 $0x7900;
	[dreg:$0x17] =	wrdreg s26  }
0x17: {  	[dreg:$0x18] =	wrdreg s0;
	s8 =	simm.s32 $0x9100  }
0x18: {  	s9 =	simm.s32 $0x9900;
	[dreg:$0x1c] =	wrdreg s8  }
0x19: {  	s10 =	simm.s32 $0x9D00;
	[dreg:$0x1d] =	wrdreg s9  }
0x1a: {  	s11 =	simm.s32 $0xA500;
	[dreg:$0x1e] =	wrdreg s10  }
0x1b: {  	s12 =	simm.s32 $0xA900;
	[dreg:$0x1f] =	wrdreg s11  }
0x1c: {  	s13 =	simm.s32 $0xB100;
	[smem:$0x7F0] =	sst s12  }
0x1d: {  	s14 =	simm.s32 $0xB500;
	[smem:$0x7F1] =	sst s13  }
0x1e: {  	s15 =	simm.s32 $0xBD00;
	[smem:$0x7F2] =	sst s14  }
0x1f: {  	s28 =	simm.s32 $0x17100;
	s16 =	simm.s32 $0xC900;
	[smem:$0x7F3] =	sst s15  }
0x20: {  	s29 =	simm.s32 $0x17500;
	s17 =	simm.s32 $0xCD00;
	[smem:$0x7F4] =	sst s16  }
0x21: {  	s30 =	simm.s32 $0x17D00;
	s18 =	simm.s32 $0xD500;
	[smem:$0x7F5] =	sst s17  }
0x22: {  	s31 =	simm.s32 $0x1;
	s20 =	simm.s32 $0xD900;
	[smem:$0x7F6] =	sst s18  }
0x23: {  	s5 =	sshll.u32 s4, $0x5;
	s21 =	simm.s32 $0xE100;
	[smem:$0x7F7] =	sst s20  }
0x24: {  	s7 =	sadd.s32 $0x9F400, s1;
	s22 =	simm.s32 $0xE500;
	[smem:$0x7F8] =	sst s21  }
0x25: {  	s4 =	ssub.s32 $0x2, s4;
	s23 =	simm.s32 $0xED00;
	[smem:$0x7F9] =	sst s22  }
0x26: {  	s24 =	simm.s32 $0xF100;
	s25 =	simm.s32 $0xF900;
	[smem:$0x7FA] =	sst s23  }
0x27: {  	s26 =	simm.s32 $0xFD00;
	s3 =	sor.u32 s5, s3;
	[smem:$0x7FB] =	sst s24  }
0x28: {  	s19 =	sshrl.u32 s4, $0x1;
	s8 =	simm.s32 $0xC100;
	[smem:$0x7FC] =	sst s25  }
0x29: {  	[smem:$0x7FD] =	sst s26;
	s10 =	simm.s32 $0x10900;
	s11 =	simm.s32 $0x11100  }
0x2a: {  	s12 =	simm.s32 $0x11500;
	s13 =	simm.s32 $0x11D00;
	s14 =	simm.s32 $0x12100  }
0x2b: {  	s15 =	simm.s32 $0x12900;
	s16 =	simm.s32 $0x12D00;
	s17 =	simm.s32 $0x13500  }
0x2c: {  	s18 =	simm.s32 $0x13900;
	s20 =	simm.s32 $0x14500;
	s21 =	simm.s32 $0x14D00  }
0x2d: {  	s22 =	simm.s32 $0x15100;
	s23 =	simm.s32 $0x15900;
	s5 =	smul.u32 $0xC00, s3  }
0x2e: {  	s24 =	simm.s32 $0x15D00;
	s6 =	sadd.s32 s3, s1;
	s3 =	smul.u32 $0x180, s3  }
0x2f: {  	s25 =	simm.s32 $0x16500;
	s26 =	simm.s32 $0x16900;
	s6 =	sadd.s32 $0x9F000, s6  }
0x30: {  	s5 =	sshrl.u32 s5, $0x3;
	[dreg:$0x2] =	wrdreg s6;
	s3 =	sadd.s32 s7, s3  }
0x31: {  	s6 =	simm.s32 $0x8500;
	s5 =	sadd.s32 s7, s5;
	[dreg:$0x3] =	wrdreg s3  }
0x32: {  	[dreg:$0x1a] =	wrdreg s6;
	s3 =	sadd.s32 $0x4200, s1;
	s6 =	ssub.s32 s4, s19  }
0x33: {  	s4 =	sadd.s32 $0x4300, s1;
	s19 =	simm.s32 $0x14100;
	s7 =	sadd.s32 $0x1800, s5  }
0x34: {  	v2 =	vlaneseq.u32;
	s1 =	simm.s32 $0x2;
	s5 =	simm.s32 $0x8100;
	[dreg:$0x4] =	wrdreg s7  }
0x35: {  	vm0 =	vmmov $0xffff;
	vm1 =	vmmov $0xff;
	v1 =	vshrl.u32 v2, $0x3;
	[dreg:$0x19] =	wrdreg s5;
	s7 =	simm.s32 $0x8D00;
	s5 =	smax.u32 s6, $0x1  }
0x36: {  	v0 =	vand.u32 $0x7, v2;
	v2 =	vor.u32 $0x8, v2;
	v1 =	vmul.u32 $0x8, v1;
	s6 =	simm.s32 $0x3;
	[dreg:$0x1b] =	wrdreg s7;
	s7 =	simm.s32 $0x100  }
.LBB2_1:
0x37: {  	s0 =	rddreg [dreg:$0x2]  }
0x38: {  	[tilespmem:s2], [sflag:$0x3] =	stream.linear.gather [hbm4b:s0+s2], $0x100, $0x38;
	[tilespmem:$0x18100] =	vst v63  }
0x39: {  	_ =	swait.ge [sflag:s6], $0x100  }
0x3a: {  	[sflag:s6] =	ssyncset.done $0x0  }
0x3b: {  	[sflag:s6] =	ssyncadd.s32 $0xFFFFFF00  }
0x3c: {  	v3 =	vld [tilespmem:$0x0];
	_ =	sdelay $0x4  }
0x3d: {  	v4 =	vshrl.u32 v3, $0x3  }
0x3e: {  	v4 =	vmul.u32 $0x18, v4  }
0x3f: {  	v3 =	vand.u32 $0x7, v3  }
0x40: {  	v3 =	vor.u32 v3, v4  }
0x41: {  	v4 =	vperm.xlane v3, v0;
	_ =	sdelay $0x1  }
0x42: {  	v4 =	vadd.s32 v1, v4;
	_ =	sdelay $0x1  }
0x43: {  	v3 =	vperm.xlane v3, v2;
	_ =	sdelay $0x1  }
0x44: {  	v3 =	vadd.s32 v1, v3  }
0x45: {  	[tilespmem:s7], [sflag:$0x1] =	stream.indirect_vreg.gather [hbm4b:s3+s2], $0x80, v4, vm0, $0xb8;
	[tilespmem:$0x18100] =	vst v63  }
0x46: {  	s0 =	rddreg [dreg:$0x5]  }
0x47: {  	[tilespmem:s0], [sflag:$0x1] =	stream.indirect_vreg.gather [hbm4b:s4+s2], $0x80, v4, vm1, $0xb8;
	[tilespmem:$0x18100] =	vst v63  }
0x48: {  	s9 =	rddreg [dreg:$0x6]  }
0x49: {  	[tilespmem:s9], [sflag:$0x1] =	stream.indirect_vreg.gather [hbm4b:s3+s2], $0x80, v3, vm0, $0xb8;
	[tilespmem:$0x18100] =	vst v63  }
0x4a: {  	s0 =	rddreg [dreg:$0x7]  }
0x4b: {  	[tilespmem:s0], [sflag:$0x1] =	stream.indirect_vreg.gather [hbm4b:s4+s2], $0x80, v3, vm1, $0xb8;
	[tilespmem:$0x18100] =	vst v63  }
0x4c: {  	v3 =	vld [tilespmem:$0x10];
	_ =	sdelay $0x4  }
0x4d: {  	v49 =	vshrl.u32 v3, $0x3  }
0x4e: {  	v4 =	vmul.u32 $0x18, v49  }
0x4f: {  	v3 =	vand.u32 $0x7, v3  }
0x50: {  	v3 =	vor.u32 v3, v4  }
0x51: {  	v4 =	vperm.xlane v3, v0;
	_ =	sdelay $0x1  }
0x52: {  	v4 =	vadd.s32 v1, v4;
	_ =	sdelay $0x1  }
0x53: {  	v3 =	vperm.xlane v3, v2;
	_ =	sdelay $0x1  }
0x54: {  	s0 =	rddreg [dreg:$0x8];
	v3 =	vadd.s32 v1, v3  }
0x55: {  	[tilespmem:s0], [sflag:$0x1] =	stream.indirect_vreg.gather [hbm4b:s3+s2], $0x80, v4, vm0, $0xb8;
	[tilespmem:$0x18100] =	vst v63  }
0x56: {  	s9 =	rddreg [dreg:$0x9]  }
0x57: {  	[tilespmem:s9], [sflag:$0x1] =	stream.indirect_vreg.gather [hbm4b:s4+s2], $0x80, v4, vm1, $0xb8;
	[tilespmem:$0x18100] =	vst v63  }
0x58: {  	s0 =	rddreg [dreg:$0xa]  }
0x59: {  	[tilespmem:s0], [sflag:$0x1] =	stream.indirect_vreg.gather [hbm4b:s3+s2], $0x80, v3, vm0, $0xb8;
	[tilespmem:$0x18100] =	vst v63  }
0x5a: {  	s9 =	rddreg [dreg:$0xb]  }
0x5b: {  	[tilespmem:s9], [sflag:$0x1] =	stream.indirect_vreg.gather [hbm4b:s4+s2], $0x80, v3, vm1, $0xb8;
	[tilespmem:$0x18100] =	vst v63  }
0x5c: {  	v3 =	vld [tilespmem:$0x20];
	_ =	sdelay $0x4  }
0x5d: {  	v50 =	vshrl.u32 v3, $0x3  }
0x5e: {  	v4 =	vmul.u32 $0x18, v50  }
0x5f: {  	v3 =	vand.u32 $0x7, v3  }
0x60: {  	v3 =	vor.u32 v3, v4  }
0x61: {  	v4 =	vperm.xlane v3, v0;
	_ =	sdelay $0x1  }
0x62: {  	v4 =	vadd.s32 v1, v4;
	_ =	sdelay $0x1  }
0x63: {  	v3 =	vperm.xlane v3, v2;
	_ =	sdelay $0x1  }
0x64: {  	s0 =	rddreg [dreg:$0xc];
	v3 =	vadd.s32 v1, v3  }
0x65: {  	[tilespmem:s0], [sflag:$0x1] =	stream.indirect_vreg.gather [hbm4b:s3+s2], $0x80, v4, vm0, $0xb8;
	[tilespmem:$0x18100] =	vst v63  }
0x66: {  	s9 =	rddreg [dreg:$0xd]  }
0x67: {  	[tilespmem:s9], [sflag:$0x1] =	stream.indirect_vreg.gather [hbm4b:s4+s2], $0x80, v4, vm1, $0xb8;
	[tilespmem:$0x18100] =	vst v63  }
0x68: {  	s0 =	rddreg [dreg:$0xe]  }
0x69: {  	[tilespmem:s0], [sflag:$0x1] =	stream.indirect_vreg.gather [hbm4b:s3+s2], $0x80, v3, vm0, $0xb8;
	[tilespmem:$0x18100] =	vst v63  }
0x6a: {  	s9 =	rddreg [dreg:$0xf]  }
0x6b: {  	[tilespmem:s9], [sflag:$0x1] =	stream.indirect_vreg.gather [hbm4b:s4+s2], $0x80, v3, vm1, $0xb8;
	[tilespmem:$0x18100] =	vst v63  }
0x6c: {  	v3 =	vld [tilespmem:$0x30];
	_ =	sdelay $0x4  }
0x6d: {  	v51 =	vshrl.u32 v3, $0x3  }
0x6e: {  	v4 =	vmul.u32 $0x18, v51  }
0x6f: {  	v3 =	vand.u32 $0x7, v3  }
0x70: {  	v3 =	vor.u32 v3, v4  }
0x71: {  	v4 =	vperm.xlane v3, v0;
	_ =	sdelay $0x1  }
0x72: {  	v4 =	vadd.s32 v1, v4;
	_ =	sdelay $0x1  }
0x73: {  	v3 =	vperm.xlane v3, v2;
	_ =	sdelay $0x1  }
0x74: {  	s0 =	rddreg [dreg:$0x10];
	v3 =	vadd.s32 v1, v3  }
0x75: {  	[tilespmem:s0], [sflag:$0x1] =	stream.indirect_vreg.gather [hbm4b:s3+s2], $0x80, v4, vm0, $0xb8;
	[tilespmem:$0x18100] =	vst v63  }
0x76: {  	s9 =	rddreg [dreg:$0x11]  }
0x77: {  	[tilespmem:s9], [sflag:$0x1] =	stream.indirect_vreg.gather [hbm4b:s4+s2], $0x80, v4, vm1, $0xb8;
	[tilespmem:$0x18100] =	vst v63  }
0x78: {  	s0 =	rddreg [dreg:$0x12]  }
0x79: {  	[tilespmem:s0], [sflag:$0x1] =	stream.indirect_vreg.gather [hbm4b:s3+s2], $0x80, v3, vm0, $0xb8;
	[tilespmem:$0x18100] =	vst v63  }
0x7a: {  	s9 =	rddreg [dreg:$0x13]  }
0x7b: {  	[tilespmem:s9], [sflag:$0x1] =	stream.indirect_vreg.gather [hbm4b:s4+s2], $0x80, v3, vm1, $0xb8;
	[tilespmem:$0x18100] =	vst v63  }
0x7c: {  	v3 =	vld [tilespmem:$0x40];
	_ =	sdelay $0x4  }
0x7d: {  	v52 =	vshrl.u32 v3, $0x3  }
0x7e: {  	v4 =	vmul.u32 $0x18, v52  }
0x7f: {  	v3 =	vand.u32 $0x7, v3  }
0x80: {  	v3 =	vor.u32 v3, v4  }
0x81: {  	v4 =	vperm.xlane v3, v0;
	_ =	sdelay $0x1  }
0x82: {  	v4 =	vadd.s32 v1, v4;
	_ =	sdelay $0x1  }
0x83: {  	v3 =	vperm.xlane v3, v2;
	_ =	sdelay $0x1  }
0x84: {  	s0 =	rddreg [dreg:$0x14];
	v3 =	vadd.s32 v1, v3  }
0x85: {  	[tilespmem:s0], [sflag:$0x1] =	stream.indirect_vreg.gather [hbm4b:s3+s2], $0x80, v4, vm0, $0xb8;
	[tilespmem:$0x18100] =	vst v63  }
0x86: {  	s9 =	rddreg [dreg:$0x15]  }
0x87: {  	[tilespmem:s9], [sflag:$0x1] =	stream.indirect_vreg.gather [hbm4b:s4+s2], $0x80, v4, vm1, $0xb8;
	[tilespmem:$0x18100] =	vst v63  }
0x88: {  	s0 =	rddreg [dreg:$0x16]  }
0x89: {  	[tilespmem:s0], [sflag:$0x1] =	stream.indirect_vreg.gather [hbm4b:s3+s2], $0x80, v3, vm0, $0xb8;
	[tilespmem:$0x18100] =	vst v63  }
0x8a: {  	s9 =	rddreg [dreg:$0x17]  }
0x8b: {  	[tilespmem:s9], [sflag:$0x1] =	stream.indirect_vreg.gather [hbm4b:s4+s2], $0x80, v3, vm1, $0xb8;
	[tilespmem:$0x18100] =	vst v63  }
0x8c: {  	v3 =	vld [tilespmem:$0x50];
	_ =	sdelay $0x4  }
0x8d: {  	v53 =	vshrl.u32 v3, $0x3  }
0x8e: {  	v4 =	vmul.u32 $0x18, v53  }
0x8f: {  	v3 =	vand.u32 $0x7, v3  }
0x90: {  	v3 =	vor.u32 v3, v4  }
0x91: {  	v4 =	vperm.xlane v3, v0;
	_ =	sdelay $0x1  }
0x92: {  	v4 =	vadd.s32 v1, v4;
	_ =	sdelay $0x1  }
0x93: {  	v3 =	vperm.xlane v3, v2;
	_ =	sdelay $0x1  }
0x94: {  	s0 =	rddreg [dreg:$0x18];
	v3 =	vadd.s32 v1, v3  }
0x95: {  	[tilespmem:s0], [sflag:$0x1] =	stream.indirect_vreg.gather [hbm4b:s3+s2], $0x80, v4, vm0, $0xb8;
	[tilespmem:$0x18100] =	vst v63  }
0x96: {  	s9 =	rddreg [dreg:$0x19]  }
0x97: {  	[tilespmem:s9], [sflag:$0x1] =	stream.indirect_vreg.gather [hbm4b:s4+s2], $0x80, v4, vm1, $0xb8;
	[tilespmem:$0x18100] =	vst v63  }
0x98: {  	s0 =	rddreg [dreg:$0x1a]  }
0x99: {  	[tilespmem:s0], [sflag:$0x1] =	stream.indirect_vreg.gather [hbm4b:s3+s2], $0x80, v3, vm0, $0xb8;
	[tilespmem:$0x18100] =	vst v63  }
0x9a: {  	s9 =	rddreg [dreg:$0x1b]  }
0x9b: {  	[tilespmem:s9], [sflag:$0x1] =	stream.indirect_vreg.gather [hbm4b:s4+s2], $0x80, v3, vm1, $0xb8;
	[tilespmem:$0x18100] =	vst v63  }
0x9c: {  	v3 =	vld [tilespmem:$0x60];
	_ =	sdelay $0x4  }
0x9d: {  	v54 =	vshrl.u32 v3, $0x3  }
0x9e: {  	v4 =	vmul.u32 $0x18, v54  }
0x9f: {  	v3 =	vand.u32 $0x7, v3  }
0xa0: {  	v3 =	vor.u32 v3, v4  }
0xa1: {  	v4 =	vperm.xlane v3, v0;
	_ =	sdelay $0x1  }
0xa2: {  	v4 =	vadd.s32 v1, v4;
	_ =	sdelay $0x1  }
0xa3: {  	v3 =	vperm.xlane v3, v2;
	_ =	sdelay $0x1  }
0xa4: {  	s0 =	rddreg [dreg:$0x1c];
	v3 =	vadd.s32 v1, v3  }
0xa5: {  	[tilespmem:s0], [sflag:$0x1] =	stream.indirect_vreg.gather [hbm4b:s3+s2], $0x80, v4, vm0, $0xb8;
	[tilespmem:$0x18100] =	vst v63  }
0xa6: {  	s9 =	rddreg [dreg:$0x1d]  }
0xa7: {  	[tilespmem:s9], [sflag:$0x1] =	stream.indirect_vreg.gather [hbm4b:s4+s2], $0x80, v4, vm1, $0xb8;
	[tilespmem:$0x18100] =	vst v63  }
0xa8: {  	s0 =	rddreg [dreg:$0x1e]  }
0xa9: {  	[tilespmem:s0], [sflag:$0x1] =	stream.indirect_vreg.gather [hbm4b:s3+s2], $0x80, v3, vm0, $0xb8;
	[tilespmem:$0x18100] =	vst v63  }
0xaa: {  	s9 =	rddreg [dreg:$0x1f]  }
0xab: {  	[tilespmem:s9], [sflag:$0x1] =	stream.indirect_vreg.gather [hbm4b:s4+s2], $0x80, v3, vm1, $0xb8;
	[tilespmem:$0x18100] =	vst v63  }
0xac: {  	v3 =	vld [tilespmem:$0x70];
	_ =	sdelay $0x4  }
0xad: {  	v55 =	vshrl.u32 v3, $0x3  }
0xae: {  	v4 =	vmul.u32 $0x18, v55  }
0xaf: {  	v3 =	vand.u32 $0x7, v3  }
0xb0: {  	v3 =	vor.u32 v3, v4  }
0xb1: {  	v4 =	vperm.xlane v3, v0;
	_ =	sdelay $0x1  }
0xb2: {  	v4 =	vadd.s32 v1, v4;
	_ =	sdelay $0x1  }
0xb3: {  	s0 =	sld [smem:$0x7F0];
	v3 =	vperm.xlane v3, v2;
	_ =	sdelay $0x1  }
0xb4: {  	s9 =	sld [smem:$0x7F1];
	v3 =	vadd.s32 v1, v3  }
0xb5: {  	[tilespmem:s0], [sflag:$0x1] =	stream.indirect_vreg.gather [hbm4b:s3+s2], $0x80, v4, vm0, $0xb8;
	[tilespmem:$0x18100] =	vst v63  }
0xb6: {  	s0 =	sld [smem:$0x7F2]  }
0xb7: {  	[tilespmem:s9], [sflag:$0x1] =	stream.indirect_vreg.gather [hbm4b:s4+s2], $0x80, v4, vm1, $0xb8;
	[tilespmem:$0x18100] =	vst v63  }
0xb8: {  	s9 =	sld [smem:$0x7F3]  }
0xb9: {  	[tilespmem:s0], [sflag:$0x1] =	stream.indirect_vreg.gather [hbm4b:s3+s2], $0x80, v3, vm0, $0xb8;
	[tilespmem:$0x18100] =	vst v63  }
0xba: {  	_ = 	snop  }
0xbb: {  	[tilespmem:s9], [sflag:$0x1] =	stream.indirect_vreg.gather [hbm4b:s4+s2], $0x80, v3, vm1, $0xb8;
	[tilespmem:$0x18100] =	vst v63  }
0xbc: {  	v3 =	vld [tilespmem:$0x80];
	_ =	sdelay $0x4  }
0xbd: {  	v56 =	vshrl.u32 v3, $0x3  }
0xbe: {  	v4 =	vmul.u32 $0x18, v56  }
0xbf: {  	v3 =	vand.u32 $0x7, v3  }
0xc0: {  	v3 =	vor.u32 v3, v4  }
0xc1: {  	v4 =	vperm.xlane v3, v0;
	_ =	sdelay $0x1  }
0xc2: {  	v4 =	vadd.s32 v1, v4;
	_ =	sdelay $0x1  }
0xc3: {  	v3 =	vperm.xlane v3, v2;
	_ =	sdelay $0x1  }
0xc4: {  	s0 =	sld [smem:$0x7F4];
	v3 =	vadd.s32 v1, v3  }
0xc5: {  	[tilespmem:s8], [sflag:$0x2] =	stream.indirect_vreg.gather [hbm4b:s3+s2], $0x80, v4, vm0, $0xb8;
	[tilespmem:$0x18100] =	vst v63  }
0xc6: {  	s9 =	sld [smem:$0x7F5]  }
0xc7: {  	[tilespmem:s0], [sflag:$0x2] =	stream.indirect_vreg.gather [hbm4b:s4+s2], $0x80, v4, vm1, $0xb8;
	[tilespmem:$0x18100] =	vst v63  }
0xc8: {  	s0 =	sld [smem:$0x7F6]  }
0xc9: {  	[tilespmem:s9], [sflag:$0x2] =	stream.indirect_vreg.gather [hbm4b:s3+s2], $0x80, v3, vm0, $0xb8;
	[tilespmem:$0x18100] =	vst v63  }
0xca: {  	_ = 	snop  }
0xcb: {  	[tilespmem:s0], [sflag:$0x2] =	stream.indirect_vreg.gather [hbm4b:s4+s2], $0x80, v3, vm1, $0xb8;
	[tilespmem:$0x18100] =	vst v63  }
0xcc: {  	v3 =	vld [tilespmem:$0x90];
	_ =	sdelay $0x4  }
0xcd: {  	v57 =	vshrl.u32 v3, $0x3  }
0xce: {  	v4 =	vmul.u32 $0x18, v57  }
0xcf: {  	v3 =	vand.u32 $0x7, v3  }
0xd0: {  	v3 =	vor.u32 v3, v4  }
0xd1: {  	v4 =	vperm.xlane v3, v0;
	_ =	sdelay $0x1  }
0xd2: {  	v4 =	vadd.s32 v1, v4;
	_ =	sdelay $0x1  }
0xd3: {  	s0 =	sld [smem:$0x7F7];
	v3 =	vperm.xlane v3, v2;
	_ =	sdelay $0x1  }
0xd4: {  	s9 =	sld [smem:$0x7F8];
	v3 =	vadd.s32 v1, v3  }
0xd5: {  	[tilespmem:s0], [sflag:$0x2] =	stream.indirect_vreg.gather [hbm4b:s3+s2], $0x80, v4, vm0, $0xb8;
	[tilespmem:$0x18100] =	vst v63  }
0xd6: {  	s0 =	sld [smem:$0x7F9]  }
0xd7: {  	[tilespmem:s9], [sflag:$0x2] =	stream.indirect_vreg.gather [hbm4b:s4+s2], $0x80, v4, vm1, $0xb8;
	[tilespmem:$0x18100] =	vst v63  }
0xd8: {  	s9 =	sld [smem:$0x7FA]  }
0xd9: {  	[tilespmem:s0], [sflag:$0x2] =	stream.indirect_vreg.gather [hbm4b:s3+s2], $0x80, v3, vm0, $0xb8;
	[tilespmem:$0x18100] =	vst v63  }
0xda: {  	_ = 	snop  }
0xdb: {  	[tilespmem:s9], [sflag:$0x2] =	stream.indirect_vreg.gather [hbm4b:s4+s2], $0x80, v3, vm1, $0xb8;
	[tilespmem:$0x18100] =	vst v63  }
0xdc: {  	v3 =	vld [tilespmem:$0xA0];
	_ =	sdelay $0x4  }
0xdd: {  	v58 =	vshrl.u32 v3, $0x3  }
0xde: {  	v4 =	vmul.u32 $0x18, v58  }
0xdf: {  	v3 =	vand.u32 $0x7, v3  }
0xe0: {  	v3 =	vor.u32 v3, v4  }
0xe1: {  	v4 =	vperm.xlane v3, v0;
	_ =	sdelay $0x1  }
0xe2: {  	v4 =	vadd.s32 v1, v4;
	_ =	sdelay $0x1  }
0xe3: {  	s0 =	sld [smem:$0x7FB];
	v3 =	vperm.xlane v3, v2;
	_ =	sdelay $0x1  }
0xe4: {  	s9 =	sld [smem:$0x7FC];
	v3 =	vadd.s32 v1, v3  }
0xe5: {  	[tilespmem:s0], [sflag:$0x2] =	stream.indirect_vreg.gather [hbm4b:s3+s2], $0x80, v4, vm0, $0xb8;
	[tilespmem:$0x18100] =	vst v63  }
0xe6: {  	s0 =	sld [smem:$0x7FD]  }
0xe7: {  	[tilespmem:s9], [sflag:$0x2] =	stream.indirect_vreg.gather [hbm4b:s4+s2], $0x80, v4, vm1, $0xb8;
	[tilespmem:$0x18100] =	vst v63  }
0xe8: {  	_ = 	snop  }
0xe9: {  	[tilespmem:s0], [sflag:$0x2] =	stream.indirect_vreg.gather [hbm4b:s3+s2], $0x80, v3, vm0, $0xb8;
	[tilespmem:$0x18100] =	vst v63  }
0xea: {  	s9 =	simm.s32 $0x10500  }
0xeb: {  	[tilespmem:s9], [sflag:$0x2] =	stream.indirect_vreg.gather [hbm4b:s4+s2], $0x80, v3, vm1, $0xb8;
	[tilespmem:$0x18100] =	vst v63  }
0xec: {  	v3 =	vld [tilespmem:$0xB0];
	_ =	sdelay $0x4  }
0xed: {  	v59 =	vshrl.u32 v3, $0x3  }
0xee: {  	v4 =	vmul.u32 $0x18, v59  }
0xef: {  	v3 =	vand.u32 $0x7, v3  }
0xf0: {  	v3 =	vor.u32 v3, v4  }
0xf1: {  	v4 =	vperm.xlane v3, v0;
	_ =	sdelay $0x1  }
0xf2: {  	v4 =	vadd.s32 v1, v4;
	_ =	sdelay $0x1  }
0xf3: {  	v3 =	vperm.xlane v3, v2;
	_ =	sdelay $0x1  }
0xf4: {  	v3 =	vadd.s32 v1, v3  }
0xf5: {  	[tilespmem:s10], [sflag:$0x2] =	stream.indirect_vreg.gather [hbm4b:s3+s2], $0x80, v4, vm0, $0xb8;
	[tilespmem:$0x18100] =	vst v63  }
0xf6: {  	_ = 	snop  }
0xf7: {  	[tilespmem:s11], [sflag:$0x2] =	stream.indirect_vreg.gather [hbm4b:s4+s2], $0x80, v4, vm1, $0xb8;
	[tilespmem:$0x18100] =	vst v63  }
0xf8: {  	_ = 	snop  }
0xf9: {  	[tilespmem:s12], [sflag:$0x2] =	stream.indirect_vreg.gather [hbm4b:s3+s2], $0x80, v3, vm0, $0xb8;
	[tilespmem:$0x18100] =	vst v63  }
0xfa: {  	_ = 	snop  }
0xfb: {  	[tilespmem:s13], [sflag:$0x2] =	stream.indirect_vreg.gather [hbm4b:s4+s2], $0x80, v3, vm1, $0xb8;
	[tilespmem:$0x18100] =	vst v63  }
0xfc: {  	v3 =	vld [tilespmem:$0xC0];
	_ =	sdelay $0x4  }
0xfd: {  	v60 =	vshrl.u32 v3, $0x3  }
0xfe: {  	v4 =	vmul.u32 $0x18, v60  }
0xff: {  	v3 =	vand.u32 $0x7, v3  }
0x100: {  	v3 =	vor.u32 v3, v4  }
0x101: {  	v4 =	vperm.xlane v3, v0;
	_ =	sdelay $0x1  }
0x102: {  	v4 =	vadd.s32 v1, v4;
	_ =	sdelay $0x1  }
0x103: {  	v3 =	vperm.xlane v3, v2;
	_ =	sdelay $0x1  }
0x104: {  	v3 =	vadd.s32 v1, v3  }
0x105: {  	[tilespmem:s14], [sflag:$0x2] =	stream.indirect_vreg.gather [hbm4b:s3+s2], $0x80, v4, vm0, $0xb8;
	[tilespmem:$0x18100] =	vst v63  }
0x106: {  	_ = 	snop  }
0x107: {  	[tilespmem:s15], [sflag:$0x2] =	stream.indirect_vreg.gather [hbm4b:s4+s2], $0x80, v4, vm1, $0xb8;
	[tilespmem:$0x18100] =	vst v63  }
0x108: {  	_ = 	snop  }
0x109: {  	[tilespmem:s16], [sflag:$0x2] =	stream.indirect_vreg.gather [hbm4b:s3+s2], $0x80, v3, vm0, $0xb8;
	[tilespmem:$0x18100] =	vst v63  }
0x10a: {  	_ = 	snop  }
0x10b: {  	[tilespmem:s17], [sflag:$0x2] =	stream.indirect_vreg.gather [hbm4b:s4+s2], $0x80, v3, vm1, $0xb8;
	[tilespmem:$0x18100] =	vst v63  }
0x10c: {  	v3 =	vld [tilespmem:$0xD0];
	_ =	sdelay $0x4  }
0x10d: {  	v61 =	vshrl.u32 v3, $0x3  }
0x10e: {  	v4 =	vmul.u32 $0x18, v61  }
0x10f: {  	v3 =	vand.u32 $0x7, v3  }
0x110: {  	v3 =	vor.u32 v3, v4  }
0x111: {  	v4 =	vperm.xlane v3, v0;
	_ =	sdelay $0x1  }
0x112: {  	v4 =	vadd.s32 v1, v4;
	_ =	sdelay $0x1  }
0x113: {  	v3 =	vperm.xlane v3, v2;
	_ =	sdelay $0x1  }
0x114: {  	v3 =	vadd.s32 v1, v3  }
0x115: {  	[tilespmem:s18], [sflag:$0x2] =	stream.indirect_vreg.gather [hbm4b:s3+s2], $0x80, v4, vm0, $0xb8;
	[tilespmem:$0x18100] =	vst v63  }
0x116: {  	_ = 	snop  }
0x117: {  	[tilespmem:s19], [sflag:$0x2] =	stream.indirect_vreg.gather [hbm4b:s4+s2], $0x80, v4, vm1, $0xb8;
	[tilespmem:$0x18100] =	vst v63  }
0x118: {  	_ = 	snop  }
0x119: {  	[tilespmem:s20], [sflag:$0x2] =	stream.indirect_vreg.gather [hbm4b:s3+s2], $0x80, v3, vm0, $0xb8;
	[tilespmem:$0x18100] =	vst v63  }
0x11a: {  	_ = 	snop  }
0x11b: {  	[tilespmem:s21], [sflag:$0x2] =	stream.indirect_vreg.gather [hbm4b:s4+s2], $0x80, v3, vm1, $0xb8;
	[tilespmem:$0x18100] =	vst v63  }
0x11c: {  	v3 =	vld [tilespmem:$0xE0];
	_ =	sdelay $0x4  }
0x11d: {  	v62 =	vshrl.u32 v3, $0x3  }
0x11e: {  	v4 =	vmul.u32 $0x18, v62  }
0x11f: {  	v3 =	vand.u32 $0x7, v3  }
0x120: {  	v3 =	vor.u32 v3, v4  }
0x121: {  	v4 =	vperm.xlane v3, v0;
	_ =	sdelay $0x1  }
0x122: {  	v4 =	vadd.s32 v1, v4;
	_ =	sdelay $0x1  }
0x123: {  	v3 =	vperm.xlane v3, v2;
	_ =	sdelay $0x1  }
0x124: {  	v3 =	vadd.s32 v1, v3  }
0x125: {  	[tilespmem:s22], [sflag:$0x2] =	stream.indirect_vreg.gather [hbm4b:s3+s2], $0x80, v4, vm0, $0xb8;
	[tilespmem:$0x18100] =	vst v63  }
0x126: {  	_ = 	snop  }
0x127: {  	[tilespmem:s23], [sflag:$0x2] =	stream.indirect_vreg.gather [hbm4b:s4+s2], $0x80, v4, vm1, $0xb8;
	[tilespmem:$0x18100] =	vst v63  }
0x128: {  	_ = 	snop  }
0x129: {  	[tilespmem:s24], [sflag:$0x2] =	stream.indirect_vreg.gather [hbm4b:s3+s2], $0x80, v3, vm0, $0xb8;
	[tilespmem:$0x18100] =	vst v63  }
0x12a: {  	_ = 	snop  }
0x12b: {  	[tilespmem:s25], [sflag:$0x2] =	stream.indirect_vreg.gather [hbm4b:s4+s2], $0x80, v3, vm1, $0xb8;
	[tilespmem:$0x18100] =	vst v63  }
0x12c: {  	v3 =	vld [tilespmem:$0xF0];
	_ =	sdelay $0x4  }
0x12d: {  	v63 =	vshrl.u32 v3, $0x3  }
0x12e: {  	v4 =	vmul.u32 $0x18, v63  }
0x12f: {  	v3 =	vand.u32 $0x7, v3  }
0x130: {  	v3 =	vor.u32 v3, v4  }
0x131: {  	v4 =	vperm.xlane v3, v0;
	_ =	sdelay $0x1  }
0x132: {  	v4 =	vadd.s32 v1, v4;
	_ =	sdelay $0x1  }
0x133: {  	v3 =	vperm.xlane v3, v2;
	_ =	sdelay $0x1  }
0x134: {  	v3 =	vadd.s32 v1, v3  }
0x135: {  	[tilespmem:s26], [sflag:$0x2] =	stream.indirect_vreg.gather [hbm4b:s3+s2], $0x80, v4, vm0, $0xb8;
	[tilespmem:$0x18100] =	vst v63  }
0x136: {  	_ = 	snop  }
0x137: {  	[tilespmem:s28], [sflag:$0x2] =	stream.indirect_vreg.gather [hbm4b:s4+s2], $0x80, v4, vm1, $0xb8;
	[tilespmem:$0x18100] =	vst v63  }
0x138: {  	_ = 	snop  }
0x139: {  	[tilespmem:s29], [sflag:$0x2] =	stream.indirect_vreg.gather [hbm4b:s3+s2], $0x80, v3, vm0, $0xb8;
	[tilespmem:$0x18100] =	vst v63  }
0x13a: {  	_ = 	snop  }
0x13b: {  	[tilespmem:s30], [sflag:$0x2] =	stream.indirect_vreg.gather [hbm4b:s4+s2], $0x80, v3, vm1, $0xb8;
	[tilespmem:$0x18100] =	vst v63  }
0x13c: {  	_ =	swait.ge [sflag:s31], $0xC000  }
0x13d: {  	[sflag:s31] =	ssyncset.done $0x0  }
0x13e: {  	s9 =	rddreg [dreg:$0x3];
	[sflag:s31] =	ssyncadd.s32 $0xFFFF4000  }
0x13f: {  	[hbm4b:s9+s2] =	stream.linear.scatter [tilespmem:s7], [sflag:$0x3], $0xC000, $0x38;
	[tilespmem:$0x18100] =	vst v63  }
0x140: {  	_ =	swait.ge [sflag:s6], $0xC000  }
0x141: {  	[sflag:s6] =	ssyncset.done $0x0  }
0x142: {  	[sflag:s6] =	ssyncadd.s32 $0xFFFF4000  }
0x143: {  	_ =	swait.ge [sflag:s1], $0xC000  }
0x144: {  	p0 =	sne.s32 s5, $0x1;
	[sflag:s1] =	ssyncset.done $0x0  }
.Ltmp0:
0x145: {  	s9 =	rddreg [dreg:$0x4];
	[sflag:s1] =	ssyncadd.s32 $0xFFFF4000;
	(pc) =	sbr.rel @p0 .LBB2_1-.Ltmp0, $4  }
0x146: {  	[hbm4b:s9+s2] =	stream.linear.scatter [tilespmem:s8], [sflag:$0x3], $0xC000, $0x38;
	[tilespmem:$0x18100] =	vst v63  }
0x147: {  	_ =	swait.ge [sflag:s6], $0xC000  }
0x148: {  	[sflag:s6] =	ssyncset.done $0x0  }
0x149: {  	s5 =	sadd.s32 $0xFFFFFFFF, s5;
	[sflag:s6] =	ssyncadd.s32 $0xFFFF4000  }
0x14a: {  	_ =	sfence.sel $0x180000  }
0x14b: {  	[bflag:$0x0] =	sbarrier.arrive $0xFFFF  }
0x14c: {  	_ =	strace $0x9000004A  }
0x14d: {  	s0 =	stileid.u32;
	[bflag:$0x2] =	sbarrier.arrive $0xFFFF  }
0x14e: {  	p0 =	sne.s32 s0, $0x0;
	s0 =	rddreg [dreg:$0x1]  }
0x14f: {  	s0 =	sadd.s32 @!p0 $0x100000, s0  }
0x150: {  	[sflag:s0] =	ssyncadd.tile.s32 @!p0 $0x1;
	_ =	shalt  }
.Lfunc_end2:
_tile_overlayer_lowered:
.L_overlay_start_2:
0x151: {  	(tag) =	ssettag $0x2  }
0x152: {  	s0 =	rddreg [dreg:$0x0];
	s2 =	stileid.u32  }
0x153: {  	s1 =	rddreg [dreg:$0x1];
	p0 =	sne.s32 s2, $0x0  }
0x154: {  	s3 =	rddreg [dreg:$0x2];
	[bflag:$0x3] =	sbarrier.arrive $0xFFFF;
	s2 =	simm.s32 @!p0 $0x1C03  }
0x155: {  	[timem:s3], [sflag:s2] =	dma.local @!p0 [hbm:s0], s1  }
0x156: {  	s0 =	simm.s32 @!p0 $0x3  }
0x157: {  	_ =	swait.ge @!p0 [sflag:s0], s1  }
0x158: {  	s1 =	ssub.s32 @!p0 $0x0, s1;
	[sflag:s0] =	ssyncset.done @!p0 $0x0  }
0x159: {  	[sflag:s0] =	ssyncadd.s32 @!p0 s1  }
0x15a: {  	[bflag:$0x3] =	sbarrier.arrive $0xFFFF  }
0x15b: {  	_ =	shalt  }

// kernel: kernel.19.cloned.1.call-start
scs
__scs_entry_jumppad:
0x0: {  	(pc) =	sbr.rel $0x88, $3  }
0x1: {  	(tag) =	ssettag $0x0;
	lr =	simm.s32 $0x1  }
0x2: {  	[smem:$0x3F97] =	sst lr;
	_ =	strace $0xD0000000  }
0x3: {  	_ = 	snop  }
0x4: {  	_ = 	snop  }
0x5: {  	_ = 	snop  }
0x6: {  	_ = 	snop  }
0x7: {  	_ = 	snop  }
__scs_overlays_trampoline_lowered:
0x8: {  	[smem:$0x3FA6] =	sst s0  }
0x9: {  	[smem:$0x3FA7] =	sst s1  }
0xa: {  	[smem:$0x3FA8] =	sst s2  }
0xb: {  	[smem:$0x3FA9] =	sst s3  }
0xc: {  	[smem:$0x3FAA] =	sst s4  }
0xd: {  	[smem:$0x3FAB] =	sst s5  }
0xe: {  	[smem:$0x3FAC] =	sst s6  }
0xf: {  	[smem:$0x3FAD] =	sst s7  }
0x10: {  	[smem:$0x3FAE] =	sst s8  }
0x11: {  	[smem:$0x3FAF] =	sst s9;
	s0 =	simm.s32 @!p0 $0x0  }
0x12: {  	s1 =	sld [smem:$0x3F95];
	s0 =	simm.s32 @p0 $0x1  }
0x13: {  	[smem:$0x3FB0] =	sst s0;
	s0 =	simm.s32 @!p1 $0x0  }
0x14: {  	s2 =	sld [smem:$0x3F94];
	s0 =	simm.s32 @p1 $0x1  }
0x15: {  	[smem:$0x3FB1] =	sst s0;
	s0 =	simm.s32 @!p2 $0x0  }
0x16: {  	s3 =	sld [smem:$0x3FDB];
	s0 =	simm.s32 @p2 $0x1  }
0x17: {  	s4 =	simm.s32 $0x1BF5;
	[smem:$0x3FB3] =	sst s0  }
0x18: {  	s0 =	sld [smem:$0x3F96];
	_ =	swait.ge [sflag:s4], $0x0  }
0x19: {  	s7 =	sld [smem:$0x3F97]  }
0x1a: {  	s8 =	sadd.s32 $0xFFFFE003, lr  }
0x1b: {  	s9 =	sadd.s32 $0xFFFFFEF7, lr;
	s5 =	simm.s32 $0xFFFFFFFF;
	p2 =	slt.u32 s8, $0xFFFFF086  }
0x1c: {  	p1 =	slt.u32 s9, $0xF7A;
	s5 =	simm.s32 @!p2 $0x0  }
0x1d: {  	s5 =	simm.s32 @p1 $0x1;
	p0 =	seq.s32 s7, s2  }
0x1e: {  	s7 =	smul.u32 @!p0 $0xF7A, s2;
	p2 =	seq.s32 @!p0 s5, $0x0  }
0x1f: {  	s9 =	smul.u32 $0xF7A, s1;
	s8 =	simm.s32 @!p0 $0x1BF5;
	p2 =	por !p2, p0  }
0x20: {  	[sflag:s8] =	ssyncset.s32 @!p0 $0xFFFFF086;
	s6 =	sadd.s32 @!p0 s3, s7;
	s7 =	simm.s32 @!p0 $0x108  }
0x21: {  	s3 =	sadd.s32 s3, s9;
	s6 =	sadd.s32 @!p0 $0x88, s6;
	s7 =	simm.s32 @p2 $0x1082  }
0x22: {  	[simem:s7], [sflag:s8] =	dma.local @!p0 [hbm:s6], $0xF7A  }
0x23: {  	s9 =	sor.u32 $0xD0000000, s2;
	s6 =	simm.s32 $0x108;
	_ =	swait.ge @!p0 [sflag:s8], $0x0  }
0x24: {  	s3 =	sadd.s32 $0x88, s3;
	s6 =	simm.s32 @!p1 $0x1082;
	[sflag:s4] =	ssyncset.s32 $0xFFFFF086  }
0x25: {  	[simem:s6], [sflag:s4] =	dma.local [hbm:s3], $0xF7A  }
0x26: {  	[smem:$0x3F97] =	sst s1;
	(tag) =	ssettag s2;
	_ =	strace s9  }
0x27: {  	s1 =	sld [smem:$0x3FA7]  }
0x28: {  	s2 =	sld [smem:$0x3FA8]  }
0x29: {  	s4 =	sld [smem:$0x3FAA]  }
0x2a: {  	p0 =	seq.s32 s5, $0x0;
	s5 =	sld [smem:$0x3FAB]  }
0x2b: {  	s6 =	sld [smem:$0x3FAC]  }
0x2c: {  	s7 =	sld [smem:$0x3FAD]  }
0x2d: {  	s3 =	simm.s32 $0x108;
	s8 =	sld [smem:$0x3FAE]  }
0x2e: {  	s3 =	simm.s32 @!p0 $0x1082;
	s9 =	sld [smem:$0x3FAF]  }
0x2f: {  	lr =	sadd.s32 s0, s3;
	s0 =	sld [smem:$0x3FA6]  }
0x30: {  	s3 =	sld [smem:$0x3FA9]  }
0x31: {  	[smem:$0x3FB2] =	sst s10  }
0x32: {  	s10 =	sld [smem:$0x3FB0];
	_ =	sdelay $0x3  }
0x33: {  	p0 =	seq.s32 s10, $0x1;
	s10 =	sld [smem:$0x3FB2];
	_ =	sdelay $0x3  }
0x34: {  	[smem:$0x3FB2] =	sst s10  }
0x35: {  	s10 =	sld [smem:$0x3FB1];
	_ =	sdelay $0x3  }
0x36: {  	p1 =	seq.s32 s10, $0x1;
	s10 =	sld [smem:$0x3FB2];
	_ =	sdelay $0x3  }
0x37: {  	[smem:$0x3FB2] =	sst s10  }
0x38: {  	s10 =	sld [smem:$0x3FB3]  }
0x39: {  	_ = 	snop;
	(pc) =	sbr.ind lr, $3  }
0x3a: {  	_ = 	snop  }
0x3b: {  	_ = 	snop  }
0x3c: {  	p2 =	seq.s32 s10, $0x1;
	s10 =	sld [smem:$0x3FB2]  }
0x3d: {  	_ =	shalt  }
0x3e: {  	_ =	shalt  }
0x3f: {  	_ =	shalt  }
0x40: {  	_ =	shalt  }
0x41: {  	_ =	shalt  }
0x42: {  	_ =	shalt  }
0x43: {  	_ =	shalt  }
0x44: {  	_ =	shalt  }
0x45: {  	_ =	shalt  }
0x46: {  	_ =	shalt  }
0x47: {  	_ =	shalt  }
0x48: {  	_ =	shalt  }
0x49: {  	_ =	shalt  }
0x4a: {  	_ =	shalt  }
0x4b: {  	_ =	shalt  }
0x4c: {  	_ =	shalt  }
0x4d: {  	_ =	shalt  }
0x4e: {  	_ =	shalt  }
0x4f: {  	_ =	shalt  }
0x50: {  	_ =	shalt  }
0x51: {  	_ =	shalt  }
0x52: {  	_ =	shalt  }
0x53: {  	_ =	shalt  }
0x54: {  	_ =	shalt  }
0x55: {  	_ =	shalt  }
0x56: {  	_ =	shalt  }
0x57: {  	_ =	shalt  }
0x58: {  	_ =	shalt  }
0x59: {  	_ =	shalt  }
0x5a: {  	_ =	shalt  }
0x5b: {  	_ =	shalt  }
0x5c: {  	_ =	shalt  }
0x5d: {  	_ =	shalt  }
0x5e: {  	_ =	shalt  }
0x5f: {  	_ =	shalt  }
0x60: {  	_ =	shalt  }
0x61: {  	_ =	shalt  }
0x62: {  	_ =	shalt  }
0x63: {  	_ =	shalt  }
0x64: {  	_ =	shalt  }
0x65: {  	_ =	shalt  }
0x66: {  	_ =	shalt  }
0x67: {  	_ =	shalt  }
0x68: {  	_ =	shalt  }
0x69: {  	_ =	shalt  }
0x6a: {  	_ =	shalt  }
0x6b: {  	_ =	shalt  }
0x6c: {  	_ =	shalt  }
0x6d: {  	_ =	shalt  }
0x6e: {  	_ =	shalt  }
0x6f: {  	_ =	shalt  }
0x70: {  	_ =	shalt  }
0x71: {  	_ =	shalt  }
0x72: {  	_ =	shalt  }
0x73: {  	_ =	shalt  }
0x74: {  	_ =	shalt  }
0x75: {  	_ =	shalt  }
0x76: {  	_ =	shalt  }
0x77: {  	_ =	shalt  }
0x78: {  	_ =	shalt  }
0x79: {  	_ =	shalt  }
0x7a: {  	_ =	shalt  }
0x7b: {  	_ =	shalt  }
0x7c: {  	_ =	shalt  }
0x7d: {  	_ =	shalt  }
0x7e: {  	_ =	shalt  }
0x7f: {  	_ =	shalt  }
0x80: {  	_ =	shalt  }
0x81: {  	_ =	shalt  }
0x82: {  	_ =	shalt  }
0x83: {  	_ =	shalt  }
0x84: {  	_ =	shalt  }
0x85: {  	_ =	shalt  }
0x86: {  	_ =	shalt  }
0x87: {  	_ =	shalt  }
.Lfunc_end0:
.L_simem_size_0:
called_computation.1_lowered:
.L_overlay_start_0:
0x88: {  	s2 =	sld [smem:$0x3FD9]  }
0x89: {  	s3 =	sld [smem:$0x3FFE];
	_ =	sdelay $0x1  }
0x8a: {  	s1 =	srdreg.scid  }
0x8b: {  	s0 =	sand.u32 $0x1, s1  }
0x8c: {  	s16 =	sshll.u32 s0, $0xA;
	s2 =	sadd.s32 s3, s2  }
0x8d: {  	s2 =	sadd.s32 s2, s16  }
0x8e: {  	[smem:$0x3FBE] =	sst s2  }
0x8f: {  	_ = 	snop  }
0x90: {  	(tm) =	ssettm $0x1  }
0x91: {  	s17 =	sld [smem:$0x3FFB];
	_ =	sdelay $0x3  }
0x92: {  	_ =	strace s17  }
0x93: {  	s2 =	sld [smem:$0x3FFC];
	_ =	sdelay $0x3  }
0x94: {  	_ =	strace s2  }
0x95: {  	s2 =	sld [smem:$0x3FFD];
	_ =	sdelay $0x3  }
0x96: {  	_ =	strace s2  }
0x97: {  	_ =	strace $0x8FFFFFFF  }
0x98: {  	s18 =	sld [smem:$0x3FDB];
	_ =	sdelay $0x1  }
0x99: {  	s19 =	simm.s32 $_scs_section_size  }
0x9a: {  	s4 =	simm.s32 $_size__tile_overlayer_lowered;
	s5 =	simm.s32 $_tile_overlayer_lowered  }
0x9b: {  	s22 =	simm.s32 $0x1BFF;
	s21 =	sshll.u32 s5, $0x1;
	s2 =	sadd.s32 s19, s18  }
0x9c: {  	s6 =	simm.s32 $0x0;
	s20 =	sshll.u32 s4, $0x1;
	s4 =	sadd.s32 s21, s2  }
0x9d: {  	[timem:s6], [sflag:s22] =	dma.local [hbm:s4], s20  }
0x9e: {  	_ =	swait.ge [sflag:s22], s20  }
0x9f: {  	s3 =	ssub.s32 $0x0, s20;
	[sflag:s22] =	ssyncset.done $0x0  }
0xa0: {  	[sflag:s22] =	ssyncadd.s32 s3;
	_ =	sdelay $0x1  }
0xa1: {  	s23 =	simm.s32 $0x1B8B  }
0xa2: {  	_ =	swait.ge [sflag:s23], $0x1  }
0xa3: {  	[sflag:s23] =	ssyncset.done $0x0  }
0xa4: {  	s25 =	simm.s32 $0x1B8E;
	s24 =	sld [smem:$0x3FFE];
	[sflag:s23] =	ssyncadd.s32 $0xFFFFFFFF  }
0xa5: {  	s26 =	simm.s32 $execute0_lowered;
	[smem:$0x3FD2] =	sst s25  }
0xa6: {  	s4 =	sshll.u32 s26, $0x1;
	_ =	strace $0x80000046;
	[dreg:$0x1] =	wrdreg $0xFFFFFFFF  }
0xa7: {  	s28 =	simm.s32 $_size_execute0_lowered;
	s2 =	sadd.s32 s2, s4;
	[dreg:$0x0] =	wrdreg $0x0  }
0xa8: {  	s4 =	sshll.u32 s28, $0x1;
	[dreg:$0x2] =	wrdreg s2  }
0xa9: {  	[dreg:$0x3] =	wrdreg s4  }
0xaa: {  	[dreg:$0x4] =	wrdreg $0xC0  }
0xab: {  	_ =	task [dreg:s6], $0x5FFFF  }
0xac: {  	[dreg:$0x1] =	wrdreg $0xFFFFFFFF  }
0xad: {  	[dreg:$0x0] =	wrdreg $0x60  }
0xae: {  	[dreg:$0x2] =	wrdreg s24  }
0xaf: {  	[dreg:$0x3] =	wrdreg $0xA  }
0xb0: {  	_ =	task.clear_ibuf [dreg:s6], $0x4FFFF;
	_ =	strace $0x90000046  }
0xb1: {  	s29 =	simm.s32 $0xA;
	_ =	strace $0x80000048  }
0xb2: {  	_ =	swait.ge [sflag:s29], $0x1  }
0xb3: {  	[sflag:s29] =	ssyncadd.s32 $0xFFFFFFFF  }
0xb4: {  	_ =	strace $0x90000048  }
0xb5: {  	_ =	sfence  }
0xb6: {  	s30 =	sld [smem:$0x0];
	_ =	sdelay $0x2  }
0xb7: {  	s31 =	sshll.u32 s1, $0xD;
	s1 =	sshrl.u32 s1, $0x2  }
0xb8: {  	s3 =	sand.u32 $0x4000, s31;
	s1 =	sadd.s32 s1, s30  }
0xb9: {  	s0 =	sor.u32 s3, s0;
	s1 =	sshll.u32 s1, $0x11  }
0xba: {  	s0 =	sor.u32 s1, s0  }
0xbb: {  	s0 =	sadd.s32 $0x8F2B, s0  }
0xbc: {  	[sflag:s0] =	ssyncadd.remote.s32 $0x1  }
0xbd: {  	_ =	sfence.sel $0xFFFF  }
0xbe: {  	[dreg:$0x0] =	wrdreg $0xFFFFFFFF;
	(pc) =	sbr.abs _section_cstart, $3  }
0xbf: {  	[dreg:$0x1] =	wrdreg $0xFFFFFFFF  }
0xc0: {  	_ =	task.clear_ibuf [dreg:s6], $0x2FFFF;
	_ =	strace $0x9FFFFFFF  }
0xc1: {  	(tm) =	ssettm $0x7FFFFFFF  }
tec
execute0_lowered:
.L_overlay_start_1:
0x0: {  	(tag) =	ssettag $0x1  }
0x1: {  	s1 =	srdreg.scid  }
0x2: {  	s2 =	simm.s32 $0x0;
	s4 =	sand.u32 $0x1, s1;
	s1 =	rddreg [dreg:$0x0]  }
0x3: {  	s8 =	simm.s32 $0x900;
	[smem:$0x7FF] =	sst s2  }
0x4: {  	s9 =	simm.s32 $0xD00;
	_ =	strace $0x80000047;
	[dreg:$0x5] =	wrdreg s8  }
0x5: {  	s10 =	simm.s32 $0x1500;
	[dreg:$0x6] =	wrdreg s9  }
0x6: {  	s11 =	simm.s32 $0x1900;
	[dreg:$0x7] =	wrdreg s10  }
0x7: {  	s12 =	simm.s32 $0x2100;
	[dreg:$0x8] =	wrdreg s11  }
0x8: {  	s13 =	simm.s32 $0x2500;
	[dreg:$0x9] =	wrdreg s12  }
0x9: {  	s14 =	simm.s32 $0x2D00;
	[dreg:$0xa] =	wrdreg s13  }
0xa: {  	s15 =	simm.s32 $0x3100;
	[dreg:$0xb] =	wrdreg s14  }
0xb: {  	s16 =	simm.s32 $0x3900;
	[dreg:$0xc] =	wrdreg s15  }
0xc: {  	s17 =	simm.s32 $0x3D00;
	[dreg:$0xd] =	wrdreg s16  }
0xd: {  	s18 =	simm.s32 $0x4500;
	[dreg:$0xe] =	wrdreg s17  }
0xe: {  	s19 =	simm.s32 $0x4900;
	[dreg:$0xf] =	wrdreg s18  }
0xf: {  	s20 =	simm.s32 $0x5100;
	[dreg:$0x10] =	wrdreg s19  }
0x10: {  	s21 =	simm.s32 $0x5500;
	[dreg:$0x11] =	wrdreg s20  }
0x11: {  	s22 =	simm.s32 $0x5D00;
	[dreg:$0x12] =	wrdreg s21  }
0x12: {  	s23 =	simm.s32 $0x6100;
	[dreg:$0x13] =	wrdreg s22  }
0x13: {  	s24 =	simm.s32 $0x6900;
	[dreg:$0x14] =	wrdreg s23  }
0x14: {  	s25 =	simm.s32 $0x6D00;
	[dreg:$0x15] =	wrdreg s24  }
0x15: {  	s0 =	stileid.u32;
	s26 =	simm.s32 $0x7500;
	[dreg:$0x16] =	wrdreg s25  }
0x16: {  	s3 =	sshll.u32 s0, $0x6;
	s0 =	simm.s32 $0x7900;
	[dreg:$0x17] =	wrdreg s26  }
0x17: {  	[dreg:$0x18] =	wrdreg s0;
	s8 =	simm.s32 $0x9100  }
0x18: {  	s9 =	simm.s32 $0x9900;
	[dreg:$0x1c] =	wrdreg s8  }
0x19: {  	s10 =	simm.s32 $0x9D00;
	[dreg:$0x1d] =	wrdreg s9  }
0x1a: {  	s11 =	simm.s32 $0xA500;
	[dreg:$0x1e] =	wrdreg s10  }
0x1b: {  	s12 =	simm.s32 $0xA900;
	[dreg:$0x1f] =	wrdreg s11  }
0x1c: {  	s13 =	simm.s32 $0xB100;
	[smem:$0x7F0] =	sst s12  }
0x1d: {  	s14 =	simm.s32 $0xB500;
	[smem:$0x7F1] =	sst s13  }
0x1e: {  	s15 =	simm.s32 $0xBD00;
	[smem:$0x7F2] =	sst s14  }
0x1f: {  	s28 =	simm.s32 $0x17100;
	s16 =	simm.s32 $0xC900;
	[smem:$0x7F3] =	sst s15  }
0x20: {  	s29 =	simm.s32 $0x17500;
	s17 =	simm.s32 $0xCD00;
	[smem:$0x7F4] =	sst s16  }
0x21: {  	s30 =	simm.s32 $0x17D00;
	s18 =	simm.s32 $0xD500;
	[smem:$0x7F5] =	sst s17  }
0x22: {  	s31 =	simm.s32 $0x1;
	s20 =	simm.s32 $0xD900;
	[smem:$0x7F6] =	sst s18  }
0x23: {  	s5 =	sshll.u32 s4, $0x5;
	s21 =	simm.s32 $0xE100;
	[smem:$0x7F7] =	sst s20  }
0x24: {  	s7 =	sadd.s32 $0x3F000, s1;
	s22 =	simm.s32 $0xE500;
	[smem:$0x7F8] =	sst s21  }
0x25: {  	s4 =	ssub.s32 $0x2, s4;
	s23 =	simm.s32 $0xED00;
	[smem:$0x7F9] =	sst s22  }
0x26: {  	s24 =	simm.s32 $0xF100;
	s25 =	simm.s32 $0xF900;
	[smem:$0x7FA] =	sst s23  }
0x27: {  	s26 =	simm.s32 $0xFD00;
	s3 =	sor.u32 s5, s3;
	[smem:$0x7FB] =	sst s24  }
0x28: {  	s19 =	sshrl.u32 s4, $0x1;
	s8 =	simm.s32 $0xC100;
	[smem:$0x7FC] =	sst s25  }
0x29: {  	[smem:$0x7FD] =	sst s26;
	s10 =	simm.s32 $0x10900;
	s11 =	simm.s32 $0x11100  }
0x2a: {  	s12 =	simm.s32 $0x11500;
	s13 =	simm.s32 $0x11D00;
	s14 =	simm.s32 $0x12100  }
0x2b: {  	s15 =	simm.s32 $0x12900;
	s16 =	simm.s32 $0x12D00;
	s17 =	simm.s32 $0x13500  }
0x2c: {  	s18 =	simm.s32 $0x13900;
	s20 =	simm.s32 $0x14500;
	s21 =	simm.s32 $0x14D00  }
0x2d: {  	s22 =	simm.s32 $0x15100;
	s23 =	simm.s32 $0x15900;
	s5 =	smul.u32 $0xC00, s3  }
0x2e: {  	s24 =	simm.s32 $0x15D00;
	s6 =	sadd.s32 s3, s1;
	s3 =	smul.u32 $0x180, s3  }
0x2f: {  	s25 =	simm.s32 $0x16500;
	s26 =	simm.s32 $0x16900;
	s6 =	sadd.s32 $0x3E00, s6  }
0x30: {  	s5 =	sshrl.u32 s5, $0x3;
	[dreg:$0x2] =	wrdreg s6;
	s3 =	sadd.s32 s7, s3  }
0x31: {  	s6 =	simm.s32 $0x8500;
	s5 =	sadd.s32 s7, s5;
	[dreg:$0x3] =	wrdreg s3  }
0x32: {  	[dreg:$0x1a] =	wrdreg s6;
	s3 =	sadd.s32 $0x4200, s1;
	s6 =	ssub.s32 s4, s19  }
0x33: {  	s4 =	sadd.s32 $0x4300, s1;
	s19 =	simm.s32 $0x14100;
	s7 =	sadd.s32 $0x1800, s5  }
0x34: {  	v2 =	vlaneseq.u32;
	s1 =	simm.s32 $0x2;
	s5 =	simm.s32 $0x8100;
	[dreg:$0x4] =	wrdreg s7  }
0x35: {  	vm0 =	vmmov $0xffff;
	vm1 =	vmmov $0xff;
	v1 =	vshrl.u32 v2, $0x3;
	[dreg:$0x19] =	wrdreg s5;
	s7 =	simm.s32 $0x8D00;
	s5 =	smax.u32 s6, $0x1  }
0x36: {  	v0 =	vand.u32 $0x7, v2;
	v2 =	vor.u32 $0x8, v2;
	v1 =	vmul.u32 $0x8, v1;
	s6 =	simm.s32 $0x3;
	[dreg:$0x1b] =	wrdreg s7;
	s7 =	simm.s32 $0x100  }
.LBB2_1:
0x37: {  	s0 =	rddreg [dreg:$0x2]  }
0x38: {  	[tilespmem:s2], [sflag:$0x3] =	stream.linear.gather [hbm4b:s0+s2], $0x100, $0x38;
	[tilespmem:$0x18100] =	vst v63  }
0x39: {  	_ =	swait.ge [sflag:s6], $0x100  }
0x3a: {  	[sflag:s6] =	ssyncset.done $0x0  }
0x3b: {  	[sflag:s6] =	ssyncadd.s32 $0xFFFFFF00  }
0x3c: {  	v3 =	vld [tilespmem:$0x0];
	_ =	sdelay $0x4  }
0x3d: {  	v4 =	vshrl.u32 v3, $0x3  }
0x3e: {  	v4 =	vmul.u32 $0x18, v4  }
0x3f: {  	v3 =	vand.u32 $0x7, v3  }
0x40: {  	v3 =	vor.u32 v3, v4  }
0x41: {  	v4 =	vperm.xlane v3, v0;
	_ =	sdelay $0x1  }
0x42: {  	v4 =	vadd.s32 v1, v4;
	_ =	sdelay $0x1  }
0x43: {  	v3 =	vperm.xlane v3, v2;
	_ =	sdelay $0x1  }
0x44: {  	v3 =	vadd.s32 v1, v3  }
0x45: {  	[tilespmem:s7], [sflag:$0x1] =	stream.indirect_vreg.gather [hbm4b:s3+s2], $0x80, v4, vm0, $0xb8;
	[tilespmem:$0x18100] =	vst v63  }
0x46: {  	s0 =	rddreg [dreg:$0x5]  }
0x47: {  	[tilespmem:s0], [sflag:$0x1] =	stream.indirect_vreg.gather [hbm4b:s4+s2], $0x80, v4, vm1, $0xb8;
	[tilespmem:$0x18100] =	vst v63  }
0x48: {  	s9 =	rddreg [dreg:$0x6]  }
0x49: {  	[tilespmem:s9], [sflag:$0x1] =	stream.indirect_vreg.gather [hbm4b:s3+s2], $0x80, v3, vm0, $0xb8;
	[tilespmem:$0x18100] =	vst v63  }
0x4a: {  	s0 =	rddreg [dreg:$0x7]  }
0x4b: {  	[tilespmem:s0], [sflag:$0x1] =	stream.indirect_vreg.gather [hbm4b:s4+s2], $0x80, v3, vm1, $0xb8;
	[tilespmem:$0x18100] =	vst v63  }
0x4c: {  	v3 =	vld [tilespmem:$0x10];
	_ =	sdelay $0x4  }
0x4d: {  	v49 =	vshrl.u32 v3, $0x3  }
0x4e: {  	v4 =	vmul.u32 $0x18, v49  }
0x4f: {  	v3 =	vand.u32 $0x7, v3  }
0x50: {  	v3 =	vor.u32 v3, v4  }
0x51: {  	v4 =	vperm.xlane v3, v0;
	_ =	sdelay $0x1  }
0x52: {  	v4 =	vadd.s32 v1, v4;
	_ =	sdelay $0x1  }
0x53: {  	v3 =	vperm.xlane v3, v2;
	_ =	sdelay $0x1  }
0x54: {  	s0 =	rddreg [dreg:$0x8];
	v3 =	vadd.s32 v1, v3  }
0x55: {  	[tilespmem:s0], [sflag:$0x1] =	stream.indirect_vreg.gather [hbm4b:s3+s2], $0x80, v4, vm0, $0xb8;
	[tilespmem:$0x18100] =	vst v63  }
0x56: {  	s9 =	rddreg [dreg:$0x9]  }
0x57: {  	[tilespmem:s9], [sflag:$0x1] =	stream.indirect_vreg.gather [hbm4b:s4+s2], $0x80, v4, vm1, $0xb8;
	[tilespmem:$0x18100] =	vst v63  }
0x58: {  	s0 =	rddreg [dreg:$0xa]  }
0x59: {  	[tilespmem:s0], [sflag:$0x1] =	stream.indirect_vreg.gather [hbm4b:s3+s2], $0x80, v3, vm0, $0xb8;
	[tilespmem:$0x18100] =	vst v63  }
0x5a: {  	s9 =	rddreg [dreg:$0xb]  }
0x5b: {  	[tilespmem:s9], [sflag:$0x1] =	stream.indirect_vreg.gather [hbm4b:s4+s2], $0x80, v3, vm1, $0xb8;
	[tilespmem:$0x18100] =	vst v63  }
0x5c: {  	v3 =	vld [tilespmem:$0x20];
	_ =	sdelay $0x4  }
0x5d: {  	v50 =	vshrl.u32 v3, $0x3  }
0x5e: {  	v4 =	vmul.u32 $0x18, v50  }
0x5f: {  	v3 =	vand.u32 $0x7, v3  }
0x60: {  	v3 =	vor.u32 v3, v4  }
0x61: {  	v4 =	vperm.xlane v3, v0;
	_ =	sdelay $0x1  }
0x62: {  	v4 =	vadd.s32 v1, v4;
	_ =	sdelay $0x1  }
0x63: {  	v3 =	vperm.xlane v3, v2;
	_ =	sdelay $0x1  }
0x64: {  	s0 =	rddreg [dreg:$0xc];
	v3 =	vadd.s32 v1, v3  }
0x65: {  	[tilespmem:s0], [sflag:$0x1] =	stream.indirect_vreg.gather [hbm4b:s3+s2], $0x80, v4, vm0, $0xb8;
	[tilespmem:$0x18100] =	vst v63  }
0x66: {  	s9 =	rddreg [dreg:$0xd]  }
0x67: {  	[tilespmem:s9], [sflag:$0x1] =	stream.indirect_vreg.gather [hbm4b:s4+s2], $0x80, v4, vm1, $0xb8;
	[tilespmem:$0x18100] =	vst v63  }
0x68: {  	s0 =	rddreg [dreg:$0xe]  }
0x69: {  	[tilespmem:s0], [sflag:$0x1] =	stream.indirect_vreg.gather [hbm4b:s3+s2], $0x80, v3, vm0, $0xb8;
	[tilespmem:$0x18100] =	vst v63  }
0x6a: {  	s9 =	rddreg [dreg:$0xf]  }
0x6b: {  	[tilespmem:s9], [sflag:$0x1] =	stream.indirect_vreg.gather [hbm4b:s4+s2], $0x80, v3, vm1, $0xb8;
	[tilespmem:$0x18100] =	vst v63  }
0x6c: {  	v3 =	vld [tilespmem:$0x30];
	_ =	sdelay $0x4  }
0x6d: {  	v51 =	vshrl.u32 v3, $0x3  }
0x6e: {  	v4 =	vmul.u32 $0x18, v51  }
0x6f: {  	v3 =	vand.u32 $0x7, v3  }
0x70: {  	v3 =	vor.u32 v3, v4  }
0x71: {  	v4 =	vperm.xlane v3, v0;
	_ =	sdelay $0x1  }
0x72: {  	v4 =	vadd.s32 v1, v4;
	_ =	sdelay $0x1  }
0x73: {  	v3 =	vperm.xlane v3, v2;
	_ =	sdelay $0x1  }
0x74: {  	s0 =	rddreg [dreg:$0x10];
	v3 =	vadd.s32 v1, v3  }
0x75: {  	[tilespmem:s0], [sflag:$0x1] =	stream.indirect_vreg.gather [hbm4b:s3+s2], $0x80, v4, vm0, $0xb8;
	[tilespmem:$0x18100] =	vst v63  }
0x76: {  	s9 =	rddreg [dreg:$0x11]  }
0x77: {  	[tilespmem:s9], [sflag:$0x1] =	stream.indirect_vreg.gather [hbm4b:s4+s2], $0x80, v4, vm1, $0xb8;
	[tilespmem:$0x18100] =	vst v63  }
0x78: {  	s0 =	rddreg [dreg:$0x12]  }
0x79: {  	[tilespmem:s0], [sflag:$0x1] =	stream.indirect_vreg.gather [hbm4b:s3+s2], $0x80, v3, vm0, $0xb8;
	[tilespmem:$0x18100] =	vst v63  }
0x7a: {  	s9 =	rddreg [dreg:$0x13]  }
0x7b: {  	[tilespmem:s9], [sflag:$0x1] =	stream.indirect_vreg.gather [hbm4b:s4+s2], $0x80, v3, vm1, $0xb8;
	[tilespmem:$0x18100] =	vst v63  }
0x7c: {  	v3 =	vld [tilespmem:$0x40];
	_ =	sdelay $0x4  }
0x7d: {  	v52 =	vshrl.u32 v3, $0x3  }
0x7e: {  	v4 =	vmul.u32 $0x18, v52  }
0x7f: {  	v3 =	vand.u32 $0x7, v3  }
0x80: {  	v3 =	vor.u32 v3, v4  }
0x81: {  	v4 =	vperm.xlane v3, v0;
	_ =	sdelay $0x1  }
0x82: {  	v4 =	vadd.s32 v1, v4;
	_ =	sdelay $0x1  }
0x83: {  	v3 =	vperm.xlane v3, v2;
	_ =	sdelay $0x1  }
0x84: {  	s0 =	rddreg [dreg:$0x14];
	v3 =	vadd.s32 v1, v3  }
0x85: {  	[tilespmem:s0], [sflag:$0x1] =	stream.indirect_vreg.gather [hbm4b:s3+s2], $0x80, v4, vm0, $0xb8;
	[tilespmem:$0x18100] =	vst v63  }
0x86: {  	s9 =	rddreg [dreg:$0x15]  }
0x87: {  	[tilespmem:s9], [sflag:$0x1] =	stream.indirect_vreg.gather [hbm4b:s4+s2], $0x80, v4, vm1, $0xb8;
	[tilespmem:$0x18100] =	vst v63  }
0x88: {  	s0 =	rddreg [dreg:$0x16]  }
0x89: {  	[tilespmem:s0], [sflag:$0x1] =	stream.indirect_vreg.gather [hbm4b:s3+s2], $0x80, v3, vm0, $0xb8;
	[tilespmem:$0x18100] =	vst v63  }
0x8a: {  	s9 =	rddreg [dreg:$0x17]  }
0x8b: {  	[tilespmem:s9], [sflag:$0x1] =	stream.indirect_vreg.gather [hbm4b:s4+s2], $0x80, v3, vm1, $0xb8;
	[tilespmem:$0x18100] =	vst v63  }
0x8c: {  	v3 =	vld [tilespmem:$0x50];
	_ =	sdelay $0x4  }
0x8d: {  	v53 =	vshrl.u32 v3, $0x3  }
0x8e: {  	v4 =	vmul.u32 $0x18, v53  }
0x8f: {  	v3 =	vand.u32 $0x7, v3  }
0x90: {  	v3 =	vor.u32 v3, v4  }
0x91: {  	v4 =	vperm.xlane v3, v0;
	_ =	sdelay $0x1  }
0x92: {  	v4 =	vadd.s32 v1, v4;
	_ =	sdelay $0x1  }
0x93: {  	v3 =	vperm.xlane v3, v2;
	_ =	sdelay $0x1  }
0x94: {  	s0 =	rddreg [dreg:$0x18];
	v3 =	vadd.s32 v1, v3  }
0x95: {  	[tilespmem:s0], [sflag:$0x1] =	stream.indirect_vreg.gather [hbm4b:s3+s2], $0x80, v4, vm0, $0xb8;
	[tilespmem:$0x18100] =	vst v63  }
0x96: {  	s9 =	rddreg [dreg:$0x19]  }
0x97: {  	[tilespmem:s9], [sflag:$0x1] =	stream.indirect_vreg.gather [hbm4b:s4+s2], $0x80, v4, vm1, $0xb8;
	[tilespmem:$0x18100] =	vst v63  }
0x98: {  	s0 =	rddreg [dreg:$0x1a]  }
0x99: {  	[tilespmem:s0], [sflag:$0x1] =	stream.indirect_vreg.gather [hbm4b:s3+s2], $0x80, v3, vm0, $0xb8;
	[tilespmem:$0x18100] =	vst v63  }
0x9a: {  	s9 =	rddreg [dreg:$0x1b]  }
0x9b: {  	[tilespmem:s9], [sflag:$0x1] =	stream.indirect_vreg.gather [hbm4b:s4+s2], $0x80, v3, vm1, $0xb8;
	[tilespmem:$0x18100] =	vst v63  }
0x9c: {  	v3 =	vld [tilespmem:$0x60];
	_ =	sdelay $0x4  }
0x9d: {  	v54 =	vshrl.u32 v3, $0x3  }
0x9e: {  	v4 =	vmul.u32 $0x18, v54  }
0x9f: {  	v3 =	vand.u32 $0x7, v3  }
0xa0: {  	v3 =	vor.u32 v3, v4  }
0xa1: {  	v4 =	vperm.xlane v3, v0;
	_ =	sdelay $0x1  }
0xa2: {  	v4 =	vadd.s32 v1, v4;
	_ =	sdelay $0x1  }
0xa3: {  	v3 =	vperm.xlane v3, v2;
	_ =	sdelay $0x1  }
0xa4: {  	s0 =	rddreg [dreg:$0x1c];
	v3 =	vadd.s32 v1, v3  }
0xa5: {  	[tilespmem:s0], [sflag:$0x1] =	stream.indirect_vreg.gather [hbm4b:s3+s2], $0x80, v4, vm0, $0xb8;
	[tilespmem:$0x18100] =	vst v63  }
0xa6: {  	s9 =	rddreg [dreg:$0x1d]  }
0xa7: {  	[tilespmem:s9], [sflag:$0x1] =	stream.indirect_vreg.gather [hbm4b:s4+s2], $0x80, v4, vm1, $0xb8;
	[tilespmem:$0x18100] =	vst v63  }
0xa8: {  	s0 =	rddreg [dreg:$0x1e]  }
0xa9: {  	[tilespmem:s0], [sflag:$0x1] =	stream.indirect_vreg.gather [hbm4b:s3+s2], $0x80, v3, vm0, $0xb8;
	[tilespmem:$0x18100] =	vst v63  }
0xaa: {  	s9 =	rddreg [dreg:$0x1f]  }
0xab: {  	[tilespmem:s9], [sflag:$0x1] =	stream.indirect_vreg.gather [hbm4b:s4+s2], $0x80, v3, vm1, $0xb8;
	[tilespmem:$0x18100] =	vst v63  }
0xac: {  	v3 =	vld [tilespmem:$0x70];
	_ =	sdelay $0x4  }
0xad: {  	v55 =	vshrl.u32 v3, $0x3  }
0xae: {  	v4 =	vmul.u32 $0x18, v55  }
0xaf: {  	v3 =	vand.u32 $0x7, v3  }
0xb0: {  	v3 =	vor.u32 v3, v4  }
0xb1: {  	v4 =	vperm.xlane v3, v0;
	_ =	sdelay $0x1  }
0xb2: {  	v4 =	vadd.s32 v1, v4;
	_ =	sdelay $0x1  }
0xb3: {  	s0 =	sld [smem:$0x7F0];
	v3 =	vperm.xlane v3, v2;
	_ =	sdelay $0x1  }
0xb4: {  	s9 =	sld [smem:$0x7F1];
	v3 =	vadd.s32 v1, v3  }
0xb5: {  	[tilespmem:s0], [sflag:$0x1] =	stream.indirect_vreg.gather [hbm4b:s3+s2], $0x80, v4, vm0, $0xb8;
	[tilespmem:$0x18100] =	vst v63  }
0xb6: {  	s0 =	sld [smem:$0x7F2]  }
0xb7: {  	[tilespmem:s9], [sflag:$0x1] =	stream.indirect_vreg.gather [hbm4b:s4+s2], $0x80, v4, vm1, $0xb8;
	[tilespmem:$0x18100] =	vst v63  }
0xb8: {  	s9 =	sld [smem:$0x7F3]  }
0xb9: {  	[tilespmem:s0], [sflag:$0x1] =	stream.indirect_vreg.gather [hbm4b:s3+s2], $0x80, v3, vm0, $0xb8;
	[tilespmem:$0x18100] =	vst v63  }
0xba: {  	_ = 	snop  }
0xbb: {  	[tilespmem:s9], [sflag:$0x1] =	stream.indirect_vreg.gather [hbm4b:s4+s2], $0x80, v3, vm1, $0xb8;
	[tilespmem:$0x18100] =	vst v63  }
0xbc: {  	v3 =	vld [tilespmem:$0x80];
	_ =	sdelay $0x4  }
0xbd: {  	v56 =	vshrl.u32 v3, $0x3  }
0xbe: {  	v4 =	vmul.u32 $0x18, v56  }
0xbf: {  	v3 =	vand.u32 $0x7, v3  }
0xc0: {  	v3 =	vor.u32 v3, v4  }
0xc1: {  	v4 =	vperm.xlane v3, v0;
	_ =	sdelay $0x1  }
0xc2: {  	v4 =	vadd.s32 v1, v4;
	_ =	sdelay $0x1  }
0xc3: {  	v3 =	vperm.xlane v3, v2;
	_ =	sdelay $0x1  }
0xc4: {  	s0 =	sld [smem:$0x7F4];
	v3 =	vadd.s32 v1, v3  }
0xc5: {  	[tilespmem:s8], [sflag:$0x2] =	stream.indirect_vreg.gather [hbm4b:s3+s2], $0x80, v4, vm0, $0xb8;
	[tilespmem:$0x18100] =	vst v63  }
0xc6: {  	s9 =	sld [smem:$0x7F5]  }
0xc7: {  	[tilespmem:s0], [sflag:$0x2] =	stream.indirect_vreg.gather [hbm4b:s4+s2], $0x80, v4, vm1, $0xb8;
	[tilespmem:$0x18100] =	vst v63  }
0xc8: {  	s0 =	sld [smem:$0x7F6]  }
0xc9: {  	[tilespmem:s9], [sflag:$0x2] =	stream.indirect_vreg.gather [hbm4b:s3+s2], $0x80, v3, vm0, $0xb8;
	[tilespmem:$0x18100] =	vst v63  }
0xca: {  	_ = 	snop  }
0xcb: {  	[tilespmem:s0], [sflag:$0x2] =	stream.indirect_vreg.gather [hbm4b:s4+s2], $0x80, v3, vm1, $0xb8;
	[tilespmem:$0x18100] =	vst v63  }
0xcc: {  	v3 =	vld [tilespmem:$0x90];
	_ =	sdelay $0x4  }
0xcd: {  	v57 =	vshrl.u32 v3, $0x3  }
0xce: {  	v4 =	vmul.u32 $0x18, v57  }
0xcf: {  	v3 =	vand.u32 $0x7, v3  }
0xd0: {  	v3 =	vor.u32 v3, v4  }
0xd1: {  	v4 =	vperm.xlane v3, v0;
	_ =	sdelay $0x1  }
0xd2: {  	v4 =	vadd.s32 v1, v4;
	_ =	sdelay $0x1  }
0xd3: {  	s0 =	sld [smem:$0x7F7];
	v3 =	vperm.xlane v3, v2;
	_ =	sdelay $0x1  }
0xd4: {  	s9 =	sld [smem:$0x7F8];
	v3 =	vadd.s32 v1, v3  }
0xd5: {  	[tilespmem:s0], [sflag:$0x2] =	stream.indirect_vreg.gather [hbm4b:s3+s2], $0x80, v4, vm0, $0xb8;
	[tilespmem:$0x18100] =	vst v63  }
0xd6: {  	s0 =	sld [smem:$0x7F9]  }
0xd7: {  	[tilespmem:s9], [sflag:$0x2] =	stream.indirect_vreg.gather [hbm4b:s4+s2], $0x80, v4, vm1, $0xb8;
	[tilespmem:$0x18100] =	vst v63  }
0xd8: {  	s9 =	sld [smem:$0x7FA]  }
0xd9: {  	[tilespmem:s0], [sflag:$0x2] =	stream.indirect_vreg.gather [hbm4b:s3+s2], $0x80, v3, vm0, $0xb8;
	[tilespmem:$0x18100] =	vst v63  }
0xda: {  	_ = 	snop  }
0xdb: {  	[tilespmem:s9], [sflag:$0x2] =	stream.indirect_vreg.gather [hbm4b:s4+s2], $0x80, v3, vm1, $0xb8;
	[tilespmem:$0x18100] =	vst v63  }
0xdc: {  	v3 =	vld [tilespmem:$0xA0];
	_ =	sdelay $0x4  }
0xdd: {  	v58 =	vshrl.u32 v3, $0x3  }
0xde: {  	v4 =	vmul.u32 $0x18, v58  }
0xdf: {  	v3 =	vand.u32 $0x7, v3  }
0xe0: {  	v3 =	vor.u32 v3, v4  }
0xe1: {  	v4 =	vperm.xlane v3, v0;
	_ =	sdelay $0x1  }
0xe2: {  	v4 =	vadd.s32 v1, v4;
	_ =	sdelay $0x1  }
0xe3: {  	s0 =	sld [smem:$0x7FB];
	v3 =	vperm.xlane v3, v2;
	_ =	sdelay $0x1  }
0xe4: {  	s9 =	sld [smem:$0x7FC];
	v3 =	vadd.s32 v1, v3  }
0xe5: {  	[tilespmem:s0], [sflag:$0x2] =	stream.indirect_vreg.gather [hbm4b:s3+s2], $0x80, v4, vm0, $0xb8;
	[tilespmem:$0x18100] =	vst v63  }
0xe6: {  	s0 =	sld [smem:$0x7FD]  }
0xe7: {  	[tilespmem:s9], [sflag:$0x2] =	stream.indirect_vreg.gather [hbm4b:s4+s2], $0x80, v4, vm1, $0xb8;
	[tilespmem:$0x18100] =	vst v63  }
0xe8: {  	_ = 	snop  }
0xe9: {  	[tilespmem:s0], [sflag:$0x2] =	stream.indirect_vreg.gather [hbm4b:s3+s2], $0x80, v3, vm0, $0xb8;
	[tilespmem:$0x18100] =	vst v63  }
0xea: {  	s9 =	simm.s32 $0x10500  }
0xeb: {  	[tilespmem:s9], [sflag:$0x2] =	stream.indirect_vreg.gather [hbm4b:s4+s2], $0x80, v3, vm1, $0xb8;
	[tilespmem:$0x18100] =	vst v63  }
0xec: {  	v3 =	vld [tilespmem:$0xB0];
	_ =	sdelay $0x4  }
0xed: {  	v59 =	vshrl.u32 v3, $0x3  }
0xee: {  	v4 =	vmul.u32 $0x18, v59  }
0xef: {  	v3 =	vand.u32 $0x7, v3  }
0xf0: {  	v3 =	vor.u32 v3, v4  }
0xf1: {  	v4 =	vperm.xlane v3, v0;
	_ =	sdelay $0x1  }
0xf2: {  	v4 =	vadd.s32 v1, v4;
	_ =	sdelay $0x1  }
0xf3: {  	v3 =	vperm.xlane v3, v2;
	_ =	sdelay $0x1  }
0xf4: {  	v3 =	vadd.s32 v1, v3  }
0xf5: {  	[tilespmem:s10], [sflag:$0x2] =	stream.indirect_vreg.gather [hbm4b:s3+s2], $0x80, v4, vm0, $0xb8;
	[tilespmem:$0x18100] =	vst v63  }
0xf6: {  	_ = 	snop  }
0xf7: {  	[tilespmem:s11], [sflag:$0x2] =	stream.indirect_vreg.gather [hbm4b:s4+s2], $0x80, v4, vm1, $0xb8;
	[tilespmem:$0x18100] =	vst v63  }
0xf8: {  	_ = 	snop  }
0xf9: {  	[tilespmem:s12], [sflag:$0x2] =	stream.indirect_vreg.gather [hbm4b:s3+s2], $0x80, v3, vm0, $0xb8;
	[tilespmem:$0x18100] =	vst v63  }
0xfa: {  	_ = 	snop  }
0xfb: {  	[tilespmem:s13], [sflag:$0x2] =	stream.indirect_vreg.gather [hbm4b:s4+s2], $0x80, v3, vm1, $0xb8;
	[tilespmem:$0x18100] =	vst v63  }
0xfc: {  	v3 =	vld [tilespmem:$0xC0];
	_ =	sdelay $0x4  }
0xfd: {  	v60 =	vshrl.u32 v3, $0x3  }
0xfe: {  	v4 =	vmul.u32 $0x18, v60  }
0xff: {  	v3 =	vand.u32 $0x7, v3  }
0x100: {  	v3 =	vor.u32 v3, v4  }
0x101: {  	v4 =	vperm.xlane v3, v0;
	_ =	sdelay $0x1  }
0x102: {  	v4 =	vadd.s32 v1, v4;
	_ =	sdelay $0x1  }
0x103: {  	v3 =	vperm.xlane v3, v2;
	_ =	sdelay $0x1  }
0x104: {  	v3 =	vadd.s32 v1, v3  }
0x105: {  	[tilespmem:s14], [sflag:$0x2] =	stream.indirect_vreg.gather [hbm4b:s3+s2], $0x80, v4, vm0, $0xb8;
	[tilespmem:$0x18100] =	vst v63  }
0x106: {  	_ = 	snop  }
0x107: {  	[tilespmem:s15], [sflag:$0x2] =	stream.indirect_vreg.gather [hbm4b:s4+s2], $0x80, v4, vm1, $0xb8;
	[tilespmem:$0x18100] =	vst v63  }
0x108: {  	_ = 	snop  }
0x109: {  	[tilespmem:s16], [sflag:$0x2] =	stream.indirect_vreg.gather [hbm4b:s3+s2], $0x80, v3, vm0, $0xb8;
	[tilespmem:$0x18100] =	vst v63  }
0x10a: {  	_ = 	snop  }
0x10b: {  	[tilespmem:s17], [sflag:$0x2] =	stream.indirect_vreg.gather [hbm4b:s4+s2], $0x80, v3, vm1, $0xb8;
	[tilespmem:$0x18100] =	vst v63  }
0x10c: {  	v3 =	vld [tilespmem:$0xD0];
	_ =	sdelay $0x4  }
0x10d: {  	v61 =	vshrl.u32 v3, $0x3  }
0x10e: {  	v4 =	vmul.u32 $0x18, v61  }
0x10f: {  	v3 =	vand.u32 $0x7, v3  }
0x110: {  	v3 =	vor.u32 v3, v4  }
0x111: {  	v4 =	vperm.xlane v3, v0;
	_ =	sdelay $0x1  }
0x112: {  	v4 =	vadd.s32 v1, v4;
	_ =	sdelay $0x1  }
0x113: {  	v3 =	vperm.xlane v3, v2;
	_ =	sdelay $0x1  }
0x114: {  	v3 =	vadd.s32 v1, v3  }
0x115: {  	[tilespmem:s18], [sflag:$0x2] =	stream.indirect_vreg.gather [hbm4b:s3+s2], $0x80, v4, vm0, $0xb8;
	[tilespmem:$0x18100] =	vst v63  }
0x116: {  	_ = 	snop  }
0x117: {  	[tilespmem:s19], [sflag:$0x2] =	stream.indirect_vreg.gather [hbm4b:s4+s2], $0x80, v4, vm1, $0xb8;
	[tilespmem:$0x18100] =	vst v63  }
0x118: {  	_ = 	snop  }
0x119: {  	[tilespmem:s20], [sflag:$0x2] =	stream.indirect_vreg.gather [hbm4b:s3+s2], $0x80, v3, vm0, $0xb8;
	[tilespmem:$0x18100] =	vst v63  }
0x11a: {  	_ = 	snop  }
0x11b: {  	[tilespmem:s21], [sflag:$0x2] =	stream.indirect_vreg.gather [hbm4b:s4+s2], $0x80, v3, vm1, $0xb8;
	[tilespmem:$0x18100] =	vst v63  }
0x11c: {  	v3 =	vld [tilespmem:$0xE0];
	_ =	sdelay $0x4  }
0x11d: {  	v62 =	vshrl.u32 v3, $0x3  }
0x11e: {  	v4 =	vmul.u32 $0x18, v62  }
0x11f: {  	v3 =	vand.u32 $0x7, v3  }
0x120: {  	v3 =	vor.u32 v3, v4  }
0x121: {  	v4 =	vperm.xlane v3, v0;
	_ =	sdelay $0x1  }
0x122: {  	v4 =	vadd.s32 v1, v4;
	_ =	sdelay $0x1  }
0x123: {  	v3 =	vperm.xlane v3, v2;
	_ =	sdelay $0x1  }
0x124: {  	v3 =	vadd.s32 v1, v3  }
0x125: {  	[tilespmem:s22], [sflag:$0x2] =	stream.indirect_vreg.gather [hbm4b:s3+s2], $0x80, v4, vm0, $0xb8;
	[tilespmem:$0x18100] =	vst v63  }
0x126: {  	_ = 	snop  }
0x127: {  	[tilespmem:s23], [sflag:$0x2] =	stream.indirect_vreg.gather [hbm4b:s4+s2], $0x80, v4, vm1, $0xb8;
	[tilespmem:$0x18100] =	vst v63  }
0x128: {  	_ = 	snop  }
0x129: {  	[tilespmem:s24], [sflag:$0x2] =	stream.indirect_vreg.gather [hbm4b:s3+s2], $0x80, v3, vm0, $0xb8;
	[tilespmem:$0x18100] =	vst v63  }
0x12a: {  	_ = 	snop  }
0x12b: {  	[tilespmem:s25], [sflag:$0x2] =	stream.indirect_vreg.gather [hbm4b:s4+s2], $0x80, v3, vm1, $0xb8;
	[tilespmem:$0x18100] =	vst v63  }
0x12c: {  	v3 =	vld [tilespmem:$0xF0];
	_ =	sdelay $0x4  }
0x12d: {  	v63 =	vshrl.u32 v3, $0x3  }
0x12e: {  	v4 =	vmul.u32 $0x18, v63  }
0x12f: {  	v3 =	vand.u32 $0x7, v3  }
0x130: {  	v3 =	vor.u32 v3, v4  }
0x131: {  	v4 =	vperm.xlane v3, v0;
	_ =	sdelay $0x1  }
0x132: {  	v4 =	vadd.s32 v1, v4;
	_ =	sdelay $0x1  }
0x133: {  	v3 =	vperm.xlane v3, v2;
	_ =	sdelay $0x1  }
0x134: {  	v3 =	vadd.s32 v1, v3  }
0x135: {  	[tilespmem:s26], [sflag:$0x2] =	stream.indirect_vreg.gather [hbm4b:s3+s2], $0x80, v4, vm0, $0xb8;
	[tilespmem:$0x18100] =	vst v63  }
0x136: {  	_ = 	snop  }
0x137: {  	[tilespmem:s28], [sflag:$0x2] =	stream.indirect_vreg.gather [hbm4b:s4+s2], $0x80, v4, vm1, $0xb8;
	[tilespmem:$0x18100] =	vst v63  }
0x138: {  	_ = 	snop  }
0x139: {  	[tilespmem:s29], [sflag:$0x2] =	stream.indirect_vreg.gather [hbm4b:s3+s2], $0x80, v3, vm0, $0xb8;
	[tilespmem:$0x18100] =	vst v63  }
0x13a: {  	_ = 	snop  }
0x13b: {  	[tilespmem:s30], [sflag:$0x2] =	stream.indirect_vreg.gather [hbm4b:s4+s2], $0x80, v3, vm1, $0xb8;
	[tilespmem:$0x18100] =	vst v63  }
0x13c: {  	_ =	swait.ge [sflag:s31], $0xC000  }
0x13d: {  	[sflag:s31] =	ssyncset.done $0x0  }
0x13e: {  	s9 =	rddreg [dreg:$0x3];
	[sflag:s31] =	ssyncadd.s32 $0xFFFF4000  }
0x13f: {  	[hbm4b:s9+s2] =	stream.linear.scatter [tilespmem:s7], [sflag:$0x3], $0xC000, $0x38;
	[tilespmem:$0x18100] =	vst v63  }
0x140: {  	_ =	swait.ge [sflag:s6], $0xC000  }
0x141: {  	[sflag:s6] =	ssyncset.done $0x0  }
0x142: {  	[sflag:s6] =	ssyncadd.s32 $0xFFFF4000  }
0x143: {  	_ =	swait.ge [sflag:s1], $0xC000  }
0x144: {  	p0 =	sne.s32 s5, $0x1;
	[sflag:s1] =	ssyncset.done $0x0  }
.Ltmp0:
0x145: {  	s9 =	rddreg [dreg:$0x4];
	[sflag:s1] =	ssyncadd.s32 $0xFFFF4000;
	(pc) =	sbr.rel @p0 .LBB2_1-.Ltmp0, $4  }
0x146: {  	[hbm4b:s9+s2] =	stream.linear.scatter [tilespmem:s8], [sflag:$0x3], $0xC000, $0x38;
	[tilespmem:$0x18100] =	vst v63  }
0x147: {  	_ =	swait.ge [sflag:s6], $0xC000  }
0x148: {  	[sflag:s6] =	ssyncset.done $0x0  }
0x149: {  	s5 =	sadd.s32 $0xFFFFFFFF, s5;
	[sflag:s6] =	ssyncadd.s32 $0xFFFF4000  }
0x14a: {  	_ =	sfence.sel $0x180000  }
0x14b: {  	[bflag:$0x0] =	sbarrier.arrive $0xFFFF  }
0x14c: {  	_ =	strace $0x90000047  }
0x14d: {  	s0 =	stileid.u32;
	[bflag:$0x2] =	sbarrier.arrive $0xFFFF  }
0x14e: {  	p0 =	sne.s32 s0, $0x0;
	s0 =	rddreg [dreg:$0x1]  }
0x14f: {  	s0 =	sadd.s32 @!p0 $0x100000, s0  }
0x150: {  	[sflag:s0] =	ssyncadd.tile.s32 @!p0 $0x1;
	_ =	shalt  }
.Lfunc_end2:
_tile_overlayer_lowered:
.L_overlay_start_2:
0x151: {  	(tag) =	ssettag $0x2  }
0x152: {  	s0 =	rddreg [dreg:$0x0];
	s2 =	stileid.u32  }
0x153: {  	s1 =	rddreg [dreg:$0x1];
	p0 =	sne.s32 s2, $0x0  }
0x154: {  	s3 =	rddreg [dreg:$0x2];
	[bflag:$0x3] =	sbarrier.arrive $0xFFFF;
	s2 =	simm.s32 @!p0 $0x1C03  }
0x155: {  	[timem:s3], [sflag:s2] =	dma.local @!p0 [hbm:s0], s1  }
0x156: {  	s0 =	simm.s32 @!p0 $0x3  }
0x157: {  	_ =	swait.ge @!p0 [sflag:s0], s1  }
0x158: {  	s1 =	ssub.s32 @!p0 $0x0, s1;
	[sflag:s0] =	ssyncset.done @!p0 $0x0  }
0x159: {  	[sflag:s0] =	ssyncadd.s32 @!p0 s1  }
0x15a: {  	[bflag:$0x3] =	sbarrier.arrive $0xFFFF  }
0x15b: {  	_ =	shalt  }

// kernel: kernel.22.cloned.1.call-start
scs
__scs_entry_jumppad:
0x0: {  	(pc) =	sbr.rel $0x88, $3  }
0x1: {  	(tag) =	ssettag $0x0;
	lr =	simm.s32 $0x1  }
0x2: {  	[smem:$0x3F97] =	sst lr;
	_ =	strace $0xD0000000  }
0x3: {  	_ = 	snop  }
0x4: {  	_ = 	snop  }
0x5: {  	_ = 	snop  }
0x6: {  	_ = 	snop  }
0x7: {  	_ = 	snop  }
__scs_overlays_trampoline_lowered:
0x8: {  	[smem:$0x3FA6] =	sst s0  }
0x9: {  	[smem:$0x3FA7] =	sst s1  }
0xa: {  	[smem:$0x3FA8] =	sst s2  }
0xb: {  	[smem:$0x3FA9] =	sst s3  }
0xc: {  	[smem:$0x3FAA] =	sst s4  }
0xd: {  	[smem:$0x3FAB] =	sst s5  }
0xe: {  	[smem:$0x3FAC] =	sst s6  }
0xf: {  	[smem:$0x3FAD] =	sst s7  }
0x10: {  	[smem:$0x3FAE] =	sst s8  }
0x11: {  	[smem:$0x3FAF] =	sst s9;
	s0 =	simm.s32 @!p0 $0x0  }
0x12: {  	s1 =	sld [smem:$0x3F95];
	s0 =	simm.s32 @p0 $0x1  }
0x13: {  	[smem:$0x3FB0] =	sst s0;
	s0 =	simm.s32 @!p1 $0x0  }
0x14: {  	s2 =	sld [smem:$0x3F94];
	s0 =	simm.s32 @p1 $0x1  }
0x15: {  	[smem:$0x3FB1] =	sst s0;
	s0 =	simm.s32 @!p2 $0x0  }
0x16: {  	s3 =	sld [smem:$0x3FDB];
	s0 =	simm.s32 @p2 $0x1  }
0x17: {  	s4 =	simm.s32 $0x1BF5;
	[smem:$0x3FB3] =	sst s0  }
0x18: {  	s0 =	sld [smem:$0x3F96];
	_ =	swait.ge [sflag:s4], $0x0  }
0x19: {  	s7 =	sld [smem:$0x3F97]  }
0x1a: {  	s8 =	sadd.s32 $0xFFFFE003, lr  }
0x1b: {  	s9 =	sadd.s32 $0xFFFFFEF7, lr;
	s5 =	simm.s32 $0xFFFFFFFF;
	p2 =	slt.u32 s8, $0xFFFFF086  }
0x1c: {  	p1 =	slt.u32 s9, $0xF7A;
	s5 =	simm.s32 @!p2 $0x0  }
0x1d: {  	s5 =	simm.s32 @p1 $0x1;
	p0 =	seq.s32 s7, s2  }
0x1e: {  	s7 =	smul.u32 @!p0 $0xF7A, s2;
	p2 =	seq.s32 @!p0 s5, $0x0  }
0x1f: {  	s9 =	smul.u32 $0xF7A, s1;
	s8 =	simm.s32 @!p0 $0x1BF5;
	p2 =	por !p2, p0  }
0x20: {  	[sflag:s8] =	ssyncset.s32 @!p0 $0xFFFFF086;
	s6 =	sadd.s32 @!p0 s3, s7;
	s7 =	simm.s32 @!p0 $0x108  }
0x21: {  	s3 =	sadd.s32 s3, s9;
	s6 =	sadd.s32 @!p0 $0x88, s6;
	s7 =	simm.s32 @p2 $0x1082  }
0x22: {  	[simem:s7], [sflag:s8] =	dma.local @!p0 [hbm:s6], $0xF7A  }
0x23: {  	s9 =	sor.u32 $0xD0000000, s2;
	s6 =	simm.s32 $0x108;
	_ =	swait.ge @!p0 [sflag:s8], $0x0  }
0x24: {  	s3 =	sadd.s32 $0x88, s3;
	s6 =	simm.s32 @!p1 $0x1082;
	[sflag:s4] =	ssyncset.s32 $0xFFFFF086  }
0x25: {  	[simem:s6], [sflag:s4] =	dma.local [hbm:s3], $0xF7A  }
0x26: {  	[smem:$0x3F97] =	sst s1;
	(tag) =	ssettag s2;
	_ =	strace s9  }
0x27: {  	s1 =	sld [smem:$0x3FA7]  }
0x28: {  	s2 =	sld [smem:$0x3FA8]  }
0x29: {  	s4 =	sld [smem:$0x3FAA]  }
0x2a: {  	p0 =	seq.s32 s5, $0x0;
	s5 =	sld [smem:$0x3FAB]  }
0x2b: {  	s6 =	sld [smem:$0x3FAC]  }
0x2c: {  	s7 =	sld [smem:$0x3FAD]  }
0x2d: {  	s3 =	simm.s32 $0x108;
	s8 =	sld [smem:$0x3FAE]  }
0x2e: {  	s3 =	simm.s32 @!p0 $0x1082;
	s9 =	sld [smem:$0x3FAF]  }
0x2f: {  	lr =	sadd.s32 s0, s3;
	s0 =	sld [smem:$0x3FA6]  }
0x30: {  	s3 =	sld [smem:$0x3FA9]  }
0x31: {  	[smem:$0x3FB2] =	sst s10  }
0x32: {  	s10 =	sld [smem:$0x3FB0];
	_ =	sdelay $0x3  }
0x33: {  	p0 =	seq.s32 s10, $0x1;
	s10 =	sld [smem:$0x3FB2];
	_ =	sdelay $0x3  }
0x34: {  	[smem:$0x3FB2] =	sst s10  }
0x35: {  	s10 =	sld [smem:$0x3FB1];
	_ =	sdelay $0x3  }
0x36: {  	p1 =	seq.s32 s10, $0x1;
	s10 =	sld [smem:$0x3FB2];
	_ =	sdelay $0x3  }
0x37: {  	[smem:$0x3FB2] =	sst s10  }
0x38: {  	s10 =	sld [smem:$0x3FB3]  }
0x39: {  	_ = 	snop;
	(pc) =	sbr.ind lr, $3  }
0x3a: {  	_ = 	snop  }
0x3b: {  	_ = 	snop  }
0x3c: {  	p2 =	seq.s32 s10, $0x1;
	s10 =	sld [smem:$0x3FB2]  }
0x3d: {  	_ =	shalt  }
0x3e: {  	_ =	shalt  }
0x3f: {  	_ =	shalt  }
0x40: {  	_ =	shalt  }
0x41: {  	_ =	shalt  }
0x42: {  	_ =	shalt  }
0x43: {  	_ =	shalt  }
0x44: {  	_ =	shalt  }
0x45: {  	_ =	shalt  }
0x46: {  	_ =	shalt  }
0x47: {  	_ =	shalt  }
0x48: {  	_ =	shalt  }
0x49: {  	_ =	shalt  }
0x4a: {  	_ =	shalt  }
0x4b: {  	_ =	shalt  }
0x4c: {  	_ =	shalt  }
0x4d: {  	_ =	shalt  }
0x4e: {  	_ =	shalt  }
0x4f: {  	_ =	shalt  }
0x50: {  	_ =	shalt  }
0x51: {  	_ =	shalt  }
0x52: {  	_ =	shalt  }
0x53: {  	_ =	shalt  }
0x54: {  	_ =	shalt  }
0x55: {  	_ =	shalt  }
0x56: {  	_ =	shalt  }
0x57: {  	_ =	shalt  }
0x58: {  	_ =	shalt  }
0x59: {  	_ =	shalt  }
0x5a: {  	_ =	shalt  }
0x5b: {  	_ =	shalt  }
0x5c: {  	_ =	shalt  }
0x5d: {  	_ =	shalt  }
0x5e: {  	_ =	shalt  }
0x5f: {  	_ =	shalt  }
0x60: {  	_ =	shalt  }
0x61: {  	_ =	shalt  }
0x62: {  	_ =	shalt  }
0x63: {  	_ =	shalt  }
0x64: {  	_ =	shalt  }
0x65: {  	_ =	shalt  }
0x66: {  	_ =	shalt  }
0x67: {  	_ =	shalt  }
0x68: {  	_ =	shalt  }
0x69: {  	_ =	shalt  }
0x6a: {  	_ =	shalt  }
0x6b: {  	_ =	shalt  }
0x6c: {  	_ =	shalt  }
0x6d: {  	_ =	shalt  }
0x6e: {  	_ =	shalt  }
0x6f: {  	_ =	shalt  }
0x70: {  	_ =	shalt  }
0x71: {  	_ =	shalt  }
0x72: {  	_ =	shalt  }
0x73: {  	_ =	shalt  }
0x74: {  	_ =	shalt  }
0x75: {  	_ =	shalt  }
0x76: {  	_ =	shalt  }
0x77: {  	_ =	shalt  }
0x78: {  	_ =	shalt  }
0x79: {  	_ =	shalt  }
0x7a: {  	_ =	shalt  }
0x7b: {  	_ =	shalt  }
0x7c: {  	_ =	shalt  }
0x7d: {  	_ =	shalt  }
0x7e: {  	_ =	shalt  }
0x7f: {  	_ =	shalt  }
0x80: {  	_ =	shalt  }
0x81: {  	_ =	shalt  }
0x82: {  	_ =	shalt  }
0x83: {  	_ =	shalt  }
0x84: {  	_ =	shalt  }
0x85: {  	_ =	shalt  }
0x86: {  	_ =	shalt  }
0x87: {  	_ =	shalt  }
.Lfunc_end0:
.L_simem_size_0:
called_computation.2_lowered:
.L_overlay_start_0:
0x88: {  	s2 =	sld [smem:$0x3FD9]  }
0x89: {  	s3 =	sld [smem:$0x3FFE];
	_ =	sdelay $0x1  }
0x8a: {  	s1 =	srdreg.scid  }
0x8b: {  	s0 =	sand.u32 $0x1, s1  }
0x8c: {  	s17 =	sshll.u32 s0, $0xA;
	s2 =	sadd.s32 s3, s2  }
0x8d: {  	s2 =	sadd.s32 s2, s17  }
0x8e: {  	[smem:$0x3FBE] =	sst s2  }
0x8f: {  	_ = 	snop  }
0x90: {  	(tm) =	ssettm $0x1  }
0x91: {  	s18 =	sld [smem:$0x3FFB];
	_ =	sdelay $0x3  }
0x92: {  	_ =	strace s18  }
0x93: {  	s2 =	sld [smem:$0x3FFC];
	_ =	sdelay $0x3  }
0x94: {  	_ =	strace s2  }
0x95: {  	s2 =	sld [smem:$0x3FFD];
	_ =	sdelay $0x3  }
0x96: {  	_ =	strace s2  }
0x97: {  	_ =	strace $0x8FFFFFFF  }
0x98: {  	s19 =	sld [smem:$0x3FDB];
	_ =	sdelay $0x1  }
0x99: {  	s20 =	simm.s32 $_scs_section_size  }
0x9a: {  	s4 =	simm.s32 $_size__tile_overlayer_lowered;
	s5 =	simm.s32 $_tile_overlayer_lowered  }
0x9b: {  	s6 =	simm.s32 $0x1BFF;
	s21 =	sshll.u32 s5, $0x1;
	s3 =	sadd.s32 s20, s19  }
0x9c: {  	s22 =	simm.s32 $0x0;
	s4 =	sshll.u32 s4, $0x1;
	s5 =	sadd.s32 s21, s3  }
0x9d: {  	[timem:s22], [sflag:s6] =	dma.local [hbm:s5], s4  }
0x9e: {  	_ =	swait.ge [sflag:s6], s4  }
0x9f: {  	s4 =	ssub.s32 $0x0, s4;
	[sflag:s6] =	ssyncset.done $0x0  }
0xa0: {  	[sflag:s6] =	ssyncadd.s32 s4;
	_ =	sdelay $0x1  }
0xa1: {  	s23 =	simm.s32 $0x1B8B  }
0xa2: {  	_ =	swait.ge [sflag:s23], $0x1  }
0xa3: {  	[sflag:s23] =	ssyncset.done $0x0  }
0xa4: {  	[sflag:s23] =	ssyncadd.s32 $0xFFFFFFFF  }
0xa5: {  	s4 =	sld [smem:$0x0]  }
0xa6: {  	s5 =	sand.u32 $0xFFFFFFFE, s1  }
0xa7: {  	p0 =	sne.s32 s1, s5  }
0xa8: {  	s5 =	sshll.u32 @p0 s5, $0xE  }
0xa9: {  	s5 =	sadd.s32 @p0 $0x11B8D, s5;
	s6 =	sshll.u32 @p0 s4, $0x11  }
0xaa: {  	s5 =	sor.u32 @p0 s6, s5  }
0xab: {  	[sflag:s5] =	ssyncadd.remote.s32 @p0 $0x1;
	_ =	sdelay $0x1  }
0xac: {  	s5 =	simm.s32 @p0 $0x1B8D  }
0xad: {  	_ =	swait.eq @p0 [sflag:s5], $0x1  }
0xae: {  	[sflag:s5] =	ssyncadd.s32 @p0 $0xFFFFFFFF  }
0xaf: {  	s6 =	sshll.u32 @!p0 s1, $0xE  }
0xb0: {  	s6 =	sor.u32 @!p0 $0x4000, s6;
	s5 =	simm.s32 @!p0 $0x1B8D  }
0xb1: {  	s4 =	sshll.u32 @!p0 s4, $0x11;
	s6 =	sadd.s32 @!p0 $0x11B8D, s6;
	_ =	swait.eq @!p0 [sflag:s5], $0x1  }
0xb2: {  	s4 =	sor.u32 @!p0 s4, s6;
	[sflag:s5] =	ssyncadd.s32 @!p0 $0xFFFFFFFF  }
0xb3: {  	s25 =	simm.s32 $0x1B8E;
	s24 =	sld [smem:$0x3FFE];
	[sflag:s4] =	ssyncadd.remote.s32 @!p0 $0x1  }
0xb4: {  	s26 =	simm.s32 $execute0_lowered;
	[smem:$0x3FD2] =	sst s25  }
0xb5: {  	s5 =	sshll.u32 s26, $0x1;
	_ =	strace $0x8000004C;
	[dreg:$0x1] =	wrdreg $0xFFFFFFFF  }
0xb6: {  	s28 =	simm.s32 $_size_execute0_lowered;
	s3 =	sadd.s32 s3, s5;
	[dreg:$0x0] =	wrdreg $0x0  }
0xb7: {  	s5 =	sshll.u32 s28, $0x1;
	[dreg:$0x2] =	wrdreg s3  }
0xb8: {  	[dreg:$0x3] =	wrdreg s5  }
0xb9: {  	[dreg:$0x4] =	wrdreg $0xC0  }
0xba: {  	_ =	task [dreg:s22], $0x5FFFF  }
0xbb: {  	[dreg:$0x1] =	wrdreg $0xFFFFFFFF  }
0xbc: {  	[dreg:$0x0] =	wrdreg $0x60  }
0xbd: {  	[dreg:$0x2] =	wrdreg s24  }
0xbe: {  	[dreg:$0x3] =	wrdreg $0xB  }
0xbf: {  	_ =	task.clear_ibuf [dreg:s22], $0x4FFFF;
	_ =	strace $0x9000004C  }
0xc0: {  	s29 =	simm.s32 $0xB;
	_ =	strace $0x8000004E  }
0xc1: {  	_ =	swait.ge [sflag:s29], $0x1  }
0xc2: {  	[sflag:s29] =	ssyncadd.s32 $0xFFFFFFFF  }
0xc3: {  	_ =	strace $0x9000004E  }
0xc4: {  	_ =	sfence  }
0xc5: {  	s30 =	sld [smem:$0x0];
	_ =	sdelay $0x2  }
0xc6: {  	s31 =	sshll.u32 s1, $0xD;
	s1 =	sshrl.u32 s1, $0x2  }
0xc7: {  	s4 =	sand.u32 $0x4000, s31;
	s1 =	sadd.s32 s1, s30  }
0xc8: {  	s0 =	sor.u32 s4, s0;
	s1 =	sshll.u32 s1, $0x11  }
0xc9: {  	s0 =	sor.u32 s1, s0  }
0xca: {  	s0 =	sadd.s32 $0x8F2B, s0  }
0xcb: {  	[sflag:s0] =	ssyncadd.remote.s32 $0x1  }
0xcc: {  	_ =	sfence.sel $0xFFFF  }
0xcd: {  	[dreg:$0x0] =	wrdreg $0xFFFFFFFF;
	(pc) =	sbr.abs _section_cstart, $3  }
0xce: {  	[dreg:$0x1] =	wrdreg $0xFFFFFFFF  }
0xcf: {  	_ =	task.clear_ibuf [dreg:s22], $0x2FFFF;
	_ =	strace $0x9FFFFFFF  }
0xd0: {  	(tm) =	ssettm $0x7FFFFFFF  }
0xd1: {  	_ =	shalt  }
tec
execute0_lowered:
.L_overlay_start_1:
0x0: {  	(tag) =	ssettag $0x1  }
0x1: {  	s1 =	srdreg.scid  }
0x2: {  	s2 =	simm.s32 $0x0;
	s4 =	sand.u32 $0x1, s1;
	s1 =	rddreg [dreg:$0x0]  }
0x3: {  	s8 =	simm.s32 $0x900;
	[smem:$0x7FF] =	sst s2  }
0x4: {  	s9 =	simm.s32 $0xD00;
	_ =	strace $0x8000004D;
	[dreg:$0x5] =	wrdreg s8  }
0x5: {  	s10 =	simm.s32 $0x1500;
	[dreg:$0x6] =	wrdreg s9  }
0x6: {  	s11 =	simm.s32 $0x1900;
	[dreg:$0x7] =	wrdreg s10  }
0x7: {  	s12 =	simm.s32 $0x2100;
	[dreg:$0x8] =	wrdreg s11  }
0x8: {  	s13 =	simm.s32 $0x2500;
	[dreg:$0x9] =	wrdreg s12  }
0x9: {  	s14 =	simm.s32 $0x2D00;
	[dreg:$0xa] =	wrdreg s13  }
0xa: {  	s15 =	simm.s32 $0x3100;
	[dreg:$0xb] =	wrdreg s14  }
0xb: {  	s16 =	simm.s32 $0x3900;
	[dreg:$0xc] =	wrdreg s15  }
0xc: {  	s17 =	simm.s32 $0x3D00;
	[dreg:$0xd] =	wrdreg s16  }
0xd: {  	s18 =	simm.s32 $0x4500;
	[dreg:$0xe] =	wrdreg s17  }
0xe: {  	s19 =	simm.s32 $0x4900;
	[dreg:$0xf] =	wrdreg s18  }
0xf: {  	s20 =	simm.s32 $0x5100;
	[dreg:$0x10] =	wrdreg s19  }
0x10: {  	s21 =	simm.s32 $0x5500;
	[dreg:$0x11] =	wrdreg s20  }
0x11: {  	s22 =	simm.s32 $0x5D00;
	[dreg:$0x12] =	wrdreg s21  }
0x12: {  	s23 =	simm.s32 $0x6100;
	[dreg:$0x13] =	wrdreg s22  }
0x13: {  	s24 =	simm.s32 $0x6900;
	[dreg:$0x14] =	wrdreg s23  }
0x14: {  	s25 =	simm.s32 $0x6D00;
	[dreg:$0x15] =	wrdreg s24  }
0x15: {  	s0 =	stileid.u32;
	s26 =	simm.s32 $0x7500;
	[dreg:$0x16] =	wrdreg s25  }
0x16: {  	s3 =	sshll.u32 s0, $0x6;
	s0 =	simm.s32 $0x7900;
	[dreg:$0x17] =	wrdreg s26  }
0x17: {  	[dreg:$0x18] =	wrdreg s0;
	s8 =	simm.s32 $0x9100  }
0x18: {  	s9 =	simm.s32 $0x9900;
	[dreg:$0x1c] =	wrdreg s8  }
0x19: {  	s10 =	simm.s32 $0x9D00;
	[dreg:$0x1d] =	wrdreg s9  }
0x1a: {  	s11 =	simm.s32 $0xA500;
	[dreg:$0x1e] =	wrdreg s10  }
0x1b: {  	s12 =	simm.s32 $0xA900;
	[dreg:$0x1f] =	wrdreg s11  }
0x1c: {  	s13 =	simm.s32 $0xB100;
	[smem:$0x7F0] =	sst s12  }
0x1d: {  	s14 =	simm.s32 $0xB500;
	[smem:$0x7F1] =	sst s13  }
0x1e: {  	s15 =	simm.s32 $0xBD00;
	[smem:$0x7F2] =	sst s14  }
0x1f: {  	s28 =	simm.s32 $0x17100;
	s16 =	simm.s32 $0xC900;
	[smem:$0x7F3] =	sst s15  }
0x20: {  	s29 =	simm.s32 $0x17500;
	s17 =	simm.s32 $0xCD00;
	[smem:$0x7F4] =	sst s16  }
0x21: {  	s30 =	simm.s32 $0x17D00;
	s18 =	simm.s32 $0xD500;
	[smem:$0x7F5] =	sst s17  }
0x22: {  	s31 =	simm.s32 $0x1;
	s20 =	simm.s32 $0xD900;
	[smem:$0x7F6] =	sst s18  }
0x23: {  	s5 =	sshll.u32 s4, $0x5;
	s21 =	simm.s32 $0xE100;
	[smem:$0x7F7] =	sst s20  }
0x24: {  	s7 =	sadd.s32 $0xFF800, s1;
	s22 =	simm.s32 $0xE500;
	[smem:$0x7F8] =	sst s21  }
0x25: {  	s4 =	ssub.s32 $0x2, s4;
	s23 =	simm.s32 $0xED00;
	[smem:$0x7F9] =	sst s22  }
0x26: {  	s24 =	simm.s32 $0xF100;
	s25 =	simm.s32 $0xF900;
	[smem:$0x7FA] =	sst s23  }
0x27: {  	s26 =	simm.s32 $0xFD00;
	s3 =	sor.u32 s5, s3;
	[smem:$0x7FB] =	sst s24  }
0x28: {  	s19 =	sshrl.u32 s4, $0x1;
	s8 =	simm.s32 $0xC100;
	[smem:$0x7FC] =	sst s25  }
0x29: {  	[smem:$0x7FD] =	sst s26;
	s10 =	simm.s32 $0x10900;
	s11 =	simm.s32 $0x11100  }
0x2a: {  	s12 =	simm.s32 $0x11500;
	s13 =	simm.s32 $0x11D00;
	s14 =	simm.s32 $0x12100  }
0x2b: {  	s15 =	simm.s32 $0x12900;
	s16 =	simm.s32 $0x12D00;
	s17 =	simm.s32 $0x13500  }
0x2c: {  	s18 =	simm.s32 $0x13900;
	s20 =	simm.s32 $0x14500;
	s21 =	simm.s32 $0x14D00  }
0x2d: {  	s22 =	simm.s32 $0x15100;
	s23 =	simm.s32 $0x15900;
	s5 =	smul.u32 $0xC00, s3  }
0x2e: {  	s24 =	simm.s32 $0x15D00;
	s6 =	sadd.s32 s3, s1;
	s3 =	smul.u32 $0x180, s3  }
0x2f: {  	s25 =	simm.s32 $0x16500;
	s26 =	simm.s32 $0x16900;
	s6 =	sadd.s32 $0xFF400, s6  }
0x30: {  	s5 =	sshrl.u32 s5, $0x3;
	[dreg:$0x2] =	wrdreg s6;
	s3 =	sadd.s32 s7, s3  }
0x31: {  	s6 =	simm.s32 $0x8500;
	s5 =	sadd.s32 s7, s5;
	[dreg:$0x3] =	wrdreg s3  }
0x32: {  	[dreg:$0x1a] =	wrdreg s6;
	s3 =	sadd.s32 $0x4200, s1;
	s6 =	ssub.s32 s4, s19  }
0x33: {  	s4 =	sadd.s32 $0x4300, s1;
	s19 =	simm.s32 $0x14100;
	s7 =	sadd.s32 $0x1800, s5  }
0x34: {  	v2 =	vlaneseq.u32;
	s1 =	simm.s32 $0x2;
	s5 =	simm.s32 $0x8100;
	[dreg:$0x4] =	wrdreg s7  }
0x35: {  	vm0 =	vmmov $0xffff;
	vm1 =	vmmov $0xff;
	v1 =	vshrl.u32 v2, $0x3;
	[dreg:$0x19] =	wrdreg s5;
	s7 =	simm.s32 $0x8D00;
	s5 =	smax.u32 s6, $0x1  }
0x36: {  	v0 =	vand.u32 $0x7, v2;
	v2 =	vor.u32 $0x8, v2;
	v1 =	vmul.u32 $0x8, v1;
	s6 =	simm.s32 $0x3;
	[dreg:$0x1b] =	wrdreg s7;
	s7 =	simm.s32 $0x100  }
.LBB2_1:
0x37: {  	s0 =	rddreg [dreg:$0x2]  }
0x38: {  	[tilespmem:s2], [sflag:$0x3] =	stream.linear.gather [hbm4b:s0+s2], $0x100, $0x38;
	[tilespmem:$0x18100] =	vst v63  }
0x39: {  	_ =	swait.ge [sflag:s6], $0x100  }
0x3a: {  	[sflag:s6] =	ssyncset.done $0x0  }
0x3b: {  	[sflag:s6] =	ssyncadd.s32 $0xFFFFFF00  }
0x3c: {  	v3 =	vld [tilespmem:$0x0];
	_ =	sdelay $0x4  }
0x3d: {  	v4 =	vshrl.u32 v3, $0x3  }
0x3e: {  	v4 =	vmul.u32 $0x18, v4  }
0x3f: {  	v3 =	vand.u32 $0x7, v3  }
0x40: {  	v3 =	vor.u32 v3, v4  }
0x41: {  	v4 =	vperm.xlane v3, v0;
	_ =	sdelay $0x1  }
0x42: {  	v4 =	vadd.s32 v1, v4;
	_ =	sdelay $0x1  }
0x43: {  	v3 =	vperm.xlane v3, v2;
	_ =	sdelay $0x1  }
0x44: {  	v3 =	vadd.s32 v1, v3  }
0x45: {  	[tilespmem:s7], [sflag:$0x1] =	stream.indirect_vreg.gather [hbm4b:s3+s2], $0x80, v4, vm0, $0xb8;
	[tilespmem:$0x18100] =	vst v63  }
0x46: {  	s0 =	rddreg [dreg:$0x5]  }
0x47: {  	[tilespmem:s0], [sflag:$0x1] =	stream.indirect_vreg.gather [hbm4b:s4+s2], $0x80, v4, vm1, $0xb8;
	[tilespmem:$0x18100] =	vst v63  }
0x48: {  	s9 =	rddreg [dreg:$0x6]  }
0x49: {  	[tilespmem:s9], [sflag:$0x1] =	stream.indirect_vreg.gather [hbm4b:s3+s2], $0x80, v3, vm0, $0xb8;
	[tilespmem:$0x18100] =	vst v63  }
0x4a: {  	s0 =	rddreg [dreg:$0x7]  }
0x4b: {  	[tilespmem:s0], [sflag:$0x1] =	stream.indirect_vreg.gather [hbm4b:s4+s2], $0x80, v3, vm1, $0xb8;
	[tilespmem:$0x18100] =	vst v63  }
0x4c: {  	v3 =	vld [tilespmem:$0x10];
	_ =	sdelay $0x4  }
0x4d: {  	v49 =	vshrl.u32 v3, $0x3  }
0x4e: {  	v4 =	vmul.u32 $0x18, v49  }
0x4f: {  	v3 =	vand.u32 $0x7, v3  }
0x50: {  	v3 =	vor.u32 v3, v4  }
0x51: {  	v4 =	vperm.xlane v3, v0;
	_ =	sdelay $0x1  }
0x52: {  	v4 =	vadd.s32 v1, v4;
	_ =	sdelay $0x1  }
0x53: {  	v3 =	vperm.xlane v3, v2;
	_ =	sdelay $0x1  }
0x54: {  	s0 =	rddreg [dreg:$0x8];
	v3 =	vadd.s32 v1, v3  }
0x55: {  	[tilespmem:s0], [sflag:$0x1] =	stream.indirect_vreg.gather [hbm4b:s3+s2], $0x80, v4, vm0, $0xb8;
	[tilespmem:$0x18100] =	vst v63  }
0x56: {  	s9 =	rddreg [dreg:$0x9]  }
0x57: {  	[tilespmem:s9], [sflag:$0x1] =	stream.indirect_vreg.gather [hbm4b:s4+s2], $0x80, v4, vm1, $0xb8;
	[tilespmem:$0x18100] =	vst v63  }
0x58: {  	s0 =	rddreg [dreg:$0xa]  }
0x59: {  	[tilespmem:s0], [sflag:$0x1] =	stream.indirect_vreg.gather [hbm4b:s3+s2], $0x80, v3, vm0, $0xb8;
	[tilespmem:$0x18100] =	vst v63  }
0x5a: {  	s9 =	rddreg [dreg:$0xb]  }
0x5b: {  	[tilespmem:s9], [sflag:$0x1] =	stream.indirect_vreg.gather [hbm4b:s4+s2], $0x80, v3, vm1, $0xb8;
	[tilespmem:$0x18100] =	vst v63  }
0x5c: {  	v3 =	vld [tilespmem:$0x20];
	_ =	sdelay $0x4  }
0x5d: {  	v50 =	vshrl.u32 v3, $0x3  }
0x5e: {  	v4 =	vmul.u32 $0x18, v50  }
0x5f: {  	v3 =	vand.u32 $0x7, v3  }
0x60: {  	v3 =	vor.u32 v3, v4  }
0x61: {  	v4 =	vperm.xlane v3, v0;
	_ =	sdelay $0x1  }
0x62: {  	v4 =	vadd.s32 v1, v4;
	_ =	sdelay $0x1  }
0x63: {  	v3 =	vperm.xlane v3, v2;
	_ =	sdelay $0x1  }
0x64: {  	s0 =	rddreg [dreg:$0xc];
	v3 =	vadd.s32 v1, v3  }
0x65: {  	[tilespmem:s0], [sflag:$0x1] =	stream.indirect_vreg.gather [hbm4b:s3+s2], $0x80, v4, vm0, $0xb8;
	[tilespmem:$0x18100] =	vst v63  }
0x66: {  	s9 =	rddreg [dreg:$0xd]  }
0x67: {  	[tilespmem:s9], [sflag:$0x1] =	stream.indirect_vreg.gather [hbm4b:s4+s2], $0x80, v4, vm1, $0xb8;
	[tilespmem:$0x18100] =	vst v63  }
0x68: {  	s0 =	rddreg [dreg:$0xe]  }
0x69: {  	[tilespmem:s0], [sflag:$0x1] =	stream.indirect_vreg.gather [hbm4b:s3+s2], $0x80, v3, vm0, $0xb8;
	[tilespmem:$0x18100] =	vst v63  }
0x6a: {  	s9 =	rddreg [dreg:$0xf]  }
0x6b: {  	[tilespmem:s9], [sflag:$0x1] =	stream.indirect_vreg.gather [hbm4b:s4+s2], $0x80, v3, vm1, $0xb8;
	[tilespmem:$0x18100] =	vst v63  }
0x6c: {  	v3 =	vld [tilespmem:$0x30];
	_ =	sdelay $0x4  }
0x6d: {  	v51 =	vshrl.u32 v3, $0x3  }
0x6e: {  	v4 =	vmul.u32 $0x18, v51  }
0x6f: {  	v3 =	vand.u32 $0x7, v3  }
0x70: {  	v3 =	vor.u32 v3, v4  }
0x71: {  	v4 =	vperm.xlane v3, v0;
	_ =	sdelay $0x1  }
0x72: {  	v4 =	vadd.s32 v1, v4;
	_ =	sdelay $0x1  }
0x73: {  	v3 =	vperm.xlane v3, v2;
	_ =	sdelay $0x1  }
0x74: {  	s0 =	rddreg [dreg:$0x10];
	v3 =	vadd.s32 v1, v3  }
0x75: {  	[tilespmem:s0], [sflag:$0x1] =	stream.indirect_vreg.gather [hbm4b:s3+s2], $0x80, v4, vm0, $0xb8;
	[tilespmem:$0x18100] =	vst v63  }
0x76: {  	s9 =	rddreg [dreg:$0x11]  }
0x77: {  	[tilespmem:s9], [sflag:$0x1] =	stream.indirect_vreg.gather [hbm4b:s4+s2], $0x80, v4, vm1, $0xb8;
	[tilespmem:$0x18100] =	vst v63  }
0x78: {  	s0 =	rddreg [dreg:$0x12]  }
0x79: {  	[tilespmem:s0], [sflag:$0x1] =	stream.indirect_vreg.gather [hbm4b:s3+s2], $0x80, v3, vm0, $0xb8;
	[tilespmem:$0x18100] =	vst v63  }
0x7a: {  	s9 =	rddreg [dreg:$0x13]  }
0x7b: {  	[tilespmem:s9], [sflag:$0x1] =	stream.indirect_vreg.gather [hbm4b:s4+s2], $0x80, v3, vm1, $0xb8;
	[tilespmem:$0x18100] =	vst v63  }
0x7c: {  	v3 =	vld [tilespmem:$0x40];
	_ =	sdelay $0x4  }
0x7d: {  	v52 =	vshrl.u32 v3, $0x3  }
0x7e: {  	v4 =	vmul.u32 $0x18, v52  }
0x7f: {  	v3 =	vand.u32 $0x7, v3  }
0x80: {  	v3 =	vor.u32 v3, v4  }
0x81: {  	v4 =	vperm.xlane v3, v0;
	_ =	sdelay $0x1  }
0x82: {  	v4 =	vadd.s32 v1, v4;
	_ =	sdelay $0x1  }
0x83: {  	v3 =	vperm.xlane v3, v2;
	_ =	sdelay $0x1  }
0x84: {  	s0 =	rddreg [dreg:$0x14];
	v3 =	vadd.s32 v1, v3  }
0x85: {  	[tilespmem:s0], [sflag:$0x1] =	stream.indirect_vreg.gather [hbm4b:s3+s2], $0x80, v4, vm0, $0xb8;
	[tilespmem:$0x18100] =	vst v63  }
0x86: {  	s9 =	rddreg [dreg:$0x15]  }
0x87: {  	[tilespmem:s9], [sflag:$0x1] =	stream.indirect_vreg.gather [hbm4b:s4+s2], $0x80, v4, vm1, $0xb8;
	[tilespmem:$0x18100] =	vst v63  }
0x88: {  	s0 =	rddreg [dreg:$0x16]  }
0x89: {  	[tilespmem:s0], [sflag:$0x1] =	stream.indirect_vreg.gather [hbm4b:s3+s2], $0x80, v3, vm0, $0xb8;
	[tilespmem:$0x18100] =	vst v63  }
0x8a: {  	s9 =	rddreg [dreg:$0x17]  }
0x8b: {  	[tilespmem:s9], [sflag:$0x1] =	stream.indirect_vreg.gather [hbm4b:s4+s2], $0x80, v3, vm1, $0xb8;
	[tilespmem:$0x18100] =	vst v63  }
0x8c: {  	v3 =	vld [tilespmem:$0x50];
	_ =	sdelay $0x4  }
0x8d: {  	v53 =	vshrl.u32 v3, $0x3  }
0x8e: {  	v4 =	vmul.u32 $0x18, v53  }
0x8f: {  	v3 =	vand.u32 $0x7, v3  }
0x90: {  	v3 =	vor.u32 v3, v4  }
0x91: {  	v4 =	vperm.xlane v3, v0;
	_ =	sdelay $0x1  }
0x92: {  	v4 =	vadd.s32 v1, v4;
	_ =	sdelay $0x1  }
0x93: {  	v3 =	vperm.xlane v3, v2;
	_ =	sdelay $0x1  }
0x94: {  	s0 =	rddreg [dreg:$0x18];
	v3 =	vadd.s32 v1, v3  }
0x95: {  	[tilespmem:s0], [sflag:$0x1] =	stream.indirect_vreg.gather [hbm4b:s3+s2], $0x80, v4, vm0, $0xb8;
	[tilespmem:$0x18100] =	vst v63  }
0x96: {  	s9 =	rddreg [dreg:$0x19]  }
0x97: {  	[tilespmem:s9], [sflag:$0x1] =	stream.indirect_vreg.gather [hbm4b:s4+s2], $0x80, v4, vm1, $0xb8;
	[tilespmem:$0x18100] =	vst v63  }
0x98: {  	s0 =	rddreg [dreg:$0x1a]  }
0x99: {  	[tilespmem:s0], [sflag:$0x1] =	stream.indirect_vreg.gather [hbm4b:s3+s2], $0x80, v3, vm0, $0xb8;
	[tilespmem:$0x18100] =	vst v63  }
0x9a: {  	s9 =	rddreg [dreg:$0x1b]  }
0x9b: {  	[tilespmem:s9], [sflag:$0x1] =	stream.indirect_vreg.gather [hbm4b:s4+s2], $0x80, v3, vm1, $0xb8;
	[tilespmem:$0x18100] =	vst v63  }
0x9c: {  	v3 =	vld [tilespmem:$0x60];
	_ =	sdelay $0x4  }
0x9d: {  	v54 =	vshrl.u32 v3, $0x3  }
0x9e: {  	v4 =	vmul.u32 $0x18, v54  }
0x9f: {  	v3 =	vand.u32 $0x7, v3  }
0xa0: {  	v3 =	vor.u32 v3, v4  }
0xa1: {  	v4 =	vperm.xlane v3, v0;
	_ =	sdelay $0x1  }
0xa2: {  	v4 =	vadd.s32 v1, v4;
	_ =	sdelay $0x1  }
0xa3: {  	v3 =	vperm.xlane v3, v2;
	_ =	sdelay $0x1  }
0xa4: {  	s0 =	rddreg [dreg:$0x1c];
	v3 =	vadd.s32 v1, v3  }
0xa5: {  	[tilespmem:s0], [sflag:$0x1] =	stream.indirect_vreg.gather [hbm4b:s3+s2], $0x80, v4, vm0, $0xb8;
	[tilespmem:$0x18100] =	vst v63  }
0xa6: {  	s9 =	rddreg [dreg:$0x1d]  }
0xa7: {  	[tilespmem:s9], [sflag:$0x1] =	stream.indirect_vreg.gather [hbm4b:s4+s2], $0x80, v4, vm1, $0xb8;
	[tilespmem:$0x18100] =	vst v63  }
0xa8: {  	s0 =	rddreg [dreg:$0x1e]  }
0xa9: {  	[tilespmem:s0], [sflag:$0x1] =	stream.indirect_vreg.gather [hbm4b:s3+s2], $0x80, v3, vm0, $0xb8;
	[tilespmem:$0x18100] =	vst v63  }
0xaa: {  	s9 =	rddreg [dreg:$0x1f]  }
0xab: {  	[tilespmem:s9], [sflag:$0x1] =	stream.indirect_vreg.gather [hbm4b:s4+s2], $0x80, v3, vm1, $0xb8;
	[tilespmem:$0x18100] =	vst v63  }
0xac: {  	v3 =	vld [tilespmem:$0x70];
	_ =	sdelay $0x4  }
0xad: {  	v55 =	vshrl.u32 v3, $0x3  }
0xae: {  	v4 =	vmul.u32 $0x18, v55  }
0xaf: {  	v3 =	vand.u32 $0x7, v3  }
0xb0: {  	v3 =	vor.u32 v3, v4  }
0xb1: {  	v4 =	vperm.xlane v3, v0;
	_ =	sdelay $0x1  }
0xb2: {  	v4 =	vadd.s32 v1, v4;
	_ =	sdelay $0x1  }
0xb3: {  	s0 =	sld [smem:$0x7F0];
	v3 =	vperm.xlane v3, v2;
	_ =	sdelay $0x1  }
0xb4: {  	s9 =	sld [smem:$0x7F1];
	v3 =	vadd.s32 v1, v3  }
0xb5: {  	[tilespmem:s0], [sflag:$0x1] =	stream.indirect_vreg.gather [hbm4b:s3+s2], $0x80, v4, vm0, $0xb8;
	[tilespmem:$0x18100] =	vst v63  }
0xb6: {  	s0 =	sld [smem:$0x7F2]  }
0xb7: {  	[tilespmem:s9], [sflag:$0x1] =	stream.indirect_vreg.gather [hbm4b:s4+s2], $0x80, v4, vm1, $0xb8;
	[tilespmem:$0x18100] =	vst v63  }
0xb8: {  	s9 =	sld [smem:$0x7F3]  }
0xb9: {  	[tilespmem:s0], [sflag:$0x1] =	stream.indirect_vreg.gather [hbm4b:s3+s2], $0x80, v3, vm0, $0xb8;
	[tilespmem:$0x18100] =	vst v63  }
0xba: {  	_ = 	snop  }
0xbb: {  	[tilespmem:s9], [sflag:$0x1] =	stream.indirect_vreg.gather [hbm4b:s4+s2], $0x80, v3, vm1, $0xb8;
	[tilespmem:$0x18100] =	vst v63  }
0xbc: {  	v3 =	vld [tilespmem:$0x80];
	_ =	sdelay $0x4  }
0xbd: {  	v56 =	vshrl.u32 v3, $0x3  }
0xbe: {  	v4 =	vmul.u32 $0x18, v56  }
0xbf: {  	v3 =	vand.u32 $0x7, v3  }
0xc0: {  	v3 =	vor.u32 v3, v4  }
0xc1: {  	v4 =	vperm.xlane v3, v0;
	_ =	sdelay $0x1  }
0xc2: {  	v4 =	vadd.s32 v1, v4;
	_ =	sdelay $0x1  }
0xc3: {  	v3 =	vperm.xlane v3, v2;
	_ =	sdelay $0x1  }
0xc4: {  	s0 =	sld [smem:$0x7F4];
	v3 =	vadd.s32 v1, v3  }
0xc5: {  	[tilespmem:s8], [sflag:$0x2] =	stream.indirect_vreg.gather [hbm4b:s3+s2], $0x80, v4, vm0, $0xb8;
	[tilespmem:$0x18100] =	vst v63  }
0xc6: {  	s9 =	sld [smem:$0x7F5]  }
0xc7: {  	[tilespmem:s0], [sflag:$0x2] =	stream.indirect_vreg.gather [hbm4b:s4+s2], $0x80, v4, vm1, $0xb8;
	[tilespmem:$0x18100] =	vst v63  }
0xc8: {  	s0 =	sld [smem:$0x7F6]  }
0xc9: {  	[tilespmem:s9], [sflag:$0x2] =	stream.indirect_vreg.gather [hbm4b:s3+s2], $0x80, v3, vm0, $0xb8;
	[tilespmem:$0x18100] =	vst v63  }
0xca: {  	_ = 	snop  }
0xcb: {  	[tilespmem:s0], [sflag:$0x2] =	stream.indirect_vreg.gather [hbm4b:s4+s2], $0x80, v3, vm1, $0xb8;
	[tilespmem:$0x18100] =	vst v63  }
0xcc: {  	v3 =	vld [tilespmem:$0x90];
	_ =	sdelay $0x4  }
0xcd: {  	v57 =	vshrl.u32 v3, $0x3  }
0xce: {  	v4 =	vmul.u32 $0x18, v57  }
0xcf: {  	v3 =	vand.u32 $0x7, v3  }
0xd0: {  	v3 =	vor.u32 v3, v4  }
0xd1: {  	v4 =	vperm.xlane v3, v0;
	_ =	sdelay $0x1  }
0xd2: {  	v4 =	vadd.s32 v1, v4;
	_ =	sdelay $0x1  }
0xd3: {  	s0 =	sld [smem:$0x7F7];
	v3 =	vperm.xlane v3, v2;
	_ =	sdelay $0x1  }
0xd4: {  	s9 =	sld [smem:$0x7F8];
	v3 =	vadd.s32 v1, v3  }
0xd5: {  	[tilespmem:s0], [sflag:$0x2] =	stream.indirect_vreg.gather [hbm4b:s3+s2], $0x80, v4, vm0, $0xb8;
	[tilespmem:$0x18100] =	vst v63  }
0xd6: {  	s0 =	sld [smem:$0x7F9]  }
0xd7: {  	[tilespmem:s9], [sflag:$0x2] =	stream.indirect_vreg.gather [hbm4b:s4+s2], $0x80, v4, vm1, $0xb8;
	[tilespmem:$0x18100] =	vst v63  }
0xd8: {  	s9 =	sld [smem:$0x7FA]  }
0xd9: {  	[tilespmem:s0], [sflag:$0x2] =	stream.indirect_vreg.gather [hbm4b:s3+s2], $0x80, v3, vm0, $0xb8;
	[tilespmem:$0x18100] =	vst v63  }
0xda: {  	_ = 	snop  }
0xdb: {  	[tilespmem:s9], [sflag:$0x2] =	stream.indirect_vreg.gather [hbm4b:s4+s2], $0x80, v3, vm1, $0xb8;
	[tilespmem:$0x18100] =	vst v63  }
0xdc: {  	v3 =	vld [tilespmem:$0xA0];
	_ =	sdelay $0x4  }
0xdd: {  	v58 =	vshrl.u32 v3, $0x3  }
0xde: {  	v4 =	vmul.u32 $0x18, v58  }
0xdf: {  	v3 =	vand.u32 $0x7, v3  }
0xe0: {  	v3 =	vor.u32 v3, v4  }
0xe1: {  	v4 =	vperm.xlane v3, v0;
	_ =	sdelay $0x1  }
0xe2: {  	v4 =	vadd.s32 v1, v4;
	_ =	sdelay $0x1  }
0xe3: {  	s0 =	sld [smem:$0x7FB];
	v3 =	vperm.xlane v3, v2;
	_ =	sdelay $0x1  }
0xe4: {  	s9 =	sld [smem:$0x7FC];
	v3 =	vadd.s32 v1, v3  }
0xe5: {  	[tilespmem:s0], [sflag:$0x2] =	stream.indirect_vreg.gather [hbm4b:s3+s2], $0x80, v4, vm0, $0xb8;
	[tilespmem:$0x18100] =	vst v63  }
0xe6: {  	s0 =	sld [smem:$0x7FD]  }
0xe7: {  	[tilespmem:s9], [sflag:$0x2] =	stream.indirect_vreg.gather [hbm4b:s4+s2], $0x80, v4, vm1, $0xb8;
	[tilespmem:$0x18100] =	vst v63  }
0xe8: {  	_ = 	snop  }
0xe9: {  	[tilespmem:s0], [sflag:$0x2] =	stream.indirect_vreg.gather [hbm4b:s3+s2], $0x80, v3, vm0, $0xb8;
	[tilespmem:$0x18100] =	vst v63  }
0xea: {  	s9 =	simm.s32 $0x10500  }
0xeb: {  	[tilespmem:s9], [sflag:$0x2] =	stream.indirect_vreg.gather [hbm4b:s4+s2], $0x80, v3, vm1, $0xb8;
	[tilespmem:$0x18100] =	vst v63  }
0xec: {  	v3 =	vld [tilespmem:$0xB0];
	_ =	sdelay $0x4  }
0xed: {  	v59 =	vshrl.u32 v3, $0x3  }
0xee: {  	v4 =	vmul.u32 $0x18, v59  }
0xef: {  	v3 =	vand.u32 $0x7, v3  }
0xf0: {  	v3 =	vor.u32 v3, v4  }
0xf1: {  	v4 =	vperm.xlane v3, v0;
	_ =	sdelay $0x1  }
0xf2: {  	v4 =	vadd.s32 v1, v4;
	_ =	sdelay $0x1  }
0xf3: {  	v3 =	vperm.xlane v3, v2;
	_ =	sdelay $0x1  }
0xf4: {  	v3 =	vadd.s32 v1, v3  }
0xf5: {  	[tilespmem:s10], [sflag:$0x2] =	stream.indirect_vreg.gather [hbm4b:s3+s2], $0x80, v4, vm0, $0xb8;
	[tilespmem:$0x18100] =	vst v63  }
0xf6: {  	_ = 	snop  }
0xf7: {  	[tilespmem:s11], [sflag:$0x2] =	stream.indirect_vreg.gather [hbm4b:s4+s2], $0x80, v4, vm1, $0xb8;
	[tilespmem:$0x18100] =	vst v63  }
0xf8: {  	_ = 	snop  }
0xf9: {  	[tilespmem:s12], [sflag:$0x2] =	stream.indirect_vreg.gather [hbm4b:s3+s2], $0x80, v3, vm0, $0xb8;
	[tilespmem:$0x18100] =	vst v63  }
0xfa: {  	_ = 	snop  }
0xfb: {  	[tilespmem:s13], [sflag:$0x2] =	stream.indirect_vreg.gather [hbm4b:s4+s2], $0x80, v3, vm1, $0xb8;
	[tilespmem:$0x18100] =	vst v63  }
0xfc: {  	v3 =	vld [tilespmem:$0xC0];
	_ =	sdelay $0x4  }
0xfd: {  	v60 =	vshrl.u32 v3, $0x3  }
0xfe: {  	v4 =	vmul.u32 $0x18, v60  }
0xff: {  	v3 =	vand.u32 $0x7, v3  }
0x100: {  	v3 =	vor.u32 v3, v4  }
0x101: {  	v4 =	vperm.xlane v3, v0;
	_ =	sdelay $0x1  }
0x102: {  	v4 =	vadd.s32 v1, v4;
	_ =	sdelay $0x1  }
0x103: {  	v3 =	vperm.xlane v3, v2;
	_ =	sdelay $0x1  }
0x104: {  	v3 =	vadd.s32 v1, v3  }
0x105: {  	[tilespmem:s14], [sflag:$0x2] =	stream.indirect_vreg.gather [hbm4b:s3+s2], $0x80, v4, vm0, $0xb8;
	[tilespmem:$0x18100] =	vst v63  }
0x106: {  	_ = 	snop  }
0x107: {  	[tilespmem:s15], [sflag:$0x2] =	stream.indirect_vreg.gather [hbm4b:s4+s2], $0x80, v4, vm1, $0xb8;
	[tilespmem:$0x18100] =	vst v63  }
0x108: {  	_ = 	snop  }
0x109: {  	[tilespmem:s16], [sflag:$0x2] =	stream.indirect_vreg.gather [hbm4b:s3+s2], $0x80, v3, vm0, $0xb8;
	[tilespmem:$0x18100] =	vst v63  }
0x10a: {  	_ = 	snop  }
0x10b: {  	[tilespmem:s17], [sflag:$0x2] =	stream.indirect_vreg.gather [hbm4b:s4+s2], $0x80, v3, vm1, $0xb8;
	[tilespmem:$0x18100] =	vst v63  }
0x10c: {  	v3 =	vld [tilespmem:$0xD0];
	_ =	sdelay $0x4  }
0x10d: {  	v61 =	vshrl.u32 v3, $0x3  }
0x10e: {  	v4 =	vmul.u32 $0x18, v61  }
0x10f: {  	v3 =	vand.u32 $0x7, v3  }
0x110: {  	v3 =	vor.u32 v3, v4  }
0x111: {  	v4 =	vperm.xlane v3, v0;
	_ =	sdelay $0x1  }
0x112: {  	v4 =	vadd.s32 v1, v4;
	_ =	sdelay $0x1  }
0x113: {  	v3 =	vperm.xlane v3, v2;
	_ =	sdelay $0x1  }
0x114: {  	v3 =	vadd.s32 v1, v3  }
0x115: {  	[tilespmem:s18], [sflag:$0x2] =	stream.indirect_vreg.gather [hbm4b:s3+s2], $0x80, v4, vm0, $0xb8;
	[tilespmem:$0x18100] =	vst v63  }
0x116: {  	_ = 	snop  }
0x117: {  	[tilespmem:s19], [sflag:$0x2] =	stream.indirect_vreg.gather [hbm4b:s4+s2], $0x80, v4, vm1, $0xb8;
	[tilespmem:$0x18100] =	vst v63  }
0x118: {  	_ = 	snop  }
0x119: {  	[tilespmem:s20], [sflag:$0x2] =	stream.indirect_vreg.gather [hbm4b:s3+s2], $0x80, v3, vm0, $0xb8;
	[tilespmem:$0x18100] =	vst v63  }
0x11a: {  	_ = 	snop  }
0x11b: {  	[tilespmem:s21], [sflag:$0x2] =	stream.indirect_vreg.gather [hbm4b:s4+s2], $0x80, v3, vm1, $0xb8;
	[tilespmem:$0x18100] =	vst v63  }
0x11c: {  	v3 =	vld [tilespmem:$0xE0];
	_ =	sdelay $0x4  }
0x11d: {  	v62 =	vshrl.u32 v3, $0x3  }
0x11e: {  	v4 =	vmul.u32 $0x18, v62  }
0x11f: {  	v3 =	vand.u32 $0x7, v3  }
0x120: {  	v3 =	vor.u32 v3, v4  }
0x121: {  	v4 =	vperm.xlane v3, v0;
	_ =	sdelay $0x1  }
0x122: {  	v4 =	vadd.s32 v1, v4;
	_ =	sdelay $0x1  }
0x123: {  	v3 =	vperm.xlane v3, v2;
	_ =	sdelay $0x1  }
0x124: {  	v3 =	vadd.s32 v1, v3  }
0x125: {  	[tilespmem:s22], [sflag:$0x2] =	stream.indirect_vreg.gather [hbm4b:s3+s2], $0x80, v4, vm0, $0xb8;
	[tilespmem:$0x18100] =	vst v63  }
0x126: {  	_ = 	snop  }
0x127: {  	[tilespmem:s23], [sflag:$0x2] =	stream.indirect_vreg.gather [hbm4b:s4+s2], $0x80, v4, vm1, $0xb8;
	[tilespmem:$0x18100] =	vst v63  }
0x128: {  	_ = 	snop  }
0x129: {  	[tilespmem:s24], [sflag:$0x2] =	stream.indirect_vreg.gather [hbm4b:s3+s2], $0x80, v3, vm0, $0xb8;
	[tilespmem:$0x18100] =	vst v63  }
0x12a: {  	_ = 	snop  }
0x12b: {  	[tilespmem:s25], [sflag:$0x2] =	stream.indirect_vreg.gather [hbm4b:s4+s2], $0x80, v3, vm1, $0xb8;
	[tilespmem:$0x18100] =	vst v63  }
0x12c: {  	v3 =	vld [tilespmem:$0xF0];
	_ =	sdelay $0x4  }
0x12d: {  	v63 =	vshrl.u32 v3, $0x3  }
0x12e: {  	v4 =	vmul.u32 $0x18, v63  }
0x12f: {  	v3 =	vand.u32 $0x7, v3  }
0x130: {  	v3 =	vor.u32 v3, v4  }
0x131: {  	v4 =	vperm.xlane v3, v0;
	_ =	sdelay $0x1  }
0x132: {  	v4 =	vadd.s32 v1, v4;
	_ =	sdelay $0x1  }
0x133: {  	v3 =	vperm.xlane v3, v2;
	_ =	sdelay $0x1  }
0x134: {  	v3 =	vadd.s32 v1, v3  }
0x135: {  	[tilespmem:s26], [sflag:$0x2] =	stream.indirect_vreg.gather [hbm4b:s3+s2], $0x80, v4, vm0, $0xb8;
	[tilespmem:$0x18100] =	vst v63  }
0x136: {  	_ = 	snop  }
0x137: {  	[tilespmem:s28], [sflag:$0x2] =	stream.indirect_vreg.gather [hbm4b:s4+s2], $0x80, v4, vm1, $0xb8;
	[tilespmem:$0x18100] =	vst v63  }
0x138: {  	_ = 	snop  }
0x139: {  	[tilespmem:s29], [sflag:$0x2] =	stream.indirect_vreg.gather [hbm4b:s3+s2], $0x80, v3, vm0, $0xb8;
	[tilespmem:$0x18100] =	vst v63  }
0x13a: {  	_ = 	snop  }
0x13b: {  	[tilespmem:s30], [sflag:$0x2] =	stream.indirect_vreg.gather [hbm4b:s4+s2], $0x80, v3, vm1, $0xb8;
	[tilespmem:$0x18100] =	vst v63  }
0x13c: {  	_ =	swait.ge [sflag:s31], $0xC000  }
0x13d: {  	[sflag:s31] =	ssyncset.done $0x0  }
0x13e: {  	s9 =	rddreg [dreg:$0x3];
	[sflag:s31] =	ssyncadd.s32 $0xFFFF4000  }
0x13f: {  	[hbm4b:s9+s2] =	stream.linear.scatter [tilespmem:s7], [sflag:$0x3], $0xC000, $0x38;
	[tilespmem:$0x18100] =	vst v63  }
0x140: {  	_ =	swait.ge [sflag:s6], $0xC000  }
0x141: {  	[sflag:s6] =	ssyncset.done $0x0  }
0x142: {  	[sflag:s6] =	ssyncadd.s32 $0xFFFF4000  }
0x143: {  	_ =	swait.ge [sflag:s1], $0xC000  }
0x144: {  	p0 =	sne.s32 s5, $0x1;
	[sflag:s1] =	ssyncset.done $0x0  }
.Ltmp0:
0x145: {  	s9 =	rddreg [dreg:$0x4];
	[sflag:s1] =	ssyncadd.s32 $0xFFFF4000;
	(pc) =	sbr.rel @p0 .LBB2_1-.Ltmp0, $4  }
0x146: {  	[hbm4b:s9+s2] =	stream.linear.scatter [tilespmem:s8], [sflag:$0x3], $0xC000, $0x38;
	[tilespmem:$0x18100] =	vst v63  }
0x147: {  	_ =	swait.ge [sflag:s6], $0xC000  }
0x148: {  	[sflag:s6] =	ssyncset.done $0x0  }
0x149: {  	s5 =	sadd.s32 $0xFFFFFFFF, s5;
	[sflag:s6] =	ssyncadd.s32 $0xFFFF4000  }
0x14a: {  	_ =	sfence.sel $0x180000  }
0x14b: {  	[bflag:$0x0] =	sbarrier.arrive $0xFFFF  }
0x14c: {  	_ =	strace $0x9000004D  }
0x14d: {  	s0 =	stileid.u32;
	[bflag:$0x2] =	sbarrier.arrive $0xFFFF  }
0x14e: {  	p0 =	sne.s32 s0, $0x0;
	s0 =	rddreg [dreg:$0x1]  }
0x14f: {  	s0 =	sadd.s32 @!p0 $0x100000, s0  }
0x150: {  	[sflag:s0] =	ssyncadd.tile.s32 @!p0 $0x1;
	_ =	shalt  }
.Lfunc_end2:
_tile_overlayer_lowered:
.L_overlay_start_2:
0x151: {  	(tag) =	ssettag $0x2  }
0x152: {  	s0 =	rddreg [dreg:$0x0];
	s2 =	stileid.u32  }
0x153: {  	s1 =	rddreg [dreg:$0x1];
	p0 =	sne.s32 s2, $0x0  }
0x154: {  	s3 =	rddreg [dreg:$0x2];
	[bflag:$0x3] =	sbarrier.arrive $0xFFFF;
	s2 =	simm.s32 @!p0 $0x1C03  }
0x155: {  	[timem:s3], [sflag:s2] =	dma.local @!p0 [hbm:s0], s1  }
0x156: {  	s0 =	simm.s32 @!p0 $0x3  }
0x157: {  	_ =	swait.ge @!p0 [sflag:s0], s1  }
0x158: {  	s1 =	ssub.s32 @!p0 $0x0, s1;
	[sflag:s0] =	ssyncset.done @!p0 $0x0  }
0x159: {  	[sflag:s0] =	ssyncadd.s32 @!p0 s1  }
0x15a: {  	[bflag:$0x3] =	sbarrier.arrive $0xFFFF  }
0x15b: {  	_ =	shalt  }

// kernel: kernel.25.cloned.1.call-start
scs
__scs_entry_jumppad:
0x0: {  	(pc) =	sbr.rel $0x88, $3  }
0x1: {  	(tag) =	ssettag $0x0;
	lr =	simm.s32 $0x1  }
0x2: {  	[smem:$0x3F97] =	sst lr;
	_ =	strace $0xD0000000  }
0x3: {  	_ = 	snop  }
0x4: {  	_ = 	snop  }
0x5: {  	_ = 	snop  }
0x6: {  	_ = 	snop  }
0x7: {  	_ = 	snop  }
__scs_overlays_trampoline_lowered:
0x8: {  	[smem:$0x3FA6] =	sst s0  }
0x9: {  	[smem:$0x3FA7] =	sst s1  }
0xa: {  	[smem:$0x3FA8] =	sst s2  }
0xb: {  	[smem:$0x3FA9] =	sst s3  }
0xc: {  	[smem:$0x3FAA] =	sst s4  }
0xd: {  	[smem:$0x3FAB] =	sst s5  }
0xe: {  	[smem:$0x3FAC] =	sst s6  }
0xf: {  	[smem:$0x3FAD] =	sst s7  }
0x10: {  	[smem:$0x3FAE] =	sst s8  }
0x11: {  	[smem:$0x3FAF] =	sst s9;
	s0 =	simm.s32 @!p0 $0x0  }
0x12: {  	s1 =	sld [smem:$0x3F95];
	s0 =	simm.s32 @p0 $0x1  }
0x13: {  	[smem:$0x3FB0] =	sst s0;
	s0 =	simm.s32 @!p1 $0x0  }
0x14: {  	s2 =	sld [smem:$0x3F94];
	s0 =	simm.s32 @p1 $0x1  }
0x15: {  	[smem:$0x3FB1] =	sst s0;
	s0 =	simm.s32 @!p2 $0x0  }
0x16: {  	s3 =	sld [smem:$0x3FDB];
	s0 =	simm.s32 @p2 $0x1  }
0x17: {  	s4 =	simm.s32 $0x1BF5;
	[smem:$0x3FB3] =	sst s0  }
0x18: {  	s0 =	sld [smem:$0x3F96];
	_ =	swait.ge [sflag:s4], $0x0  }
0x19: {  	s7 =	sld [smem:$0x3F97]  }
0x1a: {  	s8 =	sadd.s32 $0xFFFFE003, lr  }
0x1b: {  	s9 =	sadd.s32 $0xFFFFFEF7, lr;
	s5 =	simm.s32 $0xFFFFFFFF;
	p2 =	slt.u32 s8, $0xFFFFF086  }
0x1c: {  	p1 =	slt.u32 s9, $0xF7A;
	s5 =	simm.s32 @!p2 $0x0  }
0x1d: {  	s5 =	simm.s32 @p1 $0x1;
	p0 =	seq.s32 s7, s2  }
0x1e: {  	s7 =	smul.u32 @!p0 $0xF7A, s2;
	p2 =	seq.s32 @!p0 s5, $0x0  }
0x1f: {  	s9 =	smul.u32 $0xF7A, s1;
	s8 =	simm.s32 @!p0 $0x1BF5;
	p2 =	por !p2, p0  }
0x20: {  	[sflag:s8] =	ssyncset.s32 @!p0 $0xFFFFF086;
	s6 =	sadd.s32 @!p0 s3, s7;
	s7 =	simm.s32 @!p0 $0x108  }
0x21: {  	s3 =	sadd.s32 s3, s9;
	s6 =	sadd.s32 @!p0 $0x88, s6;
	s7 =	simm.s32 @p2 $0x1082  }
0x22: {  	[simem:s7], [sflag:s8] =	dma.local @!p0 [hbm:s6], $0xF7A  }
0x23: {  	s9 =	sor.u32 $0xD0000000, s2;
	s6 =	simm.s32 $0x108;
	_ =	swait.ge @!p0 [sflag:s8], $0x0  }
0x24: {  	s3 =	sadd.s32 $0x88, s3;
	s6 =	simm.s32 @!p1 $0x1082;
	[sflag:s4] =	ssyncset.s32 $0xFFFFF086  }
0x25: {  	[simem:s6], [sflag:s4] =	dma.local [hbm:s3], $0xF7A  }
0x26: {  	[smem:$0x3F97] =	sst s1;
	(tag) =	ssettag s2;
	_ =	strace s9  }
0x27: {  	s1 =	sld [smem:$0x3FA7]  }
0x28: {  	s2 =	sld [smem:$0x3FA8]  }
0x29: {  	s4 =	sld [smem:$0x3FAA]  }
0x2a: {  	p0 =	seq.s32 s5, $0x0;
	s5 =	sld [smem:$0x3FAB]  }
0x2b: {  	s6 =	sld [smem:$0x3FAC]  }
0x2c: {  	s7 =	sld [smem:$0x3FAD]  }
0x2d: {  	s3 =	simm.s32 $0x108;
	s8 =	sld [smem:$0x3FAE]  }
0x2e: {  	s3 =	simm.s32 @!p0 $0x1082;
	s9 =	sld [smem:$0x3FAF]  }
0x2f: {  	lr =	sadd.s32 s0, s3;
	s0 =	sld [smem:$0x3FA6]  }
0x30: {  	s3 =	sld [smem:$0x3FA9]  }
0x31: {  	[smem:$0x3FB2] =	sst s10  }
0x32: {  	s10 =	sld [smem:$0x3FB0];
	_ =	sdelay $0x3  }
0x33: {  	p0 =	seq.s32 s10, $0x1;
	s10 =	sld [smem:$0x3FB2];
	_ =	sdelay $0x3  }
0x34: {  	[smem:$0x3FB2] =	sst s10  }
0x35: {  	s10 =	sld [smem:$0x3FB1];
	_ =	sdelay $0x3  }
0x36: {  	p1 =	seq.s32 s10, $0x1;
	s10 =	sld [smem:$0x3FB2];
	_ =	sdelay $0x3  }
0x37: {  	[smem:$0x3FB2] =	sst s10  }
0x38: {  	s10 =	sld [smem:$0x3FB3]  }
0x39: {  	_ = 	snop;
	(pc) =	sbr.ind lr, $3  }
0x3a: {  	_ = 	snop  }
0x3b: {  	_ = 	snop  }
0x3c: {  	p2 =	seq.s32 s10, $0x1;
	s10 =	sld [smem:$0x3FB2]  }
0x3d: {  	_ =	shalt  }
0x3e: {  	_ =	shalt  }
0x3f: {  	_ =	shalt  }
0x40: {  	_ =	shalt  }
0x41: {  	_ =	shalt  }
0x42: {  	_ =	shalt  }
0x43: {  	_ =	shalt  }
0x44: {  	_ =	shalt  }
0x45: {  	_ =	shalt  }
0x46: {  	_ =	shalt  }
0x47: {  	_ =	shalt  }
0x48: {  	_ =	shalt  }
0x49: {  	_ =	shalt  }
0x4a: {  	_ =	shalt  }
0x4b: {  	_ =	shalt  }
0x4c: {  	_ =	shalt  }
0x4d: {  	_ =	shalt  }
0x4e: {  	_ =	shalt  }
0x4f: {  	_ =	shalt  }
0x50: {  	_ =	shalt  }
0x51: {  	_ =	shalt  }
0x52: {  	_ =	shalt  }
0x53: {  	_ =	shalt  }
0x54: {  	_ =	shalt  }
0x55: {  	_ =	shalt  }
0x56: {  	_ =	shalt  }
0x57: {  	_ =	shalt  }
0x58: {  	_ =	shalt  }
0x59: {  	_ =	shalt  }
0x5a: {  	_ =	shalt  }
0x5b: {  	_ =	shalt  }
0x5c: {  	_ =	shalt  }
0x5d: {  	_ =	shalt  }
0x5e: {  	_ =	shalt  }
0x5f: {  	_ =	shalt  }
0x60: {  	_ =	shalt  }
0x61: {  	_ =	shalt  }
0x62: {  	_ =	shalt  }
0x63: {  	_ =	shalt  }
0x64: {  	_ =	shalt  }
0x65: {  	_ =	shalt  }
0x66: {  	_ =	shalt  }
0x67: {  	_ =	shalt  }
0x68: {  	_ =	shalt  }
0x69: {  	_ =	shalt  }
0x6a: {  	_ =	shalt  }
0x6b: {  	_ =	shalt  }
0x6c: {  	_ =	shalt  }
0x6d: {  	_ =	shalt  }
0x6e: {  	_ =	shalt  }
0x6f: {  	_ =	shalt  }
0x70: {  	_ =	shalt  }
0x71: {  	_ =	shalt  }
0x72: {  	_ =	shalt  }
0x73: {  	_ =	shalt  }
0x74: {  	_ =	shalt  }
0x75: {  	_ =	shalt  }
0x76: {  	_ =	shalt  }
0x77: {  	_ =	shalt  }
0x78: {  	_ =	shalt  }
0x79: {  	_ =	shalt  }
0x7a: {  	_ =	shalt  }
0x7b: {  	_ =	shalt  }
0x7c: {  	_ =	shalt  }
0x7d: {  	_ =	shalt  }
0x7e: {  	_ =	shalt  }
0x7f: {  	_ =	shalt  }
0x80: {  	_ =	shalt  }
0x81: {  	_ =	shalt  }
0x82: {  	_ =	shalt  }
0x83: {  	_ =	shalt  }
0x84: {  	_ =	shalt  }
0x85: {  	_ =	shalt  }
0x86: {  	_ =	shalt  }
0x87: {  	_ =	shalt  }
.Lfunc_end0:
.L_simem_size_0:
called_computation.3_lowered:
.L_overlay_start_0:
0x88: {  	s2 =	sld [smem:$0x3FD9]  }
0x89: {  	s3 =	sld [smem:$0x3FFE];
	_ =	sdelay $0x1  }
0x8a: {  	s1 =	srdreg.scid  }
0x8b: {  	s0 =	sand.u32 $0x1, s1  }
0x8c: {  	s17 =	sshll.u32 s0, $0xA;
	s2 =	sadd.s32 s3, s2  }
0x8d: {  	s2 =	sadd.s32 s2, s17  }
0x8e: {  	[smem:$0x3FBE] =	sst s2  }
0x8f: {  	_ = 	snop  }
0x90: {  	(tm) =	ssettm $0x1  }
0x91: {  	s18 =	sld [smem:$0x3FFB];
	_ =	sdelay $0x3  }
0x92: {  	_ =	strace s18  }
0x93: {  	s2 =	sld [smem:$0x3FFC];
	_ =	sdelay $0x3  }
0x94: {  	_ =	strace s2  }
0x95: {  	s2 =	sld [smem:$0x3FFD];
	_ =	sdelay $0x3  }
0x96: {  	_ =	strace s2  }
0x97: {  	_ =	strace $0x8FFFFFFF  }
0x98: {  	s19 =	sld [smem:$0x3FDB];
	_ =	sdelay $0x1  }
0x99: {  	s20 =	simm.s32 $_scs_section_size  }
0x9a: {  	s4 =	simm.s32 $_size__tile_overlayer_lowered;
	s5 =	simm.s32 $_tile_overlayer_lowered  }
0x9b: {  	s6 =	simm.s32 $0x1BFF;
	s21 =	sshll.u32 s5, $0x1;
	s3 =	sadd.s32 s20, s19  }
0x9c: {  	s22 =	simm.s32 $0x0;
	s4 =	sshll.u32 s4, $0x1;
	s5 =	sadd.s32 s21, s3  }
0x9d: {  	[timem:s22], [sflag:s6] =	dma.local [hbm:s5], s4  }
0x9e: {  	_ =	swait.ge [sflag:s6], s4  }
0x9f: {  	s4 =	ssub.s32 $0x0, s4;
	[sflag:s6] =	ssyncset.done $0x0  }
0xa0: {  	[sflag:s6] =	ssyncadd.s32 s4;
	_ =	sdelay $0x1  }
0xa1: {  	s23 =	simm.s32 $0x1B8B  }
0xa2: {  	_ =	swait.ge [sflag:s23], $0x1  }
0xa3: {  	[sflag:s23] =	ssyncset.done $0x0  }
0xa4: {  	[sflag:s23] =	ssyncadd.s32 $0xFFFFFFFF  }
0xa5: {  	s4 =	sld [smem:$0x0]  }
0xa6: {  	s5 =	sand.u32 $0xFFFFFFFE, s1  }
0xa7: {  	p0 =	sne.s32 s1, s5  }
0xa8: {  	s5 =	sshll.u32 @p0 s5, $0xE  }
0xa9: {  	s5 =	sadd.s32 @p0 $0x11B8D, s5;
	s6 =	sshll.u32 @p0 s4, $0x11  }
0xaa: {  	s5 =	sor.u32 @p0 s6, s5  }
0xab: {  	[sflag:s5] =	ssyncadd.remote.s32 @p0 $0x1;
	_ =	sdelay $0x1  }
0xac: {  	s5 =	simm.s32 @p0 $0x1B8D  }
0xad: {  	_ =	swait.eq @p0 [sflag:s5], $0x1  }
0xae: {  	[sflag:s5] =	ssyncadd.s32 @p0 $0xFFFFFFFF  }
0xaf: {  	s6 =	sshll.u32 @!p0 s1, $0xE  }
0xb0: {  	s6 =	sor.u32 @!p0 $0x4000, s6;
	s5 =	simm.s32 @!p0 $0x1B8D  }
0xb1: {  	s4 =	sshll.u32 @!p0 s4, $0x11;
	s6 =	sadd.s32 @!p0 $0x11B8D, s6;
	_ =	swait.eq @!p0 [sflag:s5], $0x1  }
0xb2: {  	s4 =	sor.u32 @!p0 s4, s6;
	[sflag:s5] =	ssyncadd.s32 @!p0 $0xFFFFFFFF  }
0xb3: {  	s25 =	simm.s32 $0x1B8E;
	s24 =	sld [smem:$0x3FFE];
	[sflag:s4] =	ssyncadd.remote.s32 @!p0 $0x1  }
0xb4: {  	s26 =	simm.s32 $execute0_lowered;
	[smem:$0x3FD2] =	sst s25  }
0xb5: {  	s5 =	sshll.u32 s26, $0x1;
	_ =	strace $0x8000004F;
	[dreg:$0x1] =	wrdreg $0xFFFFFFFF  }
0xb6: {  	s28 =	simm.s32 $_size_execute0_lowered;
	s3 =	sadd.s32 s3, s5;
	[dreg:$0x0] =	wrdreg $0x0  }
0xb7: {  	s5 =	sshll.u32 s28, $0x1;
	[dreg:$0x2] =	wrdreg s3  }
0xb8: {  	[dreg:$0x3] =	wrdreg s5  }
0xb9: {  	[dreg:$0x4] =	wrdreg $0xC0  }
0xba: {  	_ =	task [dreg:s22], $0x5FFFF  }
0xbb: {  	[dreg:$0x1] =	wrdreg $0xFFFFFFFF  }
0xbc: {  	[dreg:$0x0] =	wrdreg $0x60  }
0xbd: {  	[dreg:$0x2] =	wrdreg s24  }
0xbe: {  	[dreg:$0x3] =	wrdreg $0xC  }
0xbf: {  	_ =	task.clear_ibuf [dreg:s22], $0x4FFFF;
	_ =	strace $0x9000004F  }
0xc0: {  	s29 =	simm.s32 $0xC;
	_ =	strace $0x80000051  }
0xc1: {  	_ =	swait.ge [sflag:s29], $0x1  }
0xc2: {  	[sflag:s29] =	ssyncadd.s32 $0xFFFFFFFF  }
0xc3: {  	_ =	strace $0x90000051  }
0xc4: {  	_ =	sfence  }
0xc5: {  	s30 =	sld [smem:$0x0];
	_ =	sdelay $0x2  }
0xc6: {  	s31 =	sshll.u32 s1, $0xD;
	s1 =	sshrl.u32 s1, $0x2  }
0xc7: {  	s4 =	sand.u32 $0x4000, s31;
	s1 =	sadd.s32 s1, s30  }
0xc8: {  	s0 =	sor.u32 s4, s0;
	s1 =	sshll.u32 s1, $0x11  }
0xc9: {  	s0 =	sor.u32 s1, s0  }
0xca: {  	s0 =	sadd.s32 $0x8F2B, s0  }
0xcb: {  	[sflag:s0] =	ssyncadd.remote.s32 $0x1  }
0xcc: {  	_ =	sfence.sel $0xFFFF  }
0xcd: {  	[dreg:$0x0] =	wrdreg $0xFFFFFFFF;
	(pc) =	sbr.abs _section_cstart, $3  }
0xce: {  	[dreg:$0x1] =	wrdreg $0xFFFFFFFF  }
0xcf: {  	_ =	task.clear_ibuf [dreg:s22], $0x2FFFF;
	_ =	strace $0x9FFFFFFF  }
0xd0: {  	(tm) =	ssettm $0x7FFFFFFF  }
0xd1: {  	_ =	shalt  }
tec
execute0_lowered:
.L_overlay_start_1:
0x0: {  	(tag) =	ssettag $0x1  }
0x1: {  	s1 =	srdreg.scid  }
0x2: {  	s2 =	simm.s32 $0x0;
	s4 =	sand.u32 $0x1, s1;
	s1 =	rddreg [dreg:$0x0]  }
0x3: {  	s8 =	simm.s32 $0x900;
	[smem:$0x7FF] =	sst s2  }
0x4: {  	s9 =	simm.s32 $0xD00;
	_ =	strace $0x80000050;
	[dreg:$0x5] =	wrdreg s8  }
0x5: {  	s10 =	simm.s32 $0x1500;
	[dreg:$0x6] =	wrdreg s9  }
0x6: {  	s11 =	simm.s32 $0x1900;
	[dreg:$0x7] =	wrdreg s10  }
0x7: {  	s12 =	simm.s32 $0x2100;
	[dreg:$0x8] =	wrdreg s11  }
0x8: {  	s13 =	simm.s32 $0x2500;
	[dreg:$0x9] =	wrdreg s12  }
0x9: {  	s14 =	simm.s32 $0x2D00;
	[dreg:$0xa] =	wrdreg s13  }
0xa: {  	s15 =	simm.s32 $0x3100;
	[dreg:$0xb] =	wrdreg s14  }
0xb: {  	s16 =	simm.s32 $0x3900;
	[dreg:$0xc] =	wrdreg s15  }
0xc: {  	s17 =	simm.s32 $0x3D00;
	[dreg:$0xd] =	wrdreg s16  }
0xd: {  	s18 =	simm.s32 $0x4500;
	[dreg:$0xe] =	wrdreg s17  }
0xe: {  	s19 =	simm.s32 $0x4900;
	[dreg:$0xf] =	wrdreg s18  }
0xf: {  	s20 =	simm.s32 $0x5100;
	[dreg:$0x10] =	wrdreg s19  }
0x10: {  	s21 =	simm.s32 $0x5500;
	[dreg:$0x11] =	wrdreg s20  }
0x11: {  	s22 =	simm.s32 $0x5D00;
	[dreg:$0x12] =	wrdreg s21  }
0x12: {  	s23 =	simm.s32 $0x6100;
	[dreg:$0x13] =	wrdreg s22  }
0x13: {  	s24 =	simm.s32 $0x6900;
	[dreg:$0x14] =	wrdreg s23  }
0x14: {  	s25 =	simm.s32 $0x6D00;
	[dreg:$0x15] =	wrdreg s24  }
0x15: {  	s0 =	stileid.u32;
	s26 =	simm.s32 $0x7500;
	[dreg:$0x16] =	wrdreg s25  }
0x16: {  	s3 =	sshll.u32 s0, $0x6;
	s0 =	simm.s32 $0x7900;
	[dreg:$0x17] =	wrdreg s26  }
0x17: {  	[dreg:$0x18] =	wrdreg s0;
	s8 =	simm.s32 $0x9100  }
0x18: {  	s9 =	simm.s32 $0x9900;
	[dreg:$0x1c] =	wrdreg s8  }
0x19: {  	s10 =	simm.s32 $0x9D00;
	[dreg:$0x1d] =	wrdreg s9  }
0x1a: {  	s11 =	simm.s32 $0xA500;
	[dreg:$0x1e] =	wrdreg s10  }
0x1b: {  	s12 =	simm.s32 $0xA900;
	[dreg:$0x1f] =	wrdreg s11  }
0x1c: {  	s13 =	simm.s32 $0xB100;
	[smem:$0x7F0] =	sst s12  }
0x1d: {  	s14 =	simm.s32 $0xB500;
	[smem:$0x7F1] =	sst s13  }
0x1e: {  	s15 =	simm.s32 $0xBD00;
	[smem:$0x7F2] =	sst s14  }
0x1f: {  	s28 =	simm.s32 $0x17100;
	s16 =	simm.s32 $0xC900;
	[smem:$0x7F3] =	sst s15  }
0x20: {  	s29 =	simm.s32 $0x17500;
	s17 =	simm.s32 $0xCD00;
	[smem:$0x7F4] =	sst s16  }
0x21: {  	s30 =	simm.s32 $0x17D00;
	s18 =	simm.s32 $0xD500;
	[smem:$0x7F5] =	sst s17  }
0x22: {  	s31 =	simm.s32 $0x1;
	s20 =	simm.s32 $0xD900;
	[smem:$0x7F6] =	sst s18  }
0x23: {  	s5 =	sshll.u32 s4, $0x5;
	s21 =	simm.s32 $0xE100;
	[smem:$0x7F7] =	sst s20  }
0x24: {  	s7 =	sadd.s32 $0x15FC00, s1;
	s22 =	simm.s32 $0xE500;
	[smem:$0x7F8] =	sst s21  }
0x25: {  	s4 =	ssub.s32 $0x2, s4;
	s23 =	simm.s32 $0xED00;
	[smem:$0x7F9] =	sst s22  }
0x26: {  	s24 =	simm.s32 $0xF100;
	s25 =	simm.s32 $0xF900;
	[smem:$0x7FA] =	sst s23  }
0x27: {  	s26 =	simm.s32 $0xFD00;
	s3 =	sor.u32 s5, s3;
	[smem:$0x7FB] =	sst s24  }
0x28: {  	s19 =	sshrl.u32 s4, $0x1;
	s8 =	simm.s32 $0xC100;
	[smem:$0x7FC] =	sst s25  }
0x29: {  	[smem:$0x7FD] =	sst s26;
	s10 =	simm.s32 $0x10900;
	s11 =	simm.s32 $0x11100  }
0x2a: {  	s12 =	simm.s32 $0x11500;
	s13 =	simm.s32 $0x11D00;
	s14 =	simm.s32 $0x12100  }
0x2b: {  	s15 =	simm.s32 $0x12900;
	s16 =	simm.s32 $0x12D00;
	s17 =	simm.s32 $0x13500  }
0x2c: {  	s18 =	simm.s32 $0x13900;
	s20 =	simm.s32 $0x14500;
	s21 =	simm.s32 $0x14D00  }
0x2d: {  	s22 =	simm.s32 $0x15100;
	s23 =	simm.s32 $0x15900;
	s5 =	smul.u32 $0xC00, s3  }
0x2e: {  	s24 =	simm.s32 $0x15D00;
	s6 =	sadd.s32 s3, s1;
	s3 =	smul.u32 $0x180, s3  }
0x2f: {  	s25 =	simm.s32 $0x16500;
	s26 =	simm.s32 $0x16900;
	s6 =	sadd.s32 $0x15F800, s6  }
0x30: {  	s5 =	sshrl.u32 s5, $0x3;
	[dreg:$0x2] =	wrdreg s6;
	s3 =	sadd.s32 s7, s3  }
0x31: {  	s6 =	simm.s32 $0x8500;
	s5 =	sadd.s32 s7, s5;
	[dreg:$0x3] =	wrdreg s3  }
0x32: {  	[dreg:$0x1a] =	wrdreg s6;
	s3 =	sadd.s32 $0x4200, s1;
	s6 =	ssub.s32 s4, s19  }
0x33: {  	s4 =	sadd.s32 $0x4300, s1;
	s19 =	simm.s32 $0x14100;
	s7 =	sadd.s32 $0x1800, s5  }
0x34: {  	v2 =	vlaneseq.u32;
	s1 =	simm.s32 $0x2;
	s5 =	simm.s32 $0x8100;
	[dreg:$0x4] =	wrdreg s7  }
0x35: {  	vm0 =	vmmov $0xffff;
	vm1 =	vmmov $0xff;
	v1 =	vshrl.u32 v2, $0x3;
	[dreg:$0x19] =	wrdreg s5;
	s7 =	simm.s32 $0x8D00;
	s5 =	smax.u32 s6, $0x1  }
0x36: {  	v0 =	vand.u32 $0x7, v2;
	v2 =	vor.u32 $0x8, v2;
	v1 =	vmul.u32 $0x8, v1;
	s6 =	simm.s32 $0x3;
	[dreg:$0x1b] =	wrdreg s7;
	s7 =	simm.s32 $0x100  }
.LBB2_1:
0x37: {  	s0 =	rddreg [dreg:$0x2]  }
0x38: {  	[tilespmem:s2], [sflag:$0x3] =	stream.linear.gather [hbm4b:s0+s2], $0x100, $0x38;
	[tilespmem:$0x18100] =	vst v63  }
0x39: {  	_ =	swait.ge [sflag:s6], $0x100  }
0x3a: {  	[sflag:s6] =	ssyncset.done $0x0  }
0x3b: {  	[sflag:s6] =	ssyncadd.s32 $0xFFFFFF00  }
0x3c: {  	v3 =	vld [tilespmem:$0x0];
	_ =	sdelay $0x4  }
0x3d: {  	v4 =	vshrl.u32 v3, $0x3  }
0x3e: {  	v4 =	vmul.u32 $0x18, v4  }
0x3f: {  	v3 =	vand.u32 $0x7, v3  }
0x40: {  	v3 =	vor.u32 v3, v4  }
0x41: {  	v4 =	vperm.xlane v3, v0;
	_ =	sdelay $0x1  }
0x42: {  	v4 =	vadd.s32 v1, v4;
	_ =	sdelay $0x1  }
0x43: {  	v3 =	vperm.xlane v3, v2;
	_ =	sdelay $0x1  }
0x44: {  	v3 =	vadd.s32 v1, v3  }
0x45: {  	[tilespmem:s7], [sflag:$0x1] =	stream.indirect_vreg.gather [hbm4b:s3+s2], $0x80, v4, vm0, $0xb8;
	[tilespmem:$0x18100] =	vst v63  }
0x46: {  	s0 =	rddreg [dreg:$0x5]  }
0x47: {  	[tilespmem:s0], [sflag:$0x1] =	stream.indirect_vreg.gather [hbm4b:s4+s2], $0x80, v4, vm1, $0xb8;
	[tilespmem:$0x18100] =	vst v63  }
0x48: {  	s9 =	rddreg [dreg:$0x6]  }
0x49: {  	[tilespmem:s9], [sflag:$0x1] =	stream.indirect_vreg.gather [hbm4b:s3+s2], $0x80, v3, vm0, $0xb8;
	[tilespmem:$0x18100] =	vst v63  }
0x4a: {  	s0 =	rddreg [dreg:$0x7]  }
0x4b: {  	[tilespmem:s0], [sflag:$0x1] =	stream.indirect_vreg.gather [hbm4b:s4+s2], $0x80, v3, vm1, $0xb8;
	[tilespmem:$0x18100] =	vst v63  }
0x4c: {  	v3 =	vld [tilespmem:$0x10];
	_ =	sdelay $0x4  }
0x4d: {  	v49 =	vshrl.u32 v3, $0x3  }
0x4e: {  	v4 =	vmul.u32 $0x18, v49  }
0x4f: {  	v3 =	vand.u32 $0x7, v3  }
0x50: {  	v3 =	vor.u32 v3, v4  }
0x51: {  	v4 =	vperm.xlane v3, v0;
	_ =	sdelay $0x1  }
0x52: {  	v4 =	vadd.s32 v1, v4;
	_ =	sdelay $0x1  }
0x53: {  	v3 =	vperm.xlane v3, v2;
	_ =	sdelay $0x1  }
0x54: {  	s0 =	rddreg [dreg:$0x8];
	v3 =	vadd.s32 v1, v3  }
0x55: {  	[tilespmem:s0], [sflag:$0x1] =	stream.indirect_vreg.gather [hbm4b:s3+s2], $0x80, v4, vm0, $0xb8;
	[tilespmem:$0x18100] =	vst v63  }
0x56: {  	s9 =	rddreg [dreg:$0x9]  }
0x57: {  	[tilespmem:s9], [sflag:$0x1] =	stream.indirect_vreg.gather [hbm4b:s4+s2], $0x80, v4, vm1, $0xb8;
	[tilespmem:$0x18100] =	vst v63  }
0x58: {  	s0 =	rddreg [dreg:$0xa]  }
0x59: {  	[tilespmem:s0], [sflag:$0x1] =	stream.indirect_vreg.gather [hbm4b:s3+s2], $0x80, v3, vm0, $0xb8;
	[tilespmem:$0x18100] =	vst v63  }
0x5a: {  	s9 =	rddreg [dreg:$0xb]  }
0x5b: {  	[tilespmem:s9], [sflag:$0x1] =	stream.indirect_vreg.gather [hbm4b:s4+s2], $0x80, v3, vm1, $0xb8;
	[tilespmem:$0x18100] =	vst v63  }
0x5c: {  	v3 =	vld [tilespmem:$0x20];
	_ =	sdelay $0x4  }
0x5d: {  	v50 =	vshrl.u32 v3, $0x3  }
0x5e: {  	v4 =	vmul.u32 $0x18, v50  }
0x5f: {  	v3 =	vand.u32 $0x7, v3  }
0x60: {  	v3 =	vor.u32 v3, v4  }
0x61: {  	v4 =	vperm.xlane v3, v0;
	_ =	sdelay $0x1  }
0x62: {  	v4 =	vadd.s32 v1, v4;
	_ =	sdelay $0x1  }
0x63: {  	v3 =	vperm.xlane v3, v2;
	_ =	sdelay $0x1  }
0x64: {  	s0 =	rddreg [dreg:$0xc];
	v3 =	vadd.s32 v1, v3  }
0x65: {  	[tilespmem:s0], [sflag:$0x1] =	stream.indirect_vreg.gather [hbm4b:s3+s2], $0x80, v4, vm0, $0xb8;
	[tilespmem:$0x18100] =	vst v63  }
0x66: {  	s9 =	rddreg [dreg:$0xd]  }
0x67: {  	[tilespmem:s9], [sflag:$0x1] =	stream.indirect_vreg.gather [hbm4b:s4+s2], $0x80, v4, vm1, $0xb8;
	[tilespmem:$0x18100] =	vst v63  }
0x68: {  	s0 =	rddreg [dreg:$0xe]  }
0x69: {  	[tilespmem:s0], [sflag:$0x1] =	stream.indirect_vreg.gather [hbm4b:s3+s2], $0x80, v3, vm0, $0xb8;
	[tilespmem:$0x18100] =	vst v63  }
0x6a: {  	s9 =	rddreg [dreg:$0xf]  }
0x6b: {  	[tilespmem:s9], [sflag:$0x1] =	stream.indirect_vreg.gather [hbm4b:s4+s2], $0x80, v3, vm1, $0xb8;
	[tilespmem:$0x18100] =	vst v63  }
0x6c: {  	v3 =	vld [tilespmem:$0x30];
	_ =	sdelay $0x4  }
0x6d: {  	v51 =	vshrl.u32 v3, $0x3  }
0x6e: {  	v4 =	vmul.u32 $0x18, v51  }
0x6f: {  	v3 =	vand.u32 $0x7, v3  }
0x70: {  	v3 =	vor.u32 v3, v4  }
0x71: {  	v4 =	vperm.xlane v3, v0;
	_ =	sdelay $0x1  }
0x72: {  	v4 =	vadd.s32 v1, v4;
	_ =	sdelay $0x1  }
0x73: {  	v3 =	vperm.xlane v3, v2;
	_ =	sdelay $0x1  }
0x74: {  	s0 =	rddreg [dreg:$0x10];
	v3 =	vadd.s32 v1, v3  }
0x75: {  	[tilespmem:s0], [sflag:$0x1] =	stream.indirect_vreg.gather [hbm4b:s3+s2], $0x80, v4, vm0, $0xb8;
	[tilespmem:$0x18100] =	vst v63  }
0x76: {  	s9 =	rddreg [dreg:$0x11]  }
0x77: {  	[tilespmem:s9], [sflag:$0x1] =	stream.indirect_vreg.gather [hbm4b:s4+s2], $0x80, v4, vm1, $0xb8;
	[tilespmem:$0x18100] =	vst v63  }
0x78: {  	s0 =	rddreg [dreg:$0x12]  }
0x79: {  	[tilespmem:s0], [sflag:$0x1] =	stream.indirect_vreg.gather [hbm4b:s3+s2], $0x80, v3, vm0, $0xb8;
	[tilespmem:$0x18100] =	vst v63  }
0x7a: {  	s9 =	rddreg [dreg:$0x13]  }
0x7b: {  	[tilespmem:s9], [sflag:$0x1] =	stream.indirect_vreg.gather [hbm4b:s4+s2], $0x80, v3, vm1, $0xb8;
	[tilespmem:$0x18100] =	vst v63  }
0x7c: {  	v3 =	vld [tilespmem:$0x40];
	_ =	sdelay $0x4  }
0x7d: {  	v52 =	vshrl.u32 v3, $0x3  }
0x7e: {  	v4 =	vmul.u32 $0x18, v52  }
0x7f: {  	v3 =	vand.u32 $0x7, v3  }
0x80: {  	v3 =	vor.u32 v3, v4  }
0x81: {  	v4 =	vperm.xlane v3, v0;
	_ =	sdelay $0x1  }
0x82: {  	v4 =	vadd.s32 v1, v4;
	_ =	sdelay $0x1  }
0x83: {  	v3 =	vperm.xlane v3, v2;
	_ =	sdelay $0x1  }
0x84: {  	s0 =	rddreg [dreg:$0x14];
	v3 =	vadd.s32 v1, v3  }
0x85: {  	[tilespmem:s0], [sflag:$0x1] =	stream.indirect_vreg.gather [hbm4b:s3+s2], $0x80, v4, vm0, $0xb8;
	[tilespmem:$0x18100] =	vst v63  }
0x86: {  	s9 =	rddreg [dreg:$0x15]  }
0x87: {  	[tilespmem:s9], [sflag:$0x1] =	stream.indirect_vreg.gather [hbm4b:s4+s2], $0x80, v4, vm1, $0xb8;
	[tilespmem:$0x18100] =	vst v63  }
0x88: {  	s0 =	rddreg [dreg:$0x16]  }
0x89: {  	[tilespmem:s0], [sflag:$0x1] =	stream.indirect_vreg.gather [hbm4b:s3+s2], $0x80, v3, vm0, $0xb8;
	[tilespmem:$0x18100] =	vst v63  }
0x8a: {  	s9 =	rddreg [dreg:$0x17]  }
0x8b: {  	[tilespmem:s9], [sflag:$0x1] =	stream.indirect_vreg.gather [hbm4b:s4+s2], $0x80, v3, vm1, $0xb8;
	[tilespmem:$0x18100] =	vst v63  }
0x8c: {  	v3 =	vld [tilespmem:$0x50];
	_ =	sdelay $0x4  }
0x8d: {  	v53 =	vshrl.u32 v3, $0x3  }
0x8e: {  	v4 =	vmul.u32 $0x18, v53  }
0x8f: {  	v3 =	vand.u32 $0x7, v3  }
0x90: {  	v3 =	vor.u32 v3, v4  }
0x91: {  	v4 =	vperm.xlane v3, v0;
	_ =	sdelay $0x1  }
0x92: {  	v4 =	vadd.s32 v1, v4;
	_ =	sdelay $0x1  }
0x93: {  	v3 =	vperm.xlane v3, v2;
	_ =	sdelay $0x1  }
0x94: {  	s0 =	rddreg [dreg:$0x18];
	v3 =	vadd.s32 v1, v3  }
0x95: {  	[tilespmem:s0], [sflag:$0x1] =	stream.indirect_vreg.gather [hbm4b:s3+s2], $0x80, v4, vm0, $0xb8;
	[tilespmem:$0x18100] =	vst v63  }
0x96: {  	s9 =	rddreg [dreg:$0x19]  }
0x97: {  	[tilespmem:s9], [sflag:$0x1] =	stream.indirect_vreg.gather [hbm4b:s4+s2], $0x80, v4, vm1, $0xb8;
	[tilespmem:$0x18100] =	vst v63  }
0x98: {  	s0 =	rddreg [dreg:$0x1a]  }
0x99: {  	[tilespmem:s0], [sflag:$0x1] =	stream.indirect_vreg.gather [hbm4b:s3+s2], $0x80, v3, vm0, $0xb8;
	[tilespmem:$0x18100] =	vst v63  }
0x9a: {  	s9 =	rddreg [dreg:$0x1b]  }
0x9b: {  	[tilespmem:s9], [sflag:$0x1] =	stream.indirect_vreg.gather [hbm4b:s4+s2], $0x80, v3, vm1, $0xb8;
	[tilespmem:$0x18100] =	vst v63  }
0x9c: {  	v3 =	vld [tilespmem:$0x60];
	_ =	sdelay $0x4  }
0x9d: {  	v54 =	vshrl.u32 v3, $0x3  }
0x9e: {  	v4 =	vmul.u32 $0x18, v54  }
0x9f: {  	v3 =	vand.u32 $0x7, v3  }
0xa0: {  	v3 =	vor.u32 v3, v4  }
0xa1: {  	v4 =	vperm.xlane v3, v0;
	_ =	sdelay $0x1  }
0xa2: {  	v4 =	vadd.s32 v1, v4;
	_ =	sdelay $0x1  }
0xa3: {  	v3 =	vperm.xlane v3, v2;
	_ =	sdelay $0x1  }
0xa4: {  	s0 =	rddreg [dreg:$0x1c];
	v3 =	vadd.s32 v1, v3  }
0xa5: {  	[tilespmem:s0], [sflag:$0x1] =	stream.indirect_vreg.gather [hbm4b:s3+s2], $0x80, v4, vm0, $0xb8;
	[tilespmem:$0x18100] =	vst v63  }
0xa6: {  	s9 =	rddreg [dreg:$0x1d]  }
0xa7: {  	[tilespmem:s9], [sflag:$0x1] =	stream.indirect_vreg.gather [hbm4b:s4+s2], $0x80, v4, vm1, $0xb8;
	[tilespmem:$0x18100] =	vst v63  }
0xa8: {  	s0 =	rddreg [dreg:$0x1e]  }
0xa9: {  	[tilespmem:s0], [sflag:$0x1] =	stream.indirect_vreg.gather [hbm4b:s3+s2], $0x80, v3, vm0, $0xb8;
	[tilespmem:$0x18100] =	vst v63  }
0xaa: {  	s9 =	rddreg [dreg:$0x1f]  }
0xab: {  	[tilespmem:s9], [sflag:$0x1] =	stream.indirect_vreg.gather [hbm4b:s4+s2], $0x80, v3, vm1, $0xb8;
	[tilespmem:$0x18100] =	vst v63  }
0xac: {  	v3 =	vld [tilespmem:$0x70];
	_ =	sdelay $0x4  }
0xad: {  	v55 =	vshrl.u32 v3, $0x3  }
0xae: {  	v4 =	vmul.u32 $0x18, v55  }
0xaf: {  	v3 =	vand.u32 $0x7, v3  }
0xb0: {  	v3 =	vor.u32 v3, v4  }
0xb1: {  	v4 =	vperm.xlane v3, v0;
	_ =	sdelay $0x1  }
0xb2: {  	v4 =	vadd.s32 v1, v4;
	_ =	sdelay $0x1  }
0xb3: {  	s0 =	sld [smem:$0x7F0];
	v3 =	vperm.xlane v3, v2;
	_ =	sdelay $0x1  }
0xb4: {  	s9 =	sld [smem:$0x7F1];
	v3 =	vadd.s32 v1, v3  }
0xb5: {  	[tilespmem:s0], [sflag:$0x1] =	stream.indirect_vreg.gather [hbm4b:s3+s2], $0x80, v4, vm0, $0xb8;
	[tilespmem:$0x18100] =	vst v63  }
0xb6: {  	s0 =	sld [smem:$0x7F2]  }
0xb7: {  	[tilespmem:s9], [sflag:$0x1] =	stream.indirect_vreg.gather [hbm4b:s4+s2], $0x80, v4, vm1, $0xb8;
	[tilespmem:$0x18100] =	vst v63  }
0xb8: {  	s9 =	sld [smem:$0x7F3]  }
0xb9: {  	[tilespmem:s0], [sflag:$0x1] =	stream.indirect_vreg.gather [hbm4b:s3+s2], $0x80, v3, vm0, $0xb8;
	[tilespmem:$0x18100] =	vst v63  }
0xba: {  	_ = 	snop  }
0xbb: {  	[tilespmem:s9], [sflag:$0x1] =	stream.indirect_vreg.gather [hbm4b:s4+s2], $0x80, v3, vm1, $0xb8;
	[tilespmem:$0x18100] =	vst v63  }
0xbc: {  	v3 =	vld [tilespmem:$0x80];
	_ =	sdelay $0x4  }
0xbd: {  	v56 =	vshrl.u32 v3, $0x3  }
0xbe: {  	v4 =	vmul.u32 $0x18, v56  }
0xbf: {  	v3 =	vand.u32 $0x7, v3  }
0xc0: {  	v3 =	vor.u32 v3, v4  }
0xc1: {  	v4 =	vperm.xlane v3, v0;
	_ =	sdelay $0x1  }
0xc2: {  	v4 =	vadd.s32 v1, v4;
	_ =	sdelay $0x1  }
0xc3: {  	v3 =	vperm.xlane v3, v2;
	_ =	sdelay $0x1  }
0xc4: {  	s0 =	sld [smem:$0x7F4];
	v3 =	vadd.s32 v1, v3  }
0xc5: {  	[tilespmem:s8], [sflag:$0x2] =	stream.indirect_vreg.gather [hbm4b:s3+s2], $0x80, v4, vm0, $0xb8;
	[tilespmem:$0x18100] =	vst v63  }
0xc6: {  	s9 =	sld [smem:$0x7F5]  }
0xc7: {  	[tilespmem:s0], [sflag:$0x2] =	stream.indirect_vreg.gather [hbm4b:s4+s2], $0x80, v4, vm1, $0xb8;
	[tilespmem:$0x18100] =	vst v63  }
0xc8: {  	s0 =	sld [smem:$0x7F6]  }
0xc9: {  	[tilespmem:s9], [sflag:$0x2] =	stream.indirect_vreg.gather [hbm4b:s3+s2], $0x80, v3, vm0, $0xb8;
	[tilespmem:$0x18100] =	vst v63  }
0xca: {  	_ = 	snop  }
0xcb: {  	[tilespmem:s0], [sflag:$0x2] =	stream.indirect_vreg.gather [hbm4b:s4+s2], $0x80, v3, vm1, $0xb8;
	[tilespmem:$0x18100] =	vst v63  }
0xcc: {  	v3 =	vld [tilespmem:$0x90];
	_ =	sdelay $0x4  }
0xcd: {  	v57 =	vshrl.u32 v3, $0x3  }
0xce: {  	v4 =	vmul.u32 $0x18, v57  }
0xcf: {  	v3 =	vand.u32 $0x7, v3  }
0xd0: {  	v3 =	vor.u32 v3, v4  }
0xd1: {  	v4 =	vperm.xlane v3, v0;
	_ =	sdelay $0x1  }
0xd2: {  	v4 =	vadd.s32 v1, v4;
	_ =	sdelay $0x1  }
0xd3: {  	s0 =	sld [smem:$0x7F7];
	v3 =	vperm.xlane v3, v2;
	_ =	sdelay $0x1  }
0xd4: {  	s9 =	sld [smem:$0x7F8];
	v3 =	vadd.s32 v1, v3  }
0xd5: {  	[tilespmem:s0], [sflag:$0x2] =	stream.indirect_vreg.gather [hbm4b:s3+s2], $0x80, v4, vm0, $0xb8;
	[tilespmem:$0x18100] =	vst v63  }
0xd6: {  	s0 =	sld [smem:$0x7F9]  }
0xd7: {  	[tilespmem:s9], [sflag:$0x2] =	stream.indirect_vreg.gather [hbm4b:s4+s2], $0x80, v4, vm1, $0xb8;
	[tilespmem:$0x18100] =	vst v63  }
0xd8: {  	s9 =	sld [smem:$0x7FA]  }
0xd9: {  	[tilespmem:s0], [sflag:$0x2] =	stream.indirect_vreg.gather [hbm4b:s3+s2], $0x80, v3, vm0, $0xb8;
	[tilespmem:$0x18100] =	vst v63  }
0xda: {  	_ = 	snop  }
0xdb: {  	[tilespmem:s9], [sflag:$0x2] =	stream.indirect_vreg.gather [hbm4b:s4+s2], $0x80, v3, vm1, $0xb8;
	[tilespmem:$0x18100] =	vst v63  }
0xdc: {  	v3 =	vld [tilespmem:$0xA0];
	_ =	sdelay $0x4  }
0xdd: {  	v58 =	vshrl.u32 v3, $0x3  }
0xde: {  	v4 =	vmul.u32 $0x18, v58  }
0xdf: {  	v3 =	vand.u32 $0x7, v3  }
0xe0: {  	v3 =	vor.u32 v3, v4  }
0xe1: {  	v4 =	vperm.xlane v3, v0;
	_ =	sdelay $0x1  }
0xe2: {  	v4 =	vadd.s32 v1, v4;
	_ =	sdelay $0x1  }
0xe3: {  	s0 =	sld [smem:$0x7FB];
	v3 =	vperm.xlane v3, v2;
	_ =	sdelay $0x1  }
0xe4: {  	s9 =	sld [smem:$0x7FC];
	v3 =	vadd.s32 v1, v3  }
0xe5: {  	[tilespmem:s0], [sflag:$0x2] =	stream.indirect_vreg.gather [hbm4b:s3+s2], $0x80, v4, vm0, $0xb8;
	[tilespmem:$0x18100] =	vst v63  }
0xe6: {  	s0 =	sld [smem:$0x7FD]  }
0xe7: {  	[tilespmem:s9], [sflag:$0x2] =	stream.indirect_vreg.gather [hbm4b:s4+s2], $0x80, v4, vm1, $0xb8;
	[tilespmem:$0x18100] =	vst v63  }
0xe8: {  	_ = 	snop  }
0xe9: {  	[tilespmem:s0], [sflag:$0x2] =	stream.indirect_vreg.gather [hbm4b:s3+s2], $0x80, v3, vm0, $0xb8;
	[tilespmem:$0x18100] =	vst v63  }
0xea: {  	s9 =	simm.s32 $0x10500  }
0xeb: {  	[tilespmem:s9], [sflag:$0x2] =	stream.indirect_vreg.gather [hbm4b:s4+s2], $0x80, v3, vm1, $0xb8;
	[tilespmem:$0x18100] =	vst v63  }
0xec: {  	v3 =	vld [tilespmem:$0xB0];
	_ =	sdelay $0x4  }
0xed: {  	v59 =	vshrl.u32 v3, $0x3  }
0xee: {  	v4 =	vmul.u32 $0x18, v59  }
0xef: {  	v3 =	vand.u32 $0x7, v3  }
0xf0: {  	v3 =	vor.u32 v3, v4  }
0xf1: {  	v4 =	vperm.xlane v3, v0;
	_ =	sdelay $0x1  }
0xf2: {  	v4 =	vadd.s32 v1, v4;
	_ =	sdelay $0x1  }
0xf3: {  	v3 =	vperm.xlane v3, v2;
	_ =	sdelay $0x1  }
0xf4: {  	v3 =	vadd.s32 v1, v3  }
0xf5: {  	[tilespmem:s10], [sflag:$0x2] =	stream.indirect_vreg.gather [hbm4b:s3+s2], $0x80, v4, vm0, $0xb8;
	[tilespmem:$0x18100] =	vst v63  }
0xf6: {  	_ = 	snop  }
0xf7: {  	[tilespmem:s11], [sflag:$0x2] =	stream.indirect_vreg.gather [hbm4b:s4+s2], $0x80, v4, vm1, $0xb8;
	[tilespmem:$0x18100] =	vst v63  }
0xf8: {  	_ = 	snop  }
0xf9: {  	[tilespmem:s12], [sflag:$0x2] =	stream.indirect_vreg.gather [hbm4b:s3+s2], $0x80, v3, vm0, $0xb8;
	[tilespmem:$0x18100] =	vst v63  }
0xfa: {  	_ = 	snop  }
0xfb: {  	[tilespmem:s13], [sflag:$0x2] =	stream.indirect_vreg.gather [hbm4b:s4+s2], $0x80, v3, vm1, $0xb8;
	[tilespmem:$0x18100] =	vst v63  }
0xfc: {  	v3 =	vld [tilespmem:$0xC0];
	_ =	sdelay $0x4  }
0xfd: {  	v60 =	vshrl.u32 v3, $0x3  }
0xfe: {  	v4 =	vmul.u32 $0x18, v60  }
0xff: {  	v3 =	vand.u32 $0x7, v3  }
0x100: {  	v3 =	vor.u32 v3, v4  }
0x101: {  	v4 =	vperm.xlane v3, v0;
	_ =	sdelay $0x1  }
0x102: {  	v4 =	vadd.s32 v1, v4;
	_ =	sdelay $0x1  }
0x103: {  	v3 =	vperm.xlane v3, v2;
	_ =	sdelay $0x1  }
0x104: {  	v3 =	vadd.s32 v1, v3  }
0x105: {  	[tilespmem:s14], [sflag:$0x2] =	stream.indirect_vreg.gather [hbm4b:s3+s2], $0x80, v4, vm0, $0xb8;
	[tilespmem:$0x18100] =	vst v63  }
0x106: {  	_ = 	snop  }
0x107: {  	[tilespmem:s15], [sflag:$0x2] =	stream.indirect_vreg.gather [hbm4b:s4+s2], $0x80, v4, vm1, $0xb8;
	[tilespmem:$0x18100] =	vst v63  }
0x108: {  	_ = 	snop  }
0x109: {  	[tilespmem:s16], [sflag:$0x2] =	stream.indirect_vreg.gather [hbm4b:s3+s2], $0x80, v3, vm0, $0xb8;
	[tilespmem:$0x18100] =	vst v63  }
0x10a: {  	_ = 	snop  }
0x10b: {  	[tilespmem:s17], [sflag:$0x2] =	stream.indirect_vreg.gather [hbm4b:s4+s2], $0x80, v3, vm1, $0xb8;
	[tilespmem:$0x18100] =	vst v63  }
0x10c: {  	v3 =	vld [tilespmem:$0xD0];
	_ =	sdelay $0x4  }
0x10d: {  	v61 =	vshrl.u32 v3, $0x3  }
0x10e: {  	v4 =	vmul.u32 $0x18, v61  }
0x10f: {  	v3 =	vand.u32 $0x7, v3  }
0x110: {  	v3 =	vor.u32 v3, v4  }
0x111: {  	v4 =	vperm.xlane v3, v0;
	_ =	sdelay $0x1  }
0x112: {  	v4 =	vadd.s32 v1, v4;
	_ =	sdelay $0x1  }
0x113: {  	v3 =	vperm.xlane v3, v2;
	_ =	sdelay $0x1  }
0x114: {  	v3 =	vadd.s32 v1, v3  }
0x115: {  	[tilespmem:s18], [sflag:$0x2] =	stream.indirect_vreg.gather [hbm4b:s3+s2], $0x80, v4, vm0, $0xb8;
	[tilespmem:$0x18100] =	vst v63  }
0x116: {  	_ = 	snop  }
0x117: {  	[tilespmem:s19], [sflag:$0x2] =	stream.indirect_vreg.gather [hbm4b:s4+s2], $0x80, v4, vm1, $0xb8;
	[tilespmem:$0x18100] =	vst v63  }
0x118: {  	_ = 	snop  }
0x119: {  	[tilespmem:s20], [sflag:$0x2] =	stream.indirect_vreg.gather [hbm4b:s3+s2], $0x80, v3, vm0, $0xb8;
	[tilespmem:$0x18100] =	vst v63  }
0x11a: {  	_ = 	snop  }
0x11b: {  	[tilespmem:s21], [sflag:$0x2] =	stream.indirect_vreg.gather [hbm4b:s4+s2], $0x80, v3, vm1, $0xb8;
	[tilespmem:$0x18100] =	vst v63  }
0x11c: {  	v3 =	vld [tilespmem:$0xE0];
	_ =	sdelay $0x4  }
0x11d: {  	v62 =	vshrl.u32 v3, $0x3  }
0x11e: {  	v4 =	vmul.u32 $0x18, v62  }
0x11f: {  	v3 =	vand.u32 $0x7, v3  }
0x120: {  	v3 =	vor.u32 v3, v4  }
0x121: {  	v4 =	vperm.xlane v3, v0;
	_ =	sdelay $0x1  }
0x122: {  	v4 =	vadd.s32 v1, v4;
	_ =	sdelay $0x1  }
0x123: {  	v3 =	vperm.xlane v3, v2;
	_ =	sdelay $0x1  }
0x124: {  	v3 =	vadd.s32 v1, v3  }
0x125: {  	[tilespmem:s22], [sflag:$0x2] =	stream.indirect_vreg.gather [hbm4b:s3+s2], $0x80, v4, vm0, $0xb8;
	[tilespmem:$0x18100] =	vst v63  }
0x126: {  	_ = 	snop  }
0x127: {  	[tilespmem:s23], [sflag:$0x2] =	stream.indirect_vreg.gather [hbm4b:s4+s2], $0x80, v4, vm1, $0xb8;
	[tilespmem:$0x18100] =	vst v63  }
0x128: {  	_ = 	snop  }
0x129: {  	[tilespmem:s24], [sflag:$0x2] =	stream.indirect_vreg.gather [hbm4b:s3+s2], $0x80, v3, vm0, $0xb8;
	[tilespmem:$0x18100] =	vst v63  }
0x12a: {  	_ = 	snop  }
0x12b: {  	[tilespmem:s25], [sflag:$0x2] =	stream.indirect_vreg.gather [hbm4b:s4+s2], $0x80, v3, vm1, $0xb8;
	[tilespmem:$0x18100] =	vst v63  }
0x12c: {  	v3 =	vld [tilespmem:$0xF0];
	_ =	sdelay $0x4  }
0x12d: {  	v63 =	vshrl.u32 v3, $0x3  }
0x12e: {  	v4 =	vmul.u32 $0x18, v63  }
0x12f: {  	v3 =	vand.u32 $0x7, v3  }
0x130: {  	v3 =	vor.u32 v3, v4  }
0x131: {  	v4 =	vperm.xlane v3, v0;
	_ =	sdelay $0x1  }
0x132: {  	v4 =	vadd.s32 v1, v4;
	_ =	sdelay $0x1  }
0x133: {  	v3 =	vperm.xlane v3, v2;
	_ =	sdelay $0x1  }
0x134: {  	v3 =	vadd.s32 v1, v3  }
0x135: {  	[tilespmem:s26], [sflag:$0x2] =	stream.indirect_vreg.gather [hbm4b:s3+s2], $0x80, v4, vm0, $0xb8;
	[tilespmem:$0x18100] =	vst v63  }
0x136: {  	_ = 	snop  }
0x137: {  	[tilespmem:s28], [sflag:$0x2] =	stream.indirect_vreg.gather [hbm4b:s4+s2], $0x80, v4, vm1, $0xb8;
	[tilespmem:$0x18100] =	vst v63  }
0x138: {  	_ = 	snop  }
0x139: {  	[tilespmem:s29], [sflag:$0x2] =	stream.indirect_vreg.gather [hbm4b:s3+s2], $0x80, v3, vm0, $0xb8;
	[tilespmem:$0x18100] =	vst v63  }
0x13a: {  	_ = 	snop  }
0x13b: {  	[tilespmem:s30], [sflag:$0x2] =	stream.indirect_vreg.gather [hbm4b:s4+s2], $0x80, v3, vm1, $0xb8;
	[tilespmem:$0x18100] =	vst v63  }
0x13c: {  	_ =	swait.ge [sflag:s31], $0xC000  }
0x13d: {  	[sflag:s31] =	ssyncset.done $0x0  }
0x13e: {  	s9 =	rddreg [dreg:$0x3];
	[sflag:s31] =	ssyncadd.s32 $0xFFFF4000  }
0x13f: {  	[hbm4b:s9+s2] =	stream.linear.scatter [tilespmem:s7], [sflag:$0x3], $0xC000, $0x38;
	[tilespmem:$0x18100] =	vst v63  }
0x140: {  	_ =	swait.ge [sflag:s6], $0xC000  }
0x141: {  	[sflag:s6] =	ssyncset.done $0x0  }
0x142: {  	[sflag:s6] =	ssyncadd.s32 $0xFFFF4000  }
0x143: {  	_ =	swait.ge [sflag:s1], $0xC000  }
0x144: {  	p0 =	sne.s32 s5, $0x1;
	[sflag:s1] =	ssyncset.done $0x0  }
.Ltmp0:
0x145: {  	s9 =	rddreg [dreg:$0x4];
	[sflag:s1] =	ssyncadd.s32 $0xFFFF4000;
	(pc) =	sbr.rel @p0 .LBB2_1-.Ltmp0, $4  }
0x146: {  	[hbm4b:s9+s2] =	stream.linear.scatter [tilespmem:s8], [sflag:$0x3], $0xC000, $0x38;
	[tilespmem:$0x18100] =	vst v63  }
0x147: {  	_ =	swait.ge [sflag:s6], $0xC000  }
0x148: {  	[sflag:s6] =	ssyncset.done $0x0  }
0x149: {  	s5 =	sadd.s32 $0xFFFFFFFF, s5;
	[sflag:s6] =	ssyncadd.s32 $0xFFFF4000  }
0x14a: {  	_ =	sfence.sel $0x180000  }
0x14b: {  	[bflag:$0x0] =	sbarrier.arrive $0xFFFF  }
0x14c: {  	_ =	strace $0x90000050  }
0x14d: {  	s0 =	stileid.u32;
	[bflag:$0x2] =	sbarrier.arrive $0xFFFF  }
0x14e: {  	p0 =	sne.s32 s0, $0x0;
	s0 =	rddreg [dreg:$0x1]  }
0x14f: {  	s0 =	sadd.s32 @!p0 $0x100000, s0  }
0x150: {  	[sflag:s0] =	ssyncadd.tile.s32 @!p0 $0x1;
	_ =	shalt  }
.Lfunc_end2:
_tile_overlayer_lowered:
.L_overlay_start_2:
0x151: {  	(tag) =	ssettag $0x2  }
0x152: {  	s0 =	rddreg [dreg:$0x0];
	s2 =	stileid.u32  }
0x153: {  	s1 =	rddreg [dreg:$0x1];
	p0 =	sne.s32 s2, $0x0  }
0x154: {  	s3 =	rddreg [dreg:$0x2];
	[bflag:$0x3] =	sbarrier.arrive $0xFFFF;
	s2 =	simm.s32 @!p0 $0x1C03  }
0x155: {  	[timem:s3], [sflag:s2] =	dma.local @!p0 [hbm:s0], s1  }
0x156: {  	s0 =	simm.s32 @!p0 $0x3  }
0x157: {  	_ =	swait.ge @!p0 [sflag:s0], s1  }
0x158: {  	s1 =	ssub.s32 @!p0 $0x0, s1;
	[sflag:s0] =	ssyncset.done @!p0 $0x0  }
0x159: {  	[sflag:s0] =	ssyncadd.s32 @!p0 s1  }
0x15a: {  	[bflag:$0x3] =	sbarrier.arrive $0xFFFF  }
0x15b: {  	_ =	shalt  }

</sc_bundles>
